<compile_context>
chip_gen: v7x
topology: tpu7x:2x2x1
jax: 0.10.2.dev20260603
libtpu: 0.0.44.dev20260713+nightly
codegen_flags: <defaults>
</compile_context>

<pallas_src>
import functools

import jax
import jax.numpy as jnp
from jax import lax
from jax.experimental import pallas as pl
from jax.experimental.pallas import tpu as pltpu
from jax.experimental.pallas import tpu_sc as plsc

NUM_CLASS = 1000
D = 512
B = 16384
L = 16
NC, NS = 2, 16
NW = NC * NS
BPW = B // NW
CHUNK = 16
NSLOT = 4
NCHUNK = BPW // CHUNK
FCHUNK = D // L


def _body(x_hbm, labels_hbm, centers_hbm, out_hbm,
          idx_v, xbuf, cbuf, accbuf, out_v,
          *sems):
    wid = lax.axis_index("s") * NC + lax.axis_index("c")
    base = wid * BPW
    pltpu.sync_copy(labels_hbm.at[pl.ds(base, BPW)], idx_v)
    lane = lax.iota(jnp.int32, L)
    inv = jnp.float32(1.0 / D)
    lo = jnp.float32(1e-12)
    hi = jnp.float32(1e12)
    sems_x = sems[:NSLOT]
    sems_c = sems[NSLOT:]

    def start(k, slot):
        rb = k * CHUNK
        pltpu.async_copy(x_hbm.at[pl.ds(base + rb, CHUNK)],
                         xbuf.at[slot], sems_x[slot])
        pltpu.async_copy(centers_hbm.at[idx_v.at[pl.ds(rb, CHUNK)]],
                         cbuf.at[slot], sems_c[slot])

    def wait(slot):
        pltpu.make_async_copy(x_hbm.at[pl.ds(0, CHUNK)],
                              xbuf.at[slot], sems_x[slot]).wait()
        pltpu.make_async_copy(centers_hbm.at[idx_v.at[pl.ds(0, CHUNK)]],
                              cbuf.at[slot], sems_c[slot]).wait()

    def compute(slot, rb):
        @plsc.parallel_loop(0, CHUNK, unroll=2)
        def row_body(r):
            accs = [jnp.zeros((L,), jnp.float32) for _ in range(4)]
            for j in range(FCHUNK):
                xv = xbuf[slot, r, pl.ds(j * L, L)]
                cv = cbuf[slot, r, pl.ds(j * L, L)]
                d = xv - cv
                d2 = d * d
                d2 = jnp.minimum(jnp.maximum(d2, lo), hi)
                accs[j % 4] = accs[j % 4] + d2
            acc = (accs[0] + accs[1]) + (accs[2] + accs[3])
            accbuf[pl.ds((rb + r) * L, L)] = acc

    for s in range(NSLOT - 1):
        start(s, s)

    @pl.loop(0, NCHUNK // NSLOT)
    def ring(i):
        for s in range(NSLOT):
            k = i * NSLOT + s

            @pl.when(k + NSLOT - 1 < NCHUNK)
            def _():
                start(k + NSLOT - 1, (s + NSLOT - 1) % NSLOT)

            wait(s)
            compute(s, k * CHUNK)

    plsc.subcore_barrier()

    @plsc.parallel_loop(0, BPW // L, unroll=2)
    def transpose(g):
        rows16 = (g * L + lane) * L
        tot = jnp.zeros((L,), jnp.float32)
        for c in range(L):
            tot = tot + plsc.load_gather(accbuf, [rows16 + c])
        out_v[pl.ds(g * L, L)] = tot * inv

    pltpu.sync_copy(out_v, out_hbm.at[pl.ds(base, BPW)])


@functools.partial(jax.jit, static_argnames=())
def kernel(x, labels, centers):
    labels = labels.astype(jnp.int32)
    mesh = plsc.VectorSubcoreMesh(core_axis_name="c", subcore_axis_name="s")
    fn = pl.kernel(
        _body,
        out_type=jax.ShapeDtypeStruct((B,), jnp.float32),
        mesh=mesh,
        scratch_types=[
            pltpu.VMEM((BPW,), jnp.int32),
            pltpu.VMEM((NSLOT, CHUNK, D), jnp.float32),
            pltpu.VMEM((NSLOT, CHUNK, D), jnp.float32),
            pltpu.VMEM((BPW * L,), jnp.float32),
            pltpu.VMEM((BPW,), jnp.float32),
        ] + [pltpu.SemaphoreType.DMA] * (2 * NSLOT),
        compiler_params=pltpu.CompilerParams(needs_layout_passes=False),
    )
    return fn(x, labels, centers)

# --- scband reference (transcript-rebuilt; emitter-appended) ---
"""Pipeline reference for scband-center-loss-24180665877225 (READ-ONLY COPY).

The authoritative reference and input builder live on the scoring server;
editing this copy changes nothing except your own understanding.
"""

import jax, jax.numpy as jnp
import numpy as np

NUM_CLASS = 1000
NUM_FEATURE = 512
BATCH = 16384


def setup_inputs(seed: int = 0) -> dict:
    key = jax.random.key(seed)
    k1, k2, k3 = jax.random.split(key, 3)
    x = jax.random.normal(k1, (BATCH, NUM_FEATURE), dtype=jnp.float32)
    labels = jax.random.randint(k2, (BATCH,), 0, NUM_CLASS, dtype=jnp.int64 if jax.config.jax_enable_x64 else jnp.int32)
    centers = jax.random.normal(k3, (NUM_CLASS, NUM_FEATURE), dtype=jnp.float32)
    return {"x": x, "labels": labels, "centers": centers}


def reference(x, labels, centers):
    # center = self.centers[labels]  -> gather rows of centers
    center = jnp.take(centers, labels, axis=0)
    dist = jnp.square(x - center)
    dist = jnp.clip(dist, 1e-12, 1000000000000.0)
    loss = jnp.mean(dist, axis=-1)
    return loss

if __name__ == "__main__":
    import jax
    _d = setup_inputs()
    print(jax.jit(kernel)(*tuple(_d.values())))

</pallas_src>

<mosaic_0001>
#map = affine_map<(d0, d1) -> (0, 0)>
#map1 = affine_map<(d0, d1) -> (0)>
module attributes {stable_mosaic.version = 14 : i64} {
  func.func @_body(%arg0: i32, %arg1: i32, %arg2: memref<16384x512xf32, #tpu.memory_space<hbm>>, %arg3: memref<16384xi32, #tpu.memory_space<hbm>>, %arg4: memref<1000x512xf32, #tpu.memory_space<hbm>>, %arg5: memref<16384xf32, #tpu.memory_space<hbm>>, %arg6: memref<512xi32, #tpu.memory_space<vmem>>, %arg7: memref<4x16x512xf32, #tpu.memory_space<vmem>>, %arg8: memref<4x16x512xf32, #tpu.memory_space<vmem>>, %arg9: memref<8192xf32, #tpu.memory_space<vmem>>, %arg10: memref<512xf32, #tpu.memory_space<vmem>>, %arg11: memref<!tpu.dma_semaphore, #tpu.memory_space<semaphore_mem>>, %arg12: memref<!tpu.dma_semaphore, #tpu.memory_space<semaphore_mem>>, %arg13: memref<!tpu.dma_semaphore, #tpu.memory_space<semaphore_mem>>, %arg14: memref<!tpu.dma_semaphore, #tpu.memory_space<semaphore_mem>>, %arg15: memref<!tpu.dma_semaphore, #tpu.memory_space<semaphore_mem>>, %arg16: memref<!tpu.dma_semaphore, #tpu.memory_space<semaphore_mem>>, %arg17: memref<!tpu.dma_semaphore, #tpu.memory_space<semaphore_mem>>, %arg18: memref<!tpu.dma_semaphore, #tpu.memory_space<semaphore_mem>>) attributes {dimension_semantics = [#tpu.dimension_semantics<core_parallel>, #tpu.dimension_semantics<subcore_parallel>], iteration_bounds = array<i64: 2, 16>, scalar_prefetch = 0 : i64, scratch_operands = 13 : i64, tpu.core_type = #tpu.core_type<sc_vector_subcore>, window_params = [{transform_indices = #map}, {transform_indices = #map1}, {transform_indices = #map}, {transform_indices = #map1}]} {
    %mul3A = arith.constant 2 : i32
    %mul3A_0 = arith.muli %arg1, %mul3A : i32
    %add3A = arith.addi %mul3A_0, %arg0 : i32
    %mul3A_1 = arith.constant 512 : i32
    %mul3A_2 = arith.muli %add3A, %mul3A_1 : i32
    "tpu.region"() ({
      %run_scoped3A = tpu.sem_alloc : memref<!tpu.dma_semaphore, #tpu.memory_space<semaphore_mem>>
      %dma_start3A_86 = tpu.memref_slice %arg3[%mul3A_2] : memref<16384xi32, #tpu.memory_space<hbm>> -> memref<512xi32, #tpu.memory_space<hbm>>
      %dma_start3A_87 = tpu.memref_slice %arg3[%mul3A_2] : memref<16384xi32, #tpu.memory_space<hbm>> -> memref<512xi32, #tpu.memory_space<hbm>>
      tpu.enqueue_dma source(%dma_start3A_87 : memref<512xi32, #tpu.memory_space<hbm>>) target(%arg6 : memref<512xi32, #tpu.memory_space<vmem>>) target_semaphore(%run_scoped3A : memref<!tpu.dma_semaphore, #tpu.memory_space<semaphore_mem>>)
      %dma_wait3A = tpu.memref_slice %arg3[%mul3A_2] : memref<16384xi32, #tpu.memory_space<hbm>> -> memref<512xi32, #tpu.memory_space<hbm>>
      %dma_wait3A_88 = tpu.memref_slice %arg3[%mul3A_2] : memref<16384xi32, #tpu.memory_space<hbm>> -> memref<512xi32, #tpu.memory_space<hbm>>
      tpu.wait_dma2 semaphore(%run_scoped3A : memref<!tpu.dma_semaphore, #tpu.memory_space<semaphore_mem>>) src(%dma_wait3A_88 : memref<512xi32, #tpu.memory_space<hbm>>) dst(%arg6 : memref<512xi32, #tpu.memory_space<vmem>>)
      tpu.yield
    }) : () -> ()
    %iota3A = tpu.iota {dimensions = array<i32: 0>} : vector<16xi32>
    %add3A_3 = arith.constant 0 : i32
    %add3A_4 = arith.addi %mul3A_2, %add3A_3 : i32
    %dma_start3A = arith.constant 0 : i32
    %dma_start3A_5 = arith.constant 0 : i32
    %dma_start3A_6 = arith.constant 0 : i32
    %dma_start3A_7 = tpu.memref_slice %arg7[%dma_start3A, %dma_start3A_5, %dma_start3A_6] : memref<4x16x512xf32, #tpu.memory_space<vmem>> -> memref<1x16x512xf32, #tpu.memory_space<vmem>>
    %dma_start3A_8 = tpu.memref_squeeze %dma_start3A_7 : memref<1x16x512xf32, #tpu.memory_space<vmem>> -> memref<16x512xf32, #tpu.memory_space<vmem>>
    %dma_start3A_9 = arith.constant 0 : i32
    %dma_start3A_10 = tpu.memref_slice %arg2[%add3A_4, %dma_start3A_9] : memref<16384x512xf32, #tpu.memory_space<hbm>> -> memref<16x512xf32, #tpu.memory_space<hbm>>
    %dma_start3A_11 = arith.constant 0 : i32
    %dma_start3A_12 = arith.constant 0 : i32
    %dma_start3A_13 = tpu.memref_slice %arg7[%dma_start3A, %dma_start3A_11, %dma_start3A_12] : memref<4x16x512xf32, #tpu.memory_space<vmem>> -> memref<1x16x512xf32, #tpu.memory_space<vmem>>
    %dma_start3A_14 = tpu.memref_squeeze %dma_start3A_13 : memref<1x16x512xf32, #tpu.memory_space<vmem>> -> memref<16x512xf32, #tpu.memory_space<vmem>>
    %dma_start3A_15 = arith.constant 0 : i32
    %dma_start3A_16 = tpu.memref_slice %arg2[%add3A_4, %dma_start3A_15] : memref<16384x512xf32, #tpu.memory_space<hbm>> -> memref<16x512xf32, #tpu.memory_space<hbm>>
    tpu.enqueue_dma source(%dma_start3A_16 : memref<16x512xf32, #tpu.memory_space<hbm>>) target(%dma_start3A_14 : memref<16x512xf32, #tpu.memory_space<vmem>>) target_semaphore(%arg11 : memref<!tpu.dma_semaphore, #tpu.memory_space<semaphore_mem>>)
    %dma_start3A_17 = arith.constant 0 : i32
    %dma_start3A_18 = arith.constant 0 : i32
    %dma_start3A_19 = arith.constant 0 : i32
    %dma_start3A_20 = tpu.memref_slice %arg8[%dma_start3A_17, %dma_start3A_18, %dma_start3A_19] : memref<4x16x512xf32, #tpu.memory_space<vmem>> -> memref<1x16x512xf32, #tpu.memory_space<vmem>>
    %dma_start3A_21 = tpu.memref_squeeze %dma_start3A_20 : memref<1x16x512xf32, #tpu.memory_space<vmem>> -> memref<16x512xf32, #tpu.memory_space<vmem>>
    %dma_start3A_22 = arith.constant 0 : i32
    %dma_start3A_23 = tpu.memref_slice %arg6[%dma_start3A_22] : memref<512xi32, #tpu.memory_space<vmem>> -> memref<16xi32, #tpu.memory_space<vmem>>
    %dma_start3A_24 = arith.constant 0 : i32
    %dma_start3A_25 = arith.constant 0 : i32
    %dma_start3A_26 = tpu.memref_slice %arg4[%dma_start3A_24, %dma_start3A_25] : memref<1000x512xf32, #tpu.memory_space<hbm>> -> memref<1000x512xf32, #tpu.memory_space<hbm>>
    tpu.enqueue_indirect_dma source(%dma_start3A_26 : memref<1000x512xf32, #tpu.memory_space<hbm>>) target(%dma_start3A_21 : memref<16x512xf32, #tpu.memory_space<vmem>>) offsets(%dma_start3A_23 : memref<16xi32, #tpu.memory_space<vmem>>) semaphore(%arg15 : memref<!tpu.dma_semaphore, #tpu.memory_space<semaphore_mem>>)
    %add3A_27 = arith.constant 16 : i32
    %add3A_28 = arith.addi %mul3A_2, %add3A_27 : i32
    %dma_start3A_29 = arith.constant 1 : i32
    %dma_start3A_30 = arith.constant 0 : i32
    %dma_start3A_31 = arith.constant 0 : i32
    %dma_start3A_32 = tpu.memref_slice %arg7[%dma_start3A_29, %dma_start3A_30, %dma_start3A_31] : memref<4x16x512xf32, #tpu.memory_space<vmem>> -> memref<1x16x512xf32, #tpu.memory_space<vmem>>
    %dma_start3A_33 = tpu.memref_squeeze %dma_start3A_32 : memref<1x16x512xf32, #tpu.memory_space<vmem>> -> memref<16x512xf32, #tpu.memory_space<vmem>>
    %dma_start3A_34 = arith.constant 0 : i32
    %dma_start3A_35 = tpu.memref_slice %arg2[%add3A_28, %dma_start3A_34] : memref<16384x512xf32, #tpu.memory_space<hbm>> -> memref<16x512xf32, #tpu.memory_space<hbm>>
    %dma_start3A_36 = arith.constant 0 : i32
    %dma_start3A_37 = arith.constant 0 : i32
    %dma_start3A_38 = tpu.memref_slice %arg7[%dma_start3A_29, %dma_start3A_36, %dma_start3A_37] : memref<4x16x512xf32, #tpu.memory_space<vmem>> -> memref<1x16x512xf32, #tpu.memory_space<vmem>>
    %dma_start3A_39 = tpu.memref_squeeze %dma_start3A_38 : memref<1x16x512xf32, #tpu.memory_space<vmem>> -> memref<16x512xf32, #tpu.memory_space<vmem>>
    %dma_start3A_40 = arith.constant 0 : i32
    %dma_start3A_41 = tpu.memref_slice %arg2[%add3A_28, %dma_start3A_40] : memref<16384x512xf32, #tpu.memory_space<hbm>> -> memref<16x512xf32, #tpu.memory_space<hbm>>
    tpu.enqueue_dma source(%dma_start3A_41 : memref<16x512xf32, #tpu.memory_space<hbm>>) target(%dma_start3A_39 : memref<16x512xf32, #tpu.memory_space<vmem>>) target_semaphore(%arg12 : memref<!tpu.dma_semaphore, #tpu.memory_space<semaphore_mem>>)
    %dma_start3A_42 = arith.constant 1 : i32
    %dma_start3A_43 = arith.constant 0 : i32
    %dma_start3A_44 = arith.constant 0 : i32
    %dma_start3A_45 = tpu.memref_slice %arg8[%dma_start3A_42, %dma_start3A_43, %dma_start3A_44] : memref<4x16x512xf32, #tpu.memory_space<vmem>> -> memref<1x16x512xf32, #tpu.memory_space<vmem>>
    %dma_start3A_46 = tpu.memref_squeeze %dma_start3A_45 : memref<1x16x512xf32, #tpu.memory_space<vmem>> -> memref<16x512xf32, #tpu.memory_space<vmem>>
    %dma_start3A_47 = arith.constant 16 : i32
    %dma_start3A_48 = tpu.memref_slice %arg6[%dma_start3A_47] : memref<512xi32, #tpu.memory_space<vmem>> -> memref<16xi32, #tpu.memory_space<vmem>>
    %dma_start3A_49 = arith.constant 0 : i32
    %dma_start3A_50 = arith.constant 0 : i32
    %dma_start3A_51 = tpu.memref_slice %arg4[%dma_start3A_49, %dma_start3A_50] : memref<1000x512xf32, #tpu.memory_space<hbm>> -> memref<1000x512xf32, #tpu.memory_space<hbm>>
    tpu.enqueue_indirect_dma source(%dma_start3A_51 : memref<1000x512xf32, #tpu.memory_space<hbm>>) target(%dma_start3A_46 : memref<16x512xf32, #tpu.memory_space<vmem>>) offsets(%dma_start3A_48 : memref<16xi32, #tpu.memory_space<vmem>>) semaphore(%arg16 : memref<!tpu.dma_semaphore, #tpu.memory_space<semaphore_mem>>)
    %add3A_52 = arith.constant 32 : i32
    %add3A_53 = arith.addi %mul3A_2, %add3A_52 : i32
    %dma_start3A_54 = arith.constant 2 : i32
    %dma_start3A_55 = arith.constant 0 : i32
    %dma_start3A_56 = arith.constant 0 : i32
    %dma_start3A_57 = tpu.memref_slice %arg7[%dma_start3A_54, %dma_start3A_55, %dma_start3A_56] : memref<4x16x512xf32, #tpu.memory_space<vmem>> -> memref<1x16x512xf32, #tpu.memory_space<vmem>>
    %dma_start3A_58 = tpu.memref_squeeze %dma_start3A_57 : memref<1x16x512xf32, #tpu.memory_space<vmem>> -> memref<16x512xf32, #tpu.memory_space<vmem>>
    %dma_start3A_59 = arith.constant 0 : i32
    %dma_start3A_60 = tpu.memref_slice %arg2[%add3A_53, %dma_start3A_59] : memref<16384x512xf32, #tpu.memory_space<hbm>> -> memref<16x512xf32, #tpu.memory_space<hbm>>
    %dma_start3A_61 = arith.constant 0 : i32
    %dma_start3A_62 = arith.constant 0 : i32
    %dma_start3A_63 = tpu.memref_slice %arg7[%dma_start3A_54, %dma_start3A_61, %dma_start3A_62] : memref<4x16x512xf32, #tpu.memory_space<vmem>> -> memref<1x16x512xf32, #tpu.memory_space<vmem>>
    %dma_start3A_64 = tpu.memref_squeeze %dma_start3A_63 : memref<1x16x512xf32, #tpu.memory_space<vmem>> -> memref<16x512xf32, #tpu.memory_space<vmem>>
    %dma_start3A_65 = arith.constant 0 : i32
    %dma_start3A_66 = tpu.memref_slice %arg2[%add3A_53, %dma_start3A_65] : memref<16384x512xf32, #tpu.memory_space<hbm>> -> memref<16x512xf32, #tpu.memory_space<hbm>>
    tpu.enqueue_dma source(%dma_start3A_66 : memref<16x512xf32, #tpu.memory_space<hbm>>) target(%dma_start3A_64 : memref<16x512xf32, #tpu.memory_space<vmem>>) target_semaphore(%arg13 : memref<!tpu.dma_semaphore, #tpu.memory_space<semaphore_mem>>)
    %dma_start3A_67 = arith.constant 2 : i32
    %dma_start3A_68 = arith.constant 0 : i32
    %dma_start3A_69 = arith.constant 0 : i32
    %dma_start3A_70 = tpu.memref_slice %arg8[%dma_start3A_67, %dma_start3A_68, %dma_start3A_69] : memref<4x16x512xf32, #tpu.memory_space<vmem>> -> memref<1x16x512xf32, #tpu.memory_space<vmem>>
    %dma_start3A_71 = tpu.memref_squeeze %dma_start3A_70 : memref<1x16x512xf32, #tpu.memory_space<vmem>> -> memref<16x512xf32, #tpu.memory_space<vmem>>
    %dma_start3A_72 = arith.constant 32 : i32
    %dma_start3A_73 = tpu.memref_slice %arg6[%dma_start3A_72] : memref<512xi32, #tpu.memory_space<vmem>> -> memref<16xi32, #tpu.memory_space<vmem>>
    %dma_start3A_74 = arith.constant 0 : i32
    %dma_start3A_75 = arith.constant 0 : i32
    %dma_start3A_76 = tpu.memref_slice %arg4[%dma_start3A_74, %dma_start3A_75] : memref<1000x512xf32, #tpu.memory_space<hbm>> -> memref<1000x512xf32, #tpu.memory_space<hbm>>
    tpu.enqueue_indirect_dma source(%dma_start3A_76 : memref<1000x512xf32, #tpu.memory_space<hbm>>) target(%dma_start3A_71 : memref<16x512xf32, #tpu.memory_space<vmem>>) offsets(%dma_start3A_73 : memref<16xi32, #tpu.memory_space<vmem>>) semaphore(%arg17 : memref<!tpu.dma_semaphore, #tpu.memory_space<semaphore_mem>>)
    %scan3A = arith.constant 9.99999996E-13 : f32
    %scan3A_77 = arith.constant 9.99999995E+11 : f32
    %scan3A_78 = arith.constant 0 : i32
    %scan3A_79 = arith.constant 8 : i32
    %scan3A_80 = arith.addi %scan3A_78, %scan3A_79 : i32
    %scan3A_81 = arith.constant 1 : i32
    scf.for %scan3A_86 = %scan3A_78 to %scan3A_80 step %scan3A_81  : i32 {
      %mul3A_87 = arith.constant 1 : i32
      %mul3A_88 = arith.muli %scan3A_86, %mul3A_87 : i32
      %add3A_89 = arith.constant 0 : i32
      %add3A_90 = arith.addi %add3A_89, %mul3A_88 : i32
      %mul3A_91 = arith.constant 4 : i32
      %mul3A_92 = arith.muli %add3A_90, %mul3A_91 : i32
      %add3A_93 = arith.constant 0 : i32
      %add3A_94 = arith.addi %mul3A_92, %add3A_93 : i32
      %add3A_95 = arith.constant 4 : i32
      %add3A_96 = arith.addi %add3A_94, %add3A_95 : i32
      %sub3A = arith.constant 1 : i32
      %sub3A_97 = arith.subi %add3A_96, %sub3A : i32
      %lt3A = arith.constant 32 : i32
      %lt3A_98 = arith.cmpi slt, %sub3A_97, %lt3A : i32
      %convert_element_type3A = arith.extui %lt3A_98 : i1 to i32
      %cond3A = arith.constant 0 : i32
      %cond3A_99 = arith.cmpi ne, %convert_element_type3A, %cond3A : i32
      scf.if %cond3A_99 {
        %add3A_258 = arith.constant 4 : i32
        %add3A_259 = arith.addi %add3A_94, %add3A_258 : i32
        %sub3A_260 = arith.constant 1 : i32
        %sub3A_261 = arith.subi %add3A_259, %sub3A_260 : i32
        %mul3A_262 = arith.constant 16 : i32
        %mul3A_263 = arith.muli %sub3A_261, %mul3A_262 : i32
        %add3A_264 = arith.addi %mul3A_2, %mul3A_263 : i32
        %dma_start3A_265 = arith.constant 3 : i32
        %dma_start3A_266 = arith.constant 0 : i32
        %dma_start3A_267 = arith.constant 0 : i32
        %dma_start3A_268 = tpu.memref_slice %arg7[%dma_start3A_265, %dma_start3A_266, %dma_start3A_267] : memref<4x16x512xf32, #tpu.memory_space<vmem>> -> memref<1x16x512xf32, #tpu.memory_space<vmem>>
        %dma_start3A_269 = tpu.memref_squeeze %dma_start3A_268 : memref<1x16x512xf32, #tpu.memory_space<vmem>> -> memref<16x512xf32, #tpu.memory_space<vmem>>
        %dma_start3A_270 = arith.constant 0 : i32
        %dma_start3A_271 = tpu.memref_slice %arg2[%add3A_264, %dma_start3A_270] : memref<16384x512xf32, #tpu.memory_space<hbm>> -> memref<16x512xf32, #tpu.memory_space<hbm>>
        %dma_start3A_272 = arith.constant 0 : i32
        %dma_start3A_273 = arith.constant 0 : i32
        %dma_start3A_274 = tpu.memref_slice %arg7[%dma_start3A_265, %dma_start3A_272, %dma_start3A_273] : memref<4x16x512xf32, #tpu.memory_space<vmem>> -> memref<1x16x512xf32, #tpu.memory_space<vmem>>
        %dma_start3A_275 = tpu.memref_squeeze %dma_start3A_274 : memref<1x16x512xf32, #tpu.memory_space<vmem>> -> memref<16x512xf32, #tpu.memory_space<vmem>>
        %dma_start3A_276 = arith.constant 0 : i32
        %dma_start3A_277 = tpu.memref_slice %arg2[%add3A_264, %dma_start3A_276] : memref<16384x512xf32, #tpu.memory_space<hbm>> -> memref<16x512xf32, #tpu.memory_space<hbm>>
        tpu.enqueue_dma source(%dma_start3A_277 : memref<16x512xf32, #tpu.memory_space<hbm>>) target(%dma_start3A_275 : memref<16x512xf32, #tpu.memory_space<vmem>>) target_semaphore(%arg14 : memref<!tpu.dma_semaphore, #tpu.memory_space<semaphore_mem>>)
        %dma_start3A_278 = arith.constant 3 : i32
        %dma_start3A_279 = arith.constant 0 : i32
        %dma_start3A_280 = arith.constant 0 : i32
        %dma_start3A_281 = tpu.memref_slice %arg8[%dma_start3A_278, %dma_start3A_279, %dma_start3A_280] : memref<4x16x512xf32, #tpu.memory_space<vmem>> -> memref<1x16x512xf32, #tpu.memory_space<vmem>>
        %dma_start3A_282 = tpu.memref_squeeze %dma_start3A_281 : memref<1x16x512xf32, #tpu.memory_space<vmem>> -> memref<16x512xf32, #tpu.memory_space<vmem>>
        %dma_start3A_283 = tpu.memref_slice %arg6[%mul3A_263] : memref<512xi32, #tpu.memory_space<vmem>> -> memref<16xi32, #tpu.memory_space<vmem>>
        %dma_start3A_284 = arith.constant 0 : i32
        %dma_start3A_285 = arith.constant 0 : i32
        %dma_start3A_286 = tpu.memref_slice %arg4[%dma_start3A_284, %dma_start3A_285] : memref<1000x512xf32, #tpu.memory_space<hbm>> -> memref<1000x512xf32, #tpu.memory_space<hbm>>
        tpu.enqueue_indirect_dma source(%dma_start3A_286 : memref<1000x512xf32, #tpu.memory_space<hbm>>) target(%dma_start3A_282 : memref<16x512xf32, #tpu.memory_space<vmem>>) offsets(%dma_start3A_283 : memref<16xi32, #tpu.memory_space<vmem>>) semaphore(%arg18 : memref<!tpu.dma_semaphore, #tpu.memory_space<semaphore_mem>>)
      } else {
      }
      %dma_wait3A = arith.constant 0 : i32
      %dma_wait3A_100 = arith.constant 0 : i32
      %dma_wait3A_101 = arith.constant 0 : i32
      %dma_wait3A_102 = tpu.memref_slice %arg7[%dma_wait3A, %dma_wait3A_100, %dma_wait3A_101] : memref<4x16x512xf32, #tpu.memory_space<vmem>> -> memref<1x16x512xf32, #tpu.memory_space<vmem>>
      %dma_wait3A_103 = tpu.memref_squeeze %dma_wait3A_102 : memref<1x16x512xf32, #tpu.memory_space<vmem>> -> memref<16x512xf32, #tpu.memory_space<vmem>>
      %dma_wait3A_104 = arith.constant 0 : i32
      %dma_wait3A_105 = arith.constant 0 : i32
      %dma_wait3A_106 = tpu.memref_slice %arg2[%dma_wait3A_104, %dma_wait3A_105] : memref<16384x512xf32, #tpu.memory_space<hbm>> -> memref<16x512xf32, #tpu.memory_space<hbm>>
      %dma_wait3A_107 = arith.constant 0 : i32
      %dma_wait3A_108 = arith.constant 0 : i32
      %dma_wait3A_109 = tpu.memref_slice %arg7[%dma_wait3A, %dma_wait3A_107, %dma_wait3A_108] : memref<4x16x512xf32, #tpu.memory_space<vmem>> -> memref<1x16x512xf32, #tpu.memory_space<vmem>>
      %dma_wait3A_110 = tpu.memref_squeeze %dma_wait3A_109 : memref<1x16x512xf32, #tpu.memory_space<vmem>> -> memref<16x512xf32, #tpu.memory_space<vmem>>
      %dma_wait3A_111 = arith.constant 0 : i32
      %dma_wait3A_112 = arith.constant 0 : i32
      %dma_wait3A_113 = tpu.memref_slice %arg2[%dma_wait3A_111, %dma_wait3A_112] : memref<16384x512xf32, #tpu.memory_space<hbm>> -> memref<16x512xf32, #tpu.memory_space<hbm>>
      tpu.wait_dma2 semaphore(%arg11 : memref<!tpu.dma_semaphore, #tpu.memory_space<semaphore_mem>>) src(%dma_wait3A_113 : memref<16x512xf32, #tpu.memory_space<hbm>>) dst(%dma_wait3A_110 : memref<16x512xf32, #tpu.memory_space<vmem>>)
      %dma_wait3A_114 = arith.constant 0 : i32
      %dma_wait3A_115 = arith.constant 0 : i32
      %dma_wait3A_116 = arith.constant 0 : i32
      %dma_wait3A_117 = tpu.memref_slice %arg8[%dma_wait3A_114, %dma_wait3A_115, %dma_wait3A_116] : memref<4x16x512xf32, #tpu.memory_space<vmem>> -> memref<1x16x512xf32, #tpu.memory_space<vmem>>
      %dma_wait3A_118 = tpu.memref_squeeze %dma_wait3A_117 : memref<1x16x512xf32, #tpu.memory_space<vmem>> -> memref<16x512xf32, #tpu.memory_space<vmem>>
      %dma_wait3A_119 = arith.constant 0 : i32
      %dma_wait3A_120 = tpu.memref_slice %arg6[%dma_wait3A_119] : memref<512xi32, #tpu.memory_space<vmem>> -> memref<16xi32, #tpu.memory_space<vmem>>
      %dma_wait3A_121 = arith.constant 0 : i32
      %dma_wait3A_122 = arith.constant 0 : i32
      %dma_wait3A_123 = tpu.memref_slice %arg4[%dma_wait3A_121, %dma_wait3A_122] : memref<1000x512xf32, #tpu.memory_space<hbm>> -> memref<1000x512xf32, #tpu.memory_space<hbm>>
      tpu.wait_indirect_dma semaphore(%arg15 : memref<!tpu.dma_semaphore, #tpu.memory_space<semaphore_mem>>) src(%dma_wait3A_123 : memref<1000x512xf32, #tpu.memory_space<hbm>>) dst(%dma_wait3A_118 : memref<16x512xf32, #tpu.memory_space<vmem>>)
      %mul3A_124 = arith.constant 16 : i32
      %mul3A_125 = arith.muli %add3A_94, %mul3A_124 : i32
      %parallel_loop3A_126 = arith.constant 0 : i32
      %parallel_loop3A_127 = arith.constant 16 : i32
      %parallel_loop3A_128 = arith.constant 1 : i32
      scf.for %parallel_loop3A_258 = %parallel_loop3A_126 to %parallel_loop3A_127 step %parallel_loop3A_128  : i32 {
        %parallel_loop3A_259 = arith.constant 0.000000e+00 : f32
        %parallel_loop3A_260 = vector.broadcast %parallel_loop3A_259 : f32 to vector<16xf32>
        %parallel_loop3A_261 = arith.constant 0.000000e+00 : f32
        %parallel_loop3A_262 = vector.broadcast %parallel_loop3A_261 : f32 to vector<16xf32>
        %parallel_loop3A_263 = arith.constant 0.000000e+00 : f32
        %parallel_loop3A_264 = vector.broadcast %parallel_loop3A_263 : f32 to vector<16xf32>
        %parallel_loop3A_265 = arith.constant 0.000000e+00 : f32
        %parallel_loop3A_266 = vector.broadcast %parallel_loop3A_265 : f32 to vector<16xf32>
        %parallel_loop3A_267 = arith.constant 0 : i32
        %parallel_loop3A_268 = arith.index_cast %parallel_loop3A_267 : i32 to index
        %parallel_loop3A_269 = arith.index_cast %parallel_loop3A_258 : i32 to index
        %parallel_loop3A_270 = arith.constant 0 : index
        %parallel_loop3A_271 = tpu.vector_load %arg7[%parallel_loop3A_268, %parallel_loop3A_269, %parallel_loop3A_270] {strides = array<i32>} : memref<4x16x512xf32, #tpu.memory_space<vmem>>, vector<16xf32>,
        %parallel_loop3A_272 = arith.constant 0 : i32
        %parallel_loop3A_273 = arith.index_cast %parallel_loop3A_272 : i32 to index
        %parallel_loop3A_274 = arith.index_cast %parallel_loop3A_258 : i32 to index
        %parallel_loop3A_275 = arith.constant 0 : index
        %parallel_loop3A_276 = tpu.vector_load %arg8[%parallel_loop3A_273, %parallel_loop3A_274, %parallel_loop3A_275] {strides = array<i32>} : memref<4x16x512xf32, #tpu.memory_space<vmem>>, vector<16xf32>,
        %parallel_loop3A_277 = arith.subf %parallel_loop3A_271, %parallel_loop3A_276 : vector<16xf32>
        %parallel_loop3A_278 = arith.mulf %parallel_loop3A_277, %parallel_loop3A_277 : vector<16xf32>
        %parallel_loop3A_279 = vector.broadcast %scan3A : f32 to vector<16xf32>
        %parallel_loop3A_280 = arith.maximumf %parallel_loop3A_278, %parallel_loop3A_279 : vector<16xf32>
        %parallel_loop3A_281 = vector.broadcast %scan3A_77 : f32 to vector<16xf32>
        %parallel_loop3A_282 = arith.minimumf %parallel_loop3A_280, %parallel_loop3A_281 : vector<16xf32>
        %parallel_loop3A_283 = arith.addf %parallel_loop3A_260, %parallel_loop3A_282 : vector<16xf32>
        %parallel_loop3A_284 = arith.constant 0 : i32
        %parallel_loop3A_285 = arith.index_cast %parallel_loop3A_284 : i32 to index
        %parallel_loop3A_286 = arith.index_cast %parallel_loop3A_258 : i32 to index
        %parallel_loop3A_287 = arith.constant 16 : index
        %parallel_loop3A_288 = tpu.vector_load %arg7[%parallel_loop3A_285, %parallel_loop3A_286, %parallel_loop3A_287] {strides = array<i32>} : memref<4x16x512xf32, #tpu.memory_space<vmem>>, vector<16xf32>,
        %parallel_loop3A_289 = arith.constant 0 : i32
        %parallel_loop3A_290 = arith.index_cast %parallel_loop3A_289 : i32 to index
        %parallel_loop3A_291 = arith.index_cast %parallel_loop3A_258 : i32 to index
        %parallel_loop3A_292 = arith.constant 16 : index
        %parallel_loop3A_293 = tpu.vector_load %arg8[%parallel_loop3A_290, %parallel_loop3A_291, %parallel_loop3A_292] {strides = array<i32>} : memref<4x16x512xf32, #tpu.memory_space<vmem>>, vector<16xf32>,
        %parallel_loop3A_294 = arith.subf %parallel_loop3A_288, %parallel_loop3A_293 : vector<16xf32>
        %parallel_loop3A_295 = arith.mulf %parallel_loop3A_294, %parallel_loop3A_294 : vector<16xf32>
        %parallel_loop3A_296 = vector.broadcast %scan3A : f32 to vector<16xf32>
        %parallel_loop3A_297 = arith.maximumf %parallel_loop3A_295, %parallel_loop3A_296 : vector<16xf32>
        %parallel_loop3A_298 = vector.broadcast %scan3A_77 : f32 to vector<16xf32>
        %parallel_loop3A_299 = arith.minimumf %parallel_loop3A_297, %parallel_loop3A_298 : vector<16xf32>
        %parallel_loop3A_300 = arith.addf %parallel_loop3A_262, %parallel_loop3A_299 : vector<16xf32>
        %parallel_loop3A_301 = arith.constant 0 : i32
        %parallel_loop3A_302 = arith.index_cast %parallel_loop3A_301 : i32 to index
        %parallel_loop3A_303 = arith.index_cast %parallel_loop3A_258 : i32 to index
        %parallel_loop3A_304 = arith.constant 32 : index
        %parallel_loop3A_305 = tpu.vector_load %arg7[%parallel_loop3A_302, %parallel_loop3A_303, %parallel_loop3A_304] {strides = array<i32>} : memref<4x16x512xf32, #tpu.memory_space<vmem>>, vector<16xf32>,
        %parallel_loop3A_306 = arith.constant 0 : i32
        %parallel_loop3A_307 = arith.index_cast %parallel_loop3A_306 : i32 to index
        %parallel_loop3A_308 = arith.index_cast %parallel_loop3A_258 : i32 to index
        %parallel_loop3A_309 = arith.constant 32 : index
        %parallel_loop3A_310 = tpu.vector_load %arg8[%parallel_loop3A_307, %parallel_loop3A_308, %parallel_loop3A_309] {strides = array<i32>} : memref<4x16x512xf32, #tpu.memory_space<vmem>>, vector<16xf32>,
        %parallel_loop3A_311 = arith.subf %parallel_loop3A_305, %parallel_loop3A_310 : vector<16xf32>
        %parallel_loop3A_312 = arith.mulf %parallel_loop3A_311, %parallel_loop3A_311 : vector<16xf32>
        %parallel_loop3A_313 = vector.broadcast %scan3A : f32 to vector<16xf32>
        %parallel_loop3A_314 = arith.maximumf %parallel_loop3A_312, %parallel_loop3A_313 : vector<16xf32>
        %parallel_loop3A_315 = vector.broadcast %scan3A_77 : f32 to vector<16xf32>
        %parallel_loop3A_316 = arith.minimumf %parallel_loop3A_314, %parallel_loop3A_315 : vector<16xf32>
        %parallel_loop3A_317 = arith.addf %parallel_loop3A_264, %parallel_loop3A_316 : vector<16xf32>
        %parallel_loop3A_318 = arith.constant 0 : i32
        %parallel_loop3A_319 = arith.index_cast %parallel_loop3A_318 : i32 to index
        %parallel_loop3A_320 = arith.index_cast %parallel_loop3A_258 : i32 to index
        %parallel_loop3A_321 = arith.constant 48 : index
        %parallel_loop3A_322 = tpu.vector_load %arg7[%parallel_loop3A_319, %parallel_loop3A_320, %parallel_loop3A_321] {strides = array<i32>} : memref<4x16x512xf32, #tpu.memory_space<vmem>>, vector<16xf32>,
        %parallel_loop3A_323 = arith.constant 0 : i32
        %parallel_loop3A_324 = arith.index_cast %parallel_loop3A_323 : i32 to index
        %parallel_loop3A_325 = arith.index_cast %parallel_loop3A_258 : i32 to index
        %parallel_loop3A_326 = arith.constant 48 : index
        %parallel_loop3A_327 = tpu.vector_load %arg8[%parallel_loop3A_324, %parallel_loop3A_325, %parallel_loop3A_326] {strides = array<i32>} : memref<4x16x512xf32, #tpu.memory_space<vmem>>, vector<16xf32>,
        %parallel_loop3A_328 = arith.subf %parallel_loop3A_322, %parallel_loop3A_327 : vector<16xf32>
        %parallel_loop3A_329 = arith.mulf %parallel_loop3A_328, %parallel_loop3A_328 : vector<16xf32>
        %parallel_loop3A_330 = vector.broadcast %scan3A : f32 to vector<16xf32>
        %parallel_loop3A_331 = arith.maximumf %parallel_loop3A_329, %parallel_loop3A_330 : vector<16xf32>
        %parallel_loop3A_332 = vector.broadcast %scan3A_77 : f32 to vector<16xf32>
        %parallel_loop3A_333 = arith.minimumf %parallel_loop3A_331, %parallel_loop3A_332 : vector<16xf32>
        %parallel_loop3A_334 = arith.addf %parallel_loop3A_266, %parallel_loop3A_333 : vector<16xf32>
        %parallel_loop3A_335 = arith.constant 0 : i32
        %parallel_loop3A_336 = arith.index_cast %parallel_loop3A_335 : i32 to index
        %parallel_loop3A_337 = arith.index_cast %parallel_loop3A_258 : i32 to index
        %parallel_loop3A_338 = arith.constant 64 : index
        %parallel_loop3A_339 = tpu.vector_load %arg7[%parallel_loop3A_336, %parallel_loop3A_337, %parallel_loop3A_338] {strides = array<i32>} : memref<4x16x512xf32, #tpu.memory_space<vmem>>, vector<16xf32>,
        %parallel_loop3A_340 = arith.constant 0 : i32
        %parallel_loop3A_341 = arith.index_cast %parallel_loop3A_340 : i32 to index
        %parallel_loop3A_342 = arith.index_cast %parallel_loop3A_258 : i32 to index
        %parallel_loop3A_343 = arith.constant 64 : index
        %parallel_loop3A_344 = tpu.vector_load %arg8[%parallel_loop3A_341, %parallel_loop3A_342, %parallel_loop3A_343] {strides = array<i32>} : memref<4x16x512xf32, #tpu.memory_space<vmem>>, vector<16xf32>,
        %parallel_loop3A_345 = arith.subf %parallel_loop3A_339, %parallel_loop3A_344 : vector<16xf32>
        %parallel_loop3A_346 = arith.mulf %parallel_loop3A_345, %parallel_loop3A_345 : vector<16xf32>
        %parallel_loop3A_347 = vector.broadcast %scan3A : f32 to vector<16xf32>
        %parallel_loop3A_348 = arith.maximumf %parallel_loop3A_346, %parallel_loop3A_347 : vector<16xf32>
        %parallel_loop3A_349 = vector.broadcast %scan3A_77 : f32 to vector<16xf32>
        %parallel_loop3A_350 = arith.minimumf %parallel_loop3A_348, %parallel_loop3A_349 : vector<16xf32>
        %parallel_loop3A_351 = arith.addf %parallel_loop3A_283, %parallel_loop3A_350 : vector<16xf32>
        %parallel_loop3A_352 = arith.constant 0 : i32
        %parallel_loop3A_353 = arith.index_cast %parallel_loop3A_352 : i32 to index
        %parallel_loop3A_354 = arith.index_cast %parallel_loop3A_258 : i32 to index
        %parallel_loop3A_355 = arith.constant 80 : index
        %parallel_loop3A_356 = tpu.vector_load %arg7[%parallel_loop3A_353, %parallel_loop3A_354, %parallel_loop3A_355] {strides = array<i32>} : memref<4x16x512xf32, #tpu.memory_space<vmem>>, vector<16xf32>,
        %parallel_loop3A_357 = arith.constant 0 : i32
        %parallel_loop3A_358 = arith.index_cast %parallel_loop3A_357 : i32 to index
        %parallel_loop3A_359 = arith.index_cast %parallel_loop3A_258 : i32 to index
        %parallel_loop3A_360 = arith.constant 80 : index
        %parallel_loop3A_361 = tpu.vector_load %arg8[%parallel_loop3A_358, %parallel_loop3A_359, %parallel_loop3A_360] {strides = array<i32>} : memref<4x16x512xf32, #tpu.memory_space<vmem>>, vector<16xf32>,
        %parallel_loop3A_362 = arith.subf %parallel_loop3A_356, %parallel_loop3A_361 : vector<16xf32>
        %parallel_loop3A_363 = arith.mulf %parallel_loop3A_362, %parallel_loop3A_362 : vector<16xf32>
        %parallel_loop3A_364 = vector.broadcast %scan3A : f32 to vector<16xf32>
        %parallel_loop3A_365 = arith.maximumf %parallel_loop3A_363, %parallel_loop3A_364 : vector<16xf32>
        %parallel_loop3A_366 = vector.broadcast %scan3A_77 : f32 to vector<16xf32>
        %parallel_loop3A_367 = arith.minimumf %parallel_loop3A_365, %parallel_loop3A_366 : vector<16xf32>
        %parallel_loop3A_368 = arith.addf %parallel_loop3A_300, %parallel_loop3A_367 : vector<16xf32>
        %parallel_loop3A_369 = arith.constant 0 : i32
        %parallel_loop3A_370 = arith.index_cast %parallel_loop3A_369 : i32 to index
        %parallel_loop3A_371 = arith.index_cast %parallel_loop3A_258 : i32 to index
        %parallel_loop3A_372 = arith.constant 96 : index
        %parallel_loop3A_373 = tpu.vector_load %arg7[%parallel_loop3A_370, %parallel_loop3A_371, %parallel_loop3A_372] {strides = array<i32>} : memref<4x16x512xf32, #tpu.memory_space<vmem>>, vector<16xf32>,
        %parallel_loop3A_374 = arith.constant 0 : i32
        %parallel_loop3A_375 = arith.index_cast %parallel_loop3A_374 : i32 to index
        %parallel_loop3A_376 = arith.index_cast %parallel_loop3A_258 : i32 to index
        %parallel_loop3A_377 = arith.constant 96 : index
        %parallel_loop3A_378 = tpu.vector_load %arg8[%parallel_loop3A_375, %parallel_loop3A_376, %parallel_loop3A_377] {strides = array<i32>} : memref<4x16x512xf32, #tpu.memory_space<vmem>>, vector<16xf32>,
        %parallel_loop3A_379 = arith.subf %parallel_loop3A_373, %parallel_loop3A_378 : vector<16xf32>
        %parallel_loop3A_380 = arith.mulf %parallel_loop3A_379, %parallel_loop3A_379 : vector<16xf32>
        %parallel_loop3A_381 = vector.broadcast %scan3A : f32 to vector<16xf32>
        %parallel_loop3A_382 = arith.maximumf %parallel_loop3A_380, %parallel_loop3A_381 : vector<16xf32>
        %parallel_loop3A_383 = vector.broadcast %scan3A_77 : f32 to vector<16xf32>
        %parallel_loop3A_384 = arith.minimumf %parallel_loop3A_382, %parallel_loop3A_383 : vector<16xf32>
        %parallel_loop3A_385 = arith.addf %parallel_loop3A_317, %parallel_loop3A_384 : vector<16xf32>
        %parallel_loop3A_386 = arith.constant 0 : i32
        %parallel_loop3A_387 = arith.index_cast %parallel_loop3A_386 : i32 to index
        %parallel_loop3A_388 = arith.index_cast %parallel_loop3A_258 : i32 to index
        %parallel_loop3A_389 = arith.constant 112 : index
        %parallel_loop3A_390 = tpu.vector_load %arg7[%parallel_loop3A_387, %parallel_loop3A_388, %parallel_loop3A_389] {strides = array<i32>} : memref<4x16x512xf32, #tpu.memory_space<vmem>>, vector<16xf32>,
        %parallel_loop3A_391 = arith.constant 0 : i32
        %parallel_loop3A_392 = arith.index_cast %parallel_loop3A_391 : i32 to index
        %parallel_loop3A_393 = arith.index_cast %parallel_loop3A_258 : i32 to index
        %parallel_loop3A_394 = arith.constant 112 : index
        %parallel_loop3A_395 = tpu.vector_load %arg8[%parallel_loop3A_392, %parallel_loop3A_393, %parallel_loop3A_394] {strides = array<i32>} : memref<4x16x512xf32, #tpu.memory_space<vmem>>, vector<16xf32>,
        %parallel_loop3A_396 = arith.subf %parallel_loop3A_390, %parallel_loop3A_395 : vector<16xf32>
        %parallel_loop3A_397 = arith.mulf %parallel_loop3A_396, %parallel_loop3A_396 : vector<16xf32>
        %parallel_loop3A_398 = vector.broadcast %scan3A : f32 to vector<16xf32>
        %parallel_loop3A_399 = arith.maximumf %parallel_loop3A_397, %parallel_loop3A_398 : vector<16xf32>
        %parallel_loop3A_400 = vector.broadcast %scan3A_77 : f32 to vector<16xf32>
        %parallel_loop3A_401 = arith.minimumf %parallel_loop3A_399, %parallel_loop3A_400 : vector<16xf32>
        %parallel_loop3A_402 = arith.addf %parallel_loop3A_334, %parallel_loop3A_401 : vector<16xf32>
        %parallel_loop3A_403 = arith.constant 0 : i32
        %parallel_loop3A_404 = arith.index_cast %parallel_loop3A_403 : i32 to index
        %parallel_loop3A_405 = arith.index_cast %parallel_loop3A_258 : i32 to index
        %parallel_loop3A_406 = arith.constant 128 : index
        %parallel_loop3A_407 = tpu.vector_load %arg7[%parallel_loop3A_404, %parallel_loop3A_405, %parallel_loop3A_406] {strides = array<i32>} : memref<4x16x512xf32, #tpu.memory_space<vmem>>, vector<16xf32>,
        %parallel_loop3A_408 = arith.constant 0 : i32
        %parallel_loop3A_409 = arith.index_cast %parallel_loop3A_408 : i32 to index
        %parallel_loop3A_410 = arith.index_cast %parallel_loop3A_258 : i32 to index
        %parallel_loop3A_411 = arith.constant 128 : index
        %parallel_loop3A_412 = tpu.vector_load %arg8[%parallel_loop3A_409, %parallel_loop3A_410, %parallel_loop3A_411] {strides = array<i32>} : memref<4x16x512xf32, #tpu.memory_space<vmem>>, vector<16xf32>,
        %parallel_loop3A_413 = arith.subf %parallel_loop3A_407, %parallel_loop3A_412 : vector<16xf32>
        %parallel_loop3A_414 = arith.mulf %parallel_loop3A_413, %parallel_loop3A_413 : vector<16xf32>
        %parallel_loop3A_415 = vector.broadcast %scan3A : f32 to vector<16xf32>
        %parallel_loop3A_416 = arith.maximumf %parallel_loop3A_414, %parallel_loop3A_415 : vector<16xf32>
        %parallel_loop3A_417 = vector.broadcast %scan3A_77 : f32 to vector<16xf32>
        %parallel_loop3A_418 = arith.minimumf %parallel_loop3A_416, %parallel_loop3A_417 : vector<16xf32>
        %parallel_loop3A_419 = arith.addf %parallel_loop3A_351, %parallel_loop3A_418 : vector<16xf32>
        %parallel_loop3A_420 = arith.constant 0 : i32
        %parallel_loop3A_421 = arith.index_cast %parallel_loop3A_420 : i32 to index
        %parallel_loop3A_422 = arith.index_cast %parallel_loop3A_258 : i32 to index
        %parallel_loop3A_423 = arith.constant 144 : index
        %parallel_loop3A_424 = tpu.vector_load %arg7[%parallel_loop3A_421, %parallel_loop3A_422, %parallel_loop3A_423] {strides = array<i32>} : memref<4x16x512xf32, #tpu.memory_space<vmem>>, vector<16xf32>,
        %parallel_loop3A_425 = arith.constant 0 : i32
        %parallel_loop3A_426 = arith.index_cast %parallel_loop3A_425 : i32 to index
        %parallel_loop3A_427 = arith.index_cast %parallel_loop3A_258 : i32 to index
        %parallel_loop3A_428 = arith.constant 144 : index
        %parallel_loop3A_429 = tpu.vector_load %arg8[%parallel_loop3A_426, %parallel_loop3A_427, %parallel_loop3A_428] {strides = array<i32>} : memref<4x16x512xf32, #tpu.memory_space<vmem>>, vector<16xf32>,
        %parallel_loop3A_430 = arith.subf %parallel_loop3A_424, %parallel_loop3A_429 : vector<16xf32>
        %parallel_loop3A_431 = arith.mulf %parallel_loop3A_430, %parallel_loop3A_430 : vector<16xf32>
        %parallel_loop3A_432 = vector.broadcast %scan3A : f32 to vector<16xf32>
        %parallel_loop3A_433 = arith.maximumf %parallel_loop3A_431, %parallel_loop3A_432 : vector<16xf32>
        %parallel_loop3A_434 = vector.broadcast %scan3A_77 : f32 to vector<16xf32>
        %parallel_loop3A_435 = arith.minimumf %parallel_loop3A_433, %parallel_loop3A_434 : vector<16xf32>
        %parallel_loop3A_436 = arith.addf %parallel_loop3A_368, %parallel_loop3A_435 : vector<16xf32>
        %parallel_loop3A_437 = arith.constant 0 : i32
        %parallel_loop3A_438 = arith.index_cast %parallel_loop3A_437 : i32 to index
        %parallel_loop3A_439 = arith.index_cast %parallel_loop3A_258 : i32 to index
        %parallel_loop3A_440 = arith.constant 160 : index
        %parallel_loop3A_441 = tpu.vector_load %arg7[%parallel_loop3A_438, %parallel_loop3A_439, %parallel_loop3A_440] {strides = array<i32>} : memref<4x16x512xf32, #tpu.memory_space<vmem>>, vector<16xf32>,
        %parallel_loop3A_442 = arith.constant 0 : i32
        %parallel_loop3A_443 = arith.index_cast %parallel_loop3A_442 : i32 to index
        %parallel_loop3A_444 = arith.index_cast %parallel_loop3A_258 : i32 to index
        %parallel_loop3A_445 = arith.constant 160 : index
        %parallel_loop3A_446 = tpu.vector_load %arg8[%parallel_loop3A_443, %parallel_loop3A_444, %parallel_loop3A_445] {strides = array<i32>} : memref<4x16x512xf32, #tpu.memory_space<vmem>>, vector<16xf32>,
        %parallel_loop3A_447 = arith.subf %parallel_loop3A_441, %parallel_loop3A_446 : vector<16xf32>
        %parallel_loop3A_448 = arith.mulf %parallel_loop3A_447, %parallel_loop3A_447 : vector<16xf32>
        %parallel_loop3A_449 = vector.broadcast %scan3A : f32 to vector<16xf32>
        %parallel_loop3A_450 = arith.maximumf %parallel_loop3A_448, %parallel_loop3A_449 : vector<16xf32>
        %parallel_loop3A_451 = vector.broadcast %scan3A_77 : f32 to vector<16xf32>
        %parallel_loop3A_452 = arith.minimumf %parallel_loop3A_450, %parallel_loop3A_451 : vector<16xf32>
        %parallel_loop3A_453 = arith.addf %parallel_loop3A_385, %parallel_loop3A_452 : vector<16xf32>
        %parallel_loop3A_454 = arith.constant 0 : i32
        %parallel_loop3A_455 = arith.index_cast %parallel_loop3A_454 : i32 to index
        %parallel_loop3A_456 = arith.index_cast %parallel_loop3A_258 : i32 to index
        %parallel_loop3A_457 = arith.constant 176 : index
        %parallel_loop3A_458 = tpu.vector_load %arg7[%parallel_loop3A_455, %parallel_loop3A_456, %parallel_loop3A_457] {strides = array<i32>} : memref<4x16x512xf32, #tpu.memory_space<vmem>>, vector<16xf32>,
        %parallel_loop3A_459 = arith.constant 0 : i32
        %parallel_loop3A_460 = arith.index_cast %parallel_loop3A_459 : i32 to index
        %parallel_loop3A_461 = arith.index_cast %parallel_loop3A_258 : i32 to index
        %parallel_loop3A_462 = arith.constant 176 : index
        %parallel_loop3A_463 = tpu.vector_load %arg8[%parallel_loop3A_460, %parallel_loop3A_461, %parallel_loop3A_462] {strides = array<i32>} : memref<4x16x512xf32, #tpu.memory_space<vmem>>, vector<16xf32>,
        %parallel_loop3A_464 = arith.subf %parallel_loop3A_458, %parallel_loop3A_463 : vector<16xf32>
        %parallel_loop3A_465 = arith.mulf %parallel_loop3A_464, %parallel_loop3A_464 : vector<16xf32>
        %parallel_loop3A_466 = vector.broadcast %scan3A : f32 to vector<16xf32>
        %parallel_loop3A_467 = arith.maximumf %parallel_loop3A_465, %parallel_loop3A_466 : vector<16xf32>
        %parallel_loop3A_468 = vector.broadcast %scan3A_77 : f32 to vector<16xf32>
        %parallel_loop3A_469 = arith.minimumf %parallel_loop3A_467, %parallel_loop3A_468 : vector<16xf32>
        %parallel_loop3A_470 = arith.addf %parallel_loop3A_402, %parallel_loop3A_469 : vector<16xf32>
        %parallel_loop3A_471 = arith.constant 0 : i32
        %parallel_loop3A_472 = arith.index_cast %parallel_loop3A_471 : i32 to index
        %parallel_loop3A_473 = arith.index_cast %parallel_loop3A_258 : i32 to index
        %parallel_loop3A_474 = arith.constant 192 : index
        %parallel_loop3A_475 = tpu.vector_load %arg7[%parallel_loop3A_472, %parallel_loop3A_473, %parallel_loop3A_474] {strides = array<i32>} : memref<4x16x512xf32, #tpu.memory_space<vmem>>, vector<16xf32>,
        %parallel_loop3A_476 = arith.constant 0 : i32
        %parallel_loop3A_477 = arith.index_cast %parallel_loop3A_476 : i32 to index
        %parallel_loop3A_478 = arith.index_cast %parallel_loop3A_258 : i32 to index
        %parallel_loop3A_479 = arith.constant 192 : index
        %parallel_loop3A_480 = tpu.vector_load %arg8[%parallel_loop3A_477, %parallel_loop3A_478, %parallel_loop3A_479] {strides = array<i32>} : memref<4x16x512xf32, #tpu.memory_space<vmem>>, vector<16xf32>,
        %parallel_loop3A_481 = arith.subf %parallel_loop3A_475, %parallel_loop3A_480 : vector<16xf32>
        %parallel_loop3A_482 = arith.mulf %parallel_loop3A_481, %parallel_loop3A_481 : vector<16xf32>
        %parallel_loop3A_483 = vector.broadcast %scan3A : f32 to vector<16xf32>
        %parallel_loop3A_484 = arith.maximumf %parallel_loop3A_482, %parallel_loop3A_483 : vector<16xf32>
        %parallel_loop3A_485 = vector.broadcast %scan3A_77 : f32 to vector<16xf32>
        %parallel_loop3A_486 = arith.minimumf %parallel_loop3A_484, %parallel_loop3A_485 : vector<16xf32>
        %parallel_loop3A_487 = arith.addf %parallel_loop3A_419, %parallel_loop3A_486 : vector<16xf32>
        %parallel_loop3A_488 = arith.constant 0 : i32
        %parallel_loop3A_489 = arith.index_cast %parallel_loop3A_488 : i32 to index
        %parallel_loop3A_490 = arith.index_cast %parallel_loop3A_258 : i32 to index
        %parallel_loop3A_491 = arith.constant 208 : index
        %parallel_loop3A_492 = tpu.vector_load %arg7[%parallel_loop3A_489, %parallel_loop3A_490, %parallel_loop3A_491] {strides = array<i32>} : memref<4x16x512xf32, #tpu.memory_space<vmem>>, vector<16xf32>,
        %parallel_loop3A_493 = arith.constant 0 : i32
        %parallel_loop3A_494 = arith.index_cast %parallel_loop3A_493 : i32 to index
        %parallel_loop3A_495 = arith.index_cast %parallel_loop3A_258 : i32 to index
        %parallel_loop3A_496 = arith.constant 208 : index
        %parallel_loop3A_497 = tpu.vector_load %arg8[%parallel_loop3A_494, %parallel_loop3A_495, %parallel_loop3A_496] {strides = array<i32>} : memref<4x16x512xf32, #tpu.memory_space<vmem>>, vector<16xf32>,
        %parallel_loop3A_498 = arith.subf %parallel_loop3A_492, %parallel_loop3A_497 : vector<16xf32>
        %parallel_loop3A_499 = arith.mulf %parallel_loop3A_498, %parallel_loop3A_498 : vector<16xf32>
        %parallel_loop3A_500 = vector.broadcast %scan3A : f32 to vector<16xf32>
        %parallel_loop3A_501 = arith.maximumf %parallel_loop3A_499, %parallel_loop3A_500 : vector<16xf32>
        %parallel_loop3A_502 = vector.broadcast %scan3A_77 : f32 to vector<16xf32>
        %parallel_loop3A_503 = arith.minimumf %parallel_loop3A_501, %parallel_loop3A_502 : vector<16xf32>
        %parallel_loop3A_504 = arith.addf %parallel_loop3A_436, %parallel_loop3A_503 : vector<16xf32>
        %parallel_loop3A_505 = arith.constant 0 : i32
        %parallel_loop3A_506 = arith.index_cast %parallel_loop3A_505 : i32 to index
        %parallel_loop3A_507 = arith.index_cast %parallel_loop3A_258 : i32 to index
        %parallel_loop3A_508 = arith.constant 224 : index
        %parallel_loop3A_509 = tpu.vector_load %arg7[%parallel_loop3A_506, %parallel_loop3A_507, %parallel_loop3A_508] {strides = array<i32>} : memref<4x16x512xf32, #tpu.memory_space<vmem>>, vector<16xf32>,
        %parallel_loop3A_510 = arith.constant 0 : i32
        %parallel_loop3A_511 = arith.index_cast %parallel_loop3A_510 : i32 to index
        %parallel_loop3A_512 = arith.index_cast %parallel_loop3A_258 : i32 to index
        %parallel_loop3A_513 = arith.constant 224 : index
        %parallel_loop3A_514 = tpu.vector_load %arg8[%parallel_loop3A_511, %parallel_loop3A_512, %parallel_loop3A_513] {strides = array<i32>} : memref<4x16x512xf32, #tpu.memory_space<vmem>>, vector<16xf32>,
        %parallel_loop3A_515 = arith.subf %parallel_loop3A_509, %parallel_loop3A_514 : vector<16xf32>
        %parallel_loop3A_516 = arith.mulf %parallel_loop3A_515, %parallel_loop3A_515 : vector<16xf32>
        %parallel_loop3A_517 = vector.broadcast %scan3A : f32 to vector<16xf32>
        %parallel_loop3A_518 = arith.maximumf %parallel_loop3A_516, %parallel_loop3A_517 : vector<16xf32>
        %parallel_loop3A_519 = vector.broadcast %scan3A_77 : f32 to vector<16xf32>
        %parallel_loop3A_520 = arith.minimumf %parallel_loop3A_518, %parallel_loop3A_519 : vector<16xf32>
        %parallel_loop3A_521 = arith.addf %parallel_loop3A_453, %parallel_loop3A_520 : vector<16xf32>
        %parallel_loop3A_522 = arith.constant 0 : i32
        %parallel_loop3A_523 = arith.index_cast %parallel_loop3A_522 : i32 to index
        %parallel_loop3A_524 = arith.index_cast %parallel_loop3A_258 : i32 to index
        %parallel_loop3A_525 = arith.constant 240 : index
        %parallel_loop3A_526 = tpu.vector_load %arg7[%parallel_loop3A_523, %parallel_loop3A_524, %parallel_loop3A_525] {strides = array<i32>} : memref<4x16x512xf32, #tpu.memory_space<vmem>>, vector<16xf32>,
        %parallel_loop3A_527 = arith.constant 0 : i32
        %parallel_loop3A_528 = arith.index_cast %parallel_loop3A_527 : i32 to index
        %parallel_loop3A_529 = arith.index_cast %parallel_loop3A_258 : i32 to index
        %parallel_loop3A_530 = arith.constant 240 : index
        %parallel_loop3A_531 = tpu.vector_load %arg8[%parallel_loop3A_528, %parallel_loop3A_529, %parallel_loop3A_530] {strides = array<i32>} : memref<4x16x512xf32, #tpu.memory_space<vmem>>, vector<16xf32>,
        %parallel_loop3A_532 = arith.subf %parallel_loop3A_526, %parallel_loop3A_531 : vector<16xf32>
        %parallel_loop3A_533 = arith.mulf %parallel_loop3A_532, %parallel_loop3A_532 : vector<16xf32>
        %parallel_loop3A_534 = vector.broadcast %scan3A : f32 to vector<16xf32>
        %parallel_loop3A_535 = arith.maximumf %parallel_loop3A_533, %parallel_loop3A_534 : vector<16xf32>
        %parallel_loop3A_536 = vector.broadcast %scan3A_77 : f32 to vector<16xf32>
        %parallel_loop3A_537 = arith.minimumf %parallel_loop3A_535, %parallel_loop3A_536 : vector<16xf32>
        %parallel_loop3A_538 = arith.addf %parallel_loop3A_470, %parallel_loop3A_537 : vector<16xf32>
        %parallel_loop3A_539 = arith.constant 0 : i32
        %parallel_loop3A_540 = arith.index_cast %parallel_loop3A_539 : i32 to index
        %parallel_loop3A_541 = arith.index_cast %parallel_loop3A_258 : i32 to index
        %parallel_loop3A_542 = arith.constant 256 : index
        %parallel_loop3A_543 = tpu.vector_load %arg7[%parallel_loop3A_540, %parallel_loop3A_541, %parallel_loop3A_542] {strides = array<i32>} : memref<4x16x512xf32, #tpu.memory_space<vmem>>, vector<16xf32>,
        %parallel_loop3A_544 = arith.constant 0 : i32
        %parallel_loop3A_545 = arith.index_cast %parallel_loop3A_544 : i32 to index
        %parallel_loop3A_546 = arith.index_cast %parallel_loop3A_258 : i32 to index
        %parallel_loop3A_547 = arith.constant 256 : index
        %parallel_loop3A_548 = tpu.vector_load %arg8[%parallel_loop3A_545, %parallel_loop3A_546, %parallel_loop3A_547] {strides = array<i32>} : memref<4x16x512xf32, #tpu.memory_space<vmem>>, vector<16xf32>,
        %parallel_loop3A_549 = arith.subf %parallel_loop3A_543, %parallel_loop3A_548 : vector<16xf32>
        %parallel_loop3A_550 = arith.mulf %parallel_loop3A_549, %parallel_loop3A_549 : vector<16xf32>
        %parallel_loop3A_551 = vector.broadcast %scan3A : f32 to vector<16xf32>
        %parallel_loop3A_552 = arith.maximumf %parallel_loop3A_550, %parallel_loop3A_551 : vector<16xf32>
        %parallel_loop3A_553 = vector.broadcast %scan3A_77 : f32 to vector<16xf32>
        %parallel_loop3A_554 = arith.minimumf %parallel_loop3A_552, %parallel_loop3A_553 : vector<16xf32>
        %parallel_loop3A_555 = arith.addf %parallel_loop3A_487, %parallel_loop3A_554 : vector<16xf32>
        %parallel_loop3A_556 = arith.constant 0 : i32
        %parallel_loop3A_557 = arith.index_cast %parallel_loop3A_556 : i32 to index
        %parallel_loop3A_558 = arith.index_cast %parallel_loop3A_258 : i32 to index
        %parallel_loop3A_559 = arith.constant 272 : index
        %parallel_loop3A_560 = tpu.vector_load %arg7[%parallel_loop3A_557, %parallel_loop3A_558, %parallel_loop3A_559] {strides = array<i32>} : memref<4x16x512xf32, #tpu.memory_space<vmem>>, vector<16xf32>,
        %parallel_loop3A_561 = arith.constant 0 : i32
        %parallel_loop3A_562 = arith.index_cast %parallel_loop3A_561 : i32 to index
        %parallel_loop3A_563 = arith.index_cast %parallel_loop3A_258 : i32 to index
        %parallel_loop3A_564 = arith.constant 272 : index
        %parallel_loop3A_565 = tpu.vector_load %arg8[%parallel_loop3A_562, %parallel_loop3A_563, %parallel_loop3A_564] {strides = array<i32>} : memref<4x16x512xf32, #tpu.memory_space<vmem>>, vector<16xf32>,
        %parallel_loop3A_566 = arith.subf %parallel_loop3A_560, %parallel_loop3A_565 : vector<16xf32>
        %parallel_loop3A_567 = arith.mulf %parallel_loop3A_566, %parallel_loop3A_566 : vector<16xf32>
        %parallel_loop3A_568 = vector.broadcast %scan3A : f32 to vector<16xf32>
        %parallel_loop3A_569 = arith.maximumf %parallel_loop3A_567, %parallel_loop3A_568 : vector<16xf32>
        %parallel_loop3A_570 = vector.broadcast %scan3A_77 : f32 to vector<16xf32>
        %parallel_loop3A_571 = arith.minimumf %parallel_loop3A_569, %parallel_loop3A_570 : vector<16xf32>
        %parallel_loop3A_572 = arith.addf %parallel_loop3A_504, %parallel_loop3A_571 : vector<16xf32>
        %parallel_loop3A_573 = arith.constant 0 : i32
        %parallel_loop3A_574 = arith.index_cast %parallel_loop3A_573 : i32 to index
        %parallel_loop3A_575 = arith.index_cast %parallel_loop3A_258 : i32 to index
        %parallel_loop3A_576 = arith.constant 288 : index
        %parallel_loop3A_577 = tpu.vector_load %arg7[%parallel_loop3A_574, %parallel_loop3A_575, %parallel_loop3A_576] {strides = array<i32>} : memref<4x16x512xf32, #tpu.memory_space<vmem>>, vector<16xf32>,
        %parallel_loop3A_578 = arith.constant 0 : i32
        %parallel_loop3A_579 = arith.index_cast %parallel_loop3A_578 : i32 to index
        %parallel_loop3A_580 = arith.index_cast %parallel_loop3A_258 : i32 to index
        %parallel_loop3A_581 = arith.constant 288 : index
        %parallel_loop3A_582 = tpu.vector_load %arg8[%parallel_loop3A_579, %parallel_loop3A_580, %parallel_loop3A_581] {strides = array<i32>} : memref<4x16x512xf32, #tpu.memory_space<vmem>>, vector<16xf32>,
        %parallel_loop3A_583 = arith.subf %parallel_loop3A_577, %parallel_loop3A_582 : vector<16xf32>
        %parallel_loop3A_584 = arith.mulf %parallel_loop3A_583, %parallel_loop3A_583 : vector<16xf32>
        %parallel_loop3A_585 = vector.broadcast %scan3A : f32 to vector<16xf32>
        %parallel_loop3A_586 = arith.maximumf %parallel_loop3A_584, %parallel_loop3A_585 : vector<16xf32>
        %parallel_loop3A_587 = vector.broadcast %scan3A_77 : f32 to vector<16xf32>
        %parallel_loop3A_588 = arith.minimumf %parallel_loop3A_586, %parallel_loop3A_587 : vector<16xf32>
        %parallel_loop3A_589 = arith.addf %parallel_loop3A_521, %parallel_loop3A_588 : vector<16xf32>
        %parallel_loop3A_590 = arith.constant 0 : i32
        %parallel_loop3A_591 = arith.index_cast %parallel_loop3A_590 : i32 to index
        %parallel_loop3A_592 = arith.index_cast %parallel_loop3A_258 : i32 to index
        %parallel_loop3A_593 = arith.constant 304 : index
        %parallel_loop3A_594 = tpu.vector_load %arg7[%parallel_loop3A_591, %parallel_loop3A_592, %parallel_loop3A_593] {strides = array<i32>} : memref<4x16x512xf32, #tpu.memory_space<vmem>>, vector<16xf32>,
        %parallel_loop3A_595 = arith.constant 0 : i32
        %parallel_loop3A_596 = arith.index_cast %parallel_loop3A_595 : i32 to index
        %parallel_loop3A_597 = arith.index_cast %parallel_loop3A_258 : i32 to index
        %parallel_loop3A_598 = arith.constant 304 : index
        %parallel_loop3A_599 = tpu.vector_load %arg8[%parallel_loop3A_596, %parallel_loop3A_597, %parallel_loop3A_598] {strides = array<i32>} : memref<4x16x512xf32, #tpu.memory_space<vmem>>, vector<16xf32>,
        %parallel_loop3A_600 = arith.subf %parallel_loop3A_594, %parallel_loop3A_599 : vector<16xf32>
        %parallel_loop3A_601 = arith.mulf %parallel_loop3A_600, %parallel_loop3A_600 : vector<16xf32>
        %parallel_loop3A_602 = vector.broadcast %scan3A : f32 to vector<16xf32>
        %parallel_loop3A_603 = arith.maximumf %parallel_loop3A_601, %parallel_loop3A_602 : vector<16xf32>
        %parallel_loop3A_604 = vector.broadcast %scan3A_77 : f32 to vector<16xf32>
        %parallel_loop3A_605 = arith.minimumf %parallel_loop3A_603, %parallel_loop3A_604 : vector<16xf32>
        %parallel_loop3A_606 = arith.addf %parallel_loop3A_538, %parallel_loop3A_605 : vector<16xf32>
        %parallel_loop3A_607 = arith.constant 0 : i32
        %parallel_loop3A_608 = arith.index_cast %parallel_loop3A_607 : i32 to index
        %parallel_loop3A_609 = arith.index_cast %parallel_loop3A_258 : i32 to index
        %parallel_loop3A_610 = arith.constant 320 : index
        %parallel_loop3A_611 = tpu.vector_load %arg7[%parallel_loop3A_608, %parallel_loop3A_609, %parallel_loop3A_610] {strides = array<i32>} : memref<4x16x512xf32, #tpu.memory_space<vmem>>, vector<16xf32>,
        %parallel_loop3A_612 = arith.constant 0 : i32
        %parallel_loop3A_613 = arith.index_cast %parallel_loop3A_612 : i32 to index
        %parallel_loop3A_614 = arith.index_cast %parallel_loop3A_258 : i32 to index
        %parallel_loop3A_615 = arith.constant 320 : index
        %parallel_loop3A_616 = tpu.vector_load %arg8[%parallel_loop3A_613, %parallel_loop3A_614, %parallel_loop3A_615] {strides = array<i32>} : memref<4x16x512xf32, #tpu.memory_space<vmem>>, vector<16xf32>,
        %parallel_loop3A_617 = arith.subf %parallel_loop3A_611, %parallel_loop3A_616 : vector<16xf32>
        %parallel_loop3A_618 = arith.mulf %parallel_loop3A_617, %parallel_loop3A_617 : vector<16xf32>
        %parallel_loop3A_619 = vector.broadcast %scan3A : f32 to vector<16xf32>
        %parallel_loop3A_620 = arith.maximumf %parallel_loop3A_618, %parallel_loop3A_619 : vector<16xf32>
        %parallel_loop3A_621 = vector.broadcast %scan3A_77 : f32 to vector<16xf32>
        %parallel_loop3A_622 = arith.minimumf %parallel_loop3A_620, %parallel_loop3A_621 : vector<16xf32>
        %parallel_loop3A_623 = arith.addf %parallel_loop3A_555, %parallel_loop3A_622 : vector<16xf32>
        %parallel_loop3A_624 = arith.constant 0 : i32
        %parallel_loop3A_625 = arith.index_cast %parallel_loop3A_624 : i32 to index
        %parallel_loop3A_626 = arith.index_cast %parallel_loop3A_258 : i32 to index
        %parallel_loop3A_627 = arith.constant 336 : index
        %parallel_loop3A_628 = tpu.vector_load %arg7[%parallel_loop3A_625, %parallel_loop3A_626, %parallel_loop3A_627] {strides = array<i32>} : memref<4x16x512xf32, #tpu.memory_space<vmem>>, vector<16xf32>,
        %parallel_loop3A_629 = arith.constant 0 : i32
        %parallel_loop3A_630 = arith.index_cast %parallel_loop3A_629 : i32 to index
        %parallel_loop3A_631 = arith.index_cast %parallel_loop3A_258 : i32 to index
        %parallel_loop3A_632 = arith.constant 336 : index
        %parallel_loop3A_633 = tpu.vector_load %arg8[%parallel_loop3A_630, %parallel_loop3A_631, %parallel_loop3A_632] {strides = array<i32>} : memref<4x16x512xf32, #tpu.memory_space<vmem>>, vector<16xf32>,
        %parallel_loop3A_634 = arith.subf %parallel_loop3A_628, %parallel_loop3A_633 : vector<16xf32>
        %parallel_loop3A_635 = arith.mulf %parallel_loop3A_634, %parallel_loop3A_634 : vector<16xf32>
        %parallel_loop3A_636 = vector.broadcast %scan3A : f32 to vector<16xf32>
        %parallel_loop3A_637 = arith.maximumf %parallel_loop3A_635, %parallel_loop3A_636 : vector<16xf32>
        %parallel_loop3A_638 = vector.broadcast %scan3A_77 : f32 to vector<16xf32>
        %parallel_loop3A_639 = arith.minimumf %parallel_loop3A_637, %parallel_loop3A_638 : vector<16xf32>
        %parallel_loop3A_640 = arith.addf %parallel_loop3A_572, %parallel_loop3A_639 : vector<16xf32>
        %parallel_loop3A_641 = arith.constant 0 : i32
        %parallel_loop3A_642 = arith.index_cast %parallel_loop3A_641 : i32 to index
        %parallel_loop3A_643 = arith.index_cast %parallel_loop3A_258 : i32 to index
        %parallel_loop3A_644 = arith.constant 352 : index
        %parallel_loop3A_645 = tpu.vector_load %arg7[%parallel_loop3A_642, %parallel_loop3A_643, %parallel_loop3A_644] {strides = array<i32>} : memref<4x16x512xf32, #tpu.memory_space<vmem>>, vector<16xf32>,
        %parallel_loop3A_646 = arith.constant 0 : i32
        %parallel_loop3A_647 = arith.index_cast %parallel_loop3A_646 : i32 to index
        %parallel_loop3A_648 = arith.index_cast %parallel_loop3A_258 : i32 to index
        %parallel_loop3A_649 = arith.constant 352 : index
        %parallel_loop3A_650 = tpu.vector_load %arg8[%parallel_loop3A_647, %parallel_loop3A_648, %parallel_loop3A_649] {strides = array<i32>} : memref<4x16x512xf32, #tpu.memory_space<vmem>>, vector<16xf32>,
        %parallel_loop3A_651 = arith.subf %parallel_loop3A_645, %parallel_loop3A_650 : vector<16xf32>
        %parallel_loop3A_652 = arith.mulf %parallel_loop3A_651, %parallel_loop3A_651 : vector<16xf32>
        %parallel_loop3A_653 = vector.broadcast %scan3A : f32 to vector<16xf32>
        %parallel_loop3A_654 = arith.maximumf %parallel_loop3A_652, %parallel_loop3A_653 : vector<16xf32>
        %parallel_loop3A_655 = vector.broadcast %scan3A_77 : f32 to vector<16xf32>
        %parallel_loop3A_656 = arith.minimumf %parallel_loop3A_654, %parallel_loop3A_655 : vector<16xf32>
        %parallel_loop3A_657 = arith.addf %parallel_loop3A_589, %parallel_loop3A_656 : vector<16xf32>
        %parallel_loop3A_658 = arith.constant 0 : i32
        %parallel_loop3A_659 = arith.index_cast %parallel_loop3A_658 : i32 to index
        %parallel_loop3A_660 = arith.index_cast %parallel_loop3A_258 : i32 to index
        %parallel_loop3A_661 = arith.constant 368 : index
        %parallel_loop3A_662 = tpu.vector_load %arg7[%parallel_loop3A_659, %parallel_loop3A_660, %parallel_loop3A_661] {strides = array<i32>} : memref<4x16x512xf32, #tpu.memory_space<vmem>>, vector<16xf32>,
        %parallel_loop3A_663 = arith.constant 0 : i32
        %parallel_loop3A_664 = arith.index_cast %parallel_loop3A_663 : i32 to index
        %parallel_loop3A_665 = arith.index_cast %parallel_loop3A_258 : i32 to index
        %parallel_loop3A_666 = arith.constant 368 : index
        %parallel_loop3A_667 = tpu.vector_load %arg8[%parallel_loop3A_664, %parallel_loop3A_665, %parallel_loop3A_666] {strides = array<i32>} : memref<4x16x512xf32, #tpu.memory_space<vmem>>, vector<16xf32>,
        %parallel_loop3A_668 = arith.subf %parallel_loop3A_662, %parallel_loop3A_667 : vector<16xf32>
        %parallel_loop3A_669 = arith.mulf %parallel_loop3A_668, %parallel_loop3A_668 : vector<16xf32>
        %parallel_loop3A_670 = vector.broadcast %scan3A : f32 to vector<16xf32>
        %parallel_loop3A_671 = arith.maximumf %parallel_loop3A_669, %parallel_loop3A_670 : vector<16xf32>
        %parallel_loop3A_672 = vector.broadcast %scan3A_77 : f32 to vector<16xf32>
        %parallel_loop3A_673 = arith.minimumf %parallel_loop3A_671, %parallel_loop3A_672 : vector<16xf32>
        %parallel_loop3A_674 = arith.addf %parallel_loop3A_606, %parallel_loop3A_673 : vector<16xf32>
        %parallel_loop3A_675 = arith.constant 0 : i32
        %parallel_loop3A_676 = arith.index_cast %parallel_loop3A_675 : i32 to index
        %parallel_loop3A_677 = arith.index_cast %parallel_loop3A_258 : i32 to index
        %parallel_loop3A_678 = arith.constant 384 : index
        %parallel_loop3A_679 = tpu.vector_load %arg7[%parallel_loop3A_676, %parallel_loop3A_677, %parallel_loop3A_678] {strides = array<i32>} : memref<4x16x512xf32, #tpu.memory_space<vmem>>, vector<16xf32>,
        %parallel_loop3A_680 = arith.constant 0 : i32
        %parallel_loop3A_681 = arith.index_cast %parallel_loop3A_680 : i32 to index
        %parallel_loop3A_682 = arith.index_cast %parallel_loop3A_258 : i32 to index
        %parallel_loop3A_683 = arith.constant 384 : index
        %parallel_loop3A_684 = tpu.vector_load %arg8[%parallel_loop3A_681, %parallel_loop3A_682, %parallel_loop3A_683] {strides = array<i32>} : memref<4x16x512xf32, #tpu.memory_space<vmem>>, vector<16xf32>,
        %parallel_loop3A_685 = arith.subf %parallel_loop3A_679, %parallel_loop3A_684 : vector<16xf32>
        %parallel_loop3A_686 = arith.mulf %parallel_loop3A_685, %parallel_loop3A_685 : vector<16xf32>
        %parallel_loop3A_687 = vector.broadcast %scan3A : f32 to vector<16xf32>
        %parallel_loop3A_688 = arith.maximumf %parallel_loop3A_686, %parallel_loop3A_687 : vector<16xf32>
        %parallel_loop3A_689 = vector.broadcast %scan3A_77 : f32 to vector<16xf32>
        %parallel_loop3A_690 = arith.minimumf %parallel_loop3A_688, %parallel_loop3A_689 : vector<16xf32>
        %parallel_loop3A_691 = arith.addf %parallel_loop3A_623, %parallel_loop3A_690 : vector<16xf32>
        %parallel_loop3A_692 = arith.constant 0 : i32
        %parallel_loop3A_693 = arith.index_cast %parallel_loop3A_692 : i32 to index
        %parallel_loop3A_694 = arith.index_cast %parallel_loop3A_258 : i32 to index
        %parallel_loop3A_695 = arith.constant 400 : index
        %parallel_loop3A_696 = tpu.vector_load %arg7[%parallel_loop3A_693, %parallel_loop3A_694, %parallel_loop3A_695] {strides = array<i32>} : memref<4x16x512xf32, #tpu.memory_space<vmem>>, vector<16xf32>,
        %parallel_loop3A_697 = arith.constant 0 : i32
        %parallel_loop3A_698 = arith.index_cast %parallel_loop3A_697 : i32 to index
        %parallel_loop3A_699 = arith.index_cast %parallel_loop3A_258 : i32 to index
        %parallel_loop3A_700 = arith.constant 400 : index
        %parallel_loop3A_701 = tpu.vector_load %arg8[%parallel_loop3A_698, %parallel_loop3A_699, %parallel_loop3A_700] {strides = array<i32>} : memref<4x16x512xf32, #tpu.memory_space<vmem>>, vector<16xf32>,
        %parallel_loop3A_702 = arith.subf %parallel_loop3A_696, %parallel_loop3A_701 : vector<16xf32>
        %parallel_loop3A_703 = arith.mulf %parallel_loop3A_702, %parallel_loop3A_702 : vector<16xf32>
        %parallel_loop3A_704 = vector.broadcast %scan3A : f32 to vector<16xf32>
        %parallel_loop3A_705 = arith.maximumf %parallel_loop3A_703, %parallel_loop3A_704 : vector<16xf32>
        %parallel_loop3A_706 = vector.broadcast %scan3A_77 : f32 to vector<16xf32>
        %parallel_loop3A_707 = arith.minimumf %parallel_loop3A_705, %parallel_loop3A_706 : vector<16xf32>
        %parallel_loop3A_708 = arith.addf %parallel_loop3A_640, %parallel_loop3A_707 : vector<16xf32>
        %parallel_loop3A_709 = arith.constant 0 : i32
        %parallel_loop3A_710 = arith.index_cast %parallel_loop3A_709 : i32 to index
        %parallel_loop3A_711 = arith.index_cast %parallel_loop3A_258 : i32 to index
        %parallel_loop3A_712 = arith.constant 416 : index
        %parallel_loop3A_713 = tpu.vector_load %arg7[%parallel_loop3A_710, %parallel_loop3A_711, %parallel_loop3A_712] {strides = array<i32>} : memref<4x16x512xf32, #tpu.memory_space<vmem>>, vector<16xf32>,
        %parallel_loop3A_714 = arith.constant 0 : i32
        %parallel_loop3A_715 = arith.index_cast %parallel_loop3A_714 : i32 to index
        %parallel_loop3A_716 = arith.index_cast %parallel_loop3A_258 : i32 to index
        %parallel_loop3A_717 = arith.constant 416 : index
        %parallel_loop3A_718 = tpu.vector_load %arg8[%parallel_loop3A_715, %parallel_loop3A_716, %parallel_loop3A_717] {strides = array<i32>} : memref<4x16x512xf32, #tpu.memory_space<vmem>>, vector<16xf32>,
        %parallel_loop3A_719 = arith.subf %parallel_loop3A_713, %parallel_loop3A_718 : vector<16xf32>
        %parallel_loop3A_720 = arith.mulf %parallel_loop3A_719, %parallel_loop3A_719 : vector<16xf32>
        %parallel_loop3A_721 = vector.broadcast %scan3A : f32 to vector<16xf32>
        %parallel_loop3A_722 = arith.maximumf %parallel_loop3A_720, %parallel_loop3A_721 : vector<16xf32>
        %parallel_loop3A_723 = vector.broadcast %scan3A_77 : f32 to vector<16xf32>
        %parallel_loop3A_724 = arith.minimumf %parallel_loop3A_722, %parallel_loop3A_723 : vector<16xf32>
        %parallel_loop3A_725 = arith.addf %parallel_loop3A_657, %parallel_loop3A_724 : vector<16xf32>
        %parallel_loop3A_726 = arith.constant 0 : i32
        %parallel_loop3A_727 = arith.index_cast %parallel_loop3A_726 : i32 to index
        %parallel_loop3A_728 = arith.index_cast %parallel_loop3A_258 : i32 to index
        %parallel_loop3A_729 = arith.constant 432 : index
        %parallel_loop3A_730 = tpu.vector_load %arg7[%parallel_loop3A_727, %parallel_loop3A_728, %parallel_loop3A_729] {strides = array<i32>} : memref<4x16x512xf32, #tpu.memory_space<vmem>>, vector<16xf32>,
        %parallel_loop3A_731 = arith.constant 0 : i32
        %parallel_loop3A_732 = arith.index_cast %parallel_loop3A_731 : i32 to index
        %parallel_loop3A_733 = arith.index_cast %parallel_loop3A_258 : i32 to index
        %parallel_loop3A_734 = arith.constant 432 : index
        %parallel_loop3A_735 = tpu.vector_load %arg8[%parallel_loop3A_732, %parallel_loop3A_733, %parallel_loop3A_734] {strides = array<i32>} : memref<4x16x512xf32, #tpu.memory_space<vmem>>, vector<16xf32>,
        %parallel_loop3A_736 = arith.subf %parallel_loop3A_730, %parallel_loop3A_735 : vector<16xf32>
        %parallel_loop3A_737 = arith.mulf %parallel_loop3A_736, %parallel_loop3A_736 : vector<16xf32>
        %parallel_loop3A_738 = vector.broadcast %scan3A : f32 to vector<16xf32>
        %parallel_loop3A_739 = arith.maximumf %parallel_loop3A_737, %parallel_loop3A_738 : vector<16xf32>
        %parallel_loop3A_740 = vector.broadcast %scan3A_77 : f32 to vector<16xf32>
        %parallel_loop3A_741 = arith.minimumf %parallel_loop3A_739, %parallel_loop3A_740 : vector<16xf32>
        %parallel_loop3A_742 = arith.addf %parallel_loop3A_674, %parallel_loop3A_741 : vector<16xf32>
        %parallel_loop3A_743 = arith.constant 0 : i32
        %parallel_loop3A_744 = arith.index_cast %parallel_loop3A_743 : i32 to index
        %parallel_loop3A_745 = arith.index_cast %parallel_loop3A_258 : i32 to index
        %parallel_loop3A_746 = arith.constant 448 : index
        %parallel_loop3A_747 = tpu.vector_load %arg7[%parallel_loop3A_744, %parallel_loop3A_745, %parallel_loop3A_746] {strides = array<i32>} : memref<4x16x512xf32, #tpu.memory_space<vmem>>, vector<16xf32>,
        %parallel_loop3A_748 = arith.constant 0 : i32
        %parallel_loop3A_749 = arith.index_cast %parallel_loop3A_748 : i32 to index
        %parallel_loop3A_750 = arith.index_cast %parallel_loop3A_258 : i32 to index
        %parallel_loop3A_751 = arith.constant 448 : index
        %parallel_loop3A_752 = tpu.vector_load %arg8[%parallel_loop3A_749, %parallel_loop3A_750, %parallel_loop3A_751] {strides = array<i32>} : memref<4x16x512xf32, #tpu.memory_space<vmem>>, vector<16xf32>,
        %parallel_loop3A_753 = arith.subf %parallel_loop3A_747, %parallel_loop3A_752 : vector<16xf32>
        %parallel_loop3A_754 = arith.mulf %parallel_loop3A_753, %parallel_loop3A_753 : vector<16xf32>
        %parallel_loop3A_755 = vector.broadcast %scan3A : f32 to vector<16xf32>
        %parallel_loop3A_756 = arith.maximumf %parallel_loop3A_754, %parallel_loop3A_755 : vector<16xf32>
        %parallel_loop3A_757 = vector.broadcast %scan3A_77 : f32 to vector<16xf32>
        %parallel_loop3A_758 = arith.minimumf %parallel_loop3A_756, %parallel_loop3A_757 : vector<16xf32>
        %parallel_loop3A_759 = arith.addf %parallel_loop3A_691, %parallel_loop3A_758 : vector<16xf32>
        %parallel_loop3A_760 = arith.constant 0 : i32
        %parallel_loop3A_761 = arith.index_cast %parallel_loop3A_760 : i32 to index
        %parallel_loop3A_762 = arith.index_cast %parallel_loop3A_258 : i32 to index
        %parallel_loop3A_763 = arith.constant 464 : index
        %parallel_loop3A_764 = tpu.vector_load %arg7[%parallel_loop3A_761, %parallel_loop3A_762, %parallel_loop3A_763] {strides = array<i32>} : memref<4x16x512xf32, #tpu.memory_space<vmem>>, vector<16xf32>,
        %parallel_loop3A_765 = arith.constant 0 : i32
        %parallel_loop3A_766 = arith.index_cast %parallel_loop3A_765 : i32 to index
        %parallel_loop3A_767 = arith.index_cast %parallel_loop3A_258 : i32 to index
        %parallel_loop3A_768 = arith.constant 464 : index
        %parallel_loop3A_769 = tpu.vector_load %arg8[%parallel_loop3A_766, %parallel_loop3A_767, %parallel_loop3A_768] {strides = array<i32>} : memref<4x16x512xf32, #tpu.memory_space<vmem>>, vector<16xf32>,
        %parallel_loop3A_770 = arith.subf %parallel_loop3A_764, %parallel_loop3A_769 : vector<16xf32>
        %parallel_loop3A_771 = arith.mulf %parallel_loop3A_770, %parallel_loop3A_770 : vector<16xf32>
        %parallel_loop3A_772 = vector.broadcast %scan3A : f32 to vector<16xf32>
        %parallel_loop3A_773 = arith.maximumf %parallel_loop3A_771, %parallel_loop3A_772 : vector<16xf32>
        %parallel_loop3A_774 = vector.broadcast %scan3A_77 : f32 to vector<16xf32>
        %parallel_loop3A_775 = arith.minimumf %parallel_loop3A_773, %parallel_loop3A_774 : vector<16xf32>
        %parallel_loop3A_776 = arith.addf %parallel_loop3A_708, %parallel_loop3A_775 : vector<16xf32>
        %parallel_loop3A_777 = arith.constant 0 : i32
        %parallel_loop3A_778 = arith.index_cast %parallel_loop3A_777 : i32 to index
        %parallel_loop3A_779 = arith.index_cast %parallel_loop3A_258 : i32 to index
        %parallel_loop3A_780 = arith.constant 480 : index
        %parallel_loop3A_781 = tpu.vector_load %arg7[%parallel_loop3A_778, %parallel_loop3A_779, %parallel_loop3A_780] {strides = array<i32>} : memref<4x16x512xf32, #tpu.memory_space<vmem>>, vector<16xf32>,
        %parallel_loop3A_782 = arith.constant 0 : i32
        %parallel_loop3A_783 = arith.index_cast %parallel_loop3A_782 : i32 to index
        %parallel_loop3A_784 = arith.index_cast %parallel_loop3A_258 : i32 to index
        %parallel_loop3A_785 = arith.constant 480 : index
        %parallel_loop3A_786 = tpu.vector_load %arg8[%parallel_loop3A_783, %parallel_loop3A_784, %parallel_loop3A_785] {strides = array<i32>} : memref<4x16x512xf32, #tpu.memory_space<vmem>>, vector<16xf32>,
        %parallel_loop3A_787 = arith.subf %parallel_loop3A_781, %parallel_loop3A_786 : vector<16xf32>
        %parallel_loop3A_788 = arith.mulf %parallel_loop3A_787, %parallel_loop3A_787 : vector<16xf32>
        %parallel_loop3A_789 = vector.broadcast %scan3A : f32 to vector<16xf32>
        %parallel_loop3A_790 = arith.maximumf %parallel_loop3A_788, %parallel_loop3A_789 : vector<16xf32>
        %parallel_loop3A_791 = vector.broadcast %scan3A_77 : f32 to vector<16xf32>
        %parallel_loop3A_792 = arith.minimumf %parallel_loop3A_790, %parallel_loop3A_791 : vector<16xf32>
        %parallel_loop3A_793 = arith.addf %parallel_loop3A_725, %parallel_loop3A_792 : vector<16xf32>
        %parallel_loop3A_794 = arith.constant 0 : i32
        %parallel_loop3A_795 = arith.index_cast %parallel_loop3A_794 : i32 to index
        %parallel_loop3A_796 = arith.index_cast %parallel_loop3A_258 : i32 to index
        %parallel_loop3A_797 = arith.constant 496 : index
        %parallel_loop3A_798 = tpu.vector_load %arg7[%parallel_loop3A_795, %parallel_loop3A_796, %parallel_loop3A_797] {strides = array<i32>} : memref<4x16x512xf32, #tpu.memory_space<vmem>>, vector<16xf32>,
        %parallel_loop3A_799 = arith.constant 0 : i32
        %parallel_loop3A_800 = arith.index_cast %parallel_loop3A_799 : i32 to index
        %parallel_loop3A_801 = arith.index_cast %parallel_loop3A_258 : i32 to index
        %parallel_loop3A_802 = arith.constant 496 : index
        %parallel_loop3A_803 = tpu.vector_load %arg8[%parallel_loop3A_800, %parallel_loop3A_801, %parallel_loop3A_802] {strides = array<i32>} : memref<4x16x512xf32, #tpu.memory_space<vmem>>, vector<16xf32>,
        %parallel_loop3A_804 = arith.subf %parallel_loop3A_798, %parallel_loop3A_803 : vector<16xf32>
        %parallel_loop3A_805 = arith.mulf %parallel_loop3A_804, %parallel_loop3A_804 : vector<16xf32>
        %parallel_loop3A_806 = vector.broadcast %scan3A : f32 to vector<16xf32>
        %parallel_loop3A_807 = arith.maximumf %parallel_loop3A_805, %parallel_loop3A_806 : vector<16xf32>
        %parallel_loop3A_808 = vector.broadcast %scan3A_77 : f32 to vector<16xf32>
        %parallel_loop3A_809 = arith.minimumf %parallel_loop3A_807, %parallel_loop3A_808 : vector<16xf32>
        %parallel_loop3A_810 = arith.addf %parallel_loop3A_742, %parallel_loop3A_809 : vector<16xf32>
        %parallel_loop3A_811 = arith.addf %parallel_loop3A_759, %parallel_loop3A_776 : vector<16xf32>
        %parallel_loop3A_812 = arith.addf %parallel_loop3A_793, %parallel_loop3A_810 : vector<16xf32>
        %parallel_loop3A_813 = arith.addf %parallel_loop3A_811, %parallel_loop3A_812 : vector<16xf32>
        %parallel_loop3A_814 = arith.addi %mul3A_125, %parallel_loop3A_258 : i32
        %parallel_loop3A_815 = arith.constant 16 : i32
        %parallel_loop3A_816 = arith.muli %parallel_loop3A_814, %parallel_loop3A_815 : i32
        %parallel_loop3A_817 = arith.index_cast %parallel_loop3A_816 : i32 to index
        %parallel_loop3A_818 = tpu.vector_load %arg9[%parallel_loop3A_817] {strides = array<i32>} : memref<8192xf32, #tpu.memory_space<vmem>>, vector<16xf32>,
        tpu.vector_store %arg9[%parallel_loop3A_817], %parallel_loop3A_813 {strides = array<i32>} : memref<8192xf32, #tpu.memory_space<vmem>>, vector<16xf32>,
      } {sc.loop_unroll_factor = 2 : i64, sc.parallel_access}
      %mul3A_129 = arith.constant 4 : i32
      %mul3A_130 = arith.muli %add3A_90, %mul3A_129 : i32
      %add3A_131 = arith.constant 1 : i32
      %add3A_132 = arith.addi %mul3A_130, %add3A_131 : i32
      %add3A_133 = arith.constant 4 : i32
      %add3A_134 = arith.addi %add3A_132, %add3A_133 : i32
      %sub3A_135 = arith.constant 1 : i32
      %sub3A_136 = arith.subi %add3A_134, %sub3A_135 : i32
      %lt3A_137 = arith.constant 32 : i32
      %lt3A_138 = arith.cmpi slt, %sub3A_136, %lt3A_137 : i32
      %convert_element_type3A_139 = arith.extui %lt3A_138 : i1 to i32
      %cond3A_140 = arith.constant 0 : i32
      %cond3A_141 = arith.cmpi ne, %convert_element_type3A_139, %cond3A_140 : i32
      scf.if %cond3A_141 {
        %add3A_258 = arith.constant 4 : i32
        %add3A_259 = arith.addi %add3A_132, %add3A_258 : i32
        %sub3A_260 = arith.constant 1 : i32
        %sub3A_261 = arith.subi %add3A_259, %sub3A_260 : i32
        %mul3A_262 = arith.constant 16 : i32
        %mul3A_263 = arith.muli %sub3A_261, %mul3A_262 : i32
        %add3A_264 = arith.addi %mul3A_2, %mul3A_263 : i32
        %dma_start3A_265 = arith.constant 0 : i32
        %dma_start3A_266 = arith.constant 0 : i32
        %dma_start3A_267 = arith.constant 0 : i32
        %dma_start3A_268 = tpu.memref_slice %arg7[%dma_start3A_265, %dma_start3A_266, %dma_start3A_267] : memref<4x16x512xf32, #tpu.memory_space<vmem>> -> memref<1x16x512xf32, #tpu.memory_space<vmem>>
        %dma_start3A_269 = tpu.memref_squeeze %dma_start3A_268 : memref<1x16x512xf32, #tpu.memory_space<vmem>> -> memref<16x512xf32, #tpu.memory_space<vmem>>
        %dma_start3A_270 = arith.constant 0 : i32
        %dma_start3A_271 = tpu.memref_slice %arg2[%add3A_264, %dma_start3A_270] : memref<16384x512xf32, #tpu.memory_space<hbm>> -> memref<16x512xf32, #tpu.memory_space<hbm>>
        %dma_start3A_272 = arith.constant 0 : i32
        %dma_start3A_273 = arith.constant 0 : i32
        %dma_start3A_274 = tpu.memref_slice %arg7[%dma_start3A_265, %dma_start3A_272, %dma_start3A_273] : memref<4x16x512xf32, #tpu.memory_space<vmem>> -> memref<1x16x512xf32, #tpu.memory_space<vmem>>
        %dma_start3A_275 = tpu.memref_squeeze %dma_start3A_274 : memref<1x16x512xf32, #tpu.memory_space<vmem>> -> memref<16x512xf32, #tpu.memory_space<vmem>>
        %dma_start3A_276 = arith.constant 0 : i32
        %dma_start3A_277 = tpu.memref_slice %arg2[%add3A_264, %dma_start3A_276] : memref<16384x512xf32, #tpu.memory_space<hbm>> -> memref<16x512xf32, #tpu.memory_space<hbm>>
        tpu.enqueue_dma source(%dma_start3A_277 : memref<16x512xf32, #tpu.memory_space<hbm>>) target(%dma_start3A_275 : memref<16x512xf32, #tpu.memory_space<vmem>>) target_semaphore(%arg11 : memref<!tpu.dma_semaphore, #tpu.memory_space<semaphore_mem>>)
        %dma_start3A_278 = arith.constant 0 : i32
        %dma_start3A_279 = arith.constant 0 : i32
        %dma_start3A_280 = arith.constant 0 : i32
        %dma_start3A_281 = tpu.memref_slice %arg8[%dma_start3A_278, %dma_start3A_279, %dma_start3A_280] : memref<4x16x512xf32, #tpu.memory_space<vmem>> -> memref<1x16x512xf32, #tpu.memory_space<vmem>>
        %dma_start3A_282 = tpu.memref_squeeze %dma_start3A_281 : memref<1x16x512xf32, #tpu.memory_space<vmem>> -> memref<16x512xf32, #tpu.memory_space<vmem>>
        %dma_start3A_283 = tpu.memref_slice %arg6[%mul3A_263] : memref<512xi32, #tpu.memory_space<vmem>> -> memref<16xi32, #tpu.memory_space<vmem>>
        %dma_start3A_284 = arith.constant 0 : i32
        %dma_start3A_285 = arith.constant 0 : i32
        %dma_start3A_286 = tpu.memref_slice %arg4[%dma_start3A_284, %dma_start3A_285] : memref<1000x512xf32, #tpu.memory_space<hbm>> -> memref<1000x512xf32, #tpu.memory_space<hbm>>
        tpu.enqueue_indirect_dma source(%dma_start3A_286 : memref<1000x512xf32, #tpu.memory_space<hbm>>) target(%dma_start3A_282 : memref<16x512xf32, #tpu.memory_space<vmem>>) offsets(%dma_start3A_283 : memref<16xi32, #tpu.memory_space<vmem>>) semaphore(%arg15 : memref<!tpu.dma_semaphore, #tpu.memory_space<semaphore_mem>>)
      } else {
      }
      %dma_wait3A_142 = arith.constant 1 : i32
      %dma_wait3A_143 = arith.constant 0 : i32
      %dma_wait3A_144 = arith.constant 0 : i32
      %dma_wait3A_145 = tpu.memref_slice %arg7[%dma_wait3A_142, %dma_wait3A_143, %dma_wait3A_144] : memref<4x16x512xf32, #tpu.memory_space<vmem>> -> memref<1x16x512xf32, #tpu.memory_space<vmem>>
      %dma_wait3A_146 = tpu.memref_squeeze %dma_wait3A_145 : memref<1x16x512xf32, #tpu.memory_space<vmem>> -> memref<16x512xf32, #tpu.memory_space<vmem>>
      %dma_wait3A_147 = arith.constant 0 : i32
      %dma_wait3A_148 = arith.constant 0 : i32
      %dma_wait3A_149 = tpu.memref_slice %arg2[%dma_wait3A_147, %dma_wait3A_148] : memref<16384x512xf32, #tpu.memory_space<hbm>> -> memref<16x512xf32, #tpu.memory_space<hbm>>
      %dma_wait3A_150 = arith.constant 0 : i32
      %dma_wait3A_151 = arith.constant 0 : i32
      %dma_wait3A_152 = tpu.memref_slice %arg7[%dma_wait3A_142, %dma_wait3A_150, %dma_wait3A_151] : memref<4x16x512xf32, #tpu.memory_space<vmem>> -> memref<1x16x512xf32, #tpu.memory_space<vmem>>
      %dma_wait3A_153 = tpu.memref_squeeze %dma_wait3A_152 : memref<1x16x512xf32, #tpu.memory_space<vmem>> -> memref<16x512xf32, #tpu.memory_space<vmem>>
      %dma_wait3A_154 = arith.constant 0 : i32
      %dma_wait3A_155 = arith.constant 0 : i32
      %dma_wait3A_156 = tpu.memref_slice %arg2[%dma_wait3A_154, %dma_wait3A_155] : memref<16384x512xf32, #tpu.memory_space<hbm>> -> memref<16x512xf32, #tpu.memory_space<hbm>>
      tpu.wait_dma2 semaphore(%arg12 : memref<!tpu.dma_semaphore, #tpu.memory_space<semaphore_mem>>) src(%dma_wait3A_156 : memref<16x512xf32, #tpu.memory_space<hbm>>) dst(%dma_wait3A_153 : memref<16x512xf32, #tpu.memory_space<vmem>>)
      %dma_wait3A_157 = arith.constant 1 : i32
      %dma_wait3A_158 = arith.constant 0 : i32
      %dma_wait3A_159 = arith.constant 0 : i32
      %dma_wait3A_160 = tpu.memref_slice %arg8[%dma_wait3A_157, %dma_wait3A_158, %dma_wait3A_159] : memref<4x16x512xf32, #tpu.memory_space<vmem>> -> memref<1x16x512xf32, #tpu.memory_space<vmem>>
      %dma_wait3A_161 = tpu.memref_squeeze %dma_wait3A_160 : memref<1x16x512xf32, #tpu.memory_space<vmem>> -> memref<16x512xf32, #tpu.memory_space<vmem>>
      %dma_wait3A_162 = arith.constant 0 : i32
      %dma_wait3A_163 = tpu.memref_slice %arg6[%dma_wait3A_162] : memref<512xi32, #tpu.memory_space<vmem>> -> memref<16xi32, #tpu.memory_space<vmem>>
      %dma_wait3A_164 = arith.constant 0 : i32
      %dma_wait3A_165 = arith.constant 0 : i32
      %dma_wait3A_166 = tpu.memref_slice %arg4[%dma_wait3A_164, %dma_wait3A_165] : memref<1000x512xf32, #tpu.memory_space<hbm>> -> memref<1000x512xf32, #tpu.memory_space<hbm>>
      tpu.wait_indirect_dma semaphore(%arg16 : memref<!tpu.dma_semaphore, #tpu.memory_space<semaphore_mem>>) src(%dma_wait3A_166 : memref<1000x512xf32, #tpu.memory_space<hbm>>) dst(%dma_wait3A_161 : memref<16x512xf32, #tpu.memory_space<vmem>>)
      %mul3A_167 = arith.constant 16 : i32
      %mul3A_168 = arith.muli %add3A_132, %mul3A_167 : i32
      %parallel_loop3A_169 = arith.constant 0 : i32
      %parallel_loop3A_170 = arith.constant 16 : i32
      %parallel_loop3A_171 = arith.constant 1 : i32
      scf.for %parallel_loop3A_258 = %parallel_loop3A_169 to %parallel_loop3A_170 step %parallel_loop3A_171  : i32 {
        %parallel_loop3A_259 = arith.constant 0.000000e+00 : f32
        %parallel_loop3A_260 = vector.broadcast %parallel_loop3A_259 : f32 to vector<16xf32>
        %parallel_loop3A_261 = arith.constant 0.000000e+00 : f32
        %parallel_loop3A_262 = vector.broadcast %parallel_loop3A_261 : f32 to vector<16xf32>
        %parallel_loop3A_263 = arith.constant 0.000000e+00 : f32
        %parallel_loop3A_264 = vector.broadcast %parallel_loop3A_263 : f32 to vector<16xf32>
        %parallel_loop3A_265 = arith.constant 0.000000e+00 : f32
        %parallel_loop3A_266 = vector.broadcast %parallel_loop3A_265 : f32 to vector<16xf32>
        %parallel_loop3A_267 = arith.constant 1 : i32
        %parallel_loop3A_268 = arith.index_cast %parallel_loop3A_267 : i32 to index
        %parallel_loop3A_269 = arith.index_cast %parallel_loop3A_258 : i32 to index
        %parallel_loop3A_270 = arith.constant 0 : index
        %parallel_loop3A_271 = tpu.vector_load %arg7[%parallel_loop3A_268, %parallel_loop3A_269, %parallel_loop3A_270] {strides = array<i32>} : memref<4x16x512xf32, #tpu.memory_space<vmem>>, vector<16xf32>,
        %parallel_loop3A_272 = arith.constant 1 : i32
        %parallel_loop3A_273 = arith.index_cast %parallel_loop3A_272 : i32 to index
        %parallel_loop3A_274 = arith.index_cast %parallel_loop3A_258 : i32 to index
        %parallel_loop3A_275 = arith.constant 0 : index
        %parallel_loop3A_276 = tpu.vector_load %arg8[%parallel_loop3A_273, %parallel_loop3A_274, %parallel_loop3A_275] {strides = array<i32>} : memref<4x16x512xf32, #tpu.memory_space<vmem>>, vector<16xf32>,
        %parallel_loop3A_277 = arith.subf %parallel_loop3A_271, %parallel_loop3A_276 : vector<16xf32>
        %parallel_loop3A_278 = arith.mulf %parallel_loop3A_277, %parallel_loop3A_277 : vector<16xf32>
        %parallel_loop3A_279 = vector.broadcast %scan3A : f32 to vector<16xf32>
        %parallel_loop3A_280 = arith.maximumf %parallel_loop3A_278, %parallel_loop3A_279 : vector<16xf32>
        %parallel_loop3A_281 = vector.broadcast %scan3A_77 : f32 to vector<16xf32>
        %parallel_loop3A_282 = arith.minimumf %parallel_loop3A_280, %parallel_loop3A_281 : vector<16xf32>
        %parallel_loop3A_283 = arith.addf %parallel_loop3A_260, %parallel_loop3A_282 : vector<16xf32>
        %parallel_loop3A_284 = arith.constant 1 : i32
        %parallel_loop3A_285 = arith.index_cast %parallel_loop3A_284 : i32 to index
        %parallel_loop3A_286 = arith.index_cast %parallel_loop3A_258 : i32 to index
        %parallel_loop3A_287 = arith.constant 16 : index
        %parallel_loop3A_288 = tpu.vector_load %arg7[%parallel_loop3A_285, %parallel_loop3A_286, %parallel_loop3A_287] {strides = array<i32>} : memref<4x16x512xf32, #tpu.memory_space<vmem>>, vector<16xf32>,
        %parallel_loop3A_289 = arith.constant 1 : i32
        %parallel_loop3A_290 = arith.index_cast %parallel_loop3A_289 : i32 to index
        %parallel_loop3A_291 = arith.index_cast %parallel_loop3A_258 : i32 to index
        %parallel_loop3A_292 = arith.constant 16 : index
        %parallel_loop3A_293 = tpu.vector_load %arg8[%parallel_loop3A_290, %parallel_loop3A_291, %parallel_loop3A_292] {strides = array<i32>} : memref<4x16x512xf32, #tpu.memory_space<vmem>>, vector<16xf32>,
        %parallel_loop3A_294 = arith.subf %parallel_loop3A_288, %parallel_loop3A_293 : vector<16xf32>
        %parallel_loop3A_295 = arith.mulf %parallel_loop3A_294, %parallel_loop3A_294 : vector<16xf32>
        %parallel_loop3A_296 = vector.broadcast %scan3A : f32 to vector<16xf32>
        %parallel_loop3A_297 = arith.maximumf %parallel_loop3A_295, %parallel_loop3A_296 : vector<16xf32>
        %parallel_loop3A_298 = vector.broadcast %scan3A_77 : f32 to vector<16xf32>
        %parallel_loop3A_299 = arith.minimumf %parallel_loop3A_297, %parallel_loop3A_298 : vector<16xf32>
        %parallel_loop3A_300 = arith.addf %parallel_loop3A_262, %parallel_loop3A_299 : vector<16xf32>
        %parallel_loop3A_301 = arith.constant 1 : i32
        %parallel_loop3A_302 = arith.index_cast %parallel_loop3A_301 : i32 to index
        %parallel_loop3A_303 = arith.index_cast %parallel_loop3A_258 : i32 to index
        %parallel_loop3A_304 = arith.constant 32 : index
        %parallel_loop3A_305 = tpu.vector_load %arg7[%parallel_loop3A_302, %parallel_loop3A_303, %parallel_loop3A_304] {strides = array<i32>} : memref<4x16x512xf32, #tpu.memory_space<vmem>>, vector<16xf32>,
        %parallel_loop3A_306 = arith.constant 1 : i32
        %parallel_loop3A_307 = arith.index_cast %parallel_loop3A_306 : i32 to index
        %parallel_loop3A_308 = arith.index_cast %parallel_loop3A_258 : i32 to index
        %parallel_loop3A_309 = arith.constant 32 : index
        %parallel_loop3A_310 = tpu.vector_load %arg8[%parallel_loop3A_307, %parallel_loop3A_308, %parallel_loop3A_309] {strides = array<i32>} : memref<4x16x512xf32, #tpu.memory_space<vmem>>, vector<16xf32>,
        %parallel_loop3A_311 = arith.subf %parallel_loop3A_305, %parallel_loop3A_310 : vector<16xf32>
        %parallel_loop3A_312 = arith.mulf %parallel_loop3A_311, %parallel_loop3A_311 : vector<16xf32>
        %parallel_loop3A_313 = vector.broadcast %scan3A : f32 to vector<16xf32>
        %parallel_loop3A_314 = arith.maximumf %parallel_loop3A_312, %parallel_loop3A_313 : vector<16xf32>
        %parallel_loop3A_315 = vector.broadcast %scan3A_77 : f32 to vector<16xf32>
        %parallel_loop3A_316 = arith.minimumf %parallel_loop3A_314, %parallel_loop3A_315 : vector<16xf32>
        %parallel_loop3A_317 = arith.addf %parallel_loop3A_264, %parallel_loop3A_316 : vector<16xf32>
        %parallel_loop3A_318 = arith.constant 1 : i32
        %parallel_loop3A_319 = arith.index_cast %parallel_loop3A_318 : i32 to index
        %parallel_loop3A_320 = arith.index_cast %parallel_loop3A_258 : i32 to index
        %parallel_loop3A_321 = arith.constant 48 : index
        %parallel_loop3A_322 = tpu.vector_load %arg7[%parallel_loop3A_319, %parallel_loop3A_320, %parallel_loop3A_321] {strides = array<i32>} : memref<4x16x512xf32, #tpu.memory_space<vmem>>, vector<16xf32>,
        %parallel_loop3A_323 = arith.constant 1 : i32
        %parallel_loop3A_324 = arith.index_cast %parallel_loop3A_323 : i32 to index
        %parallel_loop3A_325 = arith.index_cast %parallel_loop3A_258 : i32 to index
        %parallel_loop3A_326 = arith.constant 48 : index
        %parallel_loop3A_327 = tpu.vector_load %arg8[%parallel_loop3A_324, %parallel_loop3A_325, %parallel_loop3A_326] {strides = array<i32>} : memref<4x16x512xf32, #tpu.memory_space<vmem>>, vector<16xf32>,
        %parallel_loop3A_328 = arith.subf %parallel_loop3A_322, %parallel_loop3A_327 : vector<16xf32>
        %parallel_loop3A_329 = arith.mulf %parallel_loop3A_328, %parallel_loop3A_328 : vector<16xf32>
        %parallel_loop3A_330 = vector.broadcast %scan3A : f32 to vector<16xf32>
        %parallel_loop3A_331 = arith.maximumf %parallel_loop3A_329, %parallel_loop3A_330 : vector<16xf32>
        %parallel_loop3A_332 = vector.broadcast %scan3A_77 : f32 to vector<16xf32>
        %parallel_loop3A_333 = arith.minimumf %parallel_loop3A_331, %parallel_loop3A_332 : vector<16xf32>
        %parallel_loop3A_334 = arith.addf %parallel_loop3A_266, %parallel_loop3A_333 : vector<16xf32>
        %parallel_loop3A_335 = arith.constant 1 : i32
        %parallel_loop3A_336 = arith.index_cast %parallel_loop3A_335 : i32 to index
        %parallel_loop3A_337 = arith.index_cast %parallel_loop3A_258 : i32 to index
        %parallel_loop3A_338 = arith.constant 64 : index
        %parallel_loop3A_339 = tpu.vector_load %arg7[%parallel_loop3A_336, %parallel_loop3A_337, %parallel_loop3A_338] {strides = array<i32>} : memref<4x16x512xf32, #tpu.memory_space<vmem>>, vector<16xf32>,
        %parallel_loop3A_340 = arith.constant 1 : i32
        %parallel_loop3A_341 = arith.index_cast %parallel_loop3A_340 : i32 to index
        %parallel_loop3A_342 = arith.index_cast %parallel_loop3A_258 : i32 to index
        %parallel_loop3A_343 = arith.constant 64 : index
        %parallel_loop3A_344 = tpu.vector_load %arg8[%parallel_loop3A_341, %parallel_loop3A_342, %parallel_loop3A_343] {strides = array<i32>} : memref<4x16x512xf32, #tpu.memory_space<vmem>>, vector<16xf32>,
        %parallel_loop3A_345 = arith.subf %parallel_loop3A_339, %parallel_loop3A_344 : vector<16xf32>
        %parallel_loop3A_346 = arith.mulf %parallel_loop3A_345, %parallel_loop3A_345 : vector<16xf32>
        %parallel_loop3A_347 = vector.broadcast %scan3A : f32 to vector<16xf32>
        %parallel_loop3A_348 = arith.maximumf %parallel_loop3A_346, %parallel_loop3A_347 : vector<16xf32>
        %parallel_loop3A_349 = vector.broadcast %scan3A_77 : f32 to vector<16xf32>
        %parallel_loop3A_350 = arith.minimumf %parallel_loop3A_348, %parallel_loop3A_349 : vector<16xf32>
        %parallel_loop3A_351 = arith.addf %parallel_loop3A_283, %parallel_loop3A_350 : vector<16xf32>
        %parallel_loop3A_352 = arith.constant 1 : i32
        %parallel_loop3A_353 = arith.index_cast %parallel_loop3A_352 : i32 to index
        %parallel_loop3A_354 = arith.index_cast %parallel_loop3A_258 : i32 to index
        %parallel_loop3A_355 = arith.constant 80 : index
        %parallel_loop3A_356 = tpu.vector_load %arg7[%parallel_loop3A_353, %parallel_loop3A_354, %parallel_loop3A_355] {strides = array<i32>} : memref<4x16x512xf32, #tpu.memory_space<vmem>>, vector<16xf32>,
        %parallel_loop3A_357 = arith.constant 1 : i32
        %parallel_loop3A_358 = arith.index_cast %parallel_loop3A_357 : i32 to index
        %parallel_loop3A_359 = arith.index_cast %parallel_loop3A_258 : i32 to index
        %parallel_loop3A_360 = arith.constant 80 : index
        %parallel_loop3A_361 = tpu.vector_load %arg8[%parallel_loop3A_358, %parallel_loop3A_359, %parallel_loop3A_360] {strides = array<i32>} : memref<4x16x512xf32, #tpu.memory_space<vmem>>, vector<16xf32>,
        %parallel_loop3A_362 = arith.subf %parallel_loop3A_356, %parallel_loop3A_361 : vector<16xf32>
        %parallel_loop3A_363 = arith.mulf %parallel_loop3A_362, %parallel_loop3A_362 : vector<16xf32>
        %parallel_loop3A_364 = vector.broadcast %scan3A : f32 to vector<16xf32>
        %parallel_loop3A_365 = arith.maximumf %parallel_loop3A_363, %parallel_loop3A_364 : vector<16xf32>
        %parallel_loop3A_366 = vector.broadcast %scan3A_77 : f32 to vector<16xf32>
        %parallel_loop3A_367 = arith.minimumf %parallel_loop3A_365, %parallel_loop3A_366 : vector<16xf32>
        %parallel_loop3A_368 = arith.addf %parallel_loop3A_300, %parallel_loop3A_367 : vector<16xf32>
        %parallel_loop3A_369 = arith.constant 1 : i32
        %parallel_loop3A_370 = arith.index_cast %parallel_loop3A_369 : i32 to index
        %parallel_loop3A_371 = arith.index_cast %parallel_loop3A_258 : i32 to index
        %parallel_loop3A_372 = arith.constant 96 : index
        %parallel_loop3A_373 = tpu.vector_load %arg7[%parallel_loop3A_370, %parallel_loop3A_371, %parallel_loop3A_372] {strides = array<i32>} : memref<4x16x512xf32, #tpu.memory_space<vmem>>, vector<16xf32>,
        %parallel_loop3A_374 = arith.constant 1 : i32
        %parallel_loop3A_375 = arith.index_cast %parallel_loop3A_374 : i32 to index
        %parallel_loop3A_376 = arith.index_cast %parallel_loop3A_258 : i32 to index
        %parallel_loop3A_377 = arith.constant 96 : index
        %parallel_loop3A_378 = tpu.vector_load %arg8[%parallel_loop3A_375, %parallel_loop3A_376, %parallel_loop3A_377] {strides = array<i32>} : memref<4x16x512xf32, #tpu.memory_space<vmem>>, vector<16xf32>,
        %parallel_loop3A_379 = arith.subf %parallel_loop3A_373, %parallel_loop3A_378 : vector<16xf32>
        %parallel_loop3A_380 = arith.mulf %parallel_loop3A_379, %parallel_loop3A_379 : vector<16xf32>
        %parallel_loop3A_381 = vector.broadcast %scan3A : f32 to vector<16xf32>
        %parallel_loop3A_382 = arith.maximumf %parallel_loop3A_380, %parallel_loop3A_381 : vector<16xf32>
        %parallel_loop3A_383 = vector.broadcast %scan3A_77 : f32 to vector<16xf32>
        %parallel_loop3A_384 = arith.minimumf %parallel_loop3A_382, %parallel_loop3A_383 : vector<16xf32>
        %parallel_loop3A_385 = arith.addf %parallel_loop3A_317, %parallel_loop3A_384 : vector<16xf32>
        %parallel_loop3A_386 = arith.constant 1 : i32
        %parallel_loop3A_387 = arith.index_cast %parallel_loop3A_386 : i32 to index
        %parallel_loop3A_388 = arith.index_cast %parallel_loop3A_258 : i32 to index
        %parallel_loop3A_389 = arith.constant 112 : index
        %parallel_loop3A_390 = tpu.vector_load %arg7[%parallel_loop3A_387, %parallel_loop3A_388, %parallel_loop3A_389] {strides = array<i32>} : memref<4x16x512xf32, #tpu.memory_space<vmem>>, vector<16xf32>,
        %parallel_loop3A_391 = arith.constant 1 : i32
        %parallel_loop3A_392 = arith.index_cast %parallel_loop3A_391 : i32 to index
        %parallel_loop3A_393 = arith.index_cast %parallel_loop3A_258 : i32 to index
        %parallel_loop3A_394 = arith.constant 112 : index
        %parallel_loop3A_395 = tpu.vector_load %arg8[%parallel_loop3A_392, %parallel_loop3A_393, %parallel_loop3A_394] {strides = array<i32>} : memref<4x16x512xf32, #tpu.memory_space<vmem>>, vector<16xf32>,
        %parallel_loop3A_396 = arith.subf %parallel_loop3A_390, %parallel_loop3A_395 : vector<16xf32>
        %parallel_loop3A_397 = arith.mulf %parallel_loop3A_396, %parallel_loop3A_396 : vector<16xf32>
        %parallel_loop3A_398 = vector.broadcast %scan3A : f32 to vector<16xf32>
        %parallel_loop3A_399 = arith.maximumf %parallel_loop3A_397, %parallel_loop3A_398 : vector<16xf32>
        %parallel_loop3A_400 = vector.broadcast %scan3A_77 : f32 to vector<16xf32>
        %parallel_loop3A_401 = arith.minimumf %parallel_loop3A_399, %parallel_loop3A_400 : vector<16xf32>
        %parallel_loop3A_402 = arith.addf %parallel_loop3A_334, %parallel_loop3A_401 : vector<16xf32>
        %parallel_loop3A_403 = arith.constant 1 : i32
        %parallel_loop3A_404 = arith.index_cast %parallel_loop3A_403 : i32 to index
        %parallel_loop3A_405 = arith.index_cast %parallel_loop3A_258 : i32 to index
        %parallel_loop3A_406 = arith.constant 128 : index
        %parallel_loop3A_407 = tpu.vector_load %arg7[%parallel_loop3A_404, %parallel_loop3A_405, %parallel_loop3A_406] {strides = array<i32>} : memref<4x16x512xf32, #tpu.memory_space<vmem>>, vector<16xf32>,
        %parallel_loop3A_408 = arith.constant 1 : i32
        %parallel_loop3A_409 = arith.index_cast %parallel_loop3A_408 : i32 to index
        %parallel_loop3A_410 = arith.index_cast %parallel_loop3A_258 : i32 to index
        %parallel_loop3A_411 = arith.constant 128 : index
        %parallel_loop3A_412 = tpu.vector_load %arg8[%parallel_loop3A_409, %parallel_loop3A_410, %parallel_loop3A_411] {strides = array<i32>} : memref<4x16x512xf32, #tpu.memory_space<vmem>>, vector<16xf32>,
        %parallel_loop3A_413 = arith.subf %parallel_loop3A_407, %parallel_loop3A_412 : vector<16xf32>
        %parallel_loop3A_414 = arith.mulf %parallel_loop3A_413, %parallel_loop3A_413 : vector<16xf32>
        %parallel_loop3A_415 = vector.broadcast %scan3A : f32 to vector<16xf32>
        %parallel_loop3A_416 = arith.maximumf %parallel_loop3A_414, %parallel_loop3A_415 : vector<16xf32>
        %parallel_loop3A_417 = vector.broadcast %scan3A_77 : f32 to vector<16xf32>
        %parallel_loop3A_418 = arith.minimumf %parallel_loop3A_416, %parallel_loop3A_417 : vector<16xf32>
        %parallel_loop3A_419 = arith.addf %parallel_loop3A_351, %parallel_loop3A_418 : vector<16xf32>
        %parallel_loop3A_420 = arith.constant 1 : i32
        %parallel_loop3A_421 = arith.index_cast %parallel_loop3A_420 : i32 to index
        %parallel_loop3A_422 = arith.index_cast %parallel_loop3A_258 : i32 to index
        %parallel_loop3A_423 = arith.constant 144 : index
        %parallel_loop3A_424 = tpu.vector_load %arg7[%parallel_loop3A_421, %parallel_loop3A_422, %parallel_loop3A_423] {strides = array<i32>} : memref<4x16x512xf32, #tpu.memory_space<vmem>>, vector<16xf32>,
        %parallel_loop3A_425 = arith.constant 1 : i32
        %parallel_loop3A_426 = arith.index_cast %parallel_loop3A_425 : i32 to index
        %parallel_loop3A_427 = arith.index_cast %parallel_loop3A_258 : i32 to index
        %parallel_loop3A_428 = arith.constant 144 : index
        %parallel_loop3A_429 = tpu.vector_load %arg8[%parallel_loop3A_426, %parallel_loop3A_427, %parallel_loop3A_428] {strides = array<i32>} : memref<4x16x512xf32, #tpu.memory_space<vmem>>, vector<16xf32>,
        %parallel_loop3A_430 = arith.subf %parallel_loop3A_424, %parallel_loop3A_429 : vector<16xf32>
        %parallel_loop3A_431 = arith.mulf %parallel_loop3A_430, %parallel_loop3A_430 : vector<16xf32>
        %parallel_loop3A_432 = vector.broadcast %scan3A : f32 to vector<16xf32>
        %parallel_loop3A_433 = arith.maximumf %parallel_loop3A_431, %parallel_loop3A_432 : vector<16xf32>
        %parallel_loop3A_434 = vector.broadcast %scan3A_77 : f32 to vector<16xf32>
        %parallel_loop3A_435 = arith.minimumf %parallel_loop3A_433, %parallel_loop3A_434 : vector<16xf32>
        %parallel_loop3A_436 = arith.addf %parallel_loop3A_368, %parallel_loop3A_435 : vector<16xf32>
        %parallel_loop3A_437 = arith.constant 1 : i32
        %parallel_loop3A_438 = arith.index_cast %parallel_loop3A_437 : i32 to index
        %parallel_loop3A_439 = arith.index_cast %parallel_loop3A_258 : i32 to index
        %parallel_loop3A_440 = arith.constant 160 : index
        %parallel_loop3A_441 = tpu.vector_load %arg7[%parallel_loop3A_438, %parallel_loop3A_439, %parallel_loop3A_440] {strides = array<i32>} : memref<4x16x512xf32, #tpu.memory_space<vmem>>, vector<16xf32>,
        %parallel_loop3A_442 = arith.constant 1 : i32
        %parallel_loop3A_443 = arith.index_cast %parallel_loop3A_442 : i32 to index
        %parallel_loop3A_444 = arith.index_cast %parallel_loop3A_258 : i32 to index
        %parallel_loop3A_445 = arith.constant 160 : index
        %parallel_loop3A_446 = tpu.vector_load %arg8[%parallel_loop3A_443, %parallel_loop3A_444, %parallel_loop3A_445] {strides = array<i32>} : memref<4x16x512xf32, #tpu.memory_space<vmem>>, vector<16xf32>,
        %parallel_loop3A_447 = arith.subf %parallel_loop3A_441, %parallel_loop3A_446 : vector<16xf32>
        %parallel_loop3A_448 = arith.mulf %parallel_loop3A_447, %parallel_loop3A_447 : vector<16xf32>
        %parallel_loop3A_449 = vector.broadcast %scan3A : f32 to vector<16xf32>
        %parallel_loop3A_450 = arith.maximumf %parallel_loop3A_448, %parallel_loop3A_449 : vector<16xf32>
        %parallel_loop3A_451 = vector.broadcast %scan3A_77 : f32 to vector<16xf32>
        %parallel_loop3A_452 = arith.minimumf %parallel_loop3A_450, %parallel_loop3A_451 : vector<16xf32>
        %parallel_loop3A_453 = arith.addf %parallel_loop3A_385, %parallel_loop3A_452 : vector<16xf32>
        %parallel_loop3A_454 = arith.constant 1 : i32
        %parallel_loop3A_455 = arith.index_cast %parallel_loop3A_454 : i32 to index
        %parallel_loop3A_456 = arith.index_cast %parallel_loop3A_258 : i32 to index
        %parallel_loop3A_457 = arith.constant 176 : index
        %parallel_loop3A_458 = tpu.vector_load %arg7[%parallel_loop3A_455, %parallel_loop3A_456, %parallel_loop3A_457] {strides = array<i32>} : memref<4x16x512xf32, #tpu.memory_space<vmem>>, vector<16xf32>,
        %parallel_loop3A_459 = arith.constant 1 : i32
        %parallel_loop3A_460 = arith.index_cast %parallel_loop3A_459 : i32 to index
        %parallel_loop3A_461 = arith.index_cast %parallel_loop3A_258 : i32 to index
        %parallel_loop3A_462 = arith.constant 176 : index
        %parallel_loop3A_463 = tpu.vector_load %arg8[%parallel_loop3A_460, %parallel_loop3A_461, %parallel_loop3A_462] {strides = array<i32>} : memref<4x16x512xf32, #tpu.memory_space<vmem>>, vector<16xf32>,
        %parallel_loop3A_464 = arith.subf %parallel_loop3A_458, %parallel_loop3A_463 : vector<16xf32>
        %parallel_loop3A_465 = arith.mulf %parallel_loop3A_464, %parallel_loop3A_464 : vector<16xf32>
        %parallel_loop3A_466 = vector.broadcast %scan3A : f32 to vector<16xf32>
        %parallel_loop3A_467 = arith.maximumf %parallel_loop3A_465, %parallel_loop3A_466 : vector<16xf32>
        %parallel_loop3A_468 = vector.broadcast %scan3A_77 : f32 to vector<16xf32>
        %parallel_loop3A_469 = arith.minimumf %parallel_loop3A_467, %parallel_loop3A_468 : vector<16xf32>
        %parallel_loop3A_470 = arith.addf %parallel_loop3A_402, %parallel_loop3A_469 : vector<16xf32>
        %parallel_loop3A_471 = arith.constant 1 : i32
        %parallel_loop3A_472 = arith.index_cast %parallel_loop3A_471 : i32 to index
        %parallel_loop3A_473 = arith.index_cast %parallel_loop3A_258 : i32 to index
        %parallel_loop3A_474 = arith.constant 192 : index
        %parallel_loop3A_475 = tpu.vector_load %arg7[%parallel_loop3A_472, %parallel_loop3A_473, %parallel_loop3A_474] {strides = array<i32>} : memref<4x16x512xf32, #tpu.memory_space<vmem>>, vector<16xf32>,
        %parallel_loop3A_476 = arith.constant 1 : i32
        %parallel_loop3A_477 = arith.index_cast %parallel_loop3A_476 : i32 to index
        %parallel_loop3A_478 = arith.index_cast %parallel_loop3A_258 : i32 to index
        %parallel_loop3A_479 = arith.constant 192 : index
        %parallel_loop3A_480 = tpu.vector_load %arg8[%parallel_loop3A_477, %parallel_loop3A_478, %parallel_loop3A_479] {strides = array<i32>} : memref<4x16x512xf32, #tpu.memory_space<vmem>>, vector<16xf32>,
        %parallel_loop3A_481 = arith.subf %parallel_loop3A_475, %parallel_loop3A_480 : vector<16xf32>
        %parallel_loop3A_482 = arith.mulf %parallel_loop3A_481, %parallel_loop3A_481 : vector<16xf32>
        %parallel_loop3A_483 = vector.broadcast %scan3A : f32 to vector<16xf32>
        %parallel_loop3A_484 = arith.maximumf %parallel_loop3A_482, %parallel_loop3A_483 : vector<16xf32>
        %parallel_loop3A_485 = vector.broadcast %scan3A_77 : f32 to vector<16xf32>
        %parallel_loop3A_486 = arith.minimumf %parallel_loop3A_484, %parallel_loop3A_485 : vector<16xf32>
        %parallel_loop3A_487 = arith.addf %parallel_loop3A_419, %parallel_loop3A_486 : vector<16xf32>
        %parallel_loop3A_488 = arith.constant 1 : i32
        %parallel_loop3A_489 = arith.index_cast %parallel_loop3A_488 : i32 to index
        %parallel_loop3A_490 = arith.index_cast %parallel_loop3A_258 : i32 to index
        %parallel_loop3A_491 = arith.constant 208 : index
        %parallel_loop3A_492 = tpu.vector_load %arg7[%parallel_loop3A_489, %parallel_loop3A_490, %parallel_loop3A_491] {strides = array<i32>} : memref<4x16x512xf32, #tpu.memory_space<vmem>>, vector<16xf32>,
        %parallel_loop3A_493 = arith.constant 1 : i32
        %parallel_loop3A_494 = arith.index_cast %parallel_loop3A_493 : i32 to index
        %parallel_loop3A_495 = arith.index_cast %parallel_loop3A_258 : i32 to index
        %parallel_loop3A_496 = arith.constant 208 : index
        %parallel_loop3A_497 = tpu.vector_load %arg8[%parallel_loop3A_494, %parallel_loop3A_495, %parallel_loop3A_496] {strides = array<i32>} : memref<4x16x512xf32, #tpu.memory_space<vmem>>, vector<16xf32>,
        %parallel_loop3A_498 = arith.subf %parallel_loop3A_492, %parallel_loop3A_497 : vector<16xf32>
        %parallel_loop3A_499 = arith.mulf %parallel_loop3A_498, %parallel_loop3A_498 : vector<16xf32>
        %parallel_loop3A_500 = vector.broadcast %scan3A : f32 to vector<16xf32>
        %parallel_loop3A_501 = arith.maximumf %parallel_loop3A_499, %parallel_loop3A_500 : vector<16xf32>
        %parallel_loop3A_502 = vector.broadcast %scan3A_77 : f32 to vector<16xf32>
        %parallel_loop3A_503 = arith.minimumf %parallel_loop3A_501, %parallel_loop3A_502 : vector<16xf32>
        %parallel_loop3A_504 = arith.addf %parallel_loop3A_436, %parallel_loop3A_503 : vector<16xf32>
        %parallel_loop3A_505 = arith.constant 1 : i32
        %parallel_loop3A_506 = arith.index_cast %parallel_loop3A_505 : i32 to index
        %parallel_loop3A_507 = arith.index_cast %parallel_loop3A_258 : i32 to index
        %parallel_loop3A_508 = arith.constant 224 : index
        %parallel_loop3A_509 = tpu.vector_load %arg7[%parallel_loop3A_506, %parallel_loop3A_507, %parallel_loop3A_508] {strides = array<i32>} : memref<4x16x512xf32, #tpu.memory_space<vmem>>, vector<16xf32>,
        %parallel_loop3A_510 = arith.constant 1 : i32
        %parallel_loop3A_511 = arith.index_cast %parallel_loop3A_510 : i32 to index
        %parallel_loop3A_512 = arith.index_cast %parallel_loop3A_258 : i32 to index
        %parallel_loop3A_513 = arith.constant 224 : index
        %parallel_loop3A_514 = tpu.vector_load %arg8[%parallel_loop3A_511, %parallel_loop3A_512, %parallel_loop3A_513] {strides = array<i32>} : memref<4x16x512xf32, #tpu.memory_space<vmem>>, vector<16xf32>,
        %parallel_loop3A_515 = arith.subf %parallel_loop3A_509, %parallel_loop3A_514 : vector<16xf32>
        %parallel_loop3A_516 = arith.mulf %parallel_loop3A_515, %parallel_loop3A_515 : vector<16xf32>
        %parallel_loop3A_517 = vector.broadcast %scan3A : f32 to vector<16xf32>
        %parallel_loop3A_518 = arith.maximumf %parallel_loop3A_516, %parallel_loop3A_517 : vector<16xf32>
        %parallel_loop3A_519 = vector.broadcast %scan3A_77 : f32 to vector<16xf32>
        %parallel_loop3A_520 = arith.minimumf %parallel_loop3A_518, %parallel_loop3A_519 : vector<16xf32>
        %parallel_loop3A_521 = arith.addf %parallel_loop3A_453, %parallel_loop3A_520 : vector<16xf32>
        %parallel_loop3A_522 = arith.constant 1 : i32
        %parallel_loop3A_523 = arith.index_cast %parallel_loop3A_522 : i32 to index
        %parallel_loop3A_524 = arith.index_cast %parallel_loop3A_258 : i32 to index
        %parallel_loop3A_525 = arith.constant 240 : index
        %parallel_loop3A_526 = tpu.vector_load %arg7[%parallel_loop3A_523, %parallel_loop3A_524, %parallel_loop3A_525] {strides = array<i32>} : memref<4x16x512xf32, #tpu.memory_space<vmem>>, vector<16xf32>,
        %parallel_loop3A_527 = arith.constant 1 : i32
        %parallel_loop3A_528 = arith.index_cast %parallel_loop3A_527 : i32 to index
        %parallel_loop3A_529 = arith.index_cast %parallel_loop3A_258 : i32 to index
        %parallel_loop3A_530 = arith.constant 240 : index
        %parallel_loop3A_531 = tpu.vector_load %arg8[%parallel_loop3A_528, %parallel_loop3A_529, %parallel_loop3A_530] {strides = array<i32>} : memref<4x16x512xf32, #tpu.memory_space<vmem>>, vector<16xf32>,
        %parallel_loop3A_532 = arith.subf %parallel_loop3A_526, %parallel_loop3A_531 : vector<16xf32>
        %parallel_loop3A_533 = arith.mulf %parallel_loop3A_532, %parallel_loop3A_532 : vector<16xf32>
        %parallel_loop3A_534 = vector.broadcast %scan3A : f32 to vector<16xf32>
        %parallel_loop3A_535 = arith.maximumf %parallel_loop3A_533, %parallel_loop3A_534 : vector<16xf32>
        %parallel_loop3A_536 = vector.broadcast %scan3A_77 : f32 to vector<16xf32>
        %parallel_loop3A_537 = arith.minimumf %parallel_loop3A_535, %parallel_loop3A_536 : vector<16xf32>
        %parallel_loop3A_538 = arith.addf %parallel_loop3A_470, %parallel_loop3A_537 : vector<16xf32>
        %parallel_loop3A_539 = arith.constant 1 : i32
        %parallel_loop3A_540 = arith.index_cast %parallel_loop3A_539 : i32 to index
        %parallel_loop3A_541 = arith.index_cast %parallel_loop3A_258 : i32 to index
        %parallel_loop3A_542 = arith.constant 256 : index
        %parallel_loop3A_543 = tpu.vector_load %arg7[%parallel_loop3A_540, %parallel_loop3A_541, %parallel_loop3A_542] {strides = array<i32>} : memref<4x16x512xf32, #tpu.memory_space<vmem>>, vector<16xf32>,
        %parallel_loop3A_544 = arith.constant 1 : i32
        %parallel_loop3A_545 = arith.index_cast %parallel_loop3A_544 : i32 to index
        %parallel_loop3A_546 = arith.index_cast %parallel_loop3A_258 : i32 to index
        %parallel_loop3A_547 = arith.constant 256 : index
        %parallel_loop3A_548 = tpu.vector_load %arg8[%parallel_loop3A_545, %parallel_loop3A_546, %parallel_loop3A_547] {strides = array<i32>} : memref<4x16x512xf32, #tpu.memory_space<vmem>>, vector<16xf32>,
        %parallel_loop3A_549 = arith.subf %parallel_loop3A_543, %parallel_loop3A_548 : vector<16xf32>
        %parallel_loop3A_550 = arith.mulf %parallel_loop3A_549, %parallel_loop3A_549 : vector<16xf32>
        %parallel_loop3A_551 = vector.broadcast %scan3A : f32 to vector<16xf32>
        %parallel_loop3A_552 = arith.maximumf %parallel_loop3A_550, %parallel_loop3A_551 : vector<16xf32>
        %parallel_loop3A_553 = vector.broadcast %scan3A_77 : f32 to vector<16xf32>
        %parallel_loop3A_554 = arith.minimumf %parallel_loop3A_552, %parallel_loop3A_553 : vector<16xf32>
        %parallel_loop3A_555 = arith.addf %parallel_loop3A_487, %parallel_loop3A_554 : vector<16xf32>
        %parallel_loop3A_556 = arith.constant 1 : i32
        %parallel_loop3A_557 = arith.index_cast %parallel_loop3A_556 : i32 to index
        %parallel_loop3A_558 = arith.index_cast %parallel_loop3A_258 : i32 to index
        %parallel_loop3A_559 = arith.constant 272 : index
        %parallel_loop3A_560 = tpu.vector_load %arg7[%parallel_loop3A_557, %parallel_loop3A_558, %parallel_loop3A_559] {strides = array<i32>} : memref<4x16x512xf32, #tpu.memory_space<vmem>>, vector<16xf32>,
        %parallel_loop3A_561 = arith.constant 1 : i32
        %parallel_loop3A_562 = arith.index_cast %parallel_loop3A_561 : i32 to index
        %parallel_loop3A_563 = arith.index_cast %parallel_loop3A_258 : i32 to index
        %parallel_loop3A_564 = arith.constant 272 : index
        %parallel_loop3A_565 = tpu.vector_load %arg8[%parallel_loop3A_562, %parallel_loop3A_563, %parallel_loop3A_564] {strides = array<i32>} : memref<4x16x512xf32, #tpu.memory_space<vmem>>, vector<16xf32>,
        %parallel_loop3A_566 = arith.subf %parallel_loop3A_560, %parallel_loop3A_565 : vector<16xf32>
        %parallel_loop3A_567 = arith.mulf %parallel_loop3A_566, %parallel_loop3A_566 : vector<16xf32>
        %parallel_loop3A_568 = vector.broadcast %scan3A : f32 to vector<16xf32>
        %parallel_loop3A_569 = arith.maximumf %parallel_loop3A_567, %parallel_loop3A_568 : vector<16xf32>
        %parallel_loop3A_570 = vector.broadcast %scan3A_77 : f32 to vector<16xf32>
        %parallel_loop3A_571 = arith.minimumf %parallel_loop3A_569, %parallel_loop3A_570 : vector<16xf32>
        %parallel_loop3A_572 = arith.addf %parallel_loop3A_504, %parallel_loop3A_571 : vector<16xf32>
        %parallel_loop3A_573 = arith.constant 1 : i32
        %parallel_loop3A_574 = arith.index_cast %parallel_loop3A_573 : i32 to index
        %parallel_loop3A_575 = arith.index_cast %parallel_loop3A_258 : i32 to index
        %parallel_loop3A_576 = arith.constant 288 : index
        %parallel_loop3A_577 = tpu.vector_load %arg7[%parallel_loop3A_574, %parallel_loop3A_575, %parallel_loop3A_576] {strides = array<i32>} : memref<4x16x512xf32, #tpu.memory_space<vmem>>, vector<16xf32>,
        %parallel_loop3A_578 = arith.constant 1 : i32
        %parallel_loop3A_579 = arith.index_cast %parallel_loop3A_578 : i32 to index
        %parallel_loop3A_580 = arith.index_cast %parallel_loop3A_258 : i32 to index
        %parallel_loop3A_581 = arith.constant 288 : index
        %parallel_loop3A_582 = tpu.vector_load %arg8[%parallel_loop3A_579, %parallel_loop3A_580, %parallel_loop3A_581] {strides = array<i32>} : memref<4x16x512xf32, #tpu.memory_space<vmem>>, vector<16xf32>,
        %parallel_loop3A_583 = arith.subf %parallel_loop3A_577, %parallel_loop3A_582 : vector<16xf32>
        %parallel_loop3A_584 = arith.mulf %parallel_loop3A_583, %parallel_loop3A_583 : vector<16xf32>
        %parallel_loop3A_585 = vector.broadcast %scan3A : f32 to vector<16xf32>
        %parallel_loop3A_586 = arith.maximumf %parallel_loop3A_584, %parallel_loop3A_585 : vector<16xf32>
        %parallel_loop3A_587 = vector.broadcast %scan3A_77 : f32 to vector<16xf32>
        %parallel_loop3A_588 = arith.minimumf %parallel_loop3A_586, %parallel_loop3A_587 : vector<16xf32>
        %parallel_loop3A_589 = arith.addf %parallel_loop3A_521, %parallel_loop3A_588 : vector<16xf32>
        %parallel_loop3A_590 = arith.constant 1 : i32
        %parallel_loop3A_591 = arith.index_cast %parallel_loop3A_590 : i32 to index
        %parallel_loop3A_592 = arith.index_cast %parallel_loop3A_258 : i32 to index
        %parallel_loop3A_593 = arith.constant 304 : index
        %parallel_loop3A_594 = tpu.vector_load %arg7[%parallel_loop3A_591, %parallel_loop3A_592, %parallel_loop3A_593] {strides = array<i32>} : memref<4x16x512xf32, #tpu.memory_space<vmem>>, vector<16xf32>,
        %parallel_loop3A_595 = arith.constant 1 : i32
        %parallel_loop3A_596 = arith.index_cast %parallel_loop3A_595 : i32 to index
        %parallel_loop3A_597 = arith.index_cast %parallel_loop3A_258 : i32 to index
        %parallel_loop3A_598 = arith.constant 304 : index
        %parallel_loop3A_599 = tpu.vector_load %arg8[%parallel_loop3A_596, %parallel_loop3A_597, %parallel_loop3A_598] {strides = array<i32>} : memref<4x16x512xf32, #tpu.memory_space<vmem>>, vector<16xf32>,
        %parallel_loop3A_600 = arith.subf %parallel_loop3A_594, %parallel_loop3A_599 : vector<16xf32>
        %parallel_loop3A_601 = arith.mulf %parallel_loop3A_600, %parallel_loop3A_600 : vector<16xf32>
        %parallel_loop3A_602 = vector.broadcast %scan3A : f32 to vector<16xf32>
        %parallel_loop3A_603 = arith.maximumf %parallel_loop3A_601, %parallel_loop3A_602 : vector<16xf32>
        %parallel_loop3A_604 = vector.broadcast %scan3A_77 : f32 to vector<16xf32>
        %parallel_loop3A_605 = arith.minimumf %parallel_loop3A_603, %parallel_loop3A_604 : vector<16xf32>
        %parallel_loop3A_606 = arith.addf %parallel_loop3A_538, %parallel_loop3A_605 : vector<16xf32>
        %parallel_loop3A_607 = arith.constant 1 : i32
        %parallel_loop3A_608 = arith.index_cast %parallel_loop3A_607 : i32 to index
        %parallel_loop3A_609 = arith.index_cast %parallel_loop3A_258 : i32 to index
        %parallel_loop3A_610 = arith.constant 320 : index
        %parallel_loop3A_611 = tpu.vector_load %arg7[%parallel_loop3A_608, %parallel_loop3A_609, %parallel_loop3A_610] {strides = array<i32>} : memref<4x16x512xf32, #tpu.memory_space<vmem>>, vector<16xf32>,
        %parallel_loop3A_612 = arith.constant 1 : i32
        %parallel_loop3A_613 = arith.index_cast %parallel_loop3A_612 : i32 to index
        %parallel_loop3A_614 = arith.index_cast %parallel_loop3A_258 : i32 to index
        %parallel_loop3A_615 = arith.constant 320 : index
        %parallel_loop3A_616 = tpu.vector_load %arg8[%parallel_loop3A_613, %parallel_loop3A_614, %parallel_loop3A_615] {strides = array<i32>} : memref<4x16x512xf32, #tpu.memory_space<vmem>>, vector<16xf32>,
        %parallel_loop3A_617 = arith.subf %parallel_loop3A_611, %parallel_loop3A_616 : vector<16xf32>
        %parallel_loop3A_618 = arith.mulf %parallel_loop3A_617, %parallel_loop3A_617 : vector<16xf32>
        %parallel_loop3A_619 = vector.broadcast %scan3A : f32 to vector<16xf32>
        %parallel_loop3A_620 = arith.maximumf %parallel_loop3A_618, %parallel_loop3A_619 : vector<16xf32>
        %parallel_loop3A_621 = vector.broadcast %scan3A_77 : f32 to vector<16xf32>
        %parallel_loop3A_622 = arith.minimumf %parallel_loop3A_620, %parallel_loop3A_621 : vector<16xf32>
        %parallel_loop3A_623 = arith.addf %parallel_loop3A_555, %parallel_loop3A_622 : vector<16xf32>
        %parallel_loop3A_624 = arith.constant 1 : i32
        %parallel_loop3A_625 = arith.index_cast %parallel_loop3A_624 : i32 to index
        %parallel_loop3A_626 = arith.index_cast %parallel_loop3A_258 : i32 to index
        %parallel_loop3A_627 = arith.constant 336 : index
        %parallel_loop3A_628 = tpu.vector_load %arg7[%parallel_loop3A_625, %parallel_loop3A_626, %parallel_loop3A_627] {strides = array<i32>} : memref<4x16x512xf32, #tpu.memory_space<vmem>>, vector<16xf32>,
        %parallel_loop3A_629 = arith.constant 1 : i32
        %parallel_loop3A_630 = arith.index_cast %parallel_loop3A_629 : i32 to index
        %parallel_loop3A_631 = arith.index_cast %parallel_loop3A_258 : i32 to index
        %parallel_loop3A_632 = arith.constant 336 : index
        %parallel_loop3A_633 = tpu.vector_load %arg8[%parallel_loop3A_630, %parallel_loop3A_631, %parallel_loop3A_632] {strides = array<i32>} : memref<4x16x512xf32, #tpu.memory_space<vmem>>, vector<16xf32>,
        %parallel_loop3A_634 = arith.subf %parallel_loop3A_628, %parallel_loop3A_633 : vector<16xf32>
        %parallel_loop3A_635 = arith.mulf %parallel_loop3A_634, %parallel_loop3A_634 : vector<16xf32>
        %parallel_loop3A_636 = vector.broadcast %scan3A : f32 to vector<16xf32>
        %parallel_loop3A_637 = arith.maximumf %parallel_loop3A_635, %parallel_loop3A_636 : vector<16xf32>
        %parallel_loop3A_638 = vector.broadcast %scan3A_77 : f32 to vector<16xf32>
        %parallel_loop3A_639 = arith.minimumf %parallel_loop3A_637, %parallel_loop3A_638 : vector<16xf32>
        %parallel_loop3A_640 = arith.addf %parallel_loop3A_572, %parallel_loop3A_639 : vector<16xf32>
        %parallel_loop3A_641 = arith.constant 1 : i32
        %parallel_loop3A_642 = arith.index_cast %parallel_loop3A_641 : i32 to index
        %parallel_loop3A_643 = arith.index_cast %parallel_loop3A_258 : i32 to index
        %parallel_loop3A_644 = arith.constant 352 : index
        %parallel_loop3A_645 = tpu.vector_load %arg7[%parallel_loop3A_642, %parallel_loop3A_643, %parallel_loop3A_644] {strides = array<i32>} : memref<4x16x512xf32, #tpu.memory_space<vmem>>, vector<16xf32>,
        %parallel_loop3A_646 = arith.constant 1 : i32
        %parallel_loop3A_647 = arith.index_cast %parallel_loop3A_646 : i32 to index
        %parallel_loop3A_648 = arith.index_cast %parallel_loop3A_258 : i32 to index
        %parallel_loop3A_649 = arith.constant 352 : index
        %parallel_loop3A_650 = tpu.vector_load %arg8[%parallel_loop3A_647, %parallel_loop3A_648, %parallel_loop3A_649] {strides = array<i32>} : memref<4x16x512xf32, #tpu.memory_space<vmem>>, vector<16xf32>,
        %parallel_loop3A_651 = arith.subf %parallel_loop3A_645, %parallel_loop3A_650 : vector<16xf32>
        %parallel_loop3A_652 = arith.mulf %parallel_loop3A_651, %parallel_loop3A_651 : vector<16xf32>
        %parallel_loop3A_653 = vector.broadcast %scan3A : f32 to vector<16xf32>
        %parallel_loop3A_654 = arith.maximumf %parallel_loop3A_652, %parallel_loop3A_653 : vector<16xf32>
        %parallel_loop3A_655 = vector.broadcast %scan3A_77 : f32 to vector<16xf32>
        %parallel_loop3A_656 = arith.minimumf %parallel_loop3A_654, %parallel_loop3A_655 : vector<16xf32>
        %parallel_loop3A_657 = arith.addf %parallel_loop3A_589, %parallel_loop3A_656 : vector<16xf32>
        %parallel_loop3A_658 = arith.constant 1 : i32
        %parallel_loop3A_659 = arith.index_cast %parallel_loop3A_658 : i32 to index
        %parallel_loop3A_660 = arith.index_cast %parallel_loop3A_258 : i32 to index
        %parallel_loop3A_661 = arith.constant 368 : index
        %parallel_loop3A_662 = tpu.vector_load %arg7[%parallel_loop3A_659, %parallel_loop3A_660, %parallel_loop3A_661] {strides = array<i32>} : memref<4x16x512xf32, #tpu.memory_space<vmem>>, vector<16xf32>,
        %parallel_loop3A_663 = arith.constant 1 : i32
        %parallel_loop3A_664 = arith.index_cast %parallel_loop3A_663 : i32 to index
        %parallel_loop3A_665 = arith.index_cast %parallel_loop3A_258 : i32 to index
        %parallel_loop3A_666 = arith.constant 368 : index
        %parallel_loop3A_667 = tpu.vector_load %arg8[%parallel_loop3A_664, %parallel_loop3A_665, %parallel_loop3A_666] {strides = array<i32>} : memref<4x16x512xf32, #tpu.memory_space<vmem>>, vector<16xf32>,
        %parallel_loop3A_668 = arith.subf %parallel_loop3A_662, %parallel_loop3A_667 : vector<16xf32>
        %parallel_loop3A_669 = arith.mulf %parallel_loop3A_668, %parallel_loop3A_668 : vector<16xf32>
        %parallel_loop3A_670 = vector.broadcast %scan3A : f32 to vector<16xf32>
        %parallel_loop3A_671 = arith.maximumf %parallel_loop3A_669, %parallel_loop3A_670 : vector<16xf32>
        %parallel_loop3A_672 = vector.broadcast %scan3A_77 : f32 to vector<16xf32>
        %parallel_loop3A_673 = arith.minimumf %parallel_loop3A_671, %parallel_loop3A_672 : vector<16xf32>
        %parallel_loop3A_674 = arith.addf %parallel_loop3A_606, %parallel_loop3A_673 : vector<16xf32>
        %parallel_loop3A_675 = arith.constant 1 : i32
        %parallel_loop3A_676 = arith.index_cast %parallel_loop3A_675 : i32 to index
        %parallel_loop3A_677 = arith.index_cast %parallel_loop3A_258 : i32 to index
        %parallel_loop3A_678 = arith.constant 384 : index
        %parallel_loop3A_679 = tpu.vector_load %arg7[%parallel_loop3A_676, %parallel_loop3A_677, %parallel_loop3A_678] {strides = array<i32>} : memref<4x16x512xf32, #tpu.memory_space<vmem>>, vector<16xf32>,
        %parallel_loop3A_680 = arith.constant 1 : i32
        %parallel_loop3A_681 = arith.index_cast %parallel_loop3A_680 : i32 to index
        %parallel_loop3A_682 = arith.index_cast %parallel_loop3A_258 : i32 to index
        %parallel_loop3A_683 = arith.constant 384 : index
        %parallel_loop3A_684 = tpu.vector_load %arg8[%parallel_loop3A_681, %parallel_loop3A_682, %parallel_loop3A_683] {strides = array<i32>} : memref<4x16x512xf32, #tpu.memory_space<vmem>>, vector<16xf32>,
        %parallel_loop3A_685 = arith.subf %parallel_loop3A_679, %parallel_loop3A_684 : vector<16xf32>
        %parallel_loop3A_686 = arith.mulf %parallel_loop3A_685, %parallel_loop3A_685 : vector<16xf32>
        %parallel_loop3A_687 = vector.broadcast %scan3A : f32 to vector<16xf32>
        %parallel_loop3A_688 = arith.maximumf %parallel_loop3A_686, %parallel_loop3A_687 : vector<16xf32>
        %parallel_loop3A_689 = vector.broadcast %scan3A_77 : f32 to vector<16xf32>
        %parallel_loop3A_690 = arith.minimumf %parallel_loop3A_688, %parallel_loop3A_689 : vector<16xf32>
        %parallel_loop3A_691 = arith.addf %parallel_loop3A_623, %parallel_loop3A_690 : vector<16xf32>
        %parallel_loop3A_692 = arith.constant 1 : i32
        %parallel_loop3A_693 = arith.index_cast %parallel_loop3A_692 : i32 to index
        %parallel_loop3A_694 = arith.index_cast %parallel_loop3A_258 : i32 to index
        %parallel_loop3A_695 = arith.constant 400 : index
        %parallel_loop3A_696 = tpu.vector_load %arg7[%parallel_loop3A_693, %parallel_loop3A_694, %parallel_loop3A_695] {strides = array<i32>} : memref<4x16x512xf32, #tpu.memory_space<vmem>>, vector<16xf32>,
        %parallel_loop3A_697 = arith.constant 1 : i32
        %parallel_loop3A_698 = arith.index_cast %parallel_loop3A_697 : i32 to index
        %parallel_loop3A_699 = arith.index_cast %parallel_loop3A_258 : i32 to index
        %parallel_loop3A_700 = arith.constant 400 : index
        %parallel_loop3A_701 = tpu.vector_load %arg8[%parallel_loop3A_698, %parallel_loop3A_699, %parallel_loop3A_700] {strides = array<i32>} : memref<4x16x512xf32, #tpu.memory_space<vmem>>, vector<16xf32>,
        %parallel_loop3A_702 = arith.subf %parallel_loop3A_696, %parallel_loop3A_701 : vector<16xf32>
        %parallel_loop3A_703 = arith.mulf %parallel_loop3A_702, %parallel_loop3A_702 : vector<16xf32>
        %parallel_loop3A_704 = vector.broadcast %scan3A : f32 to vector<16xf32>
        %parallel_loop3A_705 = arith.maximumf %parallel_loop3A_703, %parallel_loop3A_704 : vector<16xf32>
        %parallel_loop3A_706 = vector.broadcast %scan3A_77 : f32 to vector<16xf32>
        %parallel_loop3A_707 = arith.minimumf %parallel_loop3A_705, %parallel_loop3A_706 : vector<16xf32>
        %parallel_loop3A_708 = arith.addf %parallel_loop3A_640, %parallel_loop3A_707 : vector<16xf32>
        %parallel_loop3A_709 = arith.constant 1 : i32
        %parallel_loop3A_710 = arith.index_cast %parallel_loop3A_709 : i32 to index
        %parallel_loop3A_711 = arith.index_cast %parallel_loop3A_258 : i32 to index
        %parallel_loop3A_712 = arith.constant 416 : index
        %parallel_loop3A_713 = tpu.vector_load %arg7[%parallel_loop3A_710, %parallel_loop3A_711, %parallel_loop3A_712] {strides = array<i32>} : memref<4x16x512xf32, #tpu.memory_space<vmem>>, vector<16xf32>,
        %parallel_loop3A_714 = arith.constant 1 : i32
        %parallel_loop3A_715 = arith.index_cast %parallel_loop3A_714 : i32 to index
        %parallel_loop3A_716 = arith.index_cast %parallel_loop3A_258 : i32 to index
        %parallel_loop3A_717 = arith.constant 416 : index
        %parallel_loop3A_718 = tpu.vector_load %arg8[%parallel_loop3A_715, %parallel_loop3A_716, %parallel_loop3A_717] {strides = array<i32>} : memref<4x16x512xf32, #tpu.memory_space<vmem>>, vector<16xf32>,
        %parallel_loop3A_719 = arith.subf %parallel_loop3A_713, %parallel_loop3A_718 : vector<16xf32>
        %parallel_loop3A_720 = arith.mulf %parallel_loop3A_719, %parallel_loop3A_719 : vector<16xf32>
        %parallel_loop3A_721 = vector.broadcast %scan3A : f32 to vector<16xf32>
        %parallel_loop3A_722 = arith.maximumf %parallel_loop3A_720, %parallel_loop3A_721 : vector<16xf32>
        %parallel_loop3A_723 = vector.broadcast %scan3A_77 : f32 to vector<16xf32>
        %parallel_loop3A_724 = arith.minimumf %parallel_loop3A_722, %parallel_loop3A_723 : vector<16xf32>
        %parallel_loop3A_725 = arith.addf %parallel_loop3A_657, %parallel_loop3A_724 : vector<16xf32>
        %parallel_loop3A_726 = arith.constant 1 : i32
        %parallel_loop3A_727 = arith.index_cast %parallel_loop3A_726 : i32 to index
        %parallel_loop3A_728 = arith.index_cast %parallel_loop3A_258 : i32 to index
        %parallel_loop3A_729 = arith.constant 432 : index
        %parallel_loop3A_730 = tpu.vector_load %arg7[%parallel_loop3A_727, %parallel_loop3A_728, %parallel_loop3A_729] {strides = array<i32>} : memref<4x16x512xf32, #tpu.memory_space<vmem>>, vector<16xf32>,
        %parallel_loop3A_731 = arith.constant 1 : i32
        %parallel_loop3A_732 = arith.index_cast %parallel_loop3A_731 : i32 to index
        %parallel_loop3A_733 = arith.index_cast %parallel_loop3A_258 : i32 to index
        %parallel_loop3A_734 = arith.constant 432 : index
        %parallel_loop3A_735 = tpu.vector_load %arg8[%parallel_loop3A_732, %parallel_loop3A_733, %parallel_loop3A_734] {strides = array<i32>} : memref<4x16x512xf32, #tpu.memory_space<vmem>>, vector<16xf32>,
        %parallel_loop3A_736 = arith.subf %parallel_loop3A_730, %parallel_loop3A_735 : vector<16xf32>
        %parallel_loop3A_737 = arith.mulf %parallel_loop3A_736, %parallel_loop3A_736 : vector<16xf32>
        %parallel_loop3A_738 = vector.broadcast %scan3A : f32 to vector<16xf32>
        %parallel_loop3A_739 = arith.maximumf %parallel_loop3A_737, %parallel_loop3A_738 : vector<16xf32>
        %parallel_loop3A_740 = vector.broadcast %scan3A_77 : f32 to vector<16xf32>
        %parallel_loop3A_741 = arith.minimumf %parallel_loop3A_739, %parallel_loop3A_740 : vector<16xf32>
        %parallel_loop3A_742 = arith.addf %parallel_loop3A_674, %parallel_loop3A_741 : vector<16xf32>
        %parallel_loop3A_743 = arith.constant 1 : i32
        %parallel_loop3A_744 = arith.index_cast %parallel_loop3A_743 : i32 to index
        %parallel_loop3A_745 = arith.index_cast %parallel_loop3A_258 : i32 to index
        %parallel_loop3A_746 = arith.constant 448 : index
        %parallel_loop3A_747 = tpu.vector_load %arg7[%parallel_loop3A_744, %parallel_loop3A_745, %parallel_loop3A_746] {strides = array<i32>} : memref<4x16x512xf32, #tpu.memory_space<vmem>>, vector<16xf32>,
        %parallel_loop3A_748 = arith.constant 1 : i32
        %parallel_loop3A_749 = arith.index_cast %parallel_loop3A_748 : i32 to index
        %parallel_loop3A_750 = arith.index_cast %parallel_loop3A_258 : i32 to index
        %parallel_loop3A_751 = arith.constant 448 : index
        %parallel_loop3A_752 = tpu.vector_load %arg8[%parallel_loop3A_749, %parallel_loop3A_750, %parallel_loop3A_751] {strides = array<i32>} : memref<4x16x512xf32, #tpu.memory_space<vmem>>, vector<16xf32>,
        %parallel_loop3A_753 = arith.subf %parallel_loop3A_747, %parallel_loop3A_752 : vector<16xf32>
        %parallel_loop3A_754 = arith.mulf %parallel_loop3A_753, %parallel_loop3A_753 : vector<16xf32>
        %parallel_loop3A_755 = vector.broadcast %scan3A : f32 to vector<16xf32>
        %parallel_loop3A_756 = arith.maximumf %parallel_loop3A_754, %parallel_loop3A_755 : vector<16xf32>
        %parallel_loop3A_757 = vector.broadcast %scan3A_77 : f32 to vector<16xf32>
        %parallel_loop3A_758 = arith.minimumf %parallel_loop3A_756, %parallel_loop3A_757 : vector<16xf32>
        %parallel_loop3A_759 = arith.addf %parallel_loop3A_691, %parallel_loop3A_758 : vector<16xf32>
        %parallel_loop3A_760 = arith.constant 1 : i32
        %parallel_loop3A_761 = arith.index_cast %parallel_loop3A_760 : i32 to index
        %parallel_loop3A_762 = arith.index_cast %parallel_loop3A_258 : i32 to index
        %parallel_loop3A_763 = arith.constant 464 : index
        %parallel_loop3A_764 = tpu.vector_load %arg7[%parallel_loop3A_761, %parallel_loop3A_762, %parallel_loop3A_763] {strides = array<i32>} : memref<4x16x512xf32, #tpu.memory_space<vmem>>, vector<16xf32>,
        %parallel_loop3A_765 = arith.constant 1 : i32
        %parallel_loop3A_766 = arith.index_cast %parallel_loop3A_765 : i32 to index
        %parallel_loop3A_767 = arith.index_cast %parallel_loop3A_258 : i32 to index
        %parallel_loop3A_768 = arith.constant 464 : index
        %parallel_loop3A_769 = tpu.vector_load %arg8[%parallel_loop3A_766, %parallel_loop3A_767, %parallel_loop3A_768] {strides = array<i32>} : memref<4x16x512xf32, #tpu.memory_space<vmem>>, vector<16xf32>,
        %parallel_loop3A_770 = arith.subf %parallel_loop3A_764, %parallel_loop3A_769 : vector<16xf32>
        %parallel_loop3A_771 = arith.mulf %parallel_loop3A_770, %parallel_loop3A_770 : vector<16xf32>
        %parallel_loop3A_772 = vector.broadcast %scan3A : f32 to vector<16xf32>
        %parallel_loop3A_773 = arith.maximumf %parallel_loop3A_771, %parallel_loop3A_772 : vector<16xf32>
        %parallel_loop3A_774 = vector.broadcast %scan3A_77 : f32 to vector<16xf32>
        %parallel_loop3A_775 = arith.minimumf %parallel_loop3A_773, %parallel_loop3A_774 : vector<16xf32>
        %parallel_loop3A_776 = arith.addf %parallel_loop3A_708, %parallel_loop3A_775 : vector<16xf32>
        %parallel_loop3A_777 = arith.constant 1 : i32
        %parallel_loop3A_778 = arith.index_cast %parallel_loop3A_777 : i32 to index
        %parallel_loop3A_779 = arith.index_cast %parallel_loop3A_258 : i32 to index
        %parallel_loop3A_780 = arith.constant 480 : index
        %parallel_loop3A_781 = tpu.vector_load %arg7[%parallel_loop3A_778, %parallel_loop3A_779, %parallel_loop3A_780] {strides = array<i32>} : memref<4x16x512xf32, #tpu.memory_space<vmem>>, vector<16xf32>,
        %parallel_loop3A_782 = arith.constant 1 : i32
        %parallel_loop3A_783 = arith.index_cast %parallel_loop3A_782 : i32 to index
        %parallel_loop3A_784 = arith.index_cast %parallel_loop3A_258 : i32 to index
        %parallel_loop3A_785 = arith.constant 480 : index
        %parallel_loop3A_786 = tpu.vector_load %arg8[%parallel_loop3A_783, %parallel_loop3A_784, %parallel_loop3A_785] {strides = array<i32>} : memref<4x16x512xf32, #tpu.memory_space<vmem>>, vector<16xf32>,
        %parallel_loop3A_787 = arith.subf %parallel_loop3A_781, %parallel_loop3A_786 : vector<16xf32>
        %parallel_loop3A_788 = arith.mulf %parallel_loop3A_787, %parallel_loop3A_787 : vector<16xf32>
        %parallel_loop3A_789 = vector.broadcast %scan3A : f32 to vector<16xf32>
        %parallel_loop3A_790 = arith.maximumf %parallel_loop3A_788, %parallel_loop3A_789 : vector<16xf32>
        %parallel_loop3A_791 = vector.broadcast %scan3A_77 : f32 to vector<16xf32>
        %parallel_loop3A_792 = arith.minimumf %parallel_loop3A_790, %parallel_loop3A_791 : vector<16xf32>
        %parallel_loop3A_793 = arith.addf %parallel_loop3A_725, %parallel_loop3A_792 : vector<16xf32>
        %parallel_loop3A_794 = arith.constant 1 : i32
        %parallel_loop3A_795 = arith.index_cast %parallel_loop3A_794 : i32 to index
        %parallel_loop3A_796 = arith.index_cast %parallel_loop3A_258 : i32 to index
        %parallel_loop3A_797 = arith.constant 496 : index
        %parallel_loop3A_798 = tpu.vector_load %arg7[%parallel_loop3A_795, %parallel_loop3A_796, %parallel_loop3A_797] {strides = array<i32>} : memref<4x16x512xf32, #tpu.memory_space<vmem>>, vector<16xf32>,
        %parallel_loop3A_799 = arith.constant 1 : i32
        %parallel_loop3A_800 = arith.index_cast %parallel_loop3A_799 : i32 to index
        %parallel_loop3A_801 = arith.index_cast %parallel_loop3A_258 : i32 to index
        %parallel_loop3A_802 = arith.constant 496 : index
        %parallel_loop3A_803 = tpu.vector_load %arg8[%parallel_loop3A_800, %parallel_loop3A_801, %parallel_loop3A_802] {strides = array<i32>} : memref<4x16x512xf32, #tpu.memory_space<vmem>>, vector<16xf32>,
        %parallel_loop3A_804 = arith.subf %parallel_loop3A_798, %parallel_loop3A_803 : vector<16xf32>
        %parallel_loop3A_805 = arith.mulf %parallel_loop3A_804, %parallel_loop3A_804 : vector<16xf32>
        %parallel_loop3A_806 = vector.broadcast %scan3A : f32 to vector<16xf32>
        %parallel_loop3A_807 = arith.maximumf %parallel_loop3A_805, %parallel_loop3A_806 : vector<16xf32>
        %parallel_loop3A_808 = vector.broadcast %scan3A_77 : f32 to vector<16xf32>
        %parallel_loop3A_809 = arith.minimumf %parallel_loop3A_807, %parallel_loop3A_808 : vector<16xf32>
        %parallel_loop3A_810 = arith.addf %parallel_loop3A_742, %parallel_loop3A_809 : vector<16xf32>
        %parallel_loop3A_811 = arith.addf %parallel_loop3A_759, %parallel_loop3A_776 : vector<16xf32>
        %parallel_loop3A_812 = arith.addf %parallel_loop3A_793, %parallel_loop3A_810 : vector<16xf32>
        %parallel_loop3A_813 = arith.addf %parallel_loop3A_811, %parallel_loop3A_812 : vector<16xf32>
        %parallel_loop3A_814 = arith.addi %mul3A_168, %parallel_loop3A_258 : i32
        %parallel_loop3A_815 = arith.constant 16 : i32
        %parallel_loop3A_816 = arith.muli %parallel_loop3A_814, %parallel_loop3A_815 : i32
        %parallel_loop3A_817 = arith.index_cast %parallel_loop3A_816 : i32 to index
        %parallel_loop3A_818 = tpu.vector_load %arg9[%parallel_loop3A_817] {strides = array<i32>} : memref<8192xf32, #tpu.memory_space<vmem>>, vector<16xf32>,
        tpu.vector_store %arg9[%parallel_loop3A_817], %parallel_loop3A_813 {strides = array<i32>} : memref<8192xf32, #tpu.memory_space<vmem>>, vector<16xf32>,
      } {sc.loop_unroll_factor = 2 : i64, sc.parallel_access}
      %mul3A_172 = arith.constant 4 : i32
      %mul3A_173 = arith.muli %add3A_90, %mul3A_172 : i32
      %add3A_174 = arith.constant 2 : i32
      %add3A_175 = arith.addi %mul3A_173, %add3A_174 : i32
      %add3A_176 = arith.constant 4 : i32
      %add3A_177 = arith.addi %add3A_175, %add3A_176 : i32
      %sub3A_178 = arith.constant 1 : i32
      %sub3A_179 = arith.subi %add3A_177, %sub3A_178 : i32
      %lt3A_180 = arith.constant 32 : i32
      %lt3A_181 = arith.cmpi slt, %sub3A_179, %lt3A_180 : i32
      %convert_element_type3A_182 = arith.extui %lt3A_181 : i1 to i32
      %cond3A_183 = arith.constant 0 : i32
      %cond3A_184 = arith.cmpi ne, %convert_element_type3A_182, %cond3A_183 : i32
      scf.if %cond3A_184 {
        %add3A_258 = arith.constant 4 : i32
        %add3A_259 = arith.addi %add3A_175, %add3A_258 : i32
        %sub3A_260 = arith.constant 1 : i32
        %sub3A_261 = arith.subi %add3A_259, %sub3A_260 : i32
        %mul3A_262 = arith.constant 16 : i32
        %mul3A_263 = arith.muli %sub3A_261, %mul3A_262 : i32
        %add3A_264 = arith.addi %mul3A_2, %mul3A_263 : i32
        %dma_start3A_265 = arith.constant 1 : i32
        %dma_start3A_266 = arith.constant 0 : i32
        %dma_start3A_267 = arith.constant 0 : i32
        %dma_start3A_268 = tpu.memref_slice %arg7[%dma_start3A_265, %dma_start3A_266, %dma_start3A_267] : memref<4x16x512xf32, #tpu.memory_space<vmem>> -> memref<1x16x512xf32, #tpu.memory_space<vmem>>
        %dma_start3A_269 = tpu.memref_squeeze %dma_start3A_268 : memref<1x16x512xf32, #tpu.memory_space<vmem>> -> memref<16x512xf32, #tpu.memory_space<vmem>>
        %dma_start3A_270 = arith.constant 0 : i32
        %dma_start3A_271 = tpu.memref_slice %arg2[%add3A_264, %dma_start3A_270] : memref<16384x512xf32, #tpu.memory_space<hbm>> -> memref<16x512xf32, #tpu.memory_space<hbm>>
        %dma_start3A_272 = arith.constant 0 : i32
        %dma_start3A_273 = arith.constant 0 : i32
        %dma_start3A_274 = tpu.memref_slice %arg7[%dma_start3A_265, %dma_start3A_272, %dma_start3A_273] : memref<4x16x512xf32, #tpu.memory_space<vmem>> -> memref<1x16x512xf32, #tpu.memory_space<vmem>>
        %dma_start3A_275 = tpu.memref_squeeze %dma_start3A_274 : memref<1x16x512xf32, #tpu.memory_space<vmem>> -> memref<16x512xf32, #tpu.memory_space<vmem>>
        %dma_start3A_276 = arith.constant 0 : i32
        %dma_start3A_277 = tpu.memref_slice %arg2[%add3A_264, %dma_start3A_276] : memref<16384x512xf32, #tpu.memory_space<hbm>> -> memref<16x512xf32, #tpu.memory_space<hbm>>
        tpu.enqueue_dma source(%dma_start3A_277 : memref<16x512xf32, #tpu.memory_space<hbm>>) target(%dma_start3A_275 : memref<16x512xf32, #tpu.memory_space<vmem>>) target_semaphore(%arg12 : memref<!tpu.dma_semaphore, #tpu.memory_space<semaphore_mem>>)
        %dma_start3A_278 = arith.constant 1 : i32
        %dma_start3A_279 = arith.constant 0 : i32
        %dma_start3A_280 = arith.constant 0 : i32
        %dma_start3A_281 = tpu.memref_slice %arg8[%dma_start3A_278, %dma_start3A_279, %dma_start3A_280] : memref<4x16x512xf32, #tpu.memory_space<vmem>> -> memref<1x16x512xf32, #tpu.memory_space<vmem>>
        %dma_start3A_282 = tpu.memref_squeeze %dma_start3A_281 : memref<1x16x512xf32, #tpu.memory_space<vmem>> -> memref<16x512xf32, #tpu.memory_space<vmem>>
        %dma_start3A_283 = tpu.memref_slice %arg6[%mul3A_263] : memref<512xi32, #tpu.memory_space<vmem>> -> memref<16xi32, #tpu.memory_space<vmem>>
        %dma_start3A_284 = arith.constant 0 : i32
        %dma_start3A_285 = arith.constant 0 : i32
        %dma_start3A_286 = tpu.memref_slice %arg4[%dma_start3A_284, %dma_start3A_285] : memref<1000x512xf32, #tpu.memory_space<hbm>> -> memref<1000x512xf32, #tpu.memory_space<hbm>>
        tpu.enqueue_indirect_dma source(%dma_start3A_286 : memref<1000x512xf32, #tpu.memory_space<hbm>>) target(%dma_start3A_282 : memref<16x512xf32, #tpu.memory_space<vmem>>) offsets(%dma_start3A_283 : memref<16xi32, #tpu.memory_space<vmem>>) semaphore(%arg16 : memref<!tpu.dma_semaphore, #tpu.memory_space<semaphore_mem>>)
      } else {
      }
      %dma_wait3A_185 = arith.constant 2 : i32
      %dma_wait3A_186 = arith.constant 0 : i32
      %dma_wait3A_187 = arith.constant 0 : i32
      %dma_wait3A_188 = tpu.memref_slice %arg7[%dma_wait3A_185, %dma_wait3A_186, %dma_wait3A_187] : memref<4x16x512xf32, #tpu.memory_space<vmem>> -> memref<1x16x512xf32, #tpu.memory_space<vmem>>
      %dma_wait3A_189 = tpu.memref_squeeze %dma_wait3A_188 : memref<1x16x512xf32, #tpu.memory_space<vmem>> -> memref<16x512xf32, #tpu.memory_space<vmem>>
      %dma_wait3A_190 = arith.constant 0 : i32
      %dma_wait3A_191 = arith.constant 0 : i32
      %dma_wait3A_192 = tpu.memref_slice %arg2[%dma_wait3A_190, %dma_wait3A_191] : memref<16384x512xf32, #tpu.memory_space<hbm>> -> memref<16x512xf32, #tpu.memory_space<hbm>>
      %dma_wait3A_193 = arith.constant 0 : i32
      %dma_wait3A_194 = arith.constant 0 : i32
      %dma_wait3A_195 = tpu.memref_slice %arg7[%dma_wait3A_185, %dma_wait3A_193, %dma_wait3A_194] : memref<4x16x512xf32, #tpu.memory_space<vmem>> -> memref<1x16x512xf32, #tpu.memory_space<vmem>>
      %dma_wait3A_196 = tpu.memref_squeeze %dma_wait3A_195 : memref<1x16x512xf32, #tpu.memory_space<vmem>> -> memref<16x512xf32, #tpu.memory_space<vmem>>
      %dma_wait3A_197 = arith.constant 0 : i32
      %dma_wait3A_198 = arith.constant 0 : i32
      %dma_wait3A_199 = tpu.memref_slice %arg2[%dma_wait3A_197, %dma_wait3A_198] : memref<16384x512xf32, #tpu.memory_space<hbm>> -> memref<16x512xf32, #tpu.memory_space<hbm>>
      tpu.wait_dma2 semaphore(%arg13 : memref<!tpu.dma_semaphore, #tpu.memory_space<semaphore_mem>>) src(%dma_wait3A_199 : memref<16x512xf32, #tpu.memory_space<hbm>>) dst(%dma_wait3A_196 : memref<16x512xf32, #tpu.memory_space<vmem>>)
      %dma_wait3A_200 = arith.constant 2 : i32
      %dma_wait3A_201 = arith.constant 0 : i32
      %dma_wait3A_202 = arith.constant 0 : i32
      %dma_wait3A_203 = tpu.memref_slice %arg8[%dma_wait3A_200, %dma_wait3A_201, %dma_wait3A_202] : memref<4x16x512xf32, #tpu.memory_space<vmem>> -> memref<1x16x512xf32, #tpu.memory_space<vmem>>
      %dma_wait3A_204 = tpu.memref_squeeze %dma_wait3A_203 : memref<1x16x512xf32, #tpu.memory_space<vmem>> -> memref<16x512xf32, #tpu.memory_space<vmem>>
      %dma_wait3A_205 = arith.constant 0 : i32
      %dma_wait3A_206 = tpu.memref_slice %arg6[%dma_wait3A_205] : memref<512xi32, #tpu.memory_space<vmem>> -> memref<16xi32, #tpu.memory_space<vmem>>
      %dma_wait3A_207 = arith.constant 0 : i32
      %dma_wait3A_208 = arith.constant 0 : i32
      %dma_wait3A_209 = tpu.memref_slice %arg4[%dma_wait3A_207, %dma_wait3A_208] : memref<1000x512xf32, #tpu.memory_space<hbm>> -> memref<1000x512xf32, #tpu.memory_space<hbm>>
      tpu.wait_indirect_dma semaphore(%arg17 : memref<!tpu.dma_semaphore, #tpu.memory_space<semaphore_mem>>) src(%dma_wait3A_209 : memref<1000x512xf32, #tpu.memory_space<hbm>>) dst(%dma_wait3A_204 : memref<16x512xf32, #tpu.memory_space<vmem>>)
      %mul3A_210 = arith.constant 16 : i32
      %mul3A_211 = arith.muli %add3A_175, %mul3A_210 : i32
      %parallel_loop3A_212 = arith.constant 0 : i32
      %parallel_loop3A_213 = arith.constant 16 : i32
      %parallel_loop3A_214 = arith.constant 1 : i32
      scf.for %parallel_loop3A_258 = %parallel_loop3A_212 to %parallel_loop3A_213 step %parallel_loop3A_214  : i32 {
        %parallel_loop3A_259 = arith.constant 0.000000e+00 : f32
        %parallel_loop3A_260 = vector.broadcast %parallel_loop3A_259 : f32 to vector<16xf32>
        %parallel_loop3A_261 = arith.constant 0.000000e+00 : f32
        %parallel_loop3A_262 = vector.broadcast %parallel_loop3A_261 : f32 to vector<16xf32>
        %parallel_loop3A_263 = arith.constant 0.000000e+00 : f32
        %parallel_loop3A_264 = vector.broadcast %parallel_loop3A_263 : f32 to vector<16xf32>
        %parallel_loop3A_265 = arith.constant 0.000000e+00 : f32
        %parallel_loop3A_266 = vector.broadcast %parallel_loop3A_265 : f32 to vector<16xf32>
        %parallel_loop3A_267 = arith.constant 2 : i32
        %parallel_loop3A_268 = arith.index_cast %parallel_loop3A_267 : i32 to index
        %parallel_loop3A_269 = arith.index_cast %parallel_loop3A_258 : i32 to index
        %parallel_loop3A_270 = arith.constant 0 : index
        %parallel_loop3A_271 = tpu.vector_load %arg7[%parallel_loop3A_268, %parallel_loop3A_269, %parallel_loop3A_270] {strides = array<i32>} : memref<4x16x512xf32, #tpu.memory_space<vmem>>, vector<16xf32>,
        %parallel_loop3A_272 = arith.constant 2 : i32
        %parallel_loop3A_273 = arith.index_cast %parallel_loop3A_272 : i32 to index
        %parallel_loop3A_274 = arith.index_cast %parallel_loop3A_258 : i32 to index
        %parallel_loop3A_275 = arith.constant 0 : index
        %parallel_loop3A_276 = tpu.vector_load %arg8[%parallel_loop3A_273, %parallel_loop3A_274, %parallel_loop3A_275] {strides = array<i32>} : memref<4x16x512xf32, #tpu.memory_space<vmem>>, vector<16xf32>,
        %parallel_loop3A_277 = arith.subf %parallel_loop3A_271, %parallel_loop3A_276 : vector<16xf32>
        %parallel_loop3A_278 = arith.mulf %parallel_loop3A_277, %parallel_loop3A_277 : vector<16xf32>
        %parallel_loop3A_279 = vector.broadcast %scan3A : f32 to vector<16xf32>
        %parallel_loop3A_280 = arith.maximumf %parallel_loop3A_278, %parallel_loop3A_279 : vector<16xf32>
        %parallel_loop3A_281 = vector.broadcast %scan3A_77 : f32 to vector<16xf32>
        %parallel_loop3A_282 = arith.minimumf %parallel_loop3A_280, %parallel_loop3A_281 : vector<16xf32>
        %parallel_loop3A_283 = arith.addf %parallel_loop3A_260, %parallel_loop3A_282 : vector<16xf32>
        %parallel_loop3A_284 = arith.constant 2 : i32
        %parallel_loop3A_285 = arith.index_cast %parallel_loop3A_284 : i32 to index
        %parallel_loop3A_286 = arith.index_cast %parallel_loop3A_258 : i32 to index
        %parallel_loop3A_287 = arith.constant 16 : index
        %parallel_loop3A_288 = tpu.vector_load %arg7[%parallel_loop3A_285, %parallel_loop3A_286, %parallel_loop3A_287] {strides = array<i32>} : memref<4x16x512xf32, #tpu.memory_space<vmem>>, vector<16xf32>,
        %parallel_loop3A_289 = arith.constant 2 : i32
        %parallel_loop3A_290 = arith.index_cast %parallel_loop3A_289 : i32 to index
        %parallel_loop3A_291 = arith.index_cast %parallel_loop3A_258 : i32 to index
        %parallel_loop3A_292 = arith.constant 16 : index
        %parallel_loop3A_293 = tpu.vector_load %arg8[%parallel_loop3A_290, %parallel_loop3A_291, %parallel_loop3A_292] {strides = array<i32>} : memref<4x16x512xf32, #tpu.memory_space<vmem>>, vector<16xf32>,
        %parallel_loop3A_294 = arith.subf %parallel_loop3A_288, %parallel_loop3A_293 : vector<16xf32>
        %parallel_loop3A_295 = arith.mulf %parallel_loop3A_294, %parallel_loop3A_294 : vector<16xf32>
        %parallel_loop3A_296 = vector.broadcast %scan3A : f32 to vector<16xf32>
        %parallel_loop3A_297 = arith.maximumf %parallel_loop3A_295, %parallel_loop3A_296 : vector<16xf32>
        %parallel_loop3A_298 = vector.broadcast %scan3A_77 : f32 to vector<16xf32>
        %parallel_loop3A_299 = arith.minimumf %parallel_loop3A_297, %parallel_loop3A_298 : vector<16xf32>
        %parallel_loop3A_300 = arith.addf %parallel_loop3A_262, %parallel_loop3A_299 : vector<16xf32>
        %parallel_loop3A_301 = arith.constant 2 : i32
        %parallel_loop3A_302 = arith.index_cast %parallel_loop3A_301 : i32 to index
        %parallel_loop3A_303 = arith.index_cast %parallel_loop3A_258 : i32 to index
        %parallel_loop3A_304 = arith.constant 32 : index
        %parallel_loop3A_305 = tpu.vector_load %arg7[%parallel_loop3A_302, %parallel_loop3A_303, %parallel_loop3A_304] {strides = array<i32>} : memref<4x16x512xf32, #tpu.memory_space<vmem>>, vector<16xf32>,
        %parallel_loop3A_306 = arith.constant 2 : i32
        %parallel_loop3A_307 = arith.index_cast %parallel_loop3A_306 : i32 to index
        %parallel_loop3A_308 = arith.index_cast %parallel_loop3A_258 : i32 to index
        %parallel_loop3A_309 = arith.constant 32 : index
        %parallel_loop3A_310 = tpu.vector_load %arg8[%parallel_loop3A_307, %parallel_loop3A_308, %parallel_loop3A_309] {strides = array<i32>} : memref<4x16x512xf32, #tpu.memory_space<vmem>>, vector<16xf32>,
        %parallel_loop3A_311 = arith.subf %parallel_loop3A_305, %parallel_loop3A_310 : vector<16xf32>
        %parallel_loop3A_312 = arith.mulf %parallel_loop3A_311, %parallel_loop3A_311 : vector<16xf32>
        %parallel_loop3A_313 = vector.broadcast %scan3A : f32 to vector<16xf32>
        %parallel_loop3A_314 = arith.maximumf %parallel_loop3A_312, %parallel_loop3A_313 : vector<16xf32>
        %parallel_loop3A_315 = vector.broadcast %scan3A_77 : f32 to vector<16xf32>
        %parallel_loop3A_316 = arith.minimumf %parallel_loop3A_314, %parallel_loop3A_315 : vector<16xf32>
        %parallel_loop3A_317 = arith.addf %parallel_loop3A_264, %parallel_loop3A_316 : vector<16xf32>
        %parallel_loop3A_318 = arith.constant 2 : i32
        %parallel_loop3A_319 = arith.index_cast %parallel_loop3A_318 : i32 to index
        %parallel_loop3A_320 = arith.index_cast %parallel_loop3A_258 : i32 to index
        %parallel_loop3A_321 = arith.constant 48 : index
        %parallel_loop3A_322 = tpu.vector_load %arg7[%parallel_loop3A_319, %parallel_loop3A_320, %parallel_loop3A_321] {strides = array<i32>} : memref<4x16x512xf32, #tpu.memory_space<vmem>>, vector<16xf32>,
        %parallel_loop3A_323 = arith.constant 2 : i32
        %parallel_loop3A_324 = arith.index_cast %parallel_loop3A_323 : i32 to index
        %parallel_loop3A_325 = arith.index_cast %parallel_loop3A_258 : i32 to index
        %parallel_loop3A_326 = arith.constant 48 : index
        %parallel_loop3A_327 = tpu.vector_load %arg8[%parallel_loop3A_324, %parallel_loop3A_325, %parallel_loop3A_326] {strides = array<i32>} : memref<4x16x512xf32, #tpu.memory_space<vmem>>, vector<16xf32>,
        %parallel_loop3A_328 = arith.subf %parallel_loop3A_322, %parallel_loop3A_327 : vector<16xf32>
        %parallel_loop3A_329 = arith.mulf %parallel_loop3A_328, %parallel_loop3A_328 : vector<16xf32>
        %parallel_loop3A_330 = vector.broadcast %scan3A : f32 to vector<16xf32>
        %parallel_loop3A_331 = arith.maximumf %parallel_loop3A_329, %parallel_loop3A_330 : vector<16xf32>
        %parallel_loop3A_332 = vector.broadcast %scan3A_77 : f32 to vector<16xf32>
        %parallel_loop3A_333 = arith.minimumf %parallel_loop3A_331, %parallel_loop3A_332 : vector<16xf32>
        %parallel_loop3A_334 = arith.addf %parallel_loop3A_266, %parallel_loop3A_333 : vector<16xf32>
        %parallel_loop3A_335 = arith.constant 2 : i32
        %parallel_loop3A_336 = arith.index_cast %parallel_loop3A_335 : i32 to index
        %parallel_loop3A_337 = arith.index_cast %parallel_loop3A_258 : i32 to index
        %parallel_loop3A_338 = arith.constant 64 : index
        %parallel_loop3A_339 = tpu.vector_load %arg7[%parallel_loop3A_336, %parallel_loop3A_337, %parallel_loop3A_338] {strides = array<i32>} : memref<4x16x512xf32, #tpu.memory_space<vmem>>, vector<16xf32>,
        %parallel_loop3A_340 = arith.constant 2 : i32
        %parallel_loop3A_341 = arith.index_cast %parallel_loop3A_340 : i32 to index
        %parallel_loop3A_342 = arith.index_cast %parallel_loop3A_258 : i32 to index
        %parallel_loop3A_343 = arith.constant 64 : index
        %parallel_loop3A_344 = tpu.vector_load %arg8[%parallel_loop3A_341, %parallel_loop3A_342, %parallel_loop3A_343] {strides = array<i32>} : memref<4x16x512xf32, #tpu.memory_space<vmem>>, vector<16xf32>,
        %parallel_loop3A_345 = arith.subf %parallel_loop3A_339, %parallel_loop3A_344 : vector<16xf32>
        %parallel_loop3A_346 = arith.mulf %parallel_loop3A_345, %parallel_loop3A_345 : vector<16xf32>
        %parallel_loop3A_347 = vector.broadcast %scan3A : f32 to vector<16xf32>
        %parallel_loop3A_348 = arith.maximumf %parallel_loop3A_346, %parallel_loop3A_347 : vector<16xf32>
        %parallel_loop3A_349 = vector.broadcast %scan3A_77 : f32 to vector<16xf32>
        %parallel_loop3A_350 = arith.minimumf %parallel_loop3A_348, %parallel_loop3A_349 : vector<16xf32>
        %parallel_loop3A_351 = arith.addf %parallel_loop3A_283, %parallel_loop3A_350 : vector<16xf32>
        %parallel_loop3A_352 = arith.constant 2 : i32
        %parallel_loop3A_353 = arith.index_cast %parallel_loop3A_352 : i32 to index
        %parallel_loop3A_354 = arith.index_cast %parallel_loop3A_258 : i32 to index
        %parallel_loop3A_355 = arith.constant 80 : index
        %parallel_loop3A_356 = tpu.vector_load %arg7[%parallel_loop3A_353, %parallel_loop3A_354, %parallel_loop3A_355] {strides = array<i32>} : memref<4x16x512xf32, #tpu.memory_space<vmem>>, vector<16xf32>,
        %parallel_loop3A_357 = arith.constant 2 : i32
        %parallel_loop3A_358 = arith.index_cast %parallel_loop3A_357 : i32 to index
        %parallel_loop3A_359 = arith.index_cast %parallel_loop3A_258 : i32 to index
        %parallel_loop3A_360 = arith.constant 80 : index
        %parallel_loop3A_361 = tpu.vector_load %arg8[%parallel_loop3A_358, %parallel_loop3A_359, %parallel_loop3A_360] {strides = array<i32>} : memref<4x16x512xf32, #tpu.memory_space<vmem>>, vector<16xf32>,
        %parallel_loop3A_362 = arith.subf %parallel_loop3A_356, %parallel_loop3A_361 : vector<16xf32>
        %parallel_loop3A_363 = arith.mulf %parallel_loop3A_362, %parallel_loop3A_362 : vector<16xf32>
        %parallel_loop3A_364 = vector.broadcast %scan3A : f32 to vector<16xf32>
        %parallel_loop3A_365 = arith.maximumf %parallel_loop3A_363, %parallel_loop3A_364 : vector<16xf32>
        %parallel_loop3A_366 = vector.broadcast %scan3A_77 : f32 to vector<16xf32>
        %parallel_loop3A_367 = arith.minimumf %parallel_loop3A_365, %parallel_loop3A_366 : vector<16xf32>
        %parallel_loop3A_368 = arith.addf %parallel_loop3A_300, %parallel_loop3A_367 : vector<16xf32>
        %parallel_loop3A_369 = arith.constant 2 : i32
        %parallel_loop3A_370 = arith.index_cast %parallel_loop3A_369 : i32 to index
        %parallel_loop3A_371 = arith.index_cast %parallel_loop3A_258 : i32 to index
        %parallel_loop3A_372 = arith.constant 96 : index
        %parallel_loop3A_373 = tpu.vector_load %arg7[%parallel_loop3A_370, %parallel_loop3A_371, %parallel_loop3A_372] {strides = array<i32>} : memref<4x16x512xf32, #tpu.memory_space<vmem>>, vector<16xf32>,
        %parallel_loop3A_374 = arith.constant 2 : i32
        %parallel_loop3A_375 = arith.index_cast %parallel_loop3A_374 : i32 to index
        %parallel_loop3A_376 = arith.index_cast %parallel_loop3A_258 : i32 to index
        %parallel_loop3A_377 = arith.constant 96 : index
        %parallel_loop3A_378 = tpu.vector_load %arg8[%parallel_loop3A_375, %parallel_loop3A_376, %parallel_loop3A_377] {strides = array<i32>} : memref<4x16x512xf32, #tpu.memory_space<vmem>>, vector<16xf32>,
        %parallel_loop3A_379 = arith.subf %parallel_loop3A_373, %parallel_loop3A_378 : vector<16xf32>
        %parallel_loop3A_380 = arith.mulf %parallel_loop3A_379, %parallel_loop3A_379 : vector<16xf32>
        %parallel_loop3A_381 = vector.broadcast %scan3A : f32 to vector<16xf32>
        %parallel_loop3A_382 = arith.maximumf %parallel_loop3A_380, %parallel_loop3A_381 : vector<16xf32>
        %parallel_loop3A_383 = vector.broadcast %scan3A_77 : f32 to vector<16xf32>
        %parallel_loop3A_384 = arith.minimumf %parallel_loop3A_382, %parallel_loop3A_383 : vector<16xf32>
        %parallel_loop3A_385 = arith.addf %parallel_loop3A_317, %parallel_loop3A_384 : vector<16xf32>
        %parallel_loop3A_386 = arith.constant 2 : i32
        %parallel_loop3A_387 = arith.index_cast %parallel_loop3A_386 : i32 to index
        %parallel_loop3A_388 = arith.index_cast %parallel_loop3A_258 : i32 to index
        %parallel_loop3A_389 = arith.constant 112 : index
        %parallel_loop3A_390 = tpu.vector_load %arg7[%parallel_loop3A_387, %parallel_loop3A_388, %parallel_loop3A_389] {strides = array<i32>} : memref<4x16x512xf32, #tpu.memory_space<vmem>>, vector<16xf32>,
        %parallel_loop3A_391 = arith.constant 2 : i32
        %parallel_loop3A_392 = arith.index_cast %parallel_loop3A_391 : i32 to index
        %parallel_loop3A_393 = arith.index_cast %parallel_loop3A_258 : i32 to index
        %parallel_loop3A_394 = arith.constant 112 : index
        %parallel_loop3A_395 = tpu.vector_load %arg8[%parallel_loop3A_392, %parallel_loop3A_393, %parallel_loop3A_394] {strides = array<i32>} : memref<4x16x512xf32, #tpu.memory_space<vmem>>, vector<16xf32>,
        %parallel_loop3A_396 = arith.subf %parallel_loop3A_390, %parallel_loop3A_395 : vector<16xf32>
        %parallel_loop3A_397 = arith.mulf %parallel_loop3A_396, %parallel_loop3A_396 : vector<16xf32>
        %parallel_loop3A_398 = vector.broadcast %scan3A : f32 to vector<16xf32>
        %parallel_loop3A_399 = arith.maximumf %parallel_loop3A_397, %parallel_loop3A_398 : vector<16xf32>
        %parallel_loop3A_400 = vector.broadcast %scan3A_77 : f32 to vector<16xf32>
        %parallel_loop3A_401 = arith.minimumf %parallel_loop3A_399, %parallel_loop3A_400 : vector<16xf32>
        %parallel_loop3A_402 = arith.addf %parallel_loop3A_334, %parallel_loop3A_401 : vector<16xf32>
        %parallel_loop3A_403 = arith.constant 2 : i32
        %parallel_loop3A_404 = arith.index_cast %parallel_loop3A_403 : i32 to index
        %parallel_loop3A_405 = arith.index_cast %parallel_loop3A_258 : i32 to index
        %parallel_loop3A_406 = arith.constant 128 : index
        %parallel_loop3A_407 = tpu.vector_load %arg7[%parallel_loop3A_404, %parallel_loop3A_405, %parallel_loop3A_406] {strides = array<i32>} : memref<4x16x512xf32, #tpu.memory_space<vmem>>, vector<16xf32>,
        %parallel_loop3A_408 = arith.constant 2 : i32
        %parallel_loop3A_409 = arith.index_cast %parallel_loop3A_408 : i32 to index
        %parallel_loop3A_410 = arith.index_cast %parallel_loop3A_258 : i32 to index
        %parallel_loop3A_411 = arith.constant 128 : index
        %parallel_loop3A_412 = tpu.vector_load %arg8[%parallel_loop3A_409, %parallel_loop3A_410, %parallel_loop3A_411] {strides = array<i32>} : memref<4x16x512xf32, #tpu.memory_space<vmem>>, vector<16xf32>,
        %parallel_loop3A_413 = arith.subf %parallel_loop3A_407, %parallel_loop3A_412 : vector<16xf32>
        %parallel_loop3A_414 = arith.mulf %parallel_loop3A_413, %parallel_loop3A_413 : vector<16xf32>
        %parallel_loop3A_415 = vector.broadcast %scan3A : f32 to vector<16xf32>
        %parallel_loop3A_416 = arith.maximumf %parallel_loop3A_414, %parallel_loop3A_415 : vector<16xf32>
        %parallel_loop3A_417 = vector.broadcast %scan3A_77 : f32 to vector<16xf32>
        %parallel_loop3A_418 = arith.minimumf %parallel_loop3A_416, %parallel_loop3A_417 : vector<16xf32>
        %parallel_loop3A_419 = arith.addf %parallel_loop3A_351, %parallel_loop3A_418 : vector<16xf32>
        %parallel_loop3A_420 = arith.constant 2 : i32
        %parallel_loop3A_421 = arith.index_cast %parallel_loop3A_420 : i32 to index
        %parallel_loop3A_422 = arith.index_cast %parallel_loop3A_258 : i32 to index
        %parallel_loop3A_423 = arith.constant 144 : index
        %parallel_loop3A_424 = tpu.vector_load %arg7[%parallel_loop3A_421, %parallel_loop3A_422, %parallel_loop3A_423] {strides = array<i32>} : memref<4x16x512xf32, #tpu.memory_space<vmem>>, vector<16xf32>,
        %parallel_loop3A_425 = arith.constant 2 : i32
        %parallel_loop3A_426 = arith.index_cast %parallel_loop3A_425 : i32 to index
        %parallel_loop3A_427 = arith.index_cast %parallel_loop3A_258 : i32 to index
        %parallel_loop3A_428 = arith.constant 144 : index
        %parallel_loop3A_429 = tpu.vector_load %arg8[%parallel_loop3A_426, %parallel_loop3A_427, %parallel_loop3A_428] {strides = array<i32>} : memref<4x16x512xf32, #tpu.memory_space<vmem>>, vector<16xf32>,
        %parallel_loop3A_430 = arith.subf %parallel_loop3A_424, %parallel_loop3A_429 : vector<16xf32>
        %parallel_loop3A_431 = arith.mulf %parallel_loop3A_430, %parallel_loop3A_430 : vector<16xf32>
        %parallel_loop3A_432 = vector.broadcast %scan3A : f32 to vector<16xf32>
        %parallel_loop3A_433 = arith.maximumf %parallel_loop3A_431, %parallel_loop3A_432 : vector<16xf32>
        %parallel_loop3A_434 = vector.broadcast %scan3A_77 : f32 to vector<16xf32>
        %parallel_loop3A_435 = arith.minimumf %parallel_loop3A_433, %parallel_loop3A_434 : vector<16xf32>
        %parallel_loop3A_436 = arith.addf %parallel_loop3A_368, %parallel_loop3A_435 : vector<16xf32>
        %parallel_loop3A_437 = arith.constant 2 : i32
        %parallel_loop3A_438 = arith.index_cast %parallel_loop3A_437 : i32 to index
        %parallel_loop3A_439 = arith.index_cast %parallel_loop3A_258 : i32 to index
        %parallel_loop3A_440 = arith.constant 160 : index
        %parallel_loop3A_441 = tpu.vector_load %arg7[%parallel_loop3A_438, %parallel_loop3A_439, %parallel_loop3A_440] {strides = array<i32>} : memref<4x16x512xf32, #tpu.memory_space<vmem>>, vector<16xf32>,
        %parallel_loop3A_442 = arith.constant 2 : i32
        %parallel_loop3A_443 = arith.index_cast %parallel_loop3A_442 : i32 to index
        %parallel_loop3A_444 = arith.index_cast %parallel_loop3A_258 : i32 to index
        %parallel_loop3A_445 = arith.constant 160 : index
        %parallel_loop3A_446 = tpu.vector_load %arg8[%parallel_loop3A_443, %parallel_loop3A_444, %parallel_loop3A_445] {strides = array<i32>} : memref<4x16x512xf32, #tpu.memory_space<vmem>>, vector<16xf32>,
        %parallel_loop3A_447 = arith.subf %parallel_loop3A_441, %parallel_loop3A_446 : vector<16xf32>
        %parallel_loop3A_448 = arith.mulf %parallel_loop3A_447, %parallel_loop3A_447 : vector<16xf32>
        %parallel_loop3A_449 = vector.broadcast %scan3A : f32 to vector<16xf32>
        %parallel_loop3A_450 = arith.maximumf %parallel_loop3A_448, %parallel_loop3A_449 : vector<16xf32>
        %parallel_loop3A_451 = vector.broadcast %scan3A_77 : f32 to vector<16xf32>
        %parallel_loop3A_452 = arith.minimumf %parallel_loop3A_450, %parallel_loop3A_451 : vector<16xf32>
        %parallel_loop3A_453 = arith.addf %parallel_loop3A_385, %parallel_loop3A_452 : vector<16xf32>
        %parallel_loop3A_454 = arith.constant 2 : i32
        %parallel_loop3A_455 = arith.index_cast %parallel_loop3A_454 : i32 to index
        %parallel_loop3A_456 = arith.index_cast %parallel_loop3A_258 : i32 to index
        %parallel_loop3A_457 = arith.constant 176 : index
        %parallel_loop3A_458 = tpu.vector_load %arg7[%parallel_loop3A_455, %parallel_loop3A_456, %parallel_loop3A_457] {strides = array<i32>} : memref<4x16x512xf32, #tpu.memory_space<vmem>>, vector<16xf32>,
        %parallel_loop3A_459 = arith.constant 2 : i32
        %parallel_loop3A_460 = arith.index_cast %parallel_loop3A_459 : i32 to index
        %parallel_loop3A_461 = arith.index_cast %parallel_loop3A_258 : i32 to index
        %parallel_loop3A_462 = arith.constant 176 : index
        %parallel_loop3A_463 = tpu.vector_load %arg8[%parallel_loop3A_460, %parallel_loop3A_461, %parallel_loop3A_462] {strides = array<i32>} : memref<4x16x512xf32, #tpu.memory_space<vmem>>, vector<16xf32>,
        %parallel_loop3A_464 = arith.subf %parallel_loop3A_458, %parallel_loop3A_463 : vector<16xf32>
        %parallel_loop3A_465 = arith.mulf %parallel_loop3A_464, %parallel_loop3A_464 : vector<16xf32>
        %parallel_loop3A_466 = vector.broadcast %scan3A : f32 to vector<16xf32>
        %parallel_loop3A_467 = arith.maximumf %parallel_loop3A_465, %parallel_loop3A_466 : vector<16xf32>
        %parallel_loop3A_468 = vector.broadcast %scan3A_77 : f32 to vector<16xf32>
        %parallel_loop3A_469 = arith.minimumf %parallel_loop3A_467, %parallel_loop3A_468 : vector<16xf32>
        %parallel_loop3A_470 = arith.addf %parallel_loop3A_402, %parallel_loop3A_469 : vector<16xf32>
        %parallel_loop3A_471 = arith.constant 2 : i32
        %parallel_loop3A_472 = arith.index_cast %parallel_loop3A_471 : i32 to index
        %parallel_loop3A_473 = arith.index_cast %parallel_loop3A_258 : i32 to index
        %parallel_loop3A_474 = arith.constant 192 : index
        %parallel_loop3A_475 = tpu.vector_load %arg7[%parallel_loop3A_472, %parallel_loop3A_473, %parallel_loop3A_474] {strides = array<i32>} : memref<4x16x512xf32, #tpu.memory_space<vmem>>, vector<16xf32>,
        %parallel_loop3A_476 = arith.constant 2 : i32
        %parallel_loop3A_477 = arith.index_cast %parallel_loop3A_476 : i32 to index
        %parallel_loop3A_478 = arith.index_cast %parallel_loop3A_258 : i32 to index
        %parallel_loop3A_479 = arith.constant 192 : index
        %parallel_loop3A_480 = tpu.vector_load %arg8[%parallel_loop3A_477, %parallel_loop3A_478, %parallel_loop3A_479] {strides = array<i32>} : memref<4x16x512xf32, #tpu.memory_space<vmem>>, vector<16xf32>,
        %parallel_loop3A_481 = arith.subf %parallel_loop3A_475, %parallel_loop3A_480 : vector<16xf32>
        %parallel_loop3A_482 = arith.mulf %parallel_loop3A_481, %parallel_loop3A_481 : vector<16xf32>
        %parallel_loop3A_483 = vector.broadcast %scan3A : f32 to vector<16xf32>
        %parallel_loop3A_484 = arith.maximumf %parallel_loop3A_482, %parallel_loop3A_483 : vector<16xf32>
        %parallel_loop3A_485 = vector.broadcast %scan3A_77 : f32 to vector<16xf32>
        %parallel_loop3A_486 = arith.minimumf %parallel_loop3A_484, %parallel_loop3A_485 : vector<16xf32>
        %parallel_loop3A_487 = arith.addf %parallel_loop3A_419, %parallel_loop3A_486 : vector<16xf32>
        %parallel_loop3A_488 = arith.constant 2 : i32
        %parallel_loop3A_489 = arith.index_cast %parallel_loop3A_488 : i32 to index
        %parallel_loop3A_490 = arith.index_cast %parallel_loop3A_258 : i32 to index
        %parallel_loop3A_491 = arith.constant 208 : index
        %parallel_loop3A_492 = tpu.vector_load %arg7[%parallel_loop3A_489, %parallel_loop3A_490, %parallel_loop3A_491] {strides = array<i32>} : memref<4x16x512xf32, #tpu.memory_space<vmem>>, vector<16xf32>,
        %parallel_loop3A_493 = arith.constant 2 : i32
        %parallel_loop3A_494 = arith.index_cast %parallel_loop3A_493 : i32 to index
        %parallel_loop3A_495 = arith.index_cast %parallel_loop3A_258 : i32 to index
        %parallel_loop3A_496 = arith.constant 208 : index
        %parallel_loop3A_497 = tpu.vector_load %arg8[%parallel_loop3A_494, %parallel_loop3A_495, %parallel_loop3A_496] {strides = array<i32>} : memref<4x16x512xf32, #tpu.memory_space<vmem>>, vector<16xf32>,
        %parallel_loop3A_498 = arith.subf %parallel_loop3A_492, %parallel_loop3A_497 : vector<16xf32>
        %parallel_loop3A_499 = arith.mulf %parallel_loop3A_498, %parallel_loop3A_498 : vector<16xf32>
        %parallel_loop3A_500 = vector.broadcast %scan3A : f32 to vector<16xf32>
        %parallel_loop3A_501 = arith.maximumf %parallel_loop3A_499, %parallel_loop3A_500 : vector<16xf32>
        %parallel_loop3A_502 = vector.broadcast %scan3A_77 : f32 to vector<16xf32>
        %parallel_loop3A_503 = arith.minimumf %parallel_loop3A_501, %parallel_loop3A_502 : vector<16xf32>
        %parallel_loop3A_504 = arith.addf %parallel_loop3A_436, %parallel_loop3A_503 : vector<16xf32>
        %parallel_loop3A_505 = arith.constant 2 : i32
        %parallel_loop3A_506 = arith.index_cast %parallel_loop3A_505 : i32 to index
        %parallel_loop3A_507 = arith.index_cast %parallel_loop3A_258 : i32 to index
        %parallel_loop3A_508 = arith.constant 224 : index
        %parallel_loop3A_509 = tpu.vector_load %arg7[%parallel_loop3A_506, %parallel_loop3A_507, %parallel_loop3A_508] {strides = array<i32>} : memref<4x16x512xf32, #tpu.memory_space<vmem>>, vector<16xf32>,
        %parallel_loop3A_510 = arith.constant 2 : i32
        %parallel_loop3A_511 = arith.index_cast %parallel_loop3A_510 : i32 to index
        %parallel_loop3A_512 = arith.index_cast %parallel_loop3A_258 : i32 to index
        %parallel_loop3A_513 = arith.constant 224 : index
        %parallel_loop3A_514 = tpu.vector_load %arg8[%parallel_loop3A_511, %parallel_loop3A_512, %parallel_loop3A_513] {strides = array<i32>} : memref<4x16x512xf32, #tpu.memory_space<vmem>>, vector<16xf32>,
        %parallel_loop3A_515 = arith.subf %parallel_loop3A_509, %parallel_loop3A_514 : vector<16xf32>
        %parallel_loop3A_516 = arith.mulf %parallel_loop3A_515, %parallel_loop3A_515 : vector<16xf32>
        %parallel_loop3A_517 = vector.broadcast %scan3A : f32 to vector<16xf32>
        %parallel_loop3A_518 = arith.maximumf %parallel_loop3A_516, %parallel_loop3A_517 : vector<16xf32>
        %parallel_loop3A_519 = vector.broadcast %scan3A_77 : f32 to vector<16xf32>
        %parallel_loop3A_520 = arith.minimumf %parallel_loop3A_518, %parallel_loop3A_519 : vector<16xf32>
        %parallel_loop3A_521 = arith.addf %parallel_loop3A_453, %parallel_loop3A_520 : vector<16xf32>
        %parallel_loop3A_522 = arith.constant 2 : i32
        %parallel_loop3A_523 = arith.index_cast %parallel_loop3A_522 : i32 to index
        %parallel_loop3A_524 = arith.index_cast %parallel_loop3A_258 : i32 to index
        %parallel_loop3A_525 = arith.constant 240 : index
        %parallel_loop3A_526 = tpu.vector_load %arg7[%parallel_loop3A_523, %parallel_loop3A_524, %parallel_loop3A_525] {strides = array<i32>} : memref<4x16x512xf32, #tpu.memory_space<vmem>>, vector<16xf32>,
        %parallel_loop3A_527 = arith.constant 2 : i32
        %parallel_loop3A_528 = arith.index_cast %parallel_loop3A_527 : i32 to index
        %parallel_loop3A_529 = arith.index_cast %parallel_loop3A_258 : i32 to index
        %parallel_loop3A_530 = arith.constant 240 : index
        %parallel_loop3A_531 = tpu.vector_load %arg8[%parallel_loop3A_528, %parallel_loop3A_529, %parallel_loop3A_530] {strides = array<i32>} : memref<4x16x512xf32, #tpu.memory_space<vmem>>, vector<16xf32>,
        %parallel_loop3A_532 = arith.subf %parallel_loop3A_526, %parallel_loop3A_531 : vector<16xf32>
        %parallel_loop3A_533 = arith.mulf %parallel_loop3A_532, %parallel_loop3A_532 : vector<16xf32>
        %parallel_loop3A_534 = vector.broadcast %scan3A : f32 to vector<16xf32>
        %parallel_loop3A_535 = arith.maximumf %parallel_loop3A_533, %parallel_loop3A_534 : vector<16xf32>
        %parallel_loop3A_536 = vector.broadcast %scan3A_77 : f32 to vector<16xf32>
        %parallel_loop3A_537 = arith.minimumf %parallel_loop3A_535, %parallel_loop3A_536 : vector<16xf32>
        %parallel_loop3A_538 = arith.addf %parallel_loop3A_470, %parallel_loop3A_537 : vector<16xf32>
        %parallel_loop3A_539 = arith.constant 2 : i32
        %parallel_loop3A_540 = arith.index_cast %parallel_loop3A_539 : i32 to index
        %parallel_loop3A_541 = arith.index_cast %parallel_loop3A_258 : i32 to index
        %parallel_loop3A_542 = arith.constant 256 : index
        %parallel_loop3A_543 = tpu.vector_load %arg7[%parallel_loop3A_540, %parallel_loop3A_541, %parallel_loop3A_542] {strides = array<i32>} : memref<4x16x512xf32, #tpu.memory_space<vmem>>, vector<16xf32>,
        %parallel_loop3A_544 = arith.constant 2 : i32
        %parallel_loop3A_545 = arith.index_cast %parallel_loop3A_544 : i32 to index
        %parallel_loop3A_546 = arith.index_cast %parallel_loop3A_258 : i32 to index
        %parallel_loop3A_547 = arith.constant 256 : index
        %parallel_loop3A_548 = tpu.vector_load %arg8[%parallel_loop3A_545, %parallel_loop3A_546, %parallel_loop3A_547] {strides = array<i32>} : memref<4x16x512xf32, #tpu.memory_space<vmem>>, vector<16xf32>,
        %parallel_loop3A_549 = arith.subf %parallel_loop3A_543, %parallel_loop3A_548 : vector<16xf32>
        %parallel_loop3A_550 = arith.mulf %parallel_loop3A_549, %parallel_loop3A_549 : vector<16xf32>
        %parallel_loop3A_551 = vector.broadcast %scan3A : f32 to vector<16xf32>
        %parallel_loop3A_552 = arith.maximumf %parallel_loop3A_550, %parallel_loop3A_551 : vector<16xf32>
        %parallel_loop3A_553 = vector.broadcast %scan3A_77 : f32 to vector<16xf32>
        %parallel_loop3A_554 = arith.minimumf %parallel_loop3A_552, %parallel_loop3A_553 : vector<16xf32>
        %parallel_loop3A_555 = arith.addf %parallel_loop3A_487, %parallel_loop3A_554 : vector<16xf32>
        %parallel_loop3A_556 = arith.constant 2 : i32
        %parallel_loop3A_557 = arith.index_cast %parallel_loop3A_556 : i32 to index
        %parallel_loop3A_558 = arith.index_cast %parallel_loop3A_258 : i32 to index
        %parallel_loop3A_559 = arith.constant 272 : index
        %parallel_loop3A_560 = tpu.vector_load %arg7[%parallel_loop3A_557, %parallel_loop3A_558, %parallel_loop3A_559] {strides = array<i32>} : memref<4x16x512xf32, #tpu.memory_space<vmem>>, vector<16xf32>,
        %parallel_loop3A_561 = arith.constant 2 : i32
        %parallel_loop3A_562 = arith.index_cast %parallel_loop3A_561 : i32 to index
        %parallel_loop3A_563 = arith.index_cast %parallel_loop3A_258 : i32 to index
        %parallel_loop3A_564 = arith.constant 272 : index
        %parallel_loop3A_565 = tpu.vector_load %arg8[%parallel_loop3A_562, %parallel_loop3A_563, %parallel_loop3A_564] {strides = array<i32>} : memref<4x16x512xf32, #tpu.memory_space<vmem>>, vector<16xf32>,
        %parallel_loop3A_566 = arith.subf %parallel_loop3A_560, %parallel_loop3A_565 : vector<16xf32>
        %parallel_loop3A_567 = arith.mulf %parallel_loop3A_566, %parallel_loop3A_566 : vector<16xf32>
        %parallel_loop3A_568 = vector.broadcast %scan3A : f32 to vector<16xf32>
        %parallel_loop3A_569 = arith.maximumf %parallel_loop3A_567, %parallel_loop3A_568 : vector<16xf32>
        %parallel_loop3A_570 = vector.broadcast %scan3A_77 : f32 to vector<16xf32>
        %parallel_loop3A_571 = arith.minimumf %parallel_loop3A_569, %parallel_loop3A_570 : vector<16xf32>
        %parallel_loop3A_572 = arith.addf %parallel_loop3A_504, %parallel_loop3A_571 : vector<16xf32>
        %parallel_loop3A_573 = arith.constant 2 : i32
        %parallel_loop3A_574 = arith.index_cast %parallel_loop3A_573 : i32 to index
        %parallel_loop3A_575 = arith.index_cast %parallel_loop3A_258 : i32 to index
        %parallel_loop3A_576 = arith.constant 288 : index
        %parallel_loop3A_577 = tpu.vector_load %arg7[%parallel_loop3A_574, %parallel_loop3A_575, %parallel_loop3A_576] {strides = array<i32>} : memref<4x16x512xf32, #tpu.memory_space<vmem>>, vector<16xf32>,
        %parallel_loop3A_578 = arith.constant 2 : i32
        %parallel_loop3A_579 = arith.index_cast %parallel_loop3A_578 : i32 to index
        %parallel_loop3A_580 = arith.index_cast %parallel_loop3A_258 : i32 to index
        %parallel_loop3A_581 = arith.constant 288 : index
        %parallel_loop3A_582 = tpu.vector_load %arg8[%parallel_loop3A_579, %parallel_loop3A_580, %parallel_loop3A_581] {strides = array<i32>} : memref<4x16x512xf32, #tpu.memory_space<vmem>>, vector<16xf32>,
        %parallel_loop3A_583 = arith.subf %parallel_loop3A_577, %parallel_loop3A_582 : vector<16xf32>
        %parallel_loop3A_584 = arith.mulf %parallel_loop3A_583, %parallel_loop3A_583 : vector<16xf32>
        %parallel_loop3A_585 = vector.broadcast %scan3A : f32 to vector<16xf32>
        %parallel_loop3A_586 = arith.maximumf %parallel_loop3A_584, %parallel_loop3A_585 : vector<16xf32>
        %parallel_loop3A_587 = vector.broadcast %scan3A_77 : f32 to vector<16xf32>
        %parallel_loop3A_588 = arith.minimumf %parallel_loop3A_586, %parallel_loop3A_587 : vector<16xf32>
        %parallel_loop3A_589 = arith.addf %parallel_loop3A_521, %parallel_loop3A_588 : vector<16xf32>
        %parallel_loop3A_590 = arith.constant 2 : i32
        %parallel_loop3A_591 = arith.index_cast %parallel_loop3A_590 : i32 to index
        %parallel_loop3A_592 = arith.index_cast %parallel_loop3A_258 : i32 to index
        %parallel_loop3A_593 = arith.constant 304 : index
        %parallel_loop3A_594 = tpu.vector_load %arg7[%parallel_loop3A_591, %parallel_loop3A_592, %parallel_loop3A_593] {strides = array<i32>} : memref<4x16x512xf32, #tpu.memory_space<vmem>>, vector<16xf32>,
        %parallel_loop3A_595 = arith.constant 2 : i32
        %parallel_loop3A_596 = arith.index_cast %parallel_loop3A_595 : i32 to index
        %parallel_loop3A_597 = arith.index_cast %parallel_loop3A_258 : i32 to index
        %parallel_loop3A_598 = arith.constant 304 : index
        %parallel_loop3A_599 = tpu.vector_load %arg8[%parallel_loop3A_596, %parallel_loop3A_597, %parallel_loop3A_598] {strides = array<i32>} : memref<4x16x512xf32, #tpu.memory_space<vmem>>, vector<16xf32>,
        %parallel_loop3A_600 = arith.subf %parallel_loop3A_594, %parallel_loop3A_599 : vector<16xf32>
        %parallel_loop3A_601 = arith.mulf %parallel_loop3A_600, %parallel_loop3A_600 : vector<16xf32>
        %parallel_loop3A_602 = vector.broadcast %scan3A : f32 to vector<16xf32>
        %parallel_loop3A_603 = arith.maximumf %parallel_loop3A_601, %parallel_loop3A_602 : vector<16xf32>
        %parallel_loop3A_604 = vector.broadcast %scan3A_77 : f32 to vector<16xf32>
        %parallel_loop3A_605 = arith.minimumf %parallel_loop3A_603, %parallel_loop3A_604 : vector<16xf32>
        %parallel_loop3A_606 = arith.addf %parallel_loop3A_538, %parallel_loop3A_605 : vector<16xf32>
        %parallel_loop3A_607 = arith.constant 2 : i32
        %parallel_loop3A_608 = arith.index_cast %parallel_loop3A_607 : i32 to index
        %parallel_loop3A_609 = arith.index_cast %parallel_loop3A_258 : i32 to index
        %parallel_loop3A_610 = arith.constant 320 : index
        %parallel_loop3A_611 = tpu.vector_load %arg7[%parallel_loop3A_608, %parallel_loop3A_609, %parallel_loop3A_610] {strides = array<i32>} : memref<4x16x512xf32, #tpu.memory_space<vmem>>, vector<16xf32>,
        %parallel_loop3A_612 = arith.constant 2 : i32
        %parallel_loop3A_613 = arith.index_cast %parallel_loop3A_612 : i32 to index
        %parallel_loop3A_614 = arith.index_cast %parallel_loop3A_258 : i32 to index
        %parallel_loop3A_615 = arith.constant 320 : index
        %parallel_loop3A_616 = tpu.vector_load %arg8[%parallel_loop3A_613, %parallel_loop3A_614, %parallel_loop3A_615] {strides = array<i32>} : memref<4x16x512xf32, #tpu.memory_space<vmem>>, vector<16xf32>,
        %parallel_loop3A_617 = arith.subf %parallel_loop3A_611, %parallel_loop3A_616 : vector<16xf32>
        %parallel_loop3A_618 = arith.mulf %parallel_loop3A_617, %parallel_loop3A_617 : vector<16xf32>
        %parallel_loop3A_619 = vector.broadcast %scan3A : f32 to vector<16xf32>
        %parallel_loop3A_620 = arith.maximumf %parallel_loop3A_618, %parallel_loop3A_619 : vector<16xf32>
        %parallel_loop3A_621 = vector.broadcast %scan3A_77 : f32 to vector<16xf32>
        %parallel_loop3A_622 = arith.minimumf %parallel_loop3A_620, %parallel_loop3A_621 : vector<16xf32>
        %parallel_loop3A_623 = arith.addf %parallel_loop3A_555, %parallel_loop3A_622 : vector<16xf32>
        %parallel_loop3A_624 = arith.constant 2 : i32
        %parallel_loop3A_625 = arith.index_cast %parallel_loop3A_624 : i32 to index
        %parallel_loop3A_626 = arith.index_cast %parallel_loop3A_258 : i32 to index
        %parallel_loop3A_627 = arith.constant 336 : index
        %parallel_loop3A_628 = tpu.vector_load %arg7[%parallel_loop3A_625, %parallel_loop3A_626, %parallel_loop3A_627] {strides = array<i32>} : memref<4x16x512xf32, #tpu.memory_space<vmem>>, vector<16xf32>,
        %parallel_loop3A_629 = arith.constant 2 : i32
        %parallel_loop3A_630 = arith.index_cast %parallel_loop3A_629 : i32 to index
        %parallel_loop3A_631 = arith.index_cast %parallel_loop3A_258 : i32 to index
        %parallel_loop3A_632 = arith.constant 336 : index
        %parallel_loop3A_633 = tpu.vector_load %arg8[%parallel_loop3A_630, %parallel_loop3A_631, %parallel_loop3A_632] {strides = array<i32>} : memref<4x16x512xf32, #tpu.memory_space<vmem>>, vector<16xf32>,
        %parallel_loop3A_634 = arith.subf %parallel_loop3A_628, %parallel_loop3A_633 : vector<16xf32>
        %parallel_loop3A_635 = arith.mulf %parallel_loop3A_634, %parallel_loop3A_634 : vector<16xf32>
        %parallel_loop3A_636 = vector.broadcast %scan3A : f32 to vector<16xf32>
        %parallel_loop3A_637 = arith.maximumf %parallel_loop3A_635, %parallel_loop3A_636 : vector<16xf32>
        %parallel_loop3A_638 = vector.broadcast %scan3A_77 : f32 to vector<16xf32>
        %parallel_loop3A_639 = arith.minimumf %parallel_loop3A_637, %parallel_loop3A_638 : vector<16xf32>
        %parallel_loop3A_640 = arith.addf %parallel_loop3A_572, %parallel_loop3A_639 : vector<16xf32>
        %parallel_loop3A_641 = arith.constant 2 : i32
        %parallel_loop3A_642 = arith.index_cast %parallel_loop3A_641 : i32 to index
        %parallel_loop3A_643 = arith.index_cast %parallel_loop3A_258 : i32 to index
        %parallel_loop3A_644 = arith.constant 352 : index
        %parallel_loop3A_645 = tpu.vector_load %arg7[%parallel_loop3A_642, %parallel_loop3A_643, %parallel_loop3A_644] {strides = array<i32>} : memref<4x16x512xf32, #tpu.memory_space<vmem>>, vector<16xf32>,
        %parallel_loop3A_646 = arith.constant 2 : i32
        %parallel_loop3A_647 = arith.index_cast %parallel_loop3A_646 : i32 to index
        %parallel_loop3A_648 = arith.index_cast %parallel_loop3A_258 : i32 to index
        %parallel_loop3A_649 = arith.constant 352 : index
        %parallel_loop3A_650 = tpu.vector_load %arg8[%parallel_loop3A_647, %parallel_loop3A_648, %parallel_loop3A_649] {strides = array<i32>} : memref<4x16x512xf32, #tpu.memory_space<vmem>>, vector<16xf32>,
        %parallel_loop3A_651 = arith.subf %parallel_loop3A_645, %parallel_loop3A_650 : vector<16xf32>
        %parallel_loop3A_652 = arith.mulf %parallel_loop3A_651, %parallel_loop3A_651 : vector<16xf32>
        %parallel_loop3A_653 = vector.broadcast %scan3A : f32 to vector<16xf32>
        %parallel_loop3A_654 = arith.maximumf %parallel_loop3A_652, %parallel_loop3A_653 : vector<16xf32>
        %parallel_loop3A_655 = vector.broadcast %scan3A_77 : f32 to vector<16xf32>
        %parallel_loop3A_656 = arith.minimumf %parallel_loop3A_654, %parallel_loop3A_655 : vector<16xf32>
        %parallel_loop3A_657 = arith.addf %parallel_loop3A_589, %parallel_loop3A_656 : vector<16xf32>
        %parallel_loop3A_658 = arith.constant 2 : i32
        %parallel_loop3A_659 = arith.index_cast %parallel_loop3A_658 : i32 to index
        %parallel_loop3A_660 = arith.index_cast %parallel_loop3A_258 : i32 to index
        %parallel_loop3A_661 = arith.constant 368 : index
        %parallel_loop3A_662 = tpu.vector_load %arg7[%parallel_loop3A_659, %parallel_loop3A_660, %parallel_loop3A_661] {strides = array<i32>} : memref<4x16x512xf32, #tpu.memory_space<vmem>>, vector<16xf32>,
        %parallel_loop3A_663 = arith.constant 2 : i32
        %parallel_loop3A_664 = arith.index_cast %parallel_loop3A_663 : i32 to index
        %parallel_loop3A_665 = arith.index_cast %parallel_loop3A_258 : i32 to index
        %parallel_loop3A_666 = arith.constant 368 : index
        %parallel_loop3A_667 = tpu.vector_load %arg8[%parallel_loop3A_664, %parallel_loop3A_665, %parallel_loop3A_666] {strides = array<i32>} : memref<4x16x512xf32, #tpu.memory_space<vmem>>, vector<16xf32>,
        %parallel_loop3A_668 = arith.subf %parallel_loop3A_662, %parallel_loop3A_667 : vector<16xf32>
        %parallel_loop3A_669 = arith.mulf %parallel_loop3A_668, %parallel_loop3A_668 : vector<16xf32>
        %parallel_loop3A_670 = vector.broadcast %scan3A : f32 to vector<16xf32>
        %parallel_loop3A_671 = arith.maximumf %parallel_loop3A_669, %parallel_loop3A_670 : vector<16xf32>
        %parallel_loop3A_672 = vector.broadcast %scan3A_77 : f32 to vector<16xf32>
        %parallel_loop3A_673 = arith.minimumf %parallel_loop3A_671, %parallel_loop3A_672 : vector<16xf32>
        %parallel_loop3A_674 = arith.addf %parallel_loop3A_606, %parallel_loop3A_673 : vector<16xf32>
        %parallel_loop3A_675 = arith.constant 2 : i32
        %parallel_loop3A_676 = arith.index_cast %parallel_loop3A_675 : i32 to index
        %parallel_loop3A_677 = arith.index_cast %parallel_loop3A_258 : i32 to index
        %parallel_loop3A_678 = arith.constant 384 : index
        %parallel_loop3A_679 = tpu.vector_load %arg7[%parallel_loop3A_676, %parallel_loop3A_677, %parallel_loop3A_678] {strides = array<i32>} : memref<4x16x512xf32, #tpu.memory_space<vmem>>, vector<16xf32>,
        %parallel_loop3A_680 = arith.constant 2 : i32
        %parallel_loop3A_681 = arith.index_cast %parallel_loop3A_680 : i32 to index
        %parallel_loop3A_682 = arith.index_cast %parallel_loop3A_258 : i32 to index
        %parallel_loop3A_683 = arith.constant 384 : index
        %parallel_loop3A_684 = tpu.vector_load %arg8[%parallel_loop3A_681, %parallel_loop3A_682, %parallel_loop3A_683] {strides = array<i32>} : memref<4x16x512xf32, #tpu.memory_space<vmem>>, vector<16xf32>,
        %parallel_loop3A_685 = arith.subf %parallel_loop3A_679, %parallel_loop3A_684 : vector<16xf32>
        %parallel_loop3A_686 = arith.mulf %parallel_loop3A_685, %parallel_loop3A_685 : vector<16xf32>
        %parallel_loop3A_687 = vector.broadcast %scan3A : f32 to vector<16xf32>
        %parallel_loop3A_688 = arith.maximumf %parallel_loop3A_686, %parallel_loop3A_687 : vector<16xf32>
        %parallel_loop3A_689 = vector.broadcast %scan3A_77 : f32 to vector<16xf32>
        %parallel_loop3A_690 = arith.minimumf %parallel_loop3A_688, %parallel_loop3A_689 : vector<16xf32>
        %parallel_loop3A_691 = arith.addf %parallel_loop3A_623, %parallel_loop3A_690 : vector<16xf32>
        %parallel_loop3A_692 = arith.constant 2 : i32
        %parallel_loop3A_693 = arith.index_cast %parallel_loop3A_692 : i32 to index
        %parallel_loop3A_694 = arith.index_cast %parallel_loop3A_258 : i32 to index
        %parallel_loop3A_695 = arith.constant 400 : index
        %parallel_loop3A_696 = tpu.vector_load %arg7[%parallel_loop3A_693, %parallel_loop3A_694, %parallel_loop3A_695] {strides = array<i32>} : memref<4x16x512xf32, #tpu.memory_space<vmem>>, vector<16xf32>,
        %parallel_loop3A_697 = arith.constant 2 : i32
        %parallel_loop3A_698 = arith.index_cast %parallel_loop3A_697 : i32 to index
        %parallel_loop3A_699 = arith.index_cast %parallel_loop3A_258 : i32 to index
        %parallel_loop3A_700 = arith.constant 400 : index
        %parallel_loop3A_701 = tpu.vector_load %arg8[%parallel_loop3A_698, %parallel_loop3A_699, %parallel_loop3A_700] {strides = array<i32>} : memref<4x16x512xf32, #tpu.memory_space<vmem>>, vector<16xf32>,
        %parallel_loop3A_702 = arith.subf %parallel_loop3A_696, %parallel_loop3A_701 : vector<16xf32>
        %parallel_loop3A_703 = arith.mulf %parallel_loop3A_702, %parallel_loop3A_702 : vector<16xf32>
        %parallel_loop3A_704 = vector.broadcast %scan3A : f32 to vector<16xf32>
        %parallel_loop3A_705 = arith.maximumf %parallel_loop3A_703, %parallel_loop3A_704 : vector<16xf32>
        %parallel_loop3A_706 = vector.broadcast %scan3A_77 : f32 to vector<16xf32>
        %parallel_loop3A_707 = arith.minimumf %parallel_loop3A_705, %parallel_loop3A_706 : vector<16xf32>
        %parallel_loop3A_708 = arith.addf %parallel_loop3A_640, %parallel_loop3A_707 : vector<16xf32>
        %parallel_loop3A_709 = arith.constant 2 : i32
        %parallel_loop3A_710 = arith.index_cast %parallel_loop3A_709 : i32 to index
        %parallel_loop3A_711 = arith.index_cast %parallel_loop3A_258 : i32 to index
        %parallel_loop3A_712 = arith.constant 416 : index
        %parallel_loop3A_713 = tpu.vector_load %arg7[%parallel_loop3A_710, %parallel_loop3A_711, %parallel_loop3A_712] {strides = array<i32>} : memref<4x16x512xf32, #tpu.memory_space<vmem>>, vector<16xf32>,
        %parallel_loop3A_714 = arith.constant 2 : i32
        %parallel_loop3A_715 = arith.index_cast %parallel_loop3A_714 : i32 to index
        %parallel_loop3A_716 = arith.index_cast %parallel_loop3A_258 : i32 to index
        %parallel_loop3A_717 = arith.constant 416 : index
        %parallel_loop3A_718 = tpu.vector_load %arg8[%parallel_loop3A_715, %parallel_loop3A_716, %parallel_loop3A_717] {strides = array<i32>} : memref<4x16x512xf32, #tpu.memory_space<vmem>>, vector<16xf32>,
        %parallel_loop3A_719 = arith.subf %parallel_loop3A_713, %parallel_loop3A_718 : vector<16xf32>
        %parallel_loop3A_720 = arith.mulf %parallel_loop3A_719, %parallel_loop3A_719 : vector<16xf32>
        %parallel_loop3A_721 = vector.broadcast %scan3A : f32 to vector<16xf32>
        %parallel_loop3A_722 = arith.maximumf %parallel_loop3A_720, %parallel_loop3A_721 : vector<16xf32>
        %parallel_loop3A_723 = vector.broadcast %scan3A_77 : f32 to vector<16xf32>
        %parallel_loop3A_724 = arith.minimumf %parallel_loop3A_722, %parallel_loop3A_723 : vector<16xf32>
        %parallel_loop3A_725 = arith.addf %parallel_loop3A_657, %parallel_loop3A_724 : vector<16xf32>
        %parallel_loop3A_726 = arith.constant 2 : i32
        %parallel_loop3A_727 = arith.index_cast %parallel_loop3A_726 : i32 to index
        %parallel_loop3A_728 = arith.index_cast %parallel_loop3A_258 : i32 to index
        %parallel_loop3A_729 = arith.constant 432 : index
        %parallel_loop3A_730 = tpu.vector_load %arg7[%parallel_loop3A_727, %parallel_loop3A_728, %parallel_loop3A_729] {strides = array<i32>} : memref<4x16x512xf32, #tpu.memory_space<vmem>>, vector<16xf32>,
        %parallel_loop3A_731 = arith.constant 2 : i32
        %parallel_loop3A_732 = arith.index_cast %parallel_loop3A_731 : i32 to index
        %parallel_loop3A_733 = arith.index_cast %parallel_loop3A_258 : i32 to index
        %parallel_loop3A_734 = arith.constant 432 : index
        %parallel_loop3A_735 = tpu.vector_load %arg8[%parallel_loop3A_732, %parallel_loop3A_733, %parallel_loop3A_734] {strides = array<i32>} : memref<4x16x512xf32, #tpu.memory_space<vmem>>, vector<16xf32>,
        %parallel_loop3A_736 = arith.subf %parallel_loop3A_730, %parallel_loop3A_735 : vector<16xf32>
        %parallel_loop3A_737 = arith.mulf %parallel_loop3A_736, %parallel_loop3A_736 : vector<16xf32>
        %parallel_loop3A_738 = vector.broadcast %scan3A : f32 to vector<16xf32>
        %parallel_loop3A_739 = arith.maximumf %parallel_loop3A_737, %parallel_loop3A_738 : vector<16xf32>
        %parallel_loop3A_740 = vector.broadcast %scan3A_77 : f32 to vector<16xf32>
        %parallel_loop3A_741 = arith.minimumf %parallel_loop3A_739, %parallel_loop3A_740 : vector<16xf32>
        %parallel_loop3A_742 = arith.addf %parallel_loop3A_674, %parallel_loop3A_741 : vector<16xf32>
        %parallel_loop3A_743 = arith.constant 2 : i32
        %parallel_loop3A_744 = arith.index_cast %parallel_loop3A_743 : i32 to index
        %parallel_loop3A_745 = arith.index_cast %parallel_loop3A_258 : i32 to index
        %parallel_loop3A_746 = arith.constant 448 : index
        %parallel_loop3A_747 = tpu.vector_load %arg7[%parallel_loop3A_744, %parallel_loop3A_745, %parallel_loop3A_746] {strides = array<i32>} : memref<4x16x512xf32, #tpu.memory_space<vmem>>, vector<16xf32>,
        %parallel_loop3A_748 = arith.constant 2 : i32
        %parallel_loop3A_749 = arith.index_cast %parallel_loop3A_748 : i32 to index
        %parallel_loop3A_750 = arith.index_cast %parallel_loop3A_258 : i32 to index
        %parallel_loop3A_751 = arith.constant 448 : index
        %parallel_loop3A_752 = tpu.vector_load %arg8[%parallel_loop3A_749, %parallel_loop3A_750, %parallel_loop3A_751] {strides = array<i32>} : memref<4x16x512xf32, #tpu.memory_space<vmem>>, vector<16xf32>,
        %parallel_loop3A_753 = arith.subf %parallel_loop3A_747, %parallel_loop3A_752 : vector<16xf32>
        %parallel_loop3A_754 = arith.mulf %parallel_loop3A_753, %parallel_loop3A_753 : vector<16xf32>
        %parallel_loop3A_755 = vector.broadcast %scan3A : f32 to vector<16xf32>
        %parallel_loop3A_756 = arith.maximumf %parallel_loop3A_754, %parallel_loop3A_755 : vector<16xf32>
        %parallel_loop3A_757 = vector.broadcast %scan3A_77 : f32 to vector<16xf32>
        %parallel_loop3A_758 = arith.minimumf %parallel_loop3A_756, %parallel_loop3A_757 : vector<16xf32>
        %parallel_loop3A_759 = arith.addf %parallel_loop3A_691, %parallel_loop3A_758 : vector<16xf32>
        %parallel_loop3A_760 = arith.constant 2 : i32
        %parallel_loop3A_761 = arith.index_cast %parallel_loop3A_760 : i32 to index
        %parallel_loop3A_762 = arith.index_cast %parallel_loop3A_258 : i32 to index
        %parallel_loop3A_763 = arith.constant 464 : index
        %parallel_loop3A_764 = tpu.vector_load %arg7[%parallel_loop3A_761, %parallel_loop3A_762, %parallel_loop3A_763] {strides = array<i32>} : memref<4x16x512xf32, #tpu.memory_space<vmem>>, vector<16xf32>,
        %parallel_loop3A_765 = arith.constant 2 : i32
        %parallel_loop3A_766 = arith.index_cast %parallel_loop3A_765 : i32 to index
        %parallel_loop3A_767 = arith.index_cast %parallel_loop3A_258 : i32 to index
        %parallel_loop3A_768 = arith.constant 464 : index
        %parallel_loop3A_769 = tpu.vector_load %arg8[%parallel_loop3A_766, %parallel_loop3A_767, %parallel_loop3A_768] {strides = array<i32>} : memref<4x16x512xf32, #tpu.memory_space<vmem>>, vector<16xf32>,
        %parallel_loop3A_770 = arith.subf %parallel_loop3A_764, %parallel_loop3A_769 : vector<16xf32>
        %parallel_loop3A_771 = arith.mulf %parallel_loop3A_770, %parallel_loop3A_770 : vector<16xf32>
        %parallel_loop3A_772 = vector.broadcast %scan3A : f32 to vector<16xf32>
        %parallel_loop3A_773 = arith.maximumf %parallel_loop3A_771, %parallel_loop3A_772 : vector<16xf32>
        %parallel_loop3A_774 = vector.broadcast %scan3A_77 : f32 to vector<16xf32>
        %parallel_loop3A_775 = arith.minimumf %parallel_loop3A_773, %parallel_loop3A_774 : vector<16xf32>
        %parallel_loop3A_776 = arith.addf %parallel_loop3A_708, %parallel_loop3A_775 : vector<16xf32>
        %parallel_loop3A_777 = arith.constant 2 : i32
        %parallel_loop3A_778 = arith.index_cast %parallel_loop3A_777 : i32 to index
        %parallel_loop3A_779 = arith.index_cast %parallel_loop3A_258 : i32 to index
        %parallel_loop3A_780 = arith.constant 480 : index
        %parallel_loop3A_781 = tpu.vector_load %arg7[%parallel_loop3A_778, %parallel_loop3A_779, %parallel_loop3A_780] {strides = array<i32>} : memref<4x16x512xf32, #tpu.memory_space<vmem>>, vector<16xf32>,
        %parallel_loop3A_782 = arith.constant 2 : i32
        %parallel_loop3A_783 = arith.index_cast %parallel_loop3A_782 : i32 to index
        %parallel_loop3A_784 = arith.index_cast %parallel_loop3A_258 : i32 to index
        %parallel_loop3A_785 = arith.constant 480 : index
        %parallel_loop3A_786 = tpu.vector_load %arg8[%parallel_loop3A_783, %parallel_loop3A_784, %parallel_loop3A_785] {strides = array<i32>} : memref<4x16x512xf32, #tpu.memory_space<vmem>>, vector<16xf32>,
        %parallel_loop3A_787 = arith.subf %parallel_loop3A_781, %parallel_loop3A_786 : vector<16xf32>
        %parallel_loop3A_788 = arith.mulf %parallel_loop3A_787, %parallel_loop3A_787 : vector<16xf32>
        %parallel_loop3A_789 = vector.broadcast %scan3A : f32 to vector<16xf32>
        %parallel_loop3A_790 = arith.maximumf %parallel_loop3A_788, %parallel_loop3A_789 : vector<16xf32>
        %parallel_loop3A_791 = vector.broadcast %scan3A_77 : f32 to vector<16xf32>
        %parallel_loop3A_792 = arith.minimumf %parallel_loop3A_790, %parallel_loop3A_791 : vector<16xf32>
        %parallel_loop3A_793 = arith.addf %parallel_loop3A_725, %parallel_loop3A_792 : vector<16xf32>
        %parallel_loop3A_794 = arith.constant 2 : i32
        %parallel_loop3A_795 = arith.index_cast %parallel_loop3A_794 : i32 to index
        %parallel_loop3A_796 = arith.index_cast %parallel_loop3A_258 : i32 to index
        %parallel_loop3A_797 = arith.constant 496 : index
        %parallel_loop3A_798 = tpu.vector_load %arg7[%parallel_loop3A_795, %parallel_loop3A_796, %parallel_loop3A_797] {strides = array<i32>} : memref<4x16x512xf32, #tpu.memory_space<vmem>>, vector<16xf32>,
        %parallel_loop3A_799 = arith.constant 2 : i32
        %parallel_loop3A_800 = arith.index_cast %parallel_loop3A_799 : i32 to index
        %parallel_loop3A_801 = arith.index_cast %parallel_loop3A_258 : i32 to index
        %parallel_loop3A_802 = arith.constant 496 : index
        %parallel_loop3A_803 = tpu.vector_load %arg8[%parallel_loop3A_800, %parallel_loop3A_801, %parallel_loop3A_802] {strides = array<i32>} : memref<4x16x512xf32, #tpu.memory_space<vmem>>, vector<16xf32>,
        %parallel_loop3A_804 = arith.subf %parallel_loop3A_798, %parallel_loop3A_803 : vector<16xf32>
        %parallel_loop3A_805 = arith.mulf %parallel_loop3A_804, %parallel_loop3A_804 : vector<16xf32>
        %parallel_loop3A_806 = vector.broadcast %scan3A : f32 to vector<16xf32>
        %parallel_loop3A_807 = arith.maximumf %parallel_loop3A_805, %parallel_loop3A_806 : vector<16xf32>
        %parallel_loop3A_808 = vector.broadcast %scan3A_77 : f32 to vector<16xf32>
        %parallel_loop3A_809 = arith.minimumf %parallel_loop3A_807, %parallel_loop3A_808 : vector<16xf32>
        %parallel_loop3A_810 = arith.addf %parallel_loop3A_742, %parallel_loop3A_809 : vector<16xf32>
        %parallel_loop3A_811 = arith.addf %parallel_loop3A_759, %parallel_loop3A_776 : vector<16xf32>
        %parallel_loop3A_812 = arith.addf %parallel_loop3A_793, %parallel_loop3A_810 : vector<16xf32>
        %parallel_loop3A_813 = arith.addf %parallel_loop3A_811, %parallel_loop3A_812 : vector<16xf32>
        %parallel_loop3A_814 = arith.addi %mul3A_211, %parallel_loop3A_258 : i32
        %parallel_loop3A_815 = arith.constant 16 : i32
        %parallel_loop3A_816 = arith.muli %parallel_loop3A_814, %parallel_loop3A_815 : i32
        %parallel_loop3A_817 = arith.index_cast %parallel_loop3A_816 : i32 to index
        %parallel_loop3A_818 = tpu.vector_load %arg9[%parallel_loop3A_817] {strides = array<i32>} : memref<8192xf32, #tpu.memory_space<vmem>>, vector<16xf32>,
        tpu.vector_store %arg9[%parallel_loop3A_817], %parallel_loop3A_813 {strides = array<i32>} : memref<8192xf32, #tpu.memory_space<vmem>>, vector<16xf32>,
      } {sc.loop_unroll_factor = 2 : i64, sc.parallel_access}
      %mul3A_215 = arith.constant 4 : i32
      %mul3A_216 = arith.muli %add3A_90, %mul3A_215 : i32
      %add3A_217 = arith.constant 3 : i32
      %add3A_218 = arith.addi %mul3A_216, %add3A_217 : i32
      %add3A_219 = arith.constant 4 : i32
      %add3A_220 = arith.addi %add3A_218, %add3A_219 : i32
      %sub3A_221 = arith.constant 1 : i32
      %sub3A_222 = arith.subi %add3A_220, %sub3A_221 : i32
      %lt3A_223 = arith.constant 32 : i32
      %lt3A_224 = arith.cmpi slt, %sub3A_222, %lt3A_223 : i32
      %convert_element_type3A_225 = arith.extui %lt3A_224 : i1 to i32
      %cond3A_226 = arith.constant 0 : i32
      %cond3A_227 = arith.cmpi ne, %convert_element_type3A_225, %cond3A_226 : i32
      scf.if %cond3A_227 {
        %add3A_258 = arith.constant 4 : i32
        %add3A_259 = arith.addi %add3A_218, %add3A_258 : i32
        %sub3A_260 = arith.constant 1 : i32
        %sub3A_261 = arith.subi %add3A_259, %sub3A_260 : i32
        %mul3A_262 = arith.constant 16 : i32
        %mul3A_263 = arith.muli %sub3A_261, %mul3A_262 : i32
        %add3A_264 = arith.addi %mul3A_2, %mul3A_263 : i32
        %dma_start3A_265 = arith.constant 2 : i32
        %dma_start3A_266 = arith.constant 0 : i32
        %dma_start3A_267 = arith.constant 0 : i32
        %dma_start3A_268 = tpu.memref_slice %arg7[%dma_start3A_265, %dma_start3A_266, %dma_start3A_267] : memref<4x16x512xf32, #tpu.memory_space<vmem>> -> memref<1x16x512xf32, #tpu.memory_space<vmem>>
        %dma_start3A_269 = tpu.memref_squeeze %dma_start3A_268 : memref<1x16x512xf32, #tpu.memory_space<vmem>> -> memref<16x512xf32, #tpu.memory_space<vmem>>
        %dma_start3A_270 = arith.constant 0 : i32
        %dma_start3A_271 = tpu.memref_slice %arg2[%add3A_264, %dma_start3A_270] : memref<16384x512xf32, #tpu.memory_space<hbm>> -> memref<16x512xf32, #tpu.memory_space<hbm>>
        %dma_start3A_272 = arith.constant 0 : i32
        %dma_start3A_273 = arith.constant 0 : i32
        %dma_start3A_274 = tpu.memref_slice %arg7[%dma_start3A_265, %dma_start3A_272, %dma_start3A_273] : memref<4x16x512xf32, #tpu.memory_space<vmem>> -> memref<1x16x512xf32, #tpu.memory_space<vmem>>
        %dma_start3A_275 = tpu.memref_squeeze %dma_start3A_274 : memref<1x16x512xf32, #tpu.memory_space<vmem>> -> memref<16x512xf32, #tpu.memory_space<vmem>>
        %dma_start3A_276 = arith.constant 0 : i32
        %dma_start3A_277 = tpu.memref_slice %arg2[%add3A_264, %dma_start3A_276] : memref<16384x512xf32, #tpu.memory_space<hbm>> -> memref<16x512xf32, #tpu.memory_space<hbm>>
        tpu.enqueue_dma source(%dma_start3A_277 : memref<16x512xf32, #tpu.memory_space<hbm>>) target(%dma_start3A_275 : memref<16x512xf32, #tpu.memory_space<vmem>>) target_semaphore(%arg13 : memref<!tpu.dma_semaphore, #tpu.memory_space<semaphore_mem>>)
        %dma_start3A_278 = arith.constant 2 : i32
        %dma_start3A_279 = arith.constant 0 : i32
        %dma_start3A_280 = arith.constant 0 : i32
        %dma_start3A_281 = tpu.memref_slice %arg8[%dma_start3A_278, %dma_start3A_279, %dma_start3A_280] : memref<4x16x512xf32, #tpu.memory_space<vmem>> -> memref<1x16x512xf32, #tpu.memory_space<vmem>>
        %dma_start3A_282 = tpu.memref_squeeze %dma_start3A_281 : memref<1x16x512xf32, #tpu.memory_space<vmem>> -> memref<16x512xf32, #tpu.memory_space<vmem>>
        %dma_start3A_283 = tpu.memref_slice %arg6[%mul3A_263] : memref<512xi32, #tpu.memory_space<vmem>> -> memref<16xi32, #tpu.memory_space<vmem>>
        %dma_start3A_284 = arith.constant 0 : i32
        %dma_start3A_285 = arith.constant 0 : i32
        %dma_start3A_286 = tpu.memref_slice %arg4[%dma_start3A_284, %dma_start3A_285] : memref<1000x512xf32, #tpu.memory_space<hbm>> -> memref<1000x512xf32, #tpu.memory_space<hbm>>
        tpu.enqueue_indirect_dma source(%dma_start3A_286 : memref<1000x512xf32, #tpu.memory_space<hbm>>) target(%dma_start3A_282 : memref<16x512xf32, #tpu.memory_space<vmem>>) offsets(%dma_start3A_283 : memref<16xi32, #tpu.memory_space<vmem>>) semaphore(%arg17 : memref<!tpu.dma_semaphore, #tpu.memory_space<semaphore_mem>>)
      } else {
      }
      %dma_wait3A_228 = arith.constant 3 : i32
      %dma_wait3A_229 = arith.constant 0 : i32
      %dma_wait3A_230 = arith.constant 0 : i32
      %dma_wait3A_231 = tpu.memref_slice %arg7[%dma_wait3A_228, %dma_wait3A_229, %dma_wait3A_230] : memref<4x16x512xf32, #tpu.memory_space<vmem>> -> memref<1x16x512xf32, #tpu.memory_space<vmem>>
      %dma_wait3A_232 = tpu.memref_squeeze %dma_wait3A_231 : memref<1x16x512xf32, #tpu.memory_space<vmem>> -> memref<16x512xf32, #tpu.memory_space<vmem>>
      %dma_wait3A_233 = arith.constant 0 : i32
      %dma_wait3A_234 = arith.constant 0 : i32
      %dma_wait3A_235 = tpu.memref_slice %arg2[%dma_wait3A_233, %dma_wait3A_234] : memref<16384x512xf32, #tpu.memory_space<hbm>> -> memref<16x512xf32, #tpu.memory_space<hbm>>
      %dma_wait3A_236 = arith.constant 0 : i32
      %dma_wait3A_237 = arith.constant 0 : i32
      %dma_wait3A_238 = tpu.memref_slice %arg7[%dma_wait3A_228, %dma_wait3A_236, %dma_wait3A_237] : memref<4x16x512xf32, #tpu.memory_space<vmem>> -> memref<1x16x512xf32, #tpu.memory_space<vmem>>
      %dma_wait3A_239 = tpu.memref_squeeze %dma_wait3A_238 : memref<1x16x512xf32, #tpu.memory_space<vmem>> -> memref<16x512xf32, #tpu.memory_space<vmem>>
      %dma_wait3A_240 = arith.constant 0 : i32
      %dma_wait3A_241 = arith.constant 0 : i32
      %dma_wait3A_242 = tpu.memref_slice %arg2[%dma_wait3A_240, %dma_wait3A_241] : memref<16384x512xf32, #tpu.memory_space<hbm>> -> memref<16x512xf32, #tpu.memory_space<hbm>>
      tpu.wait_dma2 semaphore(%arg14 : memref<!tpu.dma_semaphore, #tpu.memory_space<semaphore_mem>>) src(%dma_wait3A_242 : memref<16x512xf32, #tpu.memory_space<hbm>>) dst(%dma_wait3A_239 : memref<16x512xf32, #tpu.memory_space<vmem>>)
      %dma_wait3A_243 = arith.constant 3 : i32
      %dma_wait3A_244 = arith.constant 0 : i32
      %dma_wait3A_245 = arith.constant 0 : i32
      %dma_wait3A_246 = tpu.memref_slice %arg8[%dma_wait3A_243, %dma_wait3A_244, %dma_wait3A_245] : memref<4x16x512xf32, #tpu.memory_space<vmem>> -> memref<1x16x512xf32, #tpu.memory_space<vmem>>
      %dma_wait3A_247 = tpu.memref_squeeze %dma_wait3A_246 : memref<1x16x512xf32, #tpu.memory_space<vmem>> -> memref<16x512xf32, #tpu.memory_space<vmem>>
      %dma_wait3A_248 = arith.constant 0 : i32
      %dma_wait3A_249 = tpu.memref_slice %arg6[%dma_wait3A_248] : memref<512xi32, #tpu.memory_space<vmem>> -> memref<16xi32, #tpu.memory_space<vmem>>
      %dma_wait3A_250 = arith.constant 0 : i32
      %dma_wait3A_251 = arith.constant 0 : i32
      %dma_wait3A_252 = tpu.memref_slice %arg4[%dma_wait3A_250, %dma_wait3A_251] : memref<1000x512xf32, #tpu.memory_space<hbm>> -> memref<1000x512xf32, #tpu.memory_space<hbm>>
      tpu.wait_indirect_dma semaphore(%arg18 : memref<!tpu.dma_semaphore, #tpu.memory_space<semaphore_mem>>) src(%dma_wait3A_252 : memref<1000x512xf32, #tpu.memory_space<hbm>>) dst(%dma_wait3A_247 : memref<16x512xf32, #tpu.memory_space<vmem>>)
      %mul3A_253 = arith.constant 16 : i32
      %mul3A_254 = arith.muli %add3A_218, %mul3A_253 : i32
      %parallel_loop3A_255 = arith.constant 0 : i32
      %parallel_loop3A_256 = arith.constant 16 : i32
      %parallel_loop3A_257 = arith.constant 1 : i32
      scf.for %parallel_loop3A_258 = %parallel_loop3A_255 to %parallel_loop3A_256 step %parallel_loop3A_257  : i32 {
        %parallel_loop3A_259 = arith.constant 0.000000e+00 : f32
        %parallel_loop3A_260 = vector.broadcast %parallel_loop3A_259 : f32 to vector<16xf32>
        %parallel_loop3A_261 = arith.constant 0.000000e+00 : f32
        %parallel_loop3A_262 = vector.broadcast %parallel_loop3A_261 : f32 to vector<16xf32>
        %parallel_loop3A_263 = arith.constant 0.000000e+00 : f32
        %parallel_loop3A_264 = vector.broadcast %parallel_loop3A_263 : f32 to vector<16xf32>
        %parallel_loop3A_265 = arith.constant 0.000000e+00 : f32
        %parallel_loop3A_266 = vector.broadcast %parallel_loop3A_265 : f32 to vector<16xf32>
        %parallel_loop3A_267 = arith.constant 3 : i32
        %parallel_loop3A_268 = arith.index_cast %parallel_loop3A_267 : i32 to index
        %parallel_loop3A_269 = arith.index_cast %parallel_loop3A_258 : i32 to index
        %parallel_loop3A_270 = arith.constant 0 : index
        %parallel_loop3A_271 = tpu.vector_load %arg7[%parallel_loop3A_268, %parallel_loop3A_269, %parallel_loop3A_270] {strides = array<i32>} : memref<4x16x512xf32, #tpu.memory_space<vmem>>, vector<16xf32>,
        %parallel_loop3A_272 = arith.constant 3 : i32
        %parallel_loop3A_273 = arith.index_cast %parallel_loop3A_272 : i32 to index
        %parallel_loop3A_274 = arith.index_cast %parallel_loop3A_258 : i32 to index
        %parallel_loop3A_275 = arith.constant 0 : index
        %parallel_loop3A_276 = tpu.vector_load %arg8[%parallel_loop3A_273, %parallel_loop3A_274, %parallel_loop3A_275] {strides = array<i32>} : memref<4x16x512xf32, #tpu.memory_space<vmem>>, vector<16xf32>,
        %parallel_loop3A_277 = arith.subf %parallel_loop3A_271, %parallel_loop3A_276 : vector<16xf32>
        %parallel_loop3A_278 = arith.mulf %parallel_loop3A_277, %parallel_loop3A_277 : vector<16xf32>
        %parallel_loop3A_279 = vector.broadcast %scan3A : f32 to vector<16xf32>
        %parallel_loop3A_280 = arith.maximumf %parallel_loop3A_278, %parallel_loop3A_279 : vector<16xf32>
        %parallel_loop3A_281 = vector.broadcast %scan3A_77 : f32 to vector<16xf32>
        %parallel_loop3A_282 = arith.minimumf %parallel_loop3A_280, %parallel_loop3A_281 : vector<16xf32>
        %parallel_loop3A_283 = arith.addf %parallel_loop3A_260, %parallel_loop3A_282 : vector<16xf32>
        %parallel_loop3A_284 = arith.constant 3 : i32
        %parallel_loop3A_285 = arith.index_cast %parallel_loop3A_284 : i32 to index
        %parallel_loop3A_286 = arith.index_cast %parallel_loop3A_258 : i32 to index
        %parallel_loop3A_287 = arith.constant 16 : index
        %parallel_loop3A_288 = tpu.vector_load %arg7[%parallel_loop3A_285, %parallel_loop3A_286, %parallel_loop3A_287] {strides = array<i32>} : memref<4x16x512xf32, #tpu.memory_space<vmem>>, vector<16xf32>,
        %parallel_loop3A_289 = arith.constant 3 : i32
        %parallel_loop3A_290 = arith.index_cast %parallel_loop3A_289 : i32 to index
        %parallel_loop3A_291 = arith.index_cast %parallel_loop3A_258 : i32 to index
        %parallel_loop3A_292 = arith.constant 16 : index
        %parallel_loop3A_293 = tpu.vector_load %arg8[%parallel_loop3A_290, %parallel_loop3A_291, %parallel_loop3A_292] {strides = array<i32>} : memref<4x16x512xf32, #tpu.memory_space<vmem>>, vector<16xf32>,
        %parallel_loop3A_294 = arith.subf %parallel_loop3A_288, %parallel_loop3A_293 : vector<16xf32>
        %parallel_loop3A_295 = arith.mulf %parallel_loop3A_294, %parallel_loop3A_294 : vector<16xf32>
        %parallel_loop3A_296 = vector.broadcast %scan3A : f32 to vector<16xf32>
        %parallel_loop3A_297 = arith.maximumf %parallel_loop3A_295, %parallel_loop3A_296 : vector<16xf32>
        %parallel_loop3A_298 = vector.broadcast %scan3A_77 : f32 to vector<16xf32>
        %parallel_loop3A_299 = arith.minimumf %parallel_loop3A_297, %parallel_loop3A_298 : vector<16xf32>
        %parallel_loop3A_300 = arith.addf %parallel_loop3A_262, %parallel_loop3A_299 : vector<16xf32>
        %parallel_loop3A_301 = arith.constant 3 : i32
        %parallel_loop3A_302 = arith.index_cast %parallel_loop3A_301 : i32 to index
        %parallel_loop3A_303 = arith.index_cast %parallel_loop3A_258 : i32 to index
        %parallel_loop3A_304 = arith.constant 32 : index
        %parallel_loop3A_305 = tpu.vector_load %arg7[%parallel_loop3A_302, %parallel_loop3A_303, %parallel_loop3A_304] {strides = array<i32>} : memref<4x16x512xf32, #tpu.memory_space<vmem>>, vector<16xf32>,
        %parallel_loop3A_306 = arith.constant 3 : i32
        %parallel_loop3A_307 = arith.index_cast %parallel_loop3A_306 : i32 to index
        %parallel_loop3A_308 = arith.index_cast %parallel_loop3A_258 : i32 to index
        %parallel_loop3A_309 = arith.constant 32 : index
        %parallel_loop3A_310 = tpu.vector_load %arg8[%parallel_loop3A_307, %parallel_loop3A_308, %parallel_loop3A_309] {strides = array<i32>} : memref<4x16x512xf32, #tpu.memory_space<vmem>>, vector<16xf32>,
        %parallel_loop3A_311 = arith.subf %parallel_loop3A_305, %parallel_loop3A_310 : vector<16xf32>
        %parallel_loop3A_312 = arith.mulf %parallel_loop3A_311, %parallel_loop3A_311 : vector<16xf32>
        %parallel_loop3A_313 = vector.broadcast %scan3A : f32 to vector<16xf32>
        %parallel_loop3A_314 = arith.maximumf %parallel_loop3A_312, %parallel_loop3A_313 : vector<16xf32>
        %parallel_loop3A_315 = vector.broadcast %scan3A_77 : f32 to vector<16xf32>
        %parallel_loop3A_316 = arith.minimumf %parallel_loop3A_314, %parallel_loop3A_315 : vector<16xf32>
        %parallel_loop3A_317 = arith.addf %parallel_loop3A_264, %parallel_loop3A_316 : vector<16xf32>
        %parallel_loop3A_318 = arith.constant 3 : i32
        %parallel_loop3A_319 = arith.index_cast %parallel_loop3A_318 : i32 to index
        %parallel_loop3A_320 = arith.index_cast %parallel_loop3A_258 : i32 to index
        %parallel_loop3A_321 = arith.constant 48 : index
        %parallel_loop3A_322 = tpu.vector_load %arg7[%parallel_loop3A_319, %parallel_loop3A_320, %parallel_loop3A_321] {strides = array<i32>} : memref<4x16x512xf32, #tpu.memory_space<vmem>>, vector<16xf32>,
        %parallel_loop3A_323 = arith.constant 3 : i32
        %parallel_loop3A_324 = arith.index_cast %parallel_loop3A_323 : i32 to index
        %parallel_loop3A_325 = arith.index_cast %parallel_loop3A_258 : i32 to index
        %parallel_loop3A_326 = arith.constant 48 : index
        %parallel_loop3A_327 = tpu.vector_load %arg8[%parallel_loop3A_324, %parallel_loop3A_325, %parallel_loop3A_326] {strides = array<i32>} : memref<4x16x512xf32, #tpu.memory_space<vmem>>, vector<16xf32>,
        %parallel_loop3A_328 = arith.subf %parallel_loop3A_322, %parallel_loop3A_327 : vector<16xf32>
        %parallel_loop3A_329 = arith.mulf %parallel_loop3A_328, %parallel_loop3A_328 : vector<16xf32>
        %parallel_loop3A_330 = vector.broadcast %scan3A : f32 to vector<16xf32>
        %parallel_loop3A_331 = arith.maximumf %parallel_loop3A_329, %parallel_loop3A_330 : vector<16xf32>
        %parallel_loop3A_332 = vector.broadcast %scan3A_77 : f32 to vector<16xf32>
        %parallel_loop3A_333 = arith.minimumf %parallel_loop3A_331, %parallel_loop3A_332 : vector<16xf32>
        %parallel_loop3A_334 = arith.addf %parallel_loop3A_266, %parallel_loop3A_333 : vector<16xf32>
        %parallel_loop3A_335 = arith.constant 3 : i32
        %parallel_loop3A_336 = arith.index_cast %parallel_loop3A_335 : i32 to index
        %parallel_loop3A_337 = arith.index_cast %parallel_loop3A_258 : i32 to index
        %parallel_loop3A_338 = arith.constant 64 : index
        %parallel_loop3A_339 = tpu.vector_load %arg7[%parallel_loop3A_336, %parallel_loop3A_337, %parallel_loop3A_338] {strides = array<i32>} : memref<4x16x512xf32, #tpu.memory_space<vmem>>, vector<16xf32>,
        %parallel_loop3A_340 = arith.constant 3 : i32
        %parallel_loop3A_341 = arith.index_cast %parallel_loop3A_340 : i32 to index
        %parallel_loop3A_342 = arith.index_cast %parallel_loop3A_258 : i32 to index
        %parallel_loop3A_343 = arith.constant 64 : index
        %parallel_loop3A_344 = tpu.vector_load %arg8[%parallel_loop3A_341, %parallel_loop3A_342, %parallel_loop3A_343] {strides = array<i32>} : memref<4x16x512xf32, #tpu.memory_space<vmem>>, vector<16xf32>,
        %parallel_loop3A_345 = arith.subf %parallel_loop3A_339, %parallel_loop3A_344 : vector<16xf32>
        %parallel_loop3A_346 = arith.mulf %parallel_loop3A_345, %parallel_loop3A_345 : vector<16xf32>
        %parallel_loop3A_347 = vector.broadcast %scan3A : f32 to vector<16xf32>
        %parallel_loop3A_348 = arith.maximumf %parallel_loop3A_346, %parallel_loop3A_347 : vector<16xf32>
        %parallel_loop3A_349 = vector.broadcast %scan3A_77 : f32 to vector<16xf32>
        %parallel_loop3A_350 = arith.minimumf %parallel_loop3A_348, %parallel_loop3A_349 : vector<16xf32>
        %parallel_loop3A_351 = arith.addf %parallel_loop3A_283, %parallel_loop3A_350 : vector<16xf32>
        %parallel_loop3A_352 = arith.constant 3 : i32
        %parallel_loop3A_353 = arith.index_cast %parallel_loop3A_352 : i32 to index
        %parallel_loop3A_354 = arith.index_cast %parallel_loop3A_258 : i32 to index
        %parallel_loop3A_355 = arith.constant 80 : index
        %parallel_loop3A_356 = tpu.vector_load %arg7[%parallel_loop3A_353, %parallel_loop3A_354, %parallel_loop3A_355] {strides = array<i32>} : memref<4x16x512xf32, #tpu.memory_space<vmem>>, vector<16xf32>,
        %parallel_loop3A_357 = arith.constant 3 : i32
        %parallel_loop3A_358 = arith.index_cast %parallel_loop3A_357 : i32 to index
        %parallel_loop3A_359 = arith.index_cast %parallel_loop3A_258 : i32 to index
        %parallel_loop3A_360 = arith.constant 80 : index
        %parallel_loop3A_361 = tpu.vector_load %arg8[%parallel_loop3A_358, %parallel_loop3A_359, %parallel_loop3A_360] {strides = array<i32>} : memref<4x16x512xf32, #tpu.memory_space<vmem>>, vector<16xf32>,
        %parallel_loop3A_362 = arith.subf %parallel_loop3A_356, %parallel_loop3A_361 : vector<16xf32>
        %parallel_loop3A_363 = arith.mulf %parallel_loop3A_362, %parallel_loop3A_362 : vector<16xf32>
        %parallel_loop3A_364 = vector.broadcast %scan3A : f32 to vector<16xf32>
        %parallel_loop3A_365 = arith.maximumf %parallel_loop3A_363, %parallel_loop3A_364 : vector<16xf32>
        %parallel_loop3A_366 = vector.broadcast %scan3A_77 : f32 to vector<16xf32>
        %parallel_loop3A_367 = arith.minimumf %parallel_loop3A_365, %parallel_loop3A_366 : vector<16xf32>
        %parallel_loop3A_368 = arith.addf %parallel_loop3A_300, %parallel_loop3A_367 : vector<16xf32>
        %parallel_loop3A_369 = arith.constant 3 : i32
        %parallel_loop3A_370 = arith.index_cast %parallel_loop3A_369 : i32 to index
        %parallel_loop3A_371 = arith.index_cast %parallel_loop3A_258 : i32 to index
        %parallel_loop3A_372 = arith.constant 96 : index
        %parallel_loop3A_373 = tpu.vector_load %arg7[%parallel_loop3A_370, %parallel_loop3A_371, %parallel_loop3A_372] {strides = array<i32>} : memref<4x16x512xf32, #tpu.memory_space<vmem>>, vector<16xf32>,
        %parallel_loop3A_374 = arith.constant 3 : i32
        %parallel_loop3A_375 = arith.index_cast %parallel_loop3A_374 : i32 to index
        %parallel_loop3A_376 = arith.index_cast %parallel_loop3A_258 : i32 to index
        %parallel_loop3A_377 = arith.constant 96 : index
        %parallel_loop3A_378 = tpu.vector_load %arg8[%parallel_loop3A_375, %parallel_loop3A_376, %parallel_loop3A_377] {strides = array<i32>} : memref<4x16x512xf32, #tpu.memory_space<vmem>>, vector<16xf32>,
        %parallel_loop3A_379 = arith.subf %parallel_loop3A_373, %parallel_loop3A_378 : vector<16xf32>
        %parallel_loop3A_380 = arith.mulf %parallel_loop3A_379, %parallel_loop3A_379 : vector<16xf32>
        %parallel_loop3A_381 = vector.broadcast %scan3A : f32 to vector<16xf32>
        %parallel_loop3A_382 = arith.maximumf %parallel_loop3A_380, %parallel_loop3A_381 : vector<16xf32>
        %parallel_loop3A_383 = vector.broadcast %scan3A_77 : f32 to vector<16xf32>
        %parallel_loop3A_384 = arith.minimumf %parallel_loop3A_382, %parallel_loop3A_383 : vector<16xf32>
        %parallel_loop3A_385 = arith.addf %parallel_loop3A_317, %parallel_loop3A_384 : vector<16xf32>
        %parallel_loop3A_386 = arith.constant 3 : i32
        %parallel_loop3A_387 = arith.index_cast %parallel_loop3A_386 : i32 to index
        %parallel_loop3A_388 = arith.index_cast %parallel_loop3A_258 : i32 to index
        %parallel_loop3A_389 = arith.constant 112 : index
        %parallel_loop3A_390 = tpu.vector_load %arg7[%parallel_loop3A_387, %parallel_loop3A_388, %parallel_loop3A_389] {strides = array<i32>} : memref<4x16x512xf32, #tpu.memory_space<vmem>>, vector<16xf32>,
        %parallel_loop3A_391 = arith.constant 3 : i32
        %parallel_loop3A_392 = arith.index_cast %parallel_loop3A_391 : i32 to index
        %parallel_loop3A_393 = arith.index_cast %parallel_loop3A_258 : i32 to index
        %parallel_loop3A_394 = arith.constant 112 : index
        %parallel_loop3A_395 = tpu.vector_load %arg8[%parallel_loop3A_392, %parallel_loop3A_393, %parallel_loop3A_394] {strides = array<i32>} : memref<4x16x512xf32, #tpu.memory_space<vmem>>, vector<16xf32>,
        %parallel_loop3A_396 = arith.subf %parallel_loop3A_390, %parallel_loop3A_395 : vector<16xf32>
        %parallel_loop3A_397 = arith.mulf %parallel_loop3A_396, %parallel_loop3A_396 : vector<16xf32>
        %parallel_loop3A_398 = vector.broadcast %scan3A : f32 to vector<16xf32>
        %parallel_loop3A_399 = arith.maximumf %parallel_loop3A_397, %parallel_loop3A_398 : vector<16xf32>
        %parallel_loop3A_400 = vector.broadcast %scan3A_77 : f32 to vector<16xf32>
        %parallel_loop3A_401 = arith.minimumf %parallel_loop3A_399, %parallel_loop3A_400 : vector<16xf32>
        %parallel_loop3A_402 = arith.addf %parallel_loop3A_334, %parallel_loop3A_401 : vector<16xf32>
        %parallel_loop3A_403 = arith.constant 3 : i32
        %parallel_loop3A_404 = arith.index_cast %parallel_loop3A_403 : i32 to index
        %parallel_loop3A_405 = arith.index_cast %parallel_loop3A_258 : i32 to index
        %parallel_loop3A_406 = arith.constant 128 : index
        %parallel_loop3A_407 = tpu.vector_load %arg7[%parallel_loop3A_404, %parallel_loop3A_405, %parallel_loop3A_406] {strides = array<i32>} : memref<4x16x512xf32, #tpu.memory_space<vmem>>, vector<16xf32>,
        %parallel_loop3A_408 = arith.constant 3 : i32
        %parallel_loop3A_409 = arith.index_cast %parallel_loop3A_408 : i32 to index
        %parallel_loop3A_410 = arith.index_cast %parallel_loop3A_258 : i32 to index
        %parallel_loop3A_411 = arith.constant 128 : index
        %parallel_loop3A_412 = tpu.vector_load %arg8[%parallel_loop3A_409, %parallel_loop3A_410, %parallel_loop3A_411] {strides = array<i32>} : memref<4x16x512xf32, #tpu.memory_space<vmem>>, vector<16xf32>,
        %parallel_loop3A_413 = arith.subf %parallel_loop3A_407, %parallel_loop3A_412 : vector<16xf32>
        %parallel_loop3A_414 = arith.mulf %parallel_loop3A_413, %parallel_loop3A_413 : vector<16xf32>
        %parallel_loop3A_415 = vector.broadcast %scan3A : f32 to vector<16xf32>
        %parallel_loop3A_416 = arith.maximumf %parallel_loop3A_414, %parallel_loop3A_415 : vector<16xf32>
        %parallel_loop3A_417 = vector.broadcast %scan3A_77 : f32 to vector<16xf32>
        %parallel_loop3A_418 = arith.minimumf %parallel_loop3A_416, %parallel_loop3A_417 : vector<16xf32>
        %parallel_loop3A_419 = arith.addf %parallel_loop3A_351, %parallel_loop3A_418 : vector<16xf32>
        %parallel_loop3A_420 = arith.constant 3 : i32
        %parallel_loop3A_421 = arith.index_cast %parallel_loop3A_420 : i32 to index
        %parallel_loop3A_422 = arith.index_cast %parallel_loop3A_258 : i32 to index
        %parallel_loop3A_423 = arith.constant 144 : index
        %parallel_loop3A_424 = tpu.vector_load %arg7[%parallel_loop3A_421, %parallel_loop3A_422, %parallel_loop3A_423] {strides = array<i32>} : memref<4x16x512xf32, #tpu.memory_space<vmem>>, vector<16xf32>,
        %parallel_loop3A_425 = arith.constant 3 : i32
        %parallel_loop3A_426 = arith.index_cast %parallel_loop3A_425 : i32 to index
        %parallel_loop3A_427 = arith.index_cast %parallel_loop3A_258 : i32 to index
        %parallel_loop3A_428 = arith.constant 144 : index
        %parallel_loop3A_429 = tpu.vector_load %arg8[%parallel_loop3A_426, %parallel_loop3A_427, %parallel_loop3A_428] {strides = array<i32>} : memref<4x16x512xf32, #tpu.memory_space<vmem>>, vector<16xf32>,
        %parallel_loop3A_430 = arith.subf %parallel_loop3A_424, %parallel_loop3A_429 : vector<16xf32>
        %parallel_loop3A_431 = arith.mulf %parallel_loop3A_430, %parallel_loop3A_430 : vector<16xf32>
        %parallel_loop3A_432 = vector.broadcast %scan3A : f32 to vector<16xf32>
        %parallel_loop3A_433 = arith.maximumf %parallel_loop3A_431, %parallel_loop3A_432 : vector<16xf32>
        %parallel_loop3A_434 = vector.broadcast %scan3A_77 : f32 to vector<16xf32>
        %parallel_loop3A_435 = arith.minimumf %parallel_loop3A_433, %parallel_loop3A_434 : vector<16xf32>
        %parallel_loop3A_436 = arith.addf %parallel_loop3A_368, %parallel_loop3A_435 : vector<16xf32>
        %parallel_loop3A_437 = arith.constant 3 : i32
        %parallel_loop3A_438 = arith.index_cast %parallel_loop3A_437 : i32 to index
        %parallel_loop3A_439 = arith.index_cast %parallel_loop3A_258 : i32 to index
        %parallel_loop3A_440 = arith.constant 160 : index
        %parallel_loop3A_441 = tpu.vector_load %arg7[%parallel_loop3A_438, %parallel_loop3A_439, %parallel_loop3A_440] {strides = array<i32>} : memref<4x16x512xf32, #tpu.memory_space<vmem>>, vector<16xf32>,
        %parallel_loop3A_442 = arith.constant 3 : i32
        %parallel_loop3A_443 = arith.index_cast %parallel_loop3A_442 : i32 to index
        %parallel_loop3A_444 = arith.index_cast %parallel_loop3A_258 : i32 to index
        %parallel_loop3A_445 = arith.constant 160 : index
        %parallel_loop3A_446 = tpu.vector_load %arg8[%parallel_loop3A_443, %parallel_loop3A_444, %parallel_loop3A_445] {strides = array<i32>} : memref<4x16x512xf32, #tpu.memory_space<vmem>>, vector<16xf32>,
        %parallel_loop3A_447 = arith.subf %parallel_loop3A_441, %parallel_loop3A_446 : vector<16xf32>
        %parallel_loop3A_448 = arith.mulf %parallel_loop3A_447, %parallel_loop3A_447 : vector<16xf32>
        %parallel_loop3A_449 = vector.broadcast %scan3A : f32 to vector<16xf32>
        %parallel_loop3A_450 = arith.maximumf %parallel_loop3A_448, %parallel_loop3A_449 : vector<16xf32>
        %parallel_loop3A_451 = vector.broadcast %scan3A_77 : f32 to vector<16xf32>
        %parallel_loop3A_452 = arith.minimumf %parallel_loop3A_450, %parallel_loop3A_451 : vector<16xf32>
        %parallel_loop3A_453 = arith.addf %parallel_loop3A_385, %parallel_loop3A_452 : vector<16xf32>
        %parallel_loop3A_454 = arith.constant 3 : i32
        %parallel_loop3A_455 = arith.index_cast %parallel_loop3A_454 : i32 to index
        %parallel_loop3A_456 = arith.index_cast %parallel_loop3A_258 : i32 to index
        %parallel_loop3A_457 = arith.constant 176 : index
        %parallel_loop3A_458 = tpu.vector_load %arg7[%parallel_loop3A_455, %parallel_loop3A_456, %parallel_loop3A_457] {strides = array<i32>} : memref<4x16x512xf32, #tpu.memory_space<vmem>>, vector<16xf32>,
        %parallel_loop3A_459 = arith.constant 3 : i32
        %parallel_loop3A_460 = arith.index_cast %parallel_loop3A_459 : i32 to index
        %parallel_loop3A_461 = arith.index_cast %parallel_loop3A_258 : i32 to index
        %parallel_loop3A_462 = arith.constant 176 : index
        %parallel_loop3A_463 = tpu.vector_load %arg8[%parallel_loop3A_460, %parallel_loop3A_461, %parallel_loop3A_462] {strides = array<i32>} : memref<4x16x512xf32, #tpu.memory_space<vmem>>, vector<16xf32>,
        %parallel_loop3A_464 = arith.subf %parallel_loop3A_458, %parallel_loop3A_463 : vector<16xf32>
        %parallel_loop3A_465 = arith.mulf %parallel_loop3A_464, %parallel_loop3A_464 : vector<16xf32>
        %parallel_loop3A_466 = vector.broadcast %scan3A : f32 to vector<16xf32>
        %parallel_loop3A_467 = arith.maximumf %parallel_loop3A_465, %parallel_loop3A_466 : vector<16xf32>
        %parallel_loop3A_468 = vector.broadcast %scan3A_77 : f32 to vector<16xf32>
        %parallel_loop3A_469 = arith.minimumf %parallel_loop3A_467, %parallel_loop3A_468 : vector<16xf32>
        %parallel_loop3A_470 = arith.addf %parallel_loop3A_402, %parallel_loop3A_469 : vector<16xf32>
        %parallel_loop3A_471 = arith.constant 3 : i32
        %parallel_loop3A_472 = arith.index_cast %parallel_loop3A_471 : i32 to index
        %parallel_loop3A_473 = arith.index_cast %parallel_loop3A_258 : i32 to index
        %parallel_loop3A_474 = arith.constant 192 : index
        %parallel_loop3A_475 = tpu.vector_load %arg7[%parallel_loop3A_472, %parallel_loop3A_473, %parallel_loop3A_474] {strides = array<i32>} : memref<4x16x512xf32, #tpu.memory_space<vmem>>, vector<16xf32>,
        %parallel_loop3A_476 = arith.constant 3 : i32
        %parallel_loop3A_477 = arith.index_cast %parallel_loop3A_476 : i32 to index
        %parallel_loop3A_478 = arith.index_cast %parallel_loop3A_258 : i32 to index
        %parallel_loop3A_479 = arith.constant 192 : index
        %parallel_loop3A_480 = tpu.vector_load %arg8[%parallel_loop3A_477, %parallel_loop3A_478, %parallel_loop3A_479] {strides = array<i32>} : memref<4x16x512xf32, #tpu.memory_space<vmem>>, vector<16xf32>,
        %parallel_loop3A_481 = arith.subf %parallel_loop3A_475, %parallel_loop3A_480 : vector<16xf32>
        %parallel_loop3A_482 = arith.mulf %parallel_loop3A_481, %parallel_loop3A_481 : vector<16xf32>
        %parallel_loop3A_483 = vector.broadcast %scan3A : f32 to vector<16xf32>
        %parallel_loop3A_484 = arith.maximumf %parallel_loop3A_482, %parallel_loop3A_483 : vector<16xf32>
        %parallel_loop3A_485 = vector.broadcast %scan3A_77 : f32 to vector<16xf32>
        %parallel_loop3A_486 = arith.minimumf %parallel_loop3A_484, %parallel_loop3A_485 : vector<16xf32>
        %parallel_loop3A_487 = arith.addf %parallel_loop3A_419, %parallel_loop3A_486 : vector<16xf32>
        %parallel_loop3A_488 = arith.constant 3 : i32
        %parallel_loop3A_489 = arith.index_cast %parallel_loop3A_488 : i32 to index
        %parallel_loop3A_490 = arith.index_cast %parallel_loop3A_258 : i32 to index
        %parallel_loop3A_491 = arith.constant 208 : index
        %parallel_loop3A_492 = tpu.vector_load %arg7[%parallel_loop3A_489, %parallel_loop3A_490, %parallel_loop3A_491] {strides = array<i32>} : memref<4x16x512xf32, #tpu.memory_space<vmem>>, vector<16xf32>,
        %parallel_loop3A_493 = arith.constant 3 : i32
        %parallel_loop3A_494 = arith.index_cast %parallel_loop3A_493 : i32 to index
        %parallel_loop3A_495 = arith.index_cast %parallel_loop3A_258 : i32 to index
        %parallel_loop3A_496 = arith.constant 208 : index
        %parallel_loop3A_497 = tpu.vector_load %arg8[%parallel_loop3A_494, %parallel_loop3A_495, %parallel_loop3A_496] {strides = array<i32>} : memref<4x16x512xf32, #tpu.memory_space<vmem>>, vector<16xf32>,
        %parallel_loop3A_498 = arith.subf %parallel_loop3A_492, %parallel_loop3A_497 : vector<16xf32>
        %parallel_loop3A_499 = arith.mulf %parallel_loop3A_498, %parallel_loop3A_498 : vector<16xf32>
        %parallel_loop3A_500 = vector.broadcast %scan3A : f32 to vector<16xf32>
        %parallel_loop3A_501 = arith.maximumf %parallel_loop3A_499, %parallel_loop3A_500 : vector<16xf32>
        %parallel_loop3A_502 = vector.broadcast %scan3A_77 : f32 to vector<16xf32>
        %parallel_loop3A_503 = arith.minimumf %parallel_loop3A_501, %parallel_loop3A_502 : vector<16xf32>
        %parallel_loop3A_504 = arith.addf %parallel_loop3A_436, %parallel_loop3A_503 : vector<16xf32>
        %parallel_loop3A_505 = arith.constant 3 : i32
        %parallel_loop3A_506 = arith.index_cast %parallel_loop3A_505 : i32 to index
        %parallel_loop3A_507 = arith.index_cast %parallel_loop3A_258 : i32 to index
        %parallel_loop3A_508 = arith.constant 224 : index
        %parallel_loop3A_509 = tpu.vector_load %arg7[%parallel_loop3A_506, %parallel_loop3A_507, %parallel_loop3A_508] {strides = array<i32>} : memref<4x16x512xf32, #tpu.memory_space<vmem>>, vector<16xf32>,
        %parallel_loop3A_510 = arith.constant 3 : i32
        %parallel_loop3A_511 = arith.index_cast %parallel_loop3A_510 : i32 to index
        %parallel_loop3A_512 = arith.index_cast %parallel_loop3A_258 : i32 to index
        %parallel_loop3A_513 = arith.constant 224 : index
        %parallel_loop3A_514 = tpu.vector_load %arg8[%parallel_loop3A_511, %parallel_loop3A_512, %parallel_loop3A_513] {strides = array<i32>} : memref<4x16x512xf32, #tpu.memory_space<vmem>>, vector<16xf32>,
        %parallel_loop3A_515 = arith.subf %parallel_loop3A_509, %parallel_loop3A_514 : vector<16xf32>
        %parallel_loop3A_516 = arith.mulf %parallel_loop3A_515, %parallel_loop3A_515 : vector<16xf32>
        %parallel_loop3A_517 = vector.broadcast %scan3A : f32 to vector<16xf32>
        %parallel_loop3A_518 = arith.maximumf %parallel_loop3A_516, %parallel_loop3A_517 : vector<16xf32>
        %parallel_loop3A_519 = vector.broadcast %scan3A_77 : f32 to vector<16xf32>
        %parallel_loop3A_520 = arith.minimumf %parallel_loop3A_518, %parallel_loop3A_519 : vector<16xf32>
        %parallel_loop3A_521 = arith.addf %parallel_loop3A_453, %parallel_loop3A_520 : vector<16xf32>
        %parallel_loop3A_522 = arith.constant 3 : i32
        %parallel_loop3A_523 = arith.index_cast %parallel_loop3A_522 : i32 to index
        %parallel_loop3A_524 = arith.index_cast %parallel_loop3A_258 : i32 to index
        %parallel_loop3A_525 = arith.constant 240 : index
        %parallel_loop3A_526 = tpu.vector_load %arg7[%parallel_loop3A_523, %parallel_loop3A_524, %parallel_loop3A_525] {strides = array<i32>} : memref<4x16x512xf32, #tpu.memory_space<vmem>>, vector<16xf32>,
        %parallel_loop3A_527 = arith.constant 3 : i32
        %parallel_loop3A_528 = arith.index_cast %parallel_loop3A_527 : i32 to index
        %parallel_loop3A_529 = arith.index_cast %parallel_loop3A_258 : i32 to index
        %parallel_loop3A_530 = arith.constant 240 : index
        %parallel_loop3A_531 = tpu.vector_load %arg8[%parallel_loop3A_528, %parallel_loop3A_529, %parallel_loop3A_530] {strides = array<i32>} : memref<4x16x512xf32, #tpu.memory_space<vmem>>, vector<16xf32>,
        %parallel_loop3A_532 = arith.subf %parallel_loop3A_526, %parallel_loop3A_531 : vector<16xf32>
        %parallel_loop3A_533 = arith.mulf %parallel_loop3A_532, %parallel_loop3A_532 : vector<16xf32>
        %parallel_loop3A_534 = vector.broadcast %scan3A : f32 to vector<16xf32>
        %parallel_loop3A_535 = arith.maximumf %parallel_loop3A_533, %parallel_loop3A_534 : vector<16xf32>
        %parallel_loop3A_536 = vector.broadcast %scan3A_77 : f32 to vector<16xf32>
        %parallel_loop3A_537 = arith.minimumf %parallel_loop3A_535, %parallel_loop3A_536 : vector<16xf32>
        %parallel_loop3A_538 = arith.addf %parallel_loop3A_470, %parallel_loop3A_537 : vector<16xf32>
        %parallel_loop3A_539 = arith.constant 3 : i32
        %parallel_loop3A_540 = arith.index_cast %parallel_loop3A_539 : i32 to index
        %parallel_loop3A_541 = arith.index_cast %parallel_loop3A_258 : i32 to index
        %parallel_loop3A_542 = arith.constant 256 : index
        %parallel_loop3A_543 = tpu.vector_load %arg7[%parallel_loop3A_540, %parallel_loop3A_541, %parallel_loop3A_542] {strides = array<i32>} : memref<4x16x512xf32, #tpu.memory_space<vmem>>, vector<16xf32>,
        %parallel_loop3A_544 = arith.constant 3 : i32
        %parallel_loop3A_545 = arith.index_cast %parallel_loop3A_544 : i32 to index
        %parallel_loop3A_546 = arith.index_cast %parallel_loop3A_258 : i32 to index
        %parallel_loop3A_547 = arith.constant 256 : index
        %parallel_loop3A_548 = tpu.vector_load %arg8[%parallel_loop3A_545, %parallel_loop3A_546, %parallel_loop3A_547] {strides = array<i32>} : memref<4x16x512xf32, #tpu.memory_space<vmem>>, vector<16xf32>,
        %parallel_loop3A_549 = arith.subf %parallel_loop3A_543, %parallel_loop3A_548 : vector<16xf32>
        %parallel_loop3A_550 = arith.mulf %parallel_loop3A_549, %parallel_loop3A_549 : vector<16xf32>
        %parallel_loop3A_551 = vector.broadcast %scan3A : f32 to vector<16xf32>
        %parallel_loop3A_552 = arith.maximumf %parallel_loop3A_550, %parallel_loop3A_551 : vector<16xf32>
        %parallel_loop3A_553 = vector.broadcast %scan3A_77 : f32 to vector<16xf32>
        %parallel_loop3A_554 = arith.minimumf %parallel_loop3A_552, %parallel_loop3A_553 : vector<16xf32>
        %parallel_loop3A_555 = arith.addf %parallel_loop3A_487, %parallel_loop3A_554 : vector<16xf32>
        %parallel_loop3A_556 = arith.constant 3 : i32
        %parallel_loop3A_557 = arith.index_cast %parallel_loop3A_556 : i32 to index
        %parallel_loop3A_558 = arith.index_cast %parallel_loop3A_258 : i32 to index
        %parallel_loop3A_559 = arith.constant 272 : index
        %parallel_loop3A_560 = tpu.vector_load %arg7[%parallel_loop3A_557, %parallel_loop3A_558, %parallel_loop3A_559] {strides = array<i32>} : memref<4x16x512xf32, #tpu.memory_space<vmem>>, vector<16xf32>,
        %parallel_loop3A_561 = arith.constant 3 : i32
        %parallel_loop3A_562 = arith.index_cast %parallel_loop3A_561 : i32 to index
        %parallel_loop3A_563 = arith.index_cast %parallel_loop3A_258 : i32 to index
        %parallel_loop3A_564 = arith.constant 272 : index
        %parallel_loop3A_565 = tpu.vector_load %arg8[%parallel_loop3A_562, %parallel_loop3A_563, %parallel_loop3A_564] {strides = array<i32>} : memref<4x16x512xf32, #tpu.memory_space<vmem>>, vector<16xf32>,
        %parallel_loop3A_566 = arith.subf %parallel_loop3A_560, %parallel_loop3A_565 : vector<16xf32>
        %parallel_loop3A_567 = arith.mulf %parallel_loop3A_566, %parallel_loop3A_566 : vector<16xf32>
        %parallel_loop3A_568 = vector.broadcast %scan3A : f32 to vector<16xf32>
        %parallel_loop3A_569 = arith.maximumf %parallel_loop3A_567, %parallel_loop3A_568 : vector<16xf32>
        %parallel_loop3A_570 = vector.broadcast %scan3A_77 : f32 to vector<16xf32>
        %parallel_loop3A_571 = arith.minimumf %parallel_loop3A_569, %parallel_loop3A_570 : vector<16xf32>
        %parallel_loop3A_572 = arith.addf %parallel_loop3A_504, %parallel_loop3A_571 : vector<16xf32>
        %parallel_loop3A_573 = arith.constant 3 : i32
        %parallel_loop3A_574 = arith.index_cast %parallel_loop3A_573 : i32 to index
        %parallel_loop3A_575 = arith.index_cast %parallel_loop3A_258 : i32 to index
        %parallel_loop3A_576 = arith.constant 288 : index
        %parallel_loop3A_577 = tpu.vector_load %arg7[%parallel_loop3A_574, %parallel_loop3A_575, %parallel_loop3A_576] {strides = array<i32>} : memref<4x16x512xf32, #tpu.memory_space<vmem>>, vector<16xf32>,
        %parallel_loop3A_578 = arith.constant 3 : i32
        %parallel_loop3A_579 = arith.index_cast %parallel_loop3A_578 : i32 to index
        %parallel_loop3A_580 = arith.index_cast %parallel_loop3A_258 : i32 to index
        %parallel_loop3A_581 = arith.constant 288 : index
        %parallel_loop3A_582 = tpu.vector_load %arg8[%parallel_loop3A_579, %parallel_loop3A_580, %parallel_loop3A_581] {strides = array<i32>} : memref<4x16x512xf32, #tpu.memory_space<vmem>>, vector<16xf32>,
        %parallel_loop3A_583 = arith.subf %parallel_loop3A_577, %parallel_loop3A_582 : vector<16xf32>
        %parallel_loop3A_584 = arith.mulf %parallel_loop3A_583, %parallel_loop3A_583 : vector<16xf32>
        %parallel_loop3A_585 = vector.broadcast %scan3A : f32 to vector<16xf32>
        %parallel_loop3A_586 = arith.maximumf %parallel_loop3A_584, %parallel_loop3A_585 : vector<16xf32>
        %parallel_loop3A_587 = vector.broadcast %scan3A_77 : f32 to vector<16xf32>
        %parallel_loop3A_588 = arith.minimumf %parallel_loop3A_586, %parallel_loop3A_587 : vector<16xf32>
        %parallel_loop3A_589 = arith.addf %parallel_loop3A_521, %parallel_loop3A_588 : vector<16xf32>
        %parallel_loop3A_590 = arith.constant 3 : i32
        %parallel_loop3A_591 = arith.index_cast %parallel_loop3A_590 : i32 to index
        %parallel_loop3A_592 = arith.index_cast %parallel_loop3A_258 : i32 to index
        %parallel_loop3A_593 = arith.constant 304 : index
        %parallel_loop3A_594 = tpu.vector_load %arg7[%parallel_loop3A_591, %parallel_loop3A_592, %parallel_loop3A_593] {strides = array<i32>} : memref<4x16x512xf32, #tpu.memory_space<vmem>>, vector<16xf32>,
        %parallel_loop3A_595 = arith.constant 3 : i32
        %parallel_loop3A_596 = arith.index_cast %parallel_loop3A_595 : i32 to index
        %parallel_loop3A_597 = arith.index_cast %parallel_loop3A_258 : i32 to index
        %parallel_loop3A_598 = arith.constant 304 : index
        %parallel_loop3A_599 = tpu.vector_load %arg8[%parallel_loop3A_596, %parallel_loop3A_597, %parallel_loop3A_598] {strides = array<i32>} : memref<4x16x512xf32, #tpu.memory_space<vmem>>, vector<16xf32>,
        %parallel_loop3A_600 = arith.subf %parallel_loop3A_594, %parallel_loop3A_599 : vector<16xf32>
        %parallel_loop3A_601 = arith.mulf %parallel_loop3A_600, %parallel_loop3A_600 : vector<16xf32>
        %parallel_loop3A_602 = vector.broadcast %scan3A : f32 to vector<16xf32>
        %parallel_loop3A_603 = arith.maximumf %parallel_loop3A_601, %parallel_loop3A_602 : vector<16xf32>
        %parallel_loop3A_604 = vector.broadcast %scan3A_77 : f32 to vector<16xf32>
        %parallel_loop3A_605 = arith.minimumf %parallel_loop3A_603, %parallel_loop3A_604 : vector<16xf32>
        %parallel_loop3A_606 = arith.addf %parallel_loop3A_538, %parallel_loop3A_605 : vector<16xf32>
        %parallel_loop3A_607 = arith.constant 3 : i32
        %parallel_loop3A_608 = arith.index_cast %parallel_loop3A_607 : i32 to index
        %parallel_loop3A_609 = arith.index_cast %parallel_loop3A_258 : i32 to index
        %parallel_loop3A_610 = arith.constant 320 : index
        %parallel_loop3A_611 = tpu.vector_load %arg7[%parallel_loop3A_608, %parallel_loop3A_609, %parallel_loop3A_610] {strides = array<i32>} : memref<4x16x512xf32, #tpu.memory_space<vmem>>, vector<16xf32>,
        %parallel_loop3A_612 = arith.constant 3 : i32
        %parallel_loop3A_613 = arith.index_cast %parallel_loop3A_612 : i32 to index
        %parallel_loop3A_614 = arith.index_cast %parallel_loop3A_258 : i32 to index
        %parallel_loop3A_615 = arith.constant 320 : index
        %parallel_loop3A_616 = tpu.vector_load %arg8[%parallel_loop3A_613, %parallel_loop3A_614, %parallel_loop3A_615] {strides = array<i32>} : memref<4x16x512xf32, #tpu.memory_space<vmem>>, vector<16xf32>,
        %parallel_loop3A_617 = arith.subf %parallel_loop3A_611, %parallel_loop3A_616 : vector<16xf32>
        %parallel_loop3A_618 = arith.mulf %parallel_loop3A_617, %parallel_loop3A_617 : vector<16xf32>
        %parallel_loop3A_619 = vector.broadcast %scan3A : f32 to vector<16xf32>
        %parallel_loop3A_620 = arith.maximumf %parallel_loop3A_618, %parallel_loop3A_619 : vector<16xf32>
        %parallel_loop3A_621 = vector.broadcast %scan3A_77 : f32 to vector<16xf32>
        %parallel_loop3A_622 = arith.minimumf %parallel_loop3A_620, %parallel_loop3A_621 : vector<16xf32>
        %parallel_loop3A_623 = arith.addf %parallel_loop3A_555, %parallel_loop3A_622 : vector<16xf32>
        %parallel_loop3A_624 = arith.constant 3 : i32
        %parallel_loop3A_625 = arith.index_cast %parallel_loop3A_624 : i32 to index
        %parallel_loop3A_626 = arith.index_cast %parallel_loop3A_258 : i32 to index
        %parallel_loop3A_627 = arith.constant 336 : index
        %parallel_loop3A_628 = tpu.vector_load %arg7[%parallel_loop3A_625, %parallel_loop3A_626, %parallel_loop3A_627] {strides = array<i32>} : memref<4x16x512xf32, #tpu.memory_space<vmem>>, vector<16xf32>,
        %parallel_loop3A_629 = arith.constant 3 : i32
        %parallel_loop3A_630 = arith.index_cast %parallel_loop3A_629 : i32 to index
        %parallel_loop3A_631 = arith.index_cast %parallel_loop3A_258 : i32 to index
        %parallel_loop3A_632 = arith.constant 336 : index
        %parallel_loop3A_633 = tpu.vector_load %arg8[%parallel_loop3A_630, %parallel_loop3A_631, %parallel_loop3A_632] {strides = array<i32>} : memref<4x16x512xf32, #tpu.memory_space<vmem>>, vector<16xf32>,
        %parallel_loop3A_634 = arith.subf %parallel_loop3A_628, %parallel_loop3A_633 : vector<16xf32>
        %parallel_loop3A_635 = arith.mulf %parallel_loop3A_634, %parallel_loop3A_634 : vector<16xf32>
        %parallel_loop3A_636 = vector.broadcast %scan3A : f32 to vector<16xf32>
        %parallel_loop3A_637 = arith.maximumf %parallel_loop3A_635, %parallel_loop3A_636 : vector<16xf32>
        %parallel_loop3A_638 = vector.broadcast %scan3A_77 : f32 to vector<16xf32>
        %parallel_loop3A_639 = arith.minimumf %parallel_loop3A_637, %parallel_loop3A_638 : vector<16xf32>
        %parallel_loop3A_640 = arith.addf %parallel_loop3A_572, %parallel_loop3A_639 : vector<16xf32>
        %parallel_loop3A_641 = arith.constant 3 : i32
        %parallel_loop3A_642 = arith.index_cast %parallel_loop3A_641 : i32 to index
        %parallel_loop3A_643 = arith.index_cast %parallel_loop3A_258 : i32 to index
        %parallel_loop3A_644 = arith.constant 352 : index
        %parallel_loop3A_645 = tpu.vector_load %arg7[%parallel_loop3A_642, %parallel_loop3A_643, %parallel_loop3A_644] {strides = array<i32>} : memref<4x16x512xf32, #tpu.memory_space<vmem>>, vector<16xf32>,
        %parallel_loop3A_646 = arith.constant 3 : i32
        %parallel_loop3A_647 = arith.index_cast %parallel_loop3A_646 : i32 to index
        %parallel_loop3A_648 = arith.index_cast %parallel_loop3A_258 : i32 to index
        %parallel_loop3A_649 = arith.constant 352 : index
        %parallel_loop3A_650 = tpu.vector_load %arg8[%parallel_loop3A_647, %parallel_loop3A_648, %parallel_loop3A_649] {strides = array<i32>} : memref<4x16x512xf32, #tpu.memory_space<vmem>>, vector<16xf32>,
        %parallel_loop3A_651 = arith.subf %parallel_loop3A_645, %parallel_loop3A_650 : vector<16xf32>
        %parallel_loop3A_652 = arith.mulf %parallel_loop3A_651, %parallel_loop3A_651 : vector<16xf32>
        %parallel_loop3A_653 = vector.broadcast %scan3A : f32 to vector<16xf32>
        %parallel_loop3A_654 = arith.maximumf %parallel_loop3A_652, %parallel_loop3A_653 : vector<16xf32>
        %parallel_loop3A_655 = vector.broadcast %scan3A_77 : f32 to vector<16xf32>
        %parallel_loop3A_656 = arith.minimumf %parallel_loop3A_654, %parallel_loop3A_655 : vector<16xf32>
        %parallel_loop3A_657 = arith.addf %parallel_loop3A_589, %parallel_loop3A_656 : vector<16xf32>
        %parallel_loop3A_658 = arith.constant 3 : i32
        %parallel_loop3A_659 = arith.index_cast %parallel_loop3A_658 : i32 to index
        %parallel_loop3A_660 = arith.index_cast %parallel_loop3A_258 : i32 to index
        %parallel_loop3A_661 = arith.constant 368 : index
        %parallel_loop3A_662 = tpu.vector_load %arg7[%parallel_loop3A_659, %parallel_loop3A_660, %parallel_loop3A_661] {strides = array<i32>} : memref<4x16x512xf32, #tpu.memory_space<vmem>>, vector<16xf32>,
        %parallel_loop3A_663 = arith.constant 3 : i32
        %parallel_loop3A_664 = arith.index_cast %parallel_loop3A_663 : i32 to index
        %parallel_loop3A_665 = arith.index_cast %parallel_loop3A_258 : i32 to index
        %parallel_loop3A_666 = arith.constant 368 : index
        %parallel_loop3A_667 = tpu.vector_load %arg8[%parallel_loop3A_664, %parallel_loop3A_665, %parallel_loop3A_666] {strides = array<i32>} : memref<4x16x512xf32, #tpu.memory_space<vmem>>, vector<16xf32>,
        %parallel_loop3A_668 = arith.subf %parallel_loop3A_662, %parallel_loop3A_667 : vector<16xf32>
        %parallel_loop3A_669 = arith.mulf %parallel_loop3A_668, %parallel_loop3A_668 : vector<16xf32>
        %parallel_loop3A_670 = vector.broadcast %scan3A : f32 to vector<16xf32>
        %parallel_loop3A_671 = arith.maximumf %parallel_loop3A_669, %parallel_loop3A_670 : vector<16xf32>
        %parallel_loop3A_672 = vector.broadcast %scan3A_77 : f32 to vector<16xf32>
        %parallel_loop3A_673 = arith.minimumf %parallel_loop3A_671, %parallel_loop3A_672 : vector<16xf32>
        %parallel_loop3A_674 = arith.addf %parallel_loop3A_606, %parallel_loop3A_673 : vector<16xf32>
        %parallel_loop3A_675 = arith.constant 3 : i32
        %parallel_loop3A_676 = arith.index_cast %parallel_loop3A_675 : i32 to index
        %parallel_loop3A_677 = arith.index_cast %parallel_loop3A_258 : i32 to index
        %parallel_loop3A_678 = arith.constant 384 : index
        %parallel_loop3A_679 = tpu.vector_load %arg7[%parallel_loop3A_676, %parallel_loop3A_677, %parallel_loop3A_678] {strides = array<i32>} : memref<4x16x512xf32, #tpu.memory_space<vmem>>, vector<16xf32>,
        %parallel_loop3A_680 = arith.constant 3 : i32
        %parallel_loop3A_681 = arith.index_cast %parallel_loop3A_680 : i32 to index
        %parallel_loop3A_682 = arith.index_cast %parallel_loop3A_258 : i32 to index
        %parallel_loop3A_683 = arith.constant 384 : index
        %parallel_loop3A_684 = tpu.vector_load %arg8[%parallel_loop3A_681, %parallel_loop3A_682, %parallel_loop3A_683] {strides = array<i32>} : memref<4x16x512xf32, #tpu.memory_space<vmem>>, vector<16xf32>,
        %parallel_loop3A_685 = arith.subf %parallel_loop3A_679, %parallel_loop3A_684 : vector<16xf32>
        %parallel_loop3A_686 = arith.mulf %parallel_loop3A_685, %parallel_loop3A_685 : vector<16xf32>
        %parallel_loop3A_687 = vector.broadcast %scan3A : f32 to vector<16xf32>
        %parallel_loop3A_688 = arith.maximumf %parallel_loop3A_686, %parallel_loop3A_687 : vector<16xf32>
        %parallel_loop3A_689 = vector.broadcast %scan3A_77 : f32 to vector<16xf32>
        %parallel_loop3A_690 = arith.minimumf %parallel_loop3A_688, %parallel_loop3A_689 : vector<16xf32>
        %parallel_loop3A_691 = arith.addf %parallel_loop3A_623, %parallel_loop3A_690 : vector<16xf32>
        %parallel_loop3A_692 = arith.constant 3 : i32
        %parallel_loop3A_693 = arith.index_cast %parallel_loop3A_692 : i32 to index
        %parallel_loop3A_694 = arith.index_cast %parallel_loop3A_258 : i32 to index
        %parallel_loop3A_695 = arith.constant 400 : index
        %parallel_loop3A_696 = tpu.vector_load %arg7[%parallel_loop3A_693, %parallel_loop3A_694, %parallel_loop3A_695] {strides = array<i32>} : memref<4x16x512xf32, #tpu.memory_space<vmem>>, vector<16xf32>,
        %parallel_loop3A_697 = arith.constant 3 : i32
        %parallel_loop3A_698 = arith.index_cast %parallel_loop3A_697 : i32 to index
        %parallel_loop3A_699 = arith.index_cast %parallel_loop3A_258 : i32 to index
        %parallel_loop3A_700 = arith.constant 400 : index
        %parallel_loop3A_701 = tpu.vector_load %arg8[%parallel_loop3A_698, %parallel_loop3A_699, %parallel_loop3A_700] {strides = array<i32>} : memref<4x16x512xf32, #tpu.memory_space<vmem>>, vector<16xf32>,
        %parallel_loop3A_702 = arith.subf %parallel_loop3A_696, %parallel_loop3A_701 : vector<16xf32>
        %parallel_loop3A_703 = arith.mulf %parallel_loop3A_702, %parallel_loop3A_702 : vector<16xf32>
        %parallel_loop3A_704 = vector.broadcast %scan3A : f32 to vector<16xf32>
        %parallel_loop3A_705 = arith.maximumf %parallel_loop3A_703, %parallel_loop3A_704 : vector<16xf32>
        %parallel_loop3A_706 = vector.broadcast %scan3A_77 : f32 to vector<16xf32>
        %parallel_loop3A_707 = arith.minimumf %parallel_loop3A_705, %parallel_loop3A_706 : vector<16xf32>
        %parallel_loop3A_708 = arith.addf %parallel_loop3A_640, %parallel_loop3A_707 : vector<16xf32>
        %parallel_loop3A_709 = arith.constant 3 : i32
        %parallel_loop3A_710 = arith.index_cast %parallel_loop3A_709 : i32 to index
        %parallel_loop3A_711 = arith.index_cast %parallel_loop3A_258 : i32 to index
        %parallel_loop3A_712 = arith.constant 416 : index
        %parallel_loop3A_713 = tpu.vector_load %arg7[%parallel_loop3A_710, %parallel_loop3A_711, %parallel_loop3A_712] {strides = array<i32>} : memref<4x16x512xf32, #tpu.memory_space<vmem>>, vector<16xf32>,
        %parallel_loop3A_714 = arith.constant 3 : i32
        %parallel_loop3A_715 = arith.index_cast %parallel_loop3A_714 : i32 to index
        %parallel_loop3A_716 = arith.index_cast %parallel_loop3A_258 : i32 to index
        %parallel_loop3A_717 = arith.constant 416 : index
        %parallel_loop3A_718 = tpu.vector_load %arg8[%parallel_loop3A_715, %parallel_loop3A_716, %parallel_loop3A_717] {strides = array<i32>} : memref<4x16x512xf32, #tpu.memory_space<vmem>>, vector<16xf32>,
        %parallel_loop3A_719 = arith.subf %parallel_loop3A_713, %parallel_loop3A_718 : vector<16xf32>
        %parallel_loop3A_720 = arith.mulf %parallel_loop3A_719, %parallel_loop3A_719 : vector<16xf32>
        %parallel_loop3A_721 = vector.broadcast %scan3A : f32 to vector<16xf32>
        %parallel_loop3A_722 = arith.maximumf %parallel_loop3A_720, %parallel_loop3A_721 : vector<16xf32>
        %parallel_loop3A_723 = vector.broadcast %scan3A_77 : f32 to vector<16xf32>
        %parallel_loop3A_724 = arith.minimumf %parallel_loop3A_722, %parallel_loop3A_723 : vector<16xf32>
        %parallel_loop3A_725 = arith.addf %parallel_loop3A_657, %parallel_loop3A_724 : vector<16xf32>
        %parallel_loop3A_726 = arith.constant 3 : i32
        %parallel_loop3A_727 = arith.index_cast %parallel_loop3A_726 : i32 to index
        %parallel_loop3A_728 = arith.index_cast %parallel_loop3A_258 : i32 to index
        %parallel_loop3A_729 = arith.constant 432 : index
        %parallel_loop3A_730 = tpu.vector_load %arg7[%parallel_loop3A_727, %parallel_loop3A_728, %parallel_loop3A_729] {strides = array<i32>} : memref<4x16x512xf32, #tpu.memory_space<vmem>>, vector<16xf32>,
        %parallel_loop3A_731 = arith.constant 3 : i32
        %parallel_loop3A_732 = arith.index_cast %parallel_loop3A_731 : i32 to index
        %parallel_loop3A_733 = arith.index_cast %parallel_loop3A_258 : i32 to index
        %parallel_loop3A_734 = arith.constant 432 : index
        %parallel_loop3A_735 = tpu.vector_load %arg8[%parallel_loop3A_732, %parallel_loop3A_733, %parallel_loop3A_734] {strides = array<i32>} : memref<4x16x512xf32, #tpu.memory_space<vmem>>, vector<16xf32>,
        %parallel_loop3A_736 = arith.subf %parallel_loop3A_730, %parallel_loop3A_735 : vector<16xf32>
        %parallel_loop3A_737 = arith.mulf %parallel_loop3A_736, %parallel_loop3A_736 : vector<16xf32>
        %parallel_loop3A_738 = vector.broadcast %scan3A : f32 to vector<16xf32>
        %parallel_loop3A_739 = arith.maximumf %parallel_loop3A_737, %parallel_loop3A_738 : vector<16xf32>
        %parallel_loop3A_740 = vector.broadcast %scan3A_77 : f32 to vector<16xf32>
        %parallel_loop3A_741 = arith.minimumf %parallel_loop3A_739, %parallel_loop3A_740 : vector<16xf32>
        %parallel_loop3A_742 = arith.addf %parallel_loop3A_674, %parallel_loop3A_741 : vector<16xf32>
        %parallel_loop3A_743 = arith.constant 3 : i32
        %parallel_loop3A_744 = arith.index_cast %parallel_loop3A_743 : i32 to index
        %parallel_loop3A_745 = arith.index_cast %parallel_loop3A_258 : i32 to index
        %parallel_loop3A_746 = arith.constant 448 : index
        %parallel_loop3A_747 = tpu.vector_load %arg7[%parallel_loop3A_744, %parallel_loop3A_745, %parallel_loop3A_746] {strides = array<i32>} : memref<4x16x512xf32, #tpu.memory_space<vmem>>, vector<16xf32>,
        %parallel_loop3A_748 = arith.constant 3 : i32
        %parallel_loop3A_749 = arith.index_cast %parallel_loop3A_748 : i32 to index
        %parallel_loop3A_750 = arith.index_cast %parallel_loop3A_258 : i32 to index
        %parallel_loop3A_751 = arith.constant 448 : index
        %parallel_loop3A_752 = tpu.vector_load %arg8[%parallel_loop3A_749, %parallel_loop3A_750, %parallel_loop3A_751] {strides = array<i32>} : memref<4x16x512xf32, #tpu.memory_space<vmem>>, vector<16xf32>,
        %parallel_loop3A_753 = arith.subf %parallel_loop3A_747, %parallel_loop3A_752 : vector<16xf32>
        %parallel_loop3A_754 = arith.mulf %parallel_loop3A_753, %parallel_loop3A_753 : vector<16xf32>
        %parallel_loop3A_755 = vector.broadcast %scan3A : f32 to vector<16xf32>
        %parallel_loop3A_756 = arith.maximumf %parallel_loop3A_754, %parallel_loop3A_755 : vector<16xf32>
        %parallel_loop3A_757 = vector.broadcast %scan3A_77 : f32 to vector<16xf32>
        %parallel_loop3A_758 = arith.minimumf %parallel_loop3A_756, %parallel_loop3A_757 : vector<16xf32>
        %parallel_loop3A_759 = arith.addf %parallel_loop3A_691, %parallel_loop3A_758 : vector<16xf32>
        %parallel_loop3A_760 = arith.constant 3 : i32
        %parallel_loop3A_761 = arith.index_cast %parallel_loop3A_760 : i32 to index
        %parallel_loop3A_762 = arith.index_cast %parallel_loop3A_258 : i32 to index
        %parallel_loop3A_763 = arith.constant 464 : index
        %parallel_loop3A_764 = tpu.vector_load %arg7[%parallel_loop3A_761, %parallel_loop3A_762, %parallel_loop3A_763] {strides = array<i32>} : memref<4x16x512xf32, #tpu.memory_space<vmem>>, vector<16xf32>,
        %parallel_loop3A_765 = arith.constant 3 : i32
        %parallel_loop3A_766 = arith.index_cast %parallel_loop3A_765 : i32 to index
        %parallel_loop3A_767 = arith.index_cast %parallel_loop3A_258 : i32 to index
        %parallel_loop3A_768 = arith.constant 464 : index
        %parallel_loop3A_769 = tpu.vector_load %arg8[%parallel_loop3A_766, %parallel_loop3A_767, %parallel_loop3A_768] {strides = array<i32>} : memref<4x16x512xf32, #tpu.memory_space<vmem>>, vector<16xf32>,
        %parallel_loop3A_770 = arith.subf %parallel_loop3A_764, %parallel_loop3A_769 : vector<16xf32>
        %parallel_loop3A_771 = arith.mulf %parallel_loop3A_770, %parallel_loop3A_770 : vector<16xf32>
        %parallel_loop3A_772 = vector.broadcast %scan3A : f32 to vector<16xf32>
        %parallel_loop3A_773 = arith.maximumf %parallel_loop3A_771, %parallel_loop3A_772 : vector<16xf32>
        %parallel_loop3A_774 = vector.broadcast %scan3A_77 : f32 to vector<16xf32>
        %parallel_loop3A_775 = arith.minimumf %parallel_loop3A_773, %parallel_loop3A_774 : vector<16xf32>
        %parallel_loop3A_776 = arith.addf %parallel_loop3A_708, %parallel_loop3A_775 : vector<16xf32>
        %parallel_loop3A_777 = arith.constant 3 : i32
        %parallel_loop3A_778 = arith.index_cast %parallel_loop3A_777 : i32 to index
        %parallel_loop3A_779 = arith.index_cast %parallel_loop3A_258 : i32 to index
        %parallel_loop3A_780 = arith.constant 480 : index
        %parallel_loop3A_781 = tpu.vector_load %arg7[%parallel_loop3A_778, %parallel_loop3A_779, %parallel_loop3A_780] {strides = array<i32>} : memref<4x16x512xf32, #tpu.memory_space<vmem>>, vector<16xf32>,
        %parallel_loop3A_782 = arith.constant 3 : i32
        %parallel_loop3A_783 = arith.index_cast %parallel_loop3A_782 : i32 to index
        %parallel_loop3A_784 = arith.index_cast %parallel_loop3A_258 : i32 to index
        %parallel_loop3A_785 = arith.constant 480 : index
        %parallel_loop3A_786 = tpu.vector_load %arg8[%parallel_loop3A_783, %parallel_loop3A_784, %parallel_loop3A_785] {strides = array<i32>} : memref<4x16x512xf32, #tpu.memory_space<vmem>>, vector<16xf32>,
        %parallel_loop3A_787 = arith.subf %parallel_loop3A_781, %parallel_loop3A_786 : vector<16xf32>
        %parallel_loop3A_788 = arith.mulf %parallel_loop3A_787, %parallel_loop3A_787 : vector<16xf32>
        %parallel_loop3A_789 = vector.broadcast %scan3A : f32 to vector<16xf32>
        %parallel_loop3A_790 = arith.maximumf %parallel_loop3A_788, %parallel_loop3A_789 : vector<16xf32>
        %parallel_loop3A_791 = vector.broadcast %scan3A_77 : f32 to vector<16xf32>
        %parallel_loop3A_792 = arith.minimumf %parallel_loop3A_790, %parallel_loop3A_791 : vector<16xf32>
        %parallel_loop3A_793 = arith.addf %parallel_loop3A_725, %parallel_loop3A_792 : vector<16xf32>
        %parallel_loop3A_794 = arith.constant 3 : i32
        %parallel_loop3A_795 = arith.index_cast %parallel_loop3A_794 : i32 to index
        %parallel_loop3A_796 = arith.index_cast %parallel_loop3A_258 : i32 to index
        %parallel_loop3A_797 = arith.constant 496 : index
        %parallel_loop3A_798 = tpu.vector_load %arg7[%parallel_loop3A_795, %parallel_loop3A_796, %parallel_loop3A_797] {strides = array<i32>} : memref<4x16x512xf32, #tpu.memory_space<vmem>>, vector<16xf32>,
        %parallel_loop3A_799 = arith.constant 3 : i32
        %parallel_loop3A_800 = arith.index_cast %parallel_loop3A_799 : i32 to index
        %parallel_loop3A_801 = arith.index_cast %parallel_loop3A_258 : i32 to index
        %parallel_loop3A_802 = arith.constant 496 : index
        %parallel_loop3A_803 = tpu.vector_load %arg8[%parallel_loop3A_800, %parallel_loop3A_801, %parallel_loop3A_802] {strides = array<i32>} : memref<4x16x512xf32, #tpu.memory_space<vmem>>, vector<16xf32>,
        %parallel_loop3A_804 = arith.subf %parallel_loop3A_798, %parallel_loop3A_803 : vector<16xf32>
        %parallel_loop3A_805 = arith.mulf %parallel_loop3A_804, %parallel_loop3A_804 : vector<16xf32>
        %parallel_loop3A_806 = vector.broadcast %scan3A : f32 to vector<16xf32>
        %parallel_loop3A_807 = arith.maximumf %parallel_loop3A_805, %parallel_loop3A_806 : vector<16xf32>
        %parallel_loop3A_808 = vector.broadcast %scan3A_77 : f32 to vector<16xf32>
        %parallel_loop3A_809 = arith.minimumf %parallel_loop3A_807, %parallel_loop3A_808 : vector<16xf32>
        %parallel_loop3A_810 = arith.addf %parallel_loop3A_742, %parallel_loop3A_809 : vector<16xf32>
        %parallel_loop3A_811 = arith.addf %parallel_loop3A_759, %parallel_loop3A_776 : vector<16xf32>
        %parallel_loop3A_812 = arith.addf %parallel_loop3A_793, %parallel_loop3A_810 : vector<16xf32>
        %parallel_loop3A_813 = arith.addf %parallel_loop3A_811, %parallel_loop3A_812 : vector<16xf32>
        %parallel_loop3A_814 = arith.addi %mul3A_254, %parallel_loop3A_258 : i32
        %parallel_loop3A_815 = arith.constant 16 : i32
        %parallel_loop3A_816 = arith.muli %parallel_loop3A_814, %parallel_loop3A_815 : i32
        %parallel_loop3A_817 = arith.index_cast %parallel_loop3A_816 : i32 to index
        %parallel_loop3A_818 = tpu.vector_load %arg9[%parallel_loop3A_817] {strides = array<i32>} : memref<8192xf32, #tpu.memory_space<vmem>>, vector<16xf32>,
        tpu.vector_store %arg9[%parallel_loop3A_817], %parallel_loop3A_813 {strides = array<i32>} : memref<8192xf32, #tpu.memory_space<vmem>>, vector<16xf32>,
      } {sc.loop_unroll_factor = 2 : i64, sc.parallel_access}
    }
    %scan3A_82 = arith.constant 8 : i32
    %barrier3A = arith.constant 0 : index
    tpu.barrier barrier_id(%barrier3A)
    %parallel_loop3A = arith.constant 0 : i32
    %parallel_loop3A_83 = arith.constant 32 : i32
    %parallel_loop3A_84 = arith.constant 1 : i32
    %parallel_loop3A_85 = arith.constant 0.001953125 : f32
    scf.for %parallel_loop3A_86 = %parallel_loop3A to %parallel_loop3A_83 step %parallel_loop3A_84  : i32 {
      %parallel_loop3A_87 = arith.constant 16 : i32
      %parallel_loop3A_88 = arith.muli %parallel_loop3A_86, %parallel_loop3A_87 : i32
      %parallel_loop3A_89 = vector.broadcast %parallel_loop3A_88 : i32 to vector<16xi32>
      %parallel_loop3A_90 = arith.addi %parallel_loop3A_89, %iota3A : vector<16xi32>
      %parallel_loop3A_91 = arith.constant 16 : i32
      %parallel_loop3A_92 = vector.broadcast %parallel_loop3A_91 : i32 to vector<16xi32>
      %parallel_loop3A_93 = arith.muli %parallel_loop3A_90, %parallel_loop3A_92 : vector<16xi32>
      %parallel_loop3A_94 = arith.constant 0.000000e+00 : f32
      %parallel_loop3A_95 = vector.broadcast %parallel_loop3A_94 : f32 to vector<16xf32>
      %parallel_loop3A_96 = arith.constant 0 : i32
      %parallel_loop3A_97 = vector.broadcast %parallel_loop3A_96 : i32 to vector<16xi32>
      %parallel_loop3A_98 = arith.addi %parallel_loop3A_93, %parallel_loop3A_97 : vector<16xi32>
      %parallel_loop3A_99 = tpu.vector_load_idx %arg9[%parallel_loop3A_98] : memref<8192xf32, #tpu.memory_space<vmem>>[vector<16xi32>], vector<16xf32>,
      %parallel_loop3A_100 = arith.addf %parallel_loop3A_95, %parallel_loop3A_99 : vector<16xf32>
      %parallel_loop3A_101 = arith.constant 1 : i32
      %parallel_loop3A_102 = vector.broadcast %parallel_loop3A_101 : i32 to vector<16xi32>
      %parallel_loop3A_103 = arith.addi %parallel_loop3A_93, %parallel_loop3A_102 : vector<16xi32>
      %parallel_loop3A_104 = tpu.vector_load_idx %arg9[%parallel_loop3A_103] : memref<8192xf32, #tpu.memory_space<vmem>>[vector<16xi32>], vector<16xf32>,
      %parallel_loop3A_105 = arith.addf %parallel_loop3A_100, %parallel_loop3A_104 : vector<16xf32>
      %parallel_loop3A_106 = arith.constant 2 : i32
      %parallel_loop3A_107 = vector.broadcast %parallel_loop3A_106 : i32 to vector<16xi32>
      %parallel_loop3A_108 = arith.addi %parallel_loop3A_93, %parallel_loop3A_107 : vector<16xi32>
      %parallel_loop3A_109 = tpu.vector_load_idx %arg9[%parallel_loop3A_108] : memref<8192xf32, #tpu.memory_space<vmem>>[vector<16xi32>], vector<16xf32>,
      %parallel_loop3A_110 = arith.addf %parallel_loop3A_105, %parallel_loop3A_109 : vector<16xf32>
      %parallel_loop3A_111 = arith.constant 3 : i32
      %parallel_loop3A_112 = vector.broadcast %parallel_loop3A_111 : i32 to vector<16xi32>
      %parallel_loop3A_113 = arith.addi %parallel_loop3A_93, %parallel_loop3A_112 : vector<16xi32>
      %parallel_loop3A_114 = tpu.vector_load_idx %arg9[%parallel_loop3A_113] : memref<8192xf32, #tpu.memory_space<vmem>>[vector<16xi32>], vector<16xf32>,
      %parallel_loop3A_115 = arith.addf %parallel_loop3A_110, %parallel_loop3A_114 : vector<16xf32>
      %parallel_loop3A_116 = arith.constant 4 : i32
      %parallel_loop3A_117 = vector.broadcast %parallel_loop3A_116 : i32 to vector<16xi32>
      %parallel_loop3A_118 = arith.addi %parallel_loop3A_93, %parallel_loop3A_117 : vector<16xi32>
      %parallel_loop3A_119 = tpu.vector_load_idx %arg9[%parallel_loop3A_118] : memref<8192xf32, #tpu.memory_space<vmem>>[vector<16xi32>], vector<16xf32>,
      %parallel_loop3A_120 = arith.addf %parallel_loop3A_115, %parallel_loop3A_119 : vector<16xf32>
      %parallel_loop3A_121 = arith.constant 5 : i32
      %parallel_loop3A_122 = vector.broadcast %parallel_loop3A_121 : i32 to vector<16xi32>
      %parallel_loop3A_123 = arith.addi %parallel_loop3A_93, %parallel_loop3A_122 : vector<16xi32>
      %parallel_loop3A_124 = tpu.vector_load_idx %arg9[%parallel_loop3A_123] : memref<8192xf32, #tpu.memory_space<vmem>>[vector<16xi32>], vector<16xf32>,
      %parallel_loop3A_125 = arith.addf %parallel_loop3A_120, %parallel_loop3A_124 : vector<16xf32>
      %parallel_loop3A_126 = arith.constant 6 : i32
      %parallel_loop3A_127 = vector.broadcast %parallel_loop3A_126 : i32 to vector<16xi32>
      %parallel_loop3A_128 = arith.addi %parallel_loop3A_93, %parallel_loop3A_127 : vector<16xi32>
      %parallel_loop3A_129 = tpu.vector_load_idx %arg9[%parallel_loop3A_128] : memref<8192xf32, #tpu.memory_space<vmem>>[vector<16xi32>], vector<16xf32>,
      %parallel_loop3A_130 = arith.addf %parallel_loop3A_125, %parallel_loop3A_129 : vector<16xf32>
      %parallel_loop3A_131 = arith.constant 7 : i32
      %parallel_loop3A_132 = vector.broadcast %parallel_loop3A_131 : i32 to vector<16xi32>
      %parallel_loop3A_133 = arith.addi %parallel_loop3A_93, %parallel_loop3A_132 : vector<16xi32>
      %parallel_loop3A_134 = tpu.vector_load_idx %arg9[%parallel_loop3A_133] : memref<8192xf32, #tpu.memory_space<vmem>>[vector<16xi32>], vector<16xf32>,
      %parallel_loop3A_135 = arith.addf %parallel_loop3A_130, %parallel_loop3A_134 : vector<16xf32>
      %parallel_loop3A_136 = arith.constant 8 : i32
      %parallel_loop3A_137 = vector.broadcast %parallel_loop3A_136 : i32 to vector<16xi32>
      %parallel_loop3A_138 = arith.addi %parallel_loop3A_93, %parallel_loop3A_137 : vector<16xi32>
      %parallel_loop3A_139 = tpu.vector_load_idx %arg9[%parallel_loop3A_138] : memref<8192xf32, #tpu.memory_space<vmem>>[vector<16xi32>], vector<16xf32>,
      %parallel_loop3A_140 = arith.addf %parallel_loop3A_135, %parallel_loop3A_139 : vector<16xf32>
      %parallel_loop3A_141 = arith.constant 9 : i32
      %parallel_loop3A_142 = vector.broadcast %parallel_loop3A_141 : i32 to vector<16xi32>
      %parallel_loop3A_143 = arith.addi %parallel_loop3A_93, %parallel_loop3A_142 : vector<16xi32>
      %parallel_loop3A_144 = tpu.vector_load_idx %arg9[%parallel_loop3A_143] : memref<8192xf32, #tpu.memory_space<vmem>>[vector<16xi32>], vector<16xf32>,
      %parallel_loop3A_145 = arith.addf %parallel_loop3A_140, %parallel_loop3A_144 : vector<16xf32>
      %parallel_loop3A_146 = arith.constant 10 : i32
      %parallel_loop3A_147 = vector.broadcast %parallel_loop3A_146 : i32 to vector<16xi32>
      %parallel_loop3A_148 = arith.addi %parallel_loop3A_93, %parallel_loop3A_147 : vector<16xi32>
      %parallel_loop3A_149 = tpu.vector_load_idx %arg9[%parallel_loop3A_148] : memref<8192xf32, #tpu.memory_space<vmem>>[vector<16xi32>], vector<16xf32>,
      %parallel_loop3A_150 = arith.addf %parallel_loop3A_145, %parallel_loop3A_149 : vector<16xf32>
      %parallel_loop3A_151 = arith.constant 11 : i32
      %parallel_loop3A_152 = vector.broadcast %parallel_loop3A_151 : i32 to vector<16xi32>
      %parallel_loop3A_153 = arith.addi %parallel_loop3A_93, %parallel_loop3A_152 : vector<16xi32>
      %parallel_loop3A_154 = tpu.vector_load_idx %arg9[%parallel_loop3A_153] : memref<8192xf32, #tpu.memory_space<vmem>>[vector<16xi32>], vector<16xf32>,
      %parallel_loop3A_155 = arith.addf %parallel_loop3A_150, %parallel_loop3A_154 : vector<16xf32>
      %parallel_loop3A_156 = arith.constant 12 : i32
      %parallel_loop3A_157 = vector.broadcast %parallel_loop3A_156 : i32 to vector<16xi32>
      %parallel_loop3A_158 = arith.addi %parallel_loop3A_93, %parallel_loop3A_157 : vector<16xi32>
      %parallel_loop3A_159 = tpu.vector_load_idx %arg9[%parallel_loop3A_158] : memref<8192xf32, #tpu.memory_space<vmem>>[vector<16xi32>], vector<16xf32>,
      %parallel_loop3A_160 = arith.addf %parallel_loop3A_155, %parallel_loop3A_159 : vector<16xf32>
      %parallel_loop3A_161 = arith.constant 13 : i32
      %parallel_loop3A_162 = vector.broadcast %parallel_loop3A_161 : i32 to vector<16xi32>
      %parallel_loop3A_163 = arith.addi %parallel_loop3A_93, %parallel_loop3A_162 : vector<16xi32>
      %parallel_loop3A_164 = tpu.vector_load_idx %arg9[%parallel_loop3A_163] : memref<8192xf32, #tpu.memory_space<vmem>>[vector<16xi32>], vector<16xf32>,
      %parallel_loop3A_165 = arith.addf %parallel_loop3A_160, %parallel_loop3A_164 : vector<16xf32>
      %parallel_loop3A_166 = arith.constant 14 : i32
      %parallel_loop3A_167 = vector.broadcast %parallel_loop3A_166 : i32 to vector<16xi32>
      %parallel_loop3A_168 = arith.addi %parallel_loop3A_93, %parallel_loop3A_167 : vector<16xi32>
      %parallel_loop3A_169 = tpu.vector_load_idx %arg9[%parallel_loop3A_168] : memref<8192xf32, #tpu.memory_space<vmem>>[vector<16xi32>], vector<16xf32>,
      %parallel_loop3A_170 = arith.addf %parallel_loop3A_165, %parallel_loop3A_169 : vector<16xf32>
      %parallel_loop3A_171 = arith.constant 15 : i32
      %parallel_loop3A_172 = vector.broadcast %parallel_loop3A_171 : i32 to vector<16xi32>
      %parallel_loop3A_173 = arith.addi %parallel_loop3A_93, %parallel_loop3A_172 : vector<16xi32>
      %parallel_loop3A_174 = tpu.vector_load_idx %arg9[%parallel_loop3A_173] : memref<8192xf32, #tpu.memory_space<vmem>>[vector<16xi32>], vector<16xf32>,
      %parallel_loop3A_175 = arith.addf %parallel_loop3A_170, %parallel_loop3A_174 : vector<16xf32>
      %parallel_loop3A_176 = vector.broadcast %parallel_loop3A_85 : f32 to vector<16xf32>
      %parallel_loop3A_177 = arith.mulf %parallel_loop3A_175, %parallel_loop3A_176 : vector<16xf32>
      %parallel_loop3A_178 = arith.constant 16 : i32
      %parallel_loop3A_179 = arith.muli %parallel_loop3A_86, %parallel_loop3A_178 : i32
      %parallel_loop3A_180 = arith.index_cast %parallel_loop3A_179 : i32 to index
      %parallel_loop3A_181 = tpu.vector_load %arg10[%parallel_loop3A_180] {strides = array<i32>} : memref<512xf32, #tpu.memory_space<vmem>>, vector<16xf32>,
      tpu.vector_store %arg10[%parallel_loop3A_180], %parallel_loop3A_177 {strides = array<i32>} : memref<512xf32, #tpu.memory_space<vmem>>, vector<16xf32>,
    } {sc.loop_unroll_factor = 2 : i64, sc.parallel_access}
    "tpu.region"() ({
      %run_scoped3A = tpu.sem_alloc : memref<!tpu.dma_semaphore, #tpu.memory_space<semaphore_mem>>
      %dma_start3A_86 = tpu.memref_slice %arg5[%mul3A_2] : memref<16384xf32, #tpu.memory_space<hbm>> -> memref<512xf32, #tpu.memory_space<hbm>>
      %dma_start3A_87 = tpu.memref_slice %arg5[%mul3A_2] : memref<16384xf32, #tpu.memory_space<hbm>> -> memref<512xf32, #tpu.memory_space<hbm>>
      tpu.enqueue_dma source(%arg10 : memref<512xf32, #tpu.memory_space<vmem>>) target(%dma_start3A_87 : memref<512xf32, #tpu.memory_space<hbm>>) target_semaphore(%run_scoped3A : memref<!tpu.dma_semaphore, #tpu.memory_space<semaphore_mem>>)
      %dma_wait3A = tpu.memref_slice %arg5[%mul3A_2] : memref<16384xf32, #tpu.memory_space<hbm>> -> memref<512xf32, #tpu.memory_space<hbm>>
      %dma_wait3A_88 = tpu.memref_slice %arg5[%mul3A_2] : memref<16384xf32, #tpu.memory_space<hbm>> -> memref<512xf32, #tpu.memory_space<hbm>>
      tpu.wait_dma2 semaphore(%run_scoped3A : memref<!tpu.dma_semaphore, #tpu.memory_space<semaphore_mem>>) src(%arg10 : memref<512xf32, #tpu.memory_space<vmem>>) dst(%dma_wait3A_88 : memref<512xf32, #tpu.memory_space<hbm>>)
      tpu.yield
    }) : () -> ()
    return
  }
}

</mosaic_0001>

<sc_bundles>
// kernel: kernel.3.cloned.1.call-start
scs
__scs_entry_jumppad:
0x0: {  	(pc) =	sbr.rel $0x88, $3  }
0x1: {  	(tag) =	ssettag $0x0;
	lr =	simm.s32 $0x1  }
0x2: {  	[smem:$0x3F9E] =	sst lr;
	_ =	strace $0xD0000000  }
0x3: {  	_ = 	snop  }
0x4: {  	_ = 	snop  }
0x5: {  	_ = 	snop  }
0x6: {  	_ = 	snop  }
0x7: {  	_ = 	snop  }
__scs_overlays_trampoline_lowered:
0x8: {  	[smem:$0x3FAD] =	sst s0  }
0x9: {  	[smem:$0x3FAE] =	sst s1  }
0xa: {  	[smem:$0x3FAF] =	sst s2  }
0xb: {  	[smem:$0x3FB0] =	sst s3  }
0xc: {  	[smem:$0x3FB1] =	sst s4  }
0xd: {  	[smem:$0x3FB2] =	sst s5  }
0xe: {  	[smem:$0x3FB3] =	sst s6  }
0xf: {  	[smem:$0x3FB4] =	sst s7  }
0x10: {  	[smem:$0x3FB5] =	sst s8  }
0x11: {  	[smem:$0x3FB6] =	sst s9;
	s0 =	simm.s32 @!p0 $0x0  }
0x12: {  	s1 =	sld [smem:$0x3F9C];
	s0 =	simm.s32 @p0 $0x1  }
0x13: {  	[smem:$0x3FB7] =	sst s0;
	s0 =	simm.s32 @!p1 $0x0  }
0x14: {  	s2 =	sld [smem:$0x3F9B];
	s0 =	simm.s32 @p1 $0x1  }
0x15: {  	[smem:$0x3FB8] =	sst s0;
	s0 =	simm.s32 @!p2 $0x0  }
0x16: {  	s3 =	sld [smem:$0x3FDB];
	s0 =	simm.s32 @p2 $0x1  }
0x17: {  	s4 =	simm.s32 $0x1BF5;
	[smem:$0x3FBA] =	sst s0  }
0x18: {  	s0 =	sld [smem:$0x3F9D];
	_ =	swait.ge [sflag:s4], $0x0  }
0x19: {  	s7 =	sld [smem:$0x3F9E]  }
0x1a: {  	s8 =	sadd.s32 $0xFFFFE003, lr  }
0x1b: {  	s9 =	sadd.s32 $0xFFFFFEF7, lr;
	s5 =	simm.s32 $0xFFFFFFFF;
	p2 =	slt.u32 s8, $0xFFFFF086  }
0x1c: {  	p1 =	slt.u32 s9, $0xF7A;
	s5 =	simm.s32 @!p2 $0x0  }
0x1d: {  	s5 =	simm.s32 @p1 $0x1;
	p0 =	seq.s32 s7, s2  }
0x1e: {  	s7 =	smul.u32 @!p0 $0xF7A, s2;
	p2 =	seq.s32 @!p0 s5, $0x0  }
0x1f: {  	s9 =	smul.u32 $0xF7A, s1;
	s8 =	simm.s32 @!p0 $0x1BF5;
	p2 =	por !p2, p0  }
0x20: {  	[sflag:s8] =	ssyncset.s32 @!p0 $0xFFFFF086;
	s6 =	sadd.s32 @!p0 s3, s7;
	s7 =	simm.s32 @!p0 $0x108  }
0x21: {  	s3 =	sadd.s32 s3, s9;
	s6 =	sadd.s32 @!p0 $0x88, s6;
	s7 =	simm.s32 @p2 $0x1082  }
0x22: {  	[simem:s7], [sflag:s8] =	dma.local @!p0 [hbm:s6], $0xF7A  }
0x23: {  	s9 =	sor.u32 $0xD0000000, s2;
	s6 =	simm.s32 $0x108;
	_ =	swait.ge @!p0 [sflag:s8], $0x0  }
0x24: {  	s3 =	sadd.s32 $0x88, s3;
	s6 =	simm.s32 @!p1 $0x1082;
	[sflag:s4] =	ssyncset.s32 $0xFFFFF086  }
0x25: {  	[simem:s6], [sflag:s4] =	dma.local [hbm:s3], $0xF7A  }
0x26: {  	[smem:$0x3F9E] =	sst s1;
	(tag) =	ssettag s2;
	_ =	strace s9  }
0x27: {  	s1 =	sld [smem:$0x3FAE]  }
0x28: {  	s2 =	sld [smem:$0x3FAF]  }
0x29: {  	s4 =	sld [smem:$0x3FB1]  }
0x2a: {  	p0 =	seq.s32 s5, $0x0;
	s5 =	sld [smem:$0x3FB2]  }
0x2b: {  	s6 =	sld [smem:$0x3FB3]  }
0x2c: {  	s7 =	sld [smem:$0x3FB4]  }
0x2d: {  	s3 =	simm.s32 $0x108;
	s8 =	sld [smem:$0x3FB5]  }
0x2e: {  	s3 =	simm.s32 @!p0 $0x1082;
	s9 =	sld [smem:$0x3FB6]  }
0x2f: {  	lr =	sadd.s32 s0, s3;
	s0 =	sld [smem:$0x3FAD]  }
0x30: {  	s3 =	sld [smem:$0x3FB0]  }
0x31: {  	[smem:$0x3FB9] =	sst s10  }
0x32: {  	s10 =	sld [smem:$0x3FB7];
	_ =	sdelay $0x3  }
0x33: {  	p0 =	seq.s32 s10, $0x1;
	s10 =	sld [smem:$0x3FB9];
	_ =	sdelay $0x3  }
0x34: {  	[smem:$0x3FB9] =	sst s10  }
0x35: {  	s10 =	sld [smem:$0x3FB8];
	_ =	sdelay $0x3  }
0x36: {  	p1 =	seq.s32 s10, $0x1;
	s10 =	sld [smem:$0x3FB9];
	_ =	sdelay $0x3  }
0x37: {  	[smem:$0x3FB9] =	sst s10  }
0x38: {  	s10 =	sld [smem:$0x3FBA]  }
0x39: {  	_ = 	snop;
	(pc) =	sbr.ind lr, $3  }
0x3a: {  	_ = 	snop  }
0x3b: {  	_ = 	snop  }
0x3c: {  	p2 =	seq.s32 s10, $0x1;
	s10 =	sld [smem:$0x3FB9]  }
0x3d: {  	_ =	shalt  }
0x3e: {  	_ =	shalt  }
0x3f: {  	_ =	shalt  }
0x40: {  	_ =	shalt  }
0x41: {  	_ =	shalt  }
0x42: {  	_ =	shalt  }
0x43: {  	_ =	shalt  }
0x44: {  	_ =	shalt  }
0x45: {  	_ =	shalt  }
0x46: {  	_ =	shalt  }
0x47: {  	_ =	shalt  }
0x48: {  	_ =	shalt  }
0x49: {  	_ =	shalt  }
0x4a: {  	_ =	shalt  }
0x4b: {  	_ =	shalt  }
0x4c: {  	_ =	shalt  }
0x4d: {  	_ =	shalt  }
0x4e: {  	_ =	shalt  }
0x4f: {  	_ =	shalt  }
0x50: {  	_ =	shalt  }
0x51: {  	_ =	shalt  }
0x52: {  	_ =	shalt  }
0x53: {  	_ =	shalt  }
0x54: {  	_ =	shalt  }
0x55: {  	_ =	shalt  }
0x56: {  	_ =	shalt  }
0x57: {  	_ =	shalt  }
0x58: {  	_ =	shalt  }
0x59: {  	_ =	shalt  }
0x5a: {  	_ =	shalt  }
0x5b: {  	_ =	shalt  }
0x5c: {  	_ =	shalt  }
0x5d: {  	_ =	shalt  }
0x5e: {  	_ =	shalt  }
0x5f: {  	_ =	shalt  }
0x60: {  	_ =	shalt  }
0x61: {  	_ =	shalt  }
0x62: {  	_ =	shalt  }
0x63: {  	_ =	shalt  }
0x64: {  	_ =	shalt  }
0x65: {  	_ =	shalt  }
0x66: {  	_ =	shalt  }
0x67: {  	_ =	shalt  }
0x68: {  	_ =	shalt  }
0x69: {  	_ =	shalt  }
0x6a: {  	_ =	shalt  }
0x6b: {  	_ =	shalt  }
0x6c: {  	_ =	shalt  }
0x6d: {  	_ =	shalt  }
0x6e: {  	_ =	shalt  }
0x6f: {  	_ =	shalt  }
0x70: {  	_ =	shalt  }
0x71: {  	_ =	shalt  }
0x72: {  	_ =	shalt  }
0x73: {  	_ =	shalt  }
0x74: {  	_ =	shalt  }
0x75: {  	_ =	shalt  }
0x76: {  	_ =	shalt  }
0x77: {  	_ =	shalt  }
0x78: {  	_ =	shalt  }
0x79: {  	_ =	shalt  }
0x7a: {  	_ =	shalt  }
0x7b: {  	_ =	shalt  }
0x7c: {  	_ =	shalt  }
0x7d: {  	_ =	shalt  }
0x7e: {  	_ =	shalt  }
0x7f: {  	_ =	shalt  }
0x80: {  	_ =	shalt  }
0x81: {  	_ =	shalt  }
0x82: {  	_ =	shalt  }
0x83: {  	_ =	shalt  }
0x84: {  	_ =	shalt  }
0x85: {  	_ =	shalt  }
0x86: {  	_ =	shalt  }
0x87: {  	_ =	shalt  }
.Lfunc_end0:
.L_simem_size_0:
called_computation_lowered:
.L_overlay_start_0:
0x88: {  	s2 =	sld [smem:$0x3FD9]  }
0x89: {  	s3 =	sld [smem:$0x3FFE];
	_ =	sdelay $0x1  }
0x8a: {  	s1 =	srdreg.scid  }
0x8b: {  	s0 =	sand.u32 $0x1, s1  }
0x8c: {  	s18 =	sshll.u32 s0, $0xA;
	s2 =	sadd.s32 s3, s2  }
0x8d: {  	s2 =	sadd.s32 s2, s18  }
0x8e: {  	[smem:$0x3FC5] =	sst s2  }
0x8f: {  	_ = 	snop  }
0x90: {  	s2 =	sld [smem:$0x3FC9]  }
0x91: {  	s19 =	sld [smem:$0x3FC8]  }
0x92: {  	s4 =	sld [smem:$0x3FC7]  }
0x93: {  	s5 =	sld [smem:$0x3FD0];
	(tm) =	ssettm $0x1  }
0x94: {  	s6 =	sld [smem:$0x3FFB];
	_ =	sdelay $0x3  }
0x95: {  	_ =	strace s6  }
0x96: {  	s6 =	sld [smem:$0x3FFC];
	_ =	sdelay $0x3  }
0x97: {  	_ =	strace s6  }
0x98: {  	s6 =	sld [smem:$0x3FFD];
	_ =	sdelay $0x3  }
0x99: {  	_ =	strace s6  }
0x9a: {  	_ =	strace $0x8FFFFFFF  }
0x9b: {  	s20 =	sld [smem:$0x3FDB];
	_ =	sdelay $0x1  }
0x9c: {  	s7 =	simm.s32 $_scs_section_size  }
0x9d: {  	s8 =	simm.s32 $_size__tile_overlayer_lowered;
	s9 =	simm.s32 $_tile_overlayer_lowered  }
0x9e: {  	s23 =	simm.s32 $0x1BFF;
	s22 =	sshll.u32 s9, $0x1;
	s6 =	sadd.s32 s7, s20  }
0x9f: {  	s10 =	simm.s32 $0x0;
	s21 =	sshll.u32 s8, $0x1;
	s8 =	sadd.s32 s22, s6  }
0xa0: {  	[timem:s10], [sflag:s23] =	dma.local [hbm:s8], s21  }
0xa1: {  	_ =	swait.ge [sflag:s23], s21  }
0xa2: {  	s7 =	ssub.s32 $0x0, s21;
	[sflag:s23] =	ssyncset.done $0x0  }
0xa3: {  	[sflag:s23] =	ssyncadd.s32 s7;
	_ =	sdelay $0x1  }
0xa4: {  	s24 =	simm.s32 $0x1B8B  }
0xa5: {  	_ =	swait.ge [sflag:s24], $0x1  }
0xa6: {  	[sflag:s24] =	ssyncset.done $0x0  }
0xa7: {  	s25 =	simm.s32 $0x1B8E;
	[sflag:s24] =	ssyncadd.s32 $0xFFFFFFFF  }
0xa8: {  	s26 =	simm.s32 $execute0_lowered;
	[smem:$0x3FD2] =	sst s25  }
0xa9: {  	s7 =	sshll.u32 s26, $0x1;
	_ =	strace $0x80000046;
	[dreg:$0x1] =	wrdreg $0xFFFFFFFF  }
0xaa: {  	s28 =	simm.s32 $_size_execute0_lowered;
	s6 =	sadd.s32 s6, s7;
	[dreg:$0x0] =	wrdreg $0x0  }
0xab: {  	s7 =	sshll.u32 s28, $0x1;
	[dreg:$0x2] =	wrdreg s6  }
0xac: {  	[dreg:$0x3] =	wrdreg s7  }
0xad: {  	[dreg:$0x4] =	wrdreg $0xC0  }
0xae: {  	_ =	task [dreg:s10], $0x5FFFF  }
0xaf: {  	[dreg:$0x1] =	wrdreg $0xFFFFFFFF  }
0xb0: {  	[dreg:$0x0] =	wrdreg $0x60  }
0xb1: {  	[dreg:$0x2] =	wrdreg s2  }
0xb2: {  	[dreg:$0x3] =	wrdreg s19  }
0xb3: {  	[dreg:$0x4] =	wrdreg s4  }
0xb4: {  	[dreg:$0x5] =	wrdreg s5  }
0xb5: {  	[dreg:$0x6] =	wrdreg $0x9  }
0xb6: {  	_ =	task.clear_ibuf [dreg:s10], $0x7FFFF;
	_ =	strace $0x90000046  }
0xb7: {  	s29 =	simm.s32 $0x9;
	_ =	strace $0x80000048  }
0xb8: {  	_ =	swait.ge [sflag:s29], $0x1  }
0xb9: {  	[sflag:s29] =	ssyncadd.s32 $0xFFFFFFFF  }
0xba: {  	_ =	strace $0x90000048  }
0xbb: {  	_ =	sfence  }
0xbc: {  	s30 =	sld [smem:$0x0];
	_ =	sdelay $0x2  }
0xbd: {  	s31 =	sshll.u32 s1, $0xD;
	s1 =	sshrl.u32 s1, $0x2  }
0xbe: {  	s3 =	sand.u32 $0x4000, s31;
	s1 =	sadd.s32 s1, s30  }
0xbf: {  	s0 =	sor.u32 s3, s0;
	s1 =	sshll.u32 s1, $0x11  }
0xc0: {  	s0 =	sor.u32 s1, s0  }
0xc1: {  	s0 =	sadd.s32 $0x8F2B, s0  }
0xc2: {  	[sflag:s0] =	ssyncadd.remote.s32 $0x1  }
0xc3: {  	_ =	sfence.sel $0xFFFF  }
0xc4: {  	[dreg:$0x0] =	wrdreg $0xFFFFFFFF;
	(pc) =	sbr.abs _section_cstart, $3  }
0xc5: {  	[dreg:$0x1] =	wrdreg $0xFFFFFFFF  }
0xc6: {  	_ =	task.clear_ibuf [dreg:s10], $0x2FFFF;
	_ =	strace $0x9FFFFFFF  }
0xc7: {  	(tm) =	ssettm $0x7FFFFFFF  }
tec
execute0_lowered:
.L_overlay_start_1:
0x0: {  	(tag) =	ssettag $0x1  }
0x1: {  	s31 =	rddreg [dreg:$0x0]  }
0x2: {  	s0 =	rddreg [dreg:$0x1]  }
0x3: {  	s2 =	rddreg [dreg:$0x2]  }
0x4: {  	s1 =	rddreg [dreg:$0x3];
	s3 =	srdreg.scid  }
0x5: {  	s7 =	simm.s32 $0x0;
	s5 =	stileid.u32;
	s3 =	sand.u32 $0x1, s3  }
0x6: {  	s5 =	sshll.u32 s5, $0xA;
	s4 =	ssub.s32 $0x2, s3;
	s3 =	sshll.u32 s3, $0x9  }
0x7: {  	[smem:$0x7FF] =	sst s7;
	s2 =	sadd.s32 $0x100, s2;
	s5 =	sor.u32 s3, s5  }
0x8: {  	_ =	strace $0x80000047;
	[dreg:$0x8] =	wrdreg s2;
	s25 =	sshrl.u32 s5, $0x3  }
0x9: {  	[dreg:$0x5] =	wrdreg s5;
	s5 =	sshll.u32 s5, $0x6;
	s0 =	sadd.s32 s0, s25  }
0xa: {  	s6 =	sshrl.u32 s4, $0x1;
	s26 =	sadd.s32 s31, s5;
	[dreg:$0x6] =	wrdreg s0  }
0xb: {  	s24 =	ssub.s32 s4, s6;
	s29 =	sadd.s32 s1, s25;
	[dreg:$0x7] =	wrdreg s26  }
0xc: {  	v0 =	vlaneseq.u32;
	s30 =	smax.u32 s24, $0x1;
	[dreg:$0xb] =	wrdreg s29  }
0xd: {  	v1 =	vand.u32 $0x7, v0;
	s28 =	sadd.s32 $0x400, s26;
	[dreg:$0xc] =	wrdreg s30  }
0xe: {  	s23 =	simm.s32 $0x10200;
	v2 =	vshrl.u32 v0, $0x3;
	v0 =	vor.u32 $0x8, v0;
	[tilespmem:$0x1FFE0] =	vst v1;
	s0 =	sadd.s32 $0x800, s26;
	[dreg:$0x9] =	wrdreg s28  }
0xf: {  	vm0 =	vmmov $0xffff;
	v2 =	vmul.u32 $0x8, v2;
	[tilespmem:$0x1FFF0] =	vst v0;
	s2 =	simm.s32 $0x0;
	s1 =	simm.s32 $0x9;
	[dreg:$0xa] =	wrdreg s0  }
.LBB2_1:
0x10: {  	[dreg:$0xd] =	wrdreg s2  }
0x11: {  	s0 =	rddreg [dreg:$0x6]  }
0x12: {  	[tilespmem:s7], [sflag:$0x9] =	stream.linear.gather [hbm4b:s0+s7], $0x200, $0x38;
	[tilespmem:$0x12400] =	vst v63  }
0x13: {  	_ =	swait.ge [sflag:s1], $0x200  }
0x14: {  	[sflag:s1] =	ssyncset.done $0x0  }
0x15: {  	s9 =	simm.s32 $0x200;
	s8 =	rddreg [dreg:$0x7];
	[sflag:s1] =	ssyncadd.s32 $0xFFFFFE00  }
0x16: {  	[tilespmem:s9], [sflag:$0x1] =	stream.linear.gather [hbm4b:s8+s7], $0x2000, $0x38;
	[tilespmem:$0x12400] =	vst v63  }
0x17: {  	v4 =	vld [tilespmem:$0x0];
	_ =	sdelay $0x2  }
0x18: {  	v0 =	vld [tilespmem:$0x1FFE0];
	_ =	sdelay $0x1  }
0x19: {  	v5 =	vshll.u32 v4, $0x2  }
0x1a: {  	v4 =	vand.u32 $0x7, v4;
	v5 =	vand.u32 $0xFFFFFFE0, v5  }
0x1b: {  	v1 =	vld [tilespmem:$0x1FFF0];
	v4 =	vor.u32 v4, v5  }
0x1c: {  	v5 =	vperm.xlane v4, v0;
	_ =	sdelay $0x1  }
0x1d: {  	v5 =	vadd.s32 v2, v5;
	_ =	sdelay $0x1  }
0x1e: {  	v4 =	vperm.xlane v4, v1;
	_ =	sdelay $0x1  }
0x1f: {  	s11 =	simm.s32 $0x8200;
	s10 =	rddreg [dreg:$0x2];
	v4 =	vadd.s32 v2, v4  }
0x20: {  	[tilespmem:s11], [sflag:$0x5] =	stream.indirect_vreg.gather [hbm4b:s10+s7], $0x80, v5, vm0, $0xb8;
	[tilespmem:$0x12400] =	vst v63  }
0x21: {  	s13 =	simm.s32 $0x8A00;
	s12 =	rddreg [dreg:$0x8]  }
0x22: {  	[tilespmem:s13], [sflag:$0x5] =	stream.indirect_vreg.gather [hbm4b:s12+s7], $0x80, v5, vm0, $0xb8;
	[tilespmem:$0x12400] =	vst v63  }
0x23: {  	s14 =	simm.s32 $0x9200  }
0x24: {  	[tilespmem:s14], [sflag:$0x5] =	stream.indirect_vreg.gather [hbm4b:s10+s7], $0x80, v4, vm0, $0xb8;
	[tilespmem:$0x12400] =	vst v63  }
0x25: {  	s15 =	simm.s32 $0x9A00  }
0x26: {  	[tilespmem:s15], [sflag:$0x5] =	stream.indirect_vreg.gather [hbm4b:s12+s7], $0x80, v4, vm0, $0xb8;
	[tilespmem:$0x12400] =	vst v63  }
0x27: {  	s3 =	simm.s32 $0x2200;
	s16 =	rddreg [dreg:$0x9]  }
0x28: {  	[tilespmem:s3], [sflag:$0x2] =	stream.linear.gather [hbm4b:s16+s7], $0x2000, $0x38;
	[tilespmem:$0x12400] =	vst v63  }
0x29: {  	v4 =	vld [tilespmem:$0x10];
	_ =	sdelay $0x4  }
0x2a: {  	v62 =	vshll.u32 v4, $0x2  }
0x2b: {  	v4 =	vand.u32 $0x7, v4;
	v5 =	vand.u32 $0xFFFFFFE0, v62  }
0x2c: {  	v4 =	vor.u32 v4, v5  }
0x2d: {  	v5 =	vperm.xlane v4, v0;
	_ =	sdelay $0x1  }
0x2e: {  	v5 =	vadd.s32 v2, v5;
	_ =	sdelay $0x1  }
0x2f: {  	v4 =	vperm.xlane v4, v1;
	_ =	sdelay $0x1  }
0x30: {  	s17 =	simm.s32 $0xA200;
	v4 =	vadd.s32 v2, v4  }
0x31: {  	[tilespmem:s17], [sflag:$0x6] =	stream.indirect_vreg.gather [hbm4b:s10+s7], $0x80, v5, vm0, $0xb8;
	[tilespmem:$0x12400] =	vst v63  }
0x32: {  	s18 =	simm.s32 $0xAA00  }
0x33: {  	[tilespmem:s18], [sflag:$0x6] =	stream.indirect_vreg.gather [hbm4b:s12+s7], $0x80, v5, vm0, $0xb8;
	[tilespmem:$0x12400] =	vst v63  }
0x34: {  	s19 =	simm.s32 $0xB200  }
0x35: {  	[tilespmem:s19], [sflag:$0x6] =	stream.indirect_vreg.gather [hbm4b:s10+s7], $0x80, v4, vm0, $0xb8;
	[tilespmem:$0x12400] =	vst v63  }
0x36: {  	s20 =	simm.s32 $0xBA00  }
0x37: {  	[tilespmem:s20], [sflag:$0x6] =	stream.indirect_vreg.gather [hbm4b:s12+s7], $0x80, v4, vm0, $0xb8;
	[tilespmem:$0x12400] =	vst v63  }
0x38: {  	s22 =	simm.s32 $0x4200;
	s21 =	rddreg [dreg:$0xa]  }
0x39: {  	[tilespmem:s22], [sflag:$0x3] =	stream.linear.gather [hbm4b:s21+s7], $0x2000, $0x38;
	[tilespmem:$0x12400] =	vst v63  }
0x3a: {  	v4 =	vld [tilespmem:$0x20];
	_ =	sdelay $0x4  }
0x3b: {  	v63 =	vshll.u32 v4, $0x2  }
0x3c: {  	v4 =	vand.u32 $0x7, v4;
	v5 =	vand.u32 $0xFFFFFFE0, v63  }
0x3d: {  	v4 =	vor.u32 v4, v5  }
0x3e: {  	v5 =	vperm.xlane v4, v0;
	_ =	sdelay $0x1  }
0x3f: {  	v5 =	vadd.s32 v2, v5;
	_ =	sdelay $0x1  }
0x40: {  	v4 =	vperm.xlane v4, v1;
	_ =	sdelay $0x1  }
0x41: {  	s24 =	simm.s32 $0xC200;
	v4 =	vadd.s32 v2, v4  }
0x42: {  	[tilespmem:s24], [sflag:$0x7] =	stream.indirect_vreg.gather [hbm4b:s10+s7], $0x80, v5, vm0, $0xb8;
	[tilespmem:$0x12400] =	vst v63  }
0x43: {  	s25 =	simm.s32 $0xCA00  }
0x44: {  	[tilespmem:s25], [sflag:$0x7] =	stream.indirect_vreg.gather [hbm4b:s12+s7], $0x80, v5, vm0, $0xb8;
	[tilespmem:$0x12400] =	vst v63  }
0x45: {  	s26 =	simm.s32 $0xD200  }
0x46: {  	[tilespmem:s26], [sflag:$0x7] =	stream.indirect_vreg.gather [hbm4b:s10+s7], $0x80, v4, vm0, $0xb8;
	[tilespmem:$0x12400] =	vst v63  }
0x47: {  	s30 =	simm.s32 $0xDA00;
	s28 =	simm.s32 $0x10310;
	s29 =	simm.s32 $0x10410  }
0x48: {  	[tilespmem:s30], [sflag:$0x7] =	stream.indirect_vreg.gather [hbm4b:s12+s7], $0x80, v4, vm0, $0xb8;
	[tilespmem:$0x12400] =	vst v63  }
0x49: {  	s6 =	simm.s32 $0x0;
	s24 =	simm.s32 $0x10510;
	s7 =	simm.s32 $0x10210  }
.LBB2_2:
0x4a: {  	s9 =	sshll.u32 s6, $0x6  }
0x4b: {  	s1 =	rddreg [dreg:$0x5];
	s0 =	sor.u32 $0x30, s9  }
0x4c: {  	s0 =	sadd.s32 s1, s0  }
0x4d: {  	s0 =	sshll.u32 s0, $0x6  }
0x4e: {  	s10 =	simm.s32 $0x0;
	s19 =	simm.s32 $0x6200;
	s0 =	sadd.s32 s31, s0  }
0x4f: {  	[tilespmem:s19], [sflag:$0x4] =	stream.linear.gather [hbm4b:s0+s10], $0x2000, $0x38;
	[tilespmem:$0x12400] =	vst v63  }
0x50: {  	v4 =	vld [tilespmem:s9+$0x30];
	_ =	sdelay $0x2  }
0x51: {  	v0 =	vld [tilespmem:$0x1FFE0];
	_ =	sdelay $0x1  }
0x52: {  	v5 =	vshll.u32 v4, $0x2  }
0x53: {  	v4 =	vand.u32 $0x7, v4;
	v5 =	vand.u32 $0xFFFFFFE0, v5  }
0x54: {  	v4 =	vor.u32 v4, v5  }
0x55: {  	v5 =	vperm.xlane v4, v0;
	v0 =	vld [tilespmem:$0x1FFF0];
	_ =	sdelay $0x2  }
0x56: {  	v5 =	vadd.s32 v2, v5;
	_ =	sdelay $0x1  }
0x57: {  	v4 =	vperm.xlane v4, v0;
	_ =	sdelay $0x1  }
0x58: {  	s20 =	rddreg [dreg:$0x2];
	s21 =	simm.s32 $0xE200;
	v4 =	vadd.s32 v2, v4  }
0x59: {  	[tilespmem:s21], [sflag:$0x8] =	stream.indirect_vreg.gather [hbm4b:s20+s10], $0x80, v5, vm0, $0xb8;
	[tilespmem:$0x12400] =	vst v63  }
0x5a: {  	s22 =	rddreg [dreg:$0x8];
	s2 =	simm.s32 $0xEA00  }
0x5b: {  	[tilespmem:s2], [sflag:$0x8] =	stream.indirect_vreg.gather [hbm4b:s22+s10], $0x80, v5, vm0, $0xb8;
	[tilespmem:$0x12400] =	vst v63  }
0x5c: {  	s25 =	simm.s32 $0xF200  }
0x5d: {  	[tilespmem:s25], [sflag:$0x8] =	stream.indirect_vreg.gather [hbm4b:s20+s10], $0x80, v4, vm0, $0xb8;
	[tilespmem:$0x12400] =	vst v63  }
0x5e: {  	s26 =	simm.s32 $0xFA00;
	s2 =	simm.s32 $0x1  }
0x5f: {  	[tilespmem:s26], [sflag:$0x8] =	stream.indirect_vreg.gather [hbm4b:s22+s10], $0x80, v4, vm0, $0xb8;
	[tilespmem:$0x12400] =	vst v63  }
0x60: {  	_ =	swait.ge [sflag:s2], $0x2000  }
0x61: {  	[sflag:s2] =	ssyncset.done $0x0  }
0x62: {  	s4 =	simm.s32 $0x5;
	s3 =	sand.u32 $0x7, s10;
	[sflag:s2] =	ssyncadd.s32 $0xFFFFE000  }
0x63: {  	s0 =	sshll.u32 s3, $0x7;
	_ =	swait.ge [sflag:s4], $0x2000  }
0x64: {  	s0 =	sadd.s32 $0x80, s0;
	[sflag:s4] =	ssyncset.done $0x0  }
0x65: {  	s5 =	sor.u32 $0xC40, s0;
	[sflag:s4] =	ssyncadd.s32 $0xFFFFE000  }
0x66: {  	v4 =	vld [tilespmem:s5+$0x200]  }
0x67: {  	s8 =	sor.u32 $0xC50, s0;
	v5 =	vld [tilespmem:s5+$0x8200]  }
0x68: {  	v6 =	vld [tilespmem:s8+$0x200]  }
0x69: {  	s11 =	sor.u32 $0xC60, s0;
	v7 =	vld [tilespmem:s8+$0x8200]  }
0x6a: {  	v9 =	vld [tilespmem:s11+$0x200]  }
0x6b: {  	s12 =	sor.u32 $0xC70, s0;
	v13 =	vld [tilespmem:s11+$0x8200]  }
0x6c: {  	v14 =	vld [tilespmem:s12+$0x200]  }
0x6d: {  	s3 =	sor.u32 $0xC00, s0;
	v15 =	vld [tilespmem:s12+$0x8200]  }
0x6e: {  	v16 =	vld [tilespmem:s3+$0x200]  }
0x6f: {  	s13 =	sor.u32 $0xC10, s0;
	v17 =	vld [tilespmem:s3+$0x8200]  }
0x70: {  	v18 =	vld [tilespmem:s13+$0x200]  }
0x71: {  	s14 =	sor.u32 $0xC20, s0;
	v19 =	vld [tilespmem:s13+$0x8200]  }
0x72: {  	s15 =	simm.s32 $0x0;
	v10 =	vld [tilespmem:s14+$0x200]  }
0x73: {  	s16 =	sand.u32 $0x1000, s10;
	s0 =	sor.u32 $0xC30, s0;
	v11 =	vld [tilespmem:s14+$0x8200];
	s3 =	sand.u32 $0x300, s15  }
0x74: {  	v12 =	vld [tilespmem:s0+$0x200];
	s4 =	sor.u32 s3, s16  }
0x75: {  	v20 =	vld [tilespmem:s4+$0xA40]  }
0x76: {  	v21 =	vld [tilespmem:s4+$0x8A40]  }
0x77: {  	v22 =	vld [tilespmem:s4+$0xA50]  }
0x78: {  	v23 =	vld [tilespmem:s4+$0x8A50]  }
0x79: {  	v24 =	vld [tilespmem:s4+$0xA60]  }
0x7a: {  	v25 =	vld [tilespmem:s4+$0x8A60]  }
0x7b: {  	v26 =	vld [tilespmem:s4+$0xA70]  }
0x7c: {  	v27 =	vld [tilespmem:s4+$0x8A70]  }
0x7d: {  	v28 =	vld [tilespmem:s4+$0xA00]  }
0x7e: {  	v29 =	vld [tilespmem:s4+$0x8A00]  }
0x7f: {  	v30 =	vld [tilespmem:s4+$0xA10]  }
0x80: {  	v31 =	vld [tilespmem:s4+$0x8A10]  }
0x81: {  	v32 =	vld [tilespmem:s4+$0xA20]  }
0x82: {  	v33 =	vld [tilespmem:s4+$0x8A20]  }
0x83: {  	v34 =	vld [tilespmem:s4+$0xA30]  }
0x84: {  	v35 =	vld [tilespmem:s4+$0x8A30]  }
0x85: {  	v36 =	vld [tilespmem:s4+$0x640]  }
0x86: {  	v37 =	vld [tilespmem:s4+$0x8640]  }
0x87: {  	v38 =	vld [tilespmem:s4+$0x650]  }
0x88: {  	v39 =	vld [tilespmem:s4+$0x8650]  }
0x89: {  	v40 =	vld [tilespmem:s4+$0x660]  }
0x8a: {  	v41 =	vld [tilespmem:s4+$0x8660]  }
0x8b: {  	v42 =	vld [tilespmem:s4+$0x670]  }
0x8c: {  	v43 =	vld [tilespmem:s4+$0x8670]  }
0x8d: {  	v44 =	vld [tilespmem:s4+$0x600]  }
0x8e: {  	v45 =	vld [tilespmem:s4+$0x8600]  }
0x8f: {  	v46 =	vld [tilespmem:s4+$0x610]  }
0x90: {  	v47 =	vld [tilespmem:s4+$0x8610]  }
0x91: {  	v48 =	vld [tilespmem:s4+$0x620]  }
0x92: {  	v49 =	vld [tilespmem:s4+$0x8620]  }
0x93: {  	v50 =	vld [tilespmem:s4+$0x630]  }
0x94: {  	v51 =	vld [tilespmem:s4+$0x8630]  }
0x95: {  	v52 =	vld [tilespmem:s4+$0x200]  }
0x96: {  	v53 =	vld [tilespmem:s4+$0x8200]  }
0x97: {  	v54 =	vld [tilespmem:s4+$0x210]  }
0x98: {  	v55 =	vld [tilespmem:s4+$0x8210]  }
0x99: {  	v56 =	vld [tilespmem:s4+$0x220]  }
0x9a: {  	v57 =	vld [tilespmem:s4+$0x8220]  }
0x9b: {  	v58 =	vld [tilespmem:s4+$0x230];
	v63 =	vsub.f32 v4, v5  }
0x9c: {  	v59 =	vld [tilespmem:s4+$0x8230];
	v8 =	vsub.f32 v6, v7;
	v4 =	vsub.f32 v9, v13  }
0x9d: {  	v60 =	vld [tilespmem:s4+$0x240];
	v5 =	vsub.f32 v14, v15;
	v6 =	vsub.f32 v16, v17  }
0x9e: {  	v61 =	vld [tilespmem:s4+$0x8240];
	v7 =	vsub.f32 v18, v19;
	v11 =	vsub.f32 v10, v11  }
0x9f: {  	v62 =	vld [tilespmem:s4+$0x250];
	v13 =	vsub.f32 v20, v21;
	v14 =	vsub.f32 v22, v23  }
0xa0: {  	v0 =	vld [tilespmem:s4+$0x8250];
	v15 =	vsub.f32 v24, v25;
	v19 =	vsub.f32 v26, v27  }
0xa1: {  	s17 =	sand.u32 $0x3, s10;
	v1 =	vld [tilespmem:s4+$0x260];
	v21 =	vsub.f32 v28, v29;
	v22 =	vsub.f32 v30, v31  }
0xa2: {  	s3 =	sshll.u32 s17, $0x8;
	v17 =	vld [tilespmem:s4+$0x8260];
	v24 =	vsub.f32 v32, v33;
	v25 =	vsub.f32 v34, v35  }
0xa3: {  	s3 =	sadd.s32 $0x0, s3;
	v18 =	vld [tilespmem:s4+$0x270];
	v27 =	vsub.f32 v36, v37;
	v28 =	vsub.f32 v38, v39  }
0xa4: {  	s18 =	sor.u32 $0xC40, s3;
	v20 =	vld [tilespmem:s4+$0x8270];
	v30 =	vsub.f32 v40, v41;
	v31 =	vsub.f32 v42, v43;
	v9 =	vmul.f32 v63, v63  }
0xa5: {  	v23 =	vld [tilespmem:s18+$0x200];
	v33 =	vsub.f32 v44, v45;
	v8 =	vmul.f32 v8, v8;
	v4 =	vmul.f32 v4, v4  }
0xa6: {  	s19 =	sor.u32 $0xC50, s3;
	v26 =	vld [tilespmem:s18+$0x8200];
	v34 =	vsub.f32 v46, v47;
	v6 =	vmul.f32 v6, v6;
	v7 =	vmul.f32 v7, v7  }
0xa7: {  	v29 =	vld [tilespmem:s19+$0x200];
	v49 =	vsub.f32 v48, v49;
	v11 =	vmul.f32 v11, v11;
	v13 =	vmul.f32 v13, v13  }
0xa8: {  	s20 =	sor.u32 $0xC60, s3;
	v32 =	vld [tilespmem:s19+$0x8200];
	v50 =	vsub.f32 v50, v51;
	v14 =	vmul.f32 v14, v14;
	v16 =	vmul.f32 v15, v15  }
0xa9: {  	v35 =	vld [tilespmem:s20+$0x200];
	v52 =	vsub.f32 v52, v53;
	v15 =	vmul.f32 v19, v19;
	v21 =	vmul.f32 v21, v21  }
0xaa: {  	s21 =	sor.u32 $0xC70, s3;
	v51 =	vld [tilespmem:s20+$0x8200];
	v53 =	vsub.f32 v54, v55;
	v22 =	vmul.f32 v22, v22;
	v24 =	vmul.f32 v24, v24  }
0xab: {  	v54 =	vld [tilespmem:s21+$0x200];
	v55 =	vsub.f32 v56, v57;
	v25 =	vmul.f32 v25, v25;
	v33 =	vmul.f32 v33, v33  }
0xac: {  	s5 =	sor.u32 $0xC00, s3;
	v56 =	vld [tilespmem:s21+$0x8200];
	v57 =	vsub.f32 v58, v59;
	v34 =	vmul.f32 v34, v34;
	v36 =	vmul.f32 v49, v49  }
0xad: {  	s22 =	sor.u32 $0xC10, s3;
	v58 =	vsub.f32 v60, v61;
	v59 =	vld [tilespmem:s5+$0x8200];
	v37 =	vmul.f32 v50, v50;
	v39 =	vmul.f32 v52, v52  }
0xae: {  	s25 =	sor.u32 $0xC20, s3;
	s3 =	sor.u32 $0xC30, s3;
	v0 =	vsub.f32 v62, v0;
	v60 =	vld [tilespmem:s22+$0x200];
	v40 =	vmul.f32 v53, v53;
	v42 =	vmul.f32 v55, v55  }
0xaf: {  	s11 =	simm.s32 $0x80;
	v61 =	vld [tilespmem:s3+$0x200];
	v44 =	vmul.f32 v57, v57;
	v45 =	vmul.f32 v58, v58  }
0xb0: {  	s26 =	sand.u32 $0x380, s11;
	v62 =	vld [tilespmem:s3+$0x8200];
	v0 =	vmul.f32 v0, v0;
	v1 =	vsub.f32 v1, v17;
	v17 =	vmul.f32 v27, v27  }
0xb1: {  	s12 =	sor.u32 s16, s26;
	v63 =	vld [tilespmem:s0+$0x8200];
	v27 =	vmul.f32 v28, v28;
	v55 =	vmax.f32 v40, $9.999999960e-13;
	v57 =	vmax.f32 v45, $9.999999960e-13  }
0xb2: {  	v47 =	vld [tilespmem:s12+$0x250];
	v0 =	vmax.f32 v0, $9.999999960e-13;
	v44 =	vmax.f32 v44, $9.999999960e-13;
	v33 =	vmax.f32 v33, $9.999999960e-13  }
0xb3: {  	v48 =	vld [tilespmem:s12+$0x8250];
	v34 =	vmax.f32 v34, $9.999999960e-13;
	v15 =	vmax.f32 v15, $9.999999960e-13;
	v18 =	vsub.f32 v18, v20  }
0xb4: {  	v19 =	vld [tilespmem:s5+$0x200];
	v20 =	vmul.f32 v30, v30;
	v23 =	vsub.f32 v23, v26;
	v29 =	vsub.f32 v29, v32  }
0xb5: {  	v52 =	vld [tilespmem:s12+$0x200];
	v30 =	vmul.f32 v31, v31;
	v35 =	vsub.f32 v35, v51;
	v41 =	vsub.f32 v54, v56  }
0xb6: {  	v53 =	vld [tilespmem:s12+$0x8200];
	v1 =	vmul.f32 v1, v1;
	v56 =	vmax.f32 v42, $9.999999960e-13;
	v38 =	vmin.f32 v55, $9.999999950e+11  }
0xb7: {  	v58 =	vld [tilespmem:s12+$0x8210];
	v0 =	vmin.f32 v0, $9.999999950e+11;
	v44 =	vmin.f32 v44, $9.999999950e+11;
	v33 =	vmin.f32 v33, $9.999999950e+11  }
0xb8: {  	v28 =	vld [tilespmem:s22+$0x8200];
	v34 =	vmin.f32 v34, $9.999999950e+11;
	v55 =	vmax.f32 v37, $9.999999960e-13;
	v17 =	vmax.f32 v17, $9.999999960e-13  }
0xb9: {  	v31 =	vld [tilespmem:s25+$0x200];
	v27 =	vmax.f32 v27, $9.999999960e-13;
	v15 =	vmin.f32 v15, $9.999999950e+11;
	v40 =	vmin.f32 v56, $9.999999950e+11  }
0xba: {  	v26 =	vld [tilespmem:s25+$0x8200];
	v0 =	vadd.f32 v0, v38;
	v56 =	vmin.f32 v55, $9.999999950e+11;
	v54 =	vmul.f32 v18, v18  }
0xbb: {  	v51 =	vld [tilespmem:s12+$0x8260];
	v17 =	vmin.f32 v17, $9.999999950e+11;
	v23 =	vmul.f32 v23, v23;
	v29 =	vmul.f32 v29, v29  }
0xbc: {  	v37 =	vld [tilespmem:s12+$0x8A30];
	v19 =	vsub.f32 v19, v59;
	v32 =	vmul.f32 v35, v35;
	v35 =	vmul.f32 v41, v41  }
0xbd: {  	v38 =	vld [tilespmem:s12+$0x230];
	v18 =	vsub.f32 v12, v63;
	v10 =	vsub.f32 v52, v53;
	v12 =	vmax.f32 v39, $9.999999960e-13  }
0xbe: {  	v39 =	vld [tilespmem:s12+$0x210];
	v1 =	vmax.f32 v1, $9.999999960e-13;
	v41 =	vmin.f32 v57, $9.999999950e+11;
	v20 =	vmax.f32 v20, $9.999999960e-13  }
0xbf: {  	v59 =	vld [tilespmem:s12+$0x220];
	v28 =	vsub.f32 v60, v28;
	v12 =	vmin.f32 v12, $9.999999950e+11;
	v1 =	vmin.f32 v1, $9.999999950e+11  }
0xc0: {  	v63 =	vld [tilespmem:s12+$0x8240];
	v0 =	vadd.f32 v34, v0;
	v19 =	vmul.f32 v19, v19;
	v12 =	vadd.f32 v41, v12  }
0xc1: {  	v52 =	vld [tilespmem:s12+$0x270];
	v1 =	vadd.f32 v1, v40;
	v23 =	vmax.f32 v23, $9.999999960e-13;
	v18 =	vmul.f32 v18, v18  }
0xc2: {  	v53 =	vld [tilespmem:s12+$0x8270];
	v26 =	vsub.f32 v31, v26;
	v31 =	vsub.f32 v61, v62;
	v61 =	vmax.f32 v54, $9.999999960e-13  }
0xc3: {  	v57 =	vld [tilespmem:s12+$0x8600];
	v28 =	vmul.f32 v28, v28;
	v54 =	vmax.f32 v36, $9.999999960e-13;
	v45 =	vmin.f32 v61, $9.999999950e+11  }
0xc4: {  	v60 =	vld [tilespmem:s12+$0x8220];
	v12 =	vadd.f32 v33, v12;
	v33 =	vmin.f32 v54, $9.999999950e+11;
	v19 =	vmax.f32 v19, $9.999999960e-13  }
0xc5: {  	v34 =	vld [tilespmem:s12+$0x670];
	v61 =	vmax.f32 v8, $9.999999960e-13;
	v8 =	vmax.f32 v7, $9.999999960e-13;
	v7 =	vmax.f32 v18, $9.999999960e-13  }
0xc6: {  	v40 =	vld [tilespmem:s12+$0x8230];
	v26 =	vmul.f32 v26, v26;
	v31 =	vmul.f32 v31, v31;
	v44 =	vadd.f32 v45, v44  }
0xc7: {  	v62 =	vld [tilespmem:s12+$0x240];
	v1 =	vadd.f32 v33, v1;
	v19 =	vmin.f32 v19, $9.999999950e+11;
	v58 =	vsub.f32 v39, v58  }
0xc8: {  	v36 =	vld [tilespmem:s12+$0x8670];
	v12 =	vadd.f32 v17, v12;
	v17 =	vmin.f32 v27, $9.999999950e+11;
	v27 =	vmax.f32 v30, $9.999999960e-13  }
0xc9: {  	v54 =	vld [tilespmem:s12+$0x600];
	v59 =	vsub.f32 v59, v60;
	v60 =	vmax.f32 v9, $9.999999960e-13;
	v9 =	vmax.f32 v11, $9.999999960e-13  }
0xca: {  	v18 =	vld [tilespmem:s12+$0xA40];
	v33 =	vadd.f32 v56, v44;
	v0 =	vadd.f32 v17, v0;
	v17 =	vmin.f32 v20, $9.999999950e+11  }
0xcb: {  	v44 =	vld [tilespmem:s12+$0x260];
	v20 =	vmax.f32 v21, $9.999999960e-13;
	v21 =	vmax.f32 v22, $9.999999960e-13;
	v22 =	vmax.f32 v24, $9.999999960e-13  }
0xcc: {  	v24 =	vmax.f32 v13, $9.999999960e-13;
	v13 =	vld [tilespmem:s12+$0x8610];
	v50 =	vmul.f32 v58, v58;
	v1 =	vadd.f32 v17, v1  }
0xcd: {  	v17 =	vmin.f32 v27, $9.999999950e+11;
	v20 =	vmin.f32 v20, $9.999999950e+11;
	v22 =	vmin.f32 v22, $9.999999950e+11;
	v27 =	vld [tilespmem:s12+$0x8630]  }
0xce: {  	v20 =	vadd.f32 v20, v12;
	v12 =	vmin.f32 v21, $9.999999950e+11;
	v21 =	vmax.f32 v25, $9.999999960e-13;
	v25 =	vld [tilespmem:s12+$0x8650]  }
0xcf: {  	v24 =	vmin.f32 v24, $9.999999950e+11;
	v62 =	vsub.f32 v62, v63;
	v17 =	vadd.f32 v17, v33;
	v33 =	vld [tilespmem:s12+$0x8A20]  }
0xd0: {  	v0 =	vadd.f32 v12, v0;
	v12 =	vld [tilespmem:s12+$0x610];
	v1 =	vadd.f32 v22, v1;
	v21 =	vmin.f32 v21, $9.999999950e+11  }
0xd1: {  	v22 =	vmax.f32 v14, $9.999999960e-13;
	v14 =	vld [tilespmem:s12+$0x620];
	v17 =	vadd.f32 v21, v17;
	v21 =	vmax.f32 v16, $9.999999960e-13  }
0xd2: {  	v22 =	vmin.f32 v22, $9.999999950e+11;
	v20 =	vadd.f32 v24, v20;
	v16 =	vld [tilespmem:s12+$0x8620];
	v24 =	vmin.f32 v21, $9.999999950e+11  }
0xd3: {  	v0 =	vadd.f32 v22, v0;
	v21 =	vld [tilespmem:s12+$0x630];
	v22 =	vmax.f32 v28, $9.999999960e-13;
	v1 =	vadd.f32 v24, v1  }
0xd4: {  	v28 =	vld [tilespmem:s12+$0x660];
	v17 =	vadd.f32 v15, v17;
	v24 =	vmax.f32 v26, $9.999999960e-13;
	v26 =	vadd.f32 v19, v20  }
0xd5: {  	v15 =	vld [tilespmem:s12+$0x640];
	v20 =	vmin.f32 v22, $9.999999950e+11;
	v22 =	vmax.f32 v31, $9.999999960e-13;
	v24 =	vmin.f32 v24, $9.999999950e+11  }
0xd6: {  	v19 =	vld [tilespmem:s12+$0x8640];
	v0 =	vadd.f32 v20, v0;
	v22 =	vmin.f32 v22, $9.999999950e+11;
	v1 =	vadd.f32 v24, v1  }
0xd7: {  	v31 =	vld [tilespmem:s12+$0x8660];
	v24 =	vmax.f32 v29, $9.999999960e-13;
	v17 =	vadd.f32 v22, v17;
	v22 =	vmin.f32 v23, $9.999999950e+11  }
0xd8: {  	v20 =	vld [tilespmem:s12+$0x650];
	v23 =	vmax.f32 v32, $9.999999960e-13;
	v26 =	vadd.f32 v22, v26;
	v22 =	vmin.f32 v24, $9.999999950e+11  }
0xd9: {  	v29 =	vld [tilespmem:s12+$0x8A10];
	v24 =	vmax.f32 v35, $9.999999960e-13;
	v0 =	vadd.f32 v22, v0;
	v22 =	vmin.f32 v23, $9.999999950e+11  }
0xda: {  	v63 =	vmul.f32 v10, v10;
	v32 =	vld [tilespmem:s12+$0x8A50];
	v1 =	vadd.f32 v22, v1;
	v22 =	vmin.f32 v24, $9.999999950e+11  }
0xdb: {  	v10 =	vmin.f32 v61, $9.999999950e+11;
	v39 =	vsub.f32 v54, v57;
	v35 =	vld [tilespmem:s12+$0xA30];
	v30 =	vadd.f32 v22, v17  }
0xdc: {  	v49 =	vmax.f32 v63, $9.999999960e-13;
	v43 =	vsub.f32 v44, v51;
	v23 =	vld [tilespmem:s12+$0x8A00];
	v24 =	vmul.f32 v5, v5  }
0xdd: {  	v42 =	vmul.f32 v62, v62;
	v17 =	vld [tilespmem:s12+$0xA00];
	v0 =	vadd.f32 v0, v26;
	v1 =	vadd.f32 v30, v1  }
0xde: {  	v5 =	vmax.f32 v4, $9.999999960e-13;
	v22 =	vld [tilespmem:s12+$0xA10];
	v26 =	vsub.f32 v38, v40;
	v4 =	vmax.f32 v24, $9.999999960e-13  }
0xdf: {  	v24 =	vmax.f32 v6, $9.999999960e-13;
	v30 =	vld [tilespmem:s12+$0xA20];
	v0 =	vadd.f32 v1, v0;
	v1 =	vsub.f32 v47, v48  }
0xe0: {  	s30 =	simm.s32 $0x0;
	s13 =	simm.s32 $0x0;
	v44 =	vsub.f32 v52, v53;
	v38 =	vmul.f32 v59, v59;
	v11 =	vmin.f32 v24, $9.999999950e+11;
	v24 =	vld [tilespmem:s12+$0x8A40]  }
0xe1: {  	s26 =	smov.u32 s7;
	s4 =	simm.s32 $0x80;
	s25 =	simm.s32 $0x2;
	v6 =	vmin.f32 v60, $9.999999950e+11;
	v40 =	vmul.f32 v26, v26;
	v26 =	vld [tilespmem:s12+$0xA50];
	[tilespmem:s7+$0xFFFFFFF0] =	vst v0;
	v41 =	vmul.f32 v1, v1  }
.LBB2_3:
0xe2: {  	s0 =	sand.u32 $0x7, s25;
	v0 =	vmul.f32 v43, v43;
	v1 =	vmul.f32 v44, v44;
	v13 =	vsub.f32 v12, v13;
	v43 =	vld [tilespmem:s12+$0xA60]  }
0xe3: {  	v44 =	vmax.f32 v50, $9.999999960e-13;
	v14 =	vsub.f32 v14, v16;
	v16 =	vsub.f32 v21, v27;
	s11 =	sadd.s32 $0x400, s11;
	s0 =	sshll.u32 s0, $0x7;
	v45 =	vld [tilespmem:s12+$0x8A60]  }
0xe4: {  	v21 =	vmax.f32 v38, $9.999999960e-13;
	v27 =	vmax.f32 v40, $9.999999960e-13;
	v38 =	vmax.f32 v42, $9.999999960e-13;
	s0 =	sadd.s32 s0, s11;
	v40 =	vld [tilespmem:s12+$0xA70]  }
0xe5: {  	v41 =	vmax.f32 v41, $9.999999960e-13;
	v0 =	vmax.f32 v0, $9.999999960e-13;
	v1 =	vmax.f32 v1, $9.999999960e-13;
	s1 =	sor.u32 $0xC40, s0;
	v42 =	vld [tilespmem:s12+$0x8A70]  }
0xe6: {  	v47 =	vsub.f32 v15, v19;
	v39 =	vmul.f32 v39, v39;
	v46 =	vmul.f32 v13, v13;
	v12 =	vld [tilespmem:s1+$0x200]  }
0xe7: {  	v51 =	vsub.f32 v20, v25;
	v48 =	vmul.f32 v14, v14;
	v50 =	vmul.f32 v16, v16;
	v13 =	vld [tilespmem:s1+$0x8200];
	s1 =	sor.u32 $0xC50, s0  }
0xe8: {  	v20 =	vmin.f32 v49, $9.999999950e+11;
	v28 =	vsub.f32 v28, v31;
	v31 =	vsub.f32 v34, v36;
	v14 =	vld [tilespmem:s1+$0x200]  }
0xe9: {  	v25 =	vmin.f32 v44, $9.999999950e+11;
	v21 =	vmin.f32 v21, $9.999999950e+11;
	v27 =	vmin.f32 v27, $9.999999950e+11;
	v15 =	vld [tilespmem:s1+$0x8200];
	s1 =	sor.u32 $0xC60, s0  }
0xea: {  	v34 =	vmin.f32 v38, $9.999999950e+11;
	v36 =	vmin.f32 v41, $9.999999950e+11;
	v0 =	vmin.f32 v0, $9.999999950e+11;
	v16 =	vld [tilespmem:s1+$0x200]  }
0xeb: {  	v34 =	vadd.f32 v34, v20;
	v36 =	vadd.f32 v36, v25;
	v1 =	vmin.f32 v1, $9.999999950e+11;
	v19 =	vld [tilespmem:s1+$0x8200];
	s1 =	sor.u32 $0xC70, s0  }
0xec: {  	v0 =	vadd.f32 v0, v21;
	v1 =	vadd.f32 v1, v27;
	v27 =	vmax.f32 v39, $9.999999960e-13;
	v20 =	vld [tilespmem:s1+$0x200]  }
0xed: {  	s3 =	sor.u32 $0xC00, s0;
	v38 =	vmax.f32 v46, $9.999999960e-13;
	v39 =	vmax.f32 v48, $9.999999960e-13;
	v41 =	vmax.f32 v50, $9.999999960e-13;
	v21 =	vld [tilespmem:s1+$0x8200]  }
0xee: {  	v44 =	vmul.f32 v47, v47;
	v47 =	vsub.f32 v17, v23;
	v46 =	vmul.f32 v51, v51;
	v25 =	vld [tilespmem:s3+$0x200]  }
0xef: {  	v49 =	vsub.f32 v22, v29;
	v31 =	vmul.f32 v31, v31;
	v48 =	vmul.f32 v28, v28;
	s1 =	sor.u32 $0xC10, s0;
	v17 =	vld [tilespmem:s3+$0x8200]  }
0xf0: {  	v33 =	vsub.f32 v30, v33;
	v35 =	vsub.f32 v35, v37;
	v28 =	vmin.f32 v27, $9.999999950e+11;
	v22 =	vld [tilespmem:s1+$0x200]  }
0xf1: {  	v29 =	vmin.f32 v38, $9.999999950e+11;
	v30 =	vmin.f32 v39, $9.999999950e+11;
	v37 =	vmin.f32 v41, $9.999999950e+11;
	v23 =	vld [tilespmem:s1+$0x8200];
	s1 =	sor.u32 $0xC20, s0  }
0xf2: {  	s4 =	sadd.s32 $0x100, s4;
	s10 =	sadd.s32 $0x400, s10;
	v38 =	vmax.f32 v44, $9.999999960e-13;
	v34 =	vadd.f32 v28, v34;
	v36 =	vadd.f32 v29, v36;
	s3 =	sor.u32 $0xC30, s0;
	v27 =	vld [tilespmem:s1+$0x200]  }
0xf3: {  	s5 =	sand.u32 $0x380, s4;
	v0 =	vadd.f32 v30, v0;
	v1 =	vadd.f32 v37, v1;
	v37 =	vmax.f32 v46, $9.999999960e-13;
	s0 =	sadd.s32 $0xFFFFFF80, s4;
	v28 =	vld [tilespmem:s1+$0x8200]  }
0xf4: {  	v31 =	vmax.f32 v31, $9.999999960e-13;
	v41 =	vmul.f32 v47, v47;
	v39 =	vmax.f32 v48, $9.999999960e-13;
	s0 =	sand.u32 $0x300, s0;
	s1 =	sand.u32 $0x1000, s10;
	v29 =	vld [tilespmem:s3+$0x200]  }
0xf5: {  	v33 =	vmul.f32 v33, v33;
	v44 =	vmul.f32 v49, v49;
	v46 =	vsub.f32 v18, v24;
	s0 =	sor.u32 s0, s1;
	s12 =	sor.u32 s1, s5;
	v30 =	vld [tilespmem:s3+$0x8200]  }
0xf6: {  	v35 =	vmul.f32 v35, v35;
	v47 =	vsub.f32 v26, v32;
	v43 =	vsub.f32 v43, v45;
	v18 =	vld [tilespmem:s0+$0xA40]  }
0xf7: {  	v32 =	vmin.f32 v38, $9.999999950e+11;
	v37 =	vmin.f32 v37, $9.999999950e+11;
	v38 =	vsub.f32 v40, v42;
	v24 =	vld [tilespmem:s0+$0x8A40]  }
0xf8: {  	v40 =	vadd.f32 v32, v34;
	v32 =	vmin.f32 v39, $9.999999950e+11;
	v34 =	vmin.f32 v31, $9.999999950e+11;
	v26 =	vld [tilespmem:s0+$0xA50]  }
0xf9: {  	v37 =	vadd.f32 v37, v36;
	v36 =	vmax.f32 v41, $9.999999960e-13;
	v0 =	vadd.f32 v32, v0;
	v31 =	vld [tilespmem:s0+$0x8A50]  }
0xfa: {  	v39 =	vmax.f32 v44, $9.999999960e-13;
	v41 =	vmax.f32 v33, $9.999999960e-13;
	v1 =	vadd.f32 v34, v1;
	v32 =	vld [tilespmem:s0+$0xA60]  }
0xfb: {  	v45 =	vmul.f32 v47, v47;
	v42 =	vmax.f32 v35, $9.999999960e-13;
	v44 =	vmul.f32 v46, v46;
	v33 =	vld [tilespmem:s0+$0x8A60]  }
0xfc: {  	v43 =	vmul.f32 v43, v43;
	v46 =	vmin.f32 v36, $9.999999950e+11;
	v47 =	vmul.f32 v38, v38;
	v34 =	vld [tilespmem:s0+$0xA70]  }
0xfd: {  	v38 =	vmin.f32 v39, $9.999999950e+11;
	v39 =	vmin.f32 v41, $9.999999950e+11;
	v41 =	vmin.f32 v42, $9.999999950e+11;
	v35 =	vld [tilespmem:s0+$0x8A70]  }
0xfe: {  	v40 =	vadd.f32 v46, v40;
	v44 =	vmax.f32 v44, $9.999999960e-13;
	v42 =	vadd.f32 v38, v37;
	v36 =	vld [tilespmem:s0+$0xA00]  }
0xff: {  	v0 =	vadd.f32 v39, v0;
	v1 =	vadd.f32 v41, v1;
	v39 =	vmax.f32 v45, $9.999999960e-13;
	v37 =	vld [tilespmem:s0+$0x8A00]  }
0x100: {  	v43 =	vmax.f32 v43, $9.999999960e-13;
	v41 =	vmin.f32 v44, $9.999999950e+11;
	v44 =	vmax.f32 v47, $9.999999960e-13;
	v38 =	vld [tilespmem:s0+$0xA10]  }
0x101: {  	v43 =	vmin.f32 v43, $9.999999950e+11;
	v39 =	vmin.f32 v39, $9.999999950e+11;
	v44 =	vmin.f32 v44, $9.999999950e+11;
	v45 =	vld [tilespmem:s0+$0x8A10]  }
0x102: {  	v8 =	vmin.f32 v8, $9.999999950e+11;
	v40 =	vadd.f32 v41, v40;
	v39 =	vadd.f32 v39, v42;
	v46 =	vld [tilespmem:s0+$0xA20]  }
0x103: {  	v9 =	vmin.f32 v9, $9.999999950e+11;
	v0 =	vadd.f32 v43, v0;
	v1 =	vadd.f32 v44, v1;
	v41 =	vld [tilespmem:s0+$0x8A20]  }
0x104: {  	v7 =	vmin.f32 v7, $9.999999950e+11;
	v11 =	vadd.f32 v11, v40;
	v8 =	vadd.f32 v8, v39;
	v42 =	vld [tilespmem:s0+$0xA30]  }
0x105: {  	v5 =	vmin.f32 v5, $9.999999950e+11;
	v0 =	vadd.f32 v9, v0;
	v1 =	vadd.f32 v7, v1;
	v39 =	vld [tilespmem:s0+$0x8A30]  }
0x106: {  	v4 =	vmin.f32 v4, $9.999999950e+11;
	v6 =	vadd.f32 v6, v11;
	v8 =	vadd.f32 v10, v8;
	v7 =	vld [tilespmem:s0+$0x640]  }
0x107: {  	v0 =	vadd.f32 v5, v0;
	v1 =	vadd.f32 v4, v1;
	v9 =	vld [tilespmem:s0+$0x8640]  }
0x108: {  	v4 =	vadd.f32 v8, v6;
	v10 =	vld [tilespmem:s0+$0x650]  }
0x109: {  	v0 =	vadd.f32 v1, v0;
	v6 =	vld [tilespmem:s0+$0x8650]  }
0x10a: {  	v1 =	vld [tilespmem:s0+$0x660]  }
0x10b: {  	v0 =	vadd.f32 v0, v4;
	v8 =	vld [tilespmem:s0+$0x8660]  }
0x10c: {  	v40 =	vld [tilespmem:s0+$0x670]  }
0x10d: {  	v43 =	vld [tilespmem:s0+$0x8670];
	[tilespmem:s26+$0x0] =	vst v0  }
0x10e: {  	v0 =	vld [tilespmem:s0+$0x600]  }
0x10f: {  	v44 =	vld [tilespmem:s0+$0x8600]  }
0x110: {  	v47 =	vld [tilespmem:s0+$0x610]  }
0x111: {  	v48 =	vld [tilespmem:s0+$0x8610]  }
0x112: {  	v49 =	vld [tilespmem:s0+$0x620]  }
0x113: {  	v50 =	vld [tilespmem:s0+$0x8620]  }
0x114: {  	v51 =	vld [tilespmem:s0+$0x630]  }
0x115: {  	v52 =	vld [tilespmem:s0+$0x8630]  }
0x116: {  	v53 =	vld [tilespmem:s0+$0x200]  }
0x117: {  	v54 =	vld [tilespmem:s0+$0x8200]  }
0x118: {  	v55 =	vld [tilespmem:s0+$0x210]  }
0x119: {  	v56 =	vld [tilespmem:s0+$0x8210]  }
0x11a: {  	v57 =	vld [tilespmem:s0+$0x220]  }
0x11b: {  	v58 =	vld [tilespmem:s0+$0x8220]  }
0x11c: {  	v59 =	vld [tilespmem:s0+$0x230]  }
0x11d: {  	v5 =	vsub.f32 v14, v15;
	v4 =	vsub.f32 v12, v13;
	v60 =	vld [tilespmem:s0+$0x8230]  }
0x11e: {  	v11 =	vsub.f32 v16, v19;
	v13 =	vsub.f32 v20, v21;
	v12 =	vld [tilespmem:s0+$0x240]  }
0x11f: {  	v15 =	vsub.f32 v25, v17;
	v16 =	vsub.f32 v22, v23;
	v14 =	vld [tilespmem:s0+$0x8240]  }
0x120: {  	v5 =	vmul.f32 v5, v5;
	v19 =	vsub.f32 v27, v28;
	v4 =	vmul.f32 v4, v4;
	v17 =	vld [tilespmem:s0+$0x250]  }
0x121: {  	s30 =	sadd.s32 $0x1, s30;
	v11 =	vmul.f32 v11, v11;
	v21 =	vsub.f32 v29, v30;
	v13 =	vmul.f32 v13, v13;
	v20 =	vld [tilespmem:s0+$0x8250]  }
0x122: {  	s1 =	sand.u32 $0x3, s30;
	v15 =	vmul.f32 v15, v15;
	v16 =	vmul.f32 v16, v16;
	v22 =	vld [tilespmem:s0+$0x260]  }
0x123: {  	s1 =	sshll.u32 s1, $0x8;
	v19 =	vmul.f32 v19, v19;
	v21 =	vmul.f32 v21, v21;
	v23 =	vld [tilespmem:s0+$0x8260]  }
0x124: {  	s1 =	sadd.s32 s1, s10;
	v18 =	vsub.f32 v18, v24;
	v24 =	vsub.f32 v26, v31;
	v26 =	vmax.f32 v4, $9.999999960e-13;
	v25 =	vld [tilespmem:s0+$0x270]  }
0x125: {  	v30 =	vmax.f32 v5, $9.999999960e-13;
	v28 =	vsub.f32 v32, v33;
	v29 =	vsub.f32 v34, v35;
	v27 =	vld [tilespmem:s0+$0x8270];
	s0 =	sor.u32 $0xC40, s1  }
0x126: {  	v5 =	vmax.f32 v11, $9.999999960e-13;
	v31 =	vsub.f32 v36, v37;
	v32 =	vsub.f32 v38, v45;
	v33 =	vld [tilespmem:s0+$0x200]  }
0x127: {  	v4 =	vmax.f32 v13, $9.999999960e-13;
	v34 =	vsub.f32 v46, v41;
	v35 =	vsub.f32 v42, v39;
	v36 =	vld [tilespmem:s0+$0x8200];
	s0 =	sor.u32 $0xC50, s1  }
0x128: {  	v11 =	vmax.f32 v15, $9.999999960e-13;
	v13 =	vsub.f32 v7, v9;
	v10 =	vsub.f32 v10, v6;
	v37 =	vld [tilespmem:s0+$0x200]  }
0x129: {  	v1 =	vsub.f32 v1, v8;
	v8 =	vmax.f32 v16, $9.999999960e-13;
	v15 =	vsub.f32 v40, v43;
	v38 =	vld [tilespmem:s0+$0x8200];
	s0 =	sor.u32 $0xC60, s1  }
0x12a: {  	v9 =	vmax.f32 v19, $9.999999960e-13;
	v0 =	vsub.f32 v0, v44;
	v16 =	vsub.f32 v47, v48;
	v39 =	vld [tilespmem:s0+$0x200]  }
0x12b: {  	v7 =	vmax.f32 v21, $9.999999960e-13;
	v19 =	vsub.f32 v49, v50;
	v40 =	vsub.f32 v51, v52;
	v41 =	vld [tilespmem:s0+$0x8200];
	s0 =	sor.u32 $0xC70, s1  }
0x12c: {  	v6 =	vmin.f32 v26, $9.999999950e+11;
	v21 =	vsub.f32 v53, v54;
	v42 =	vsub.f32 v55, v56;
	v43 =	vld [tilespmem:s0+$0x200]  }
0x12d: {  	s3 =	sor.u32 $0xC00, s1;
	v45 =	vmul.f32 v24, v24;
	v44 =	vmul.f32 v18, v18;
	v26 =	vsub.f32 v57, v58;
	v18 =	vld [tilespmem:s0+$0x8200]  }
0x12e: {  	v28 =	vmul.f32 v28, v28;
	v29 =	vmul.f32 v29, v29;
	v24 =	vsub.f32 v59, v60;
	v46 =	vld [tilespmem:s3+$0x200]  }
0x12f: {  	v12 =	vsub.f32 v12, v14;
	v14 =	vmul.f32 v31, v31;
	v31 =	vmul.f32 v32, v32;
	s0 =	sor.u32 $0xC10, s1;
	v32 =	vld [tilespmem:s3+$0x8200]  }
0x130: {  	v17 =	vsub.f32 v17, v20;
	v20 =	vmul.f32 v34, v34;
	v34 =	vmul.f32 v35, v35;
	v35 =	vld [tilespmem:s0+$0x200]  }
0x131: {  	v13 =	vmul.f32 v13, v13;
	v22 =	vsub.f32 v22, v23;
	v23 =	vmul.f32 v10, v10;
	v10 =	vld [tilespmem:s0+$0x8200];
	s0 =	sor.u32 $0xC20, s1  }
0x132: {  	v1 =	vmul.f32 v1, v1;
	v15 =	vmul.f32 v15, v15;
	v25 =	vsub.f32 v25, v27;
	v27 =	vld [tilespmem:s0+$0x200]  }
0x133: {  	v0 =	vmul.f32 v0, v0;
	v16 =	vmul.f32 v16, v16;
	v33 =	vsub.f32 v33, v36;
	v47 =	vld [tilespmem:s0+$0x8200];
	s0 =	sor.u32 $0xC30, s1  }
0x134: {  	v19 =	vmul.f32 v19, v19;
	v36 =	vmul.f32 v40, v40;
	v37 =	vsub.f32 v37, v38;
	v40 =	vld [tilespmem:s0+$0x200]  }
0x135: {  	v21 =	vmul.f32 v21, v21;
	v48 =	vmul.f32 v42, v42;
	v39 =	vsub.f32 v39, v41;
	v38 =	vld [tilespmem:s0+$0x8200]  }
0x136: {  	v49 =	vmul.f32 v26, v26;
	v50 =	vmul.f32 v24, v24;
	v26 =	vsub.f32 v43, v18;
	v41 =	vld [tilespmem:s12+$0x200]  }
0x137: {  	v12 =	vmul.f32 v12, v12;
	v17 =	vmul.f32 v17, v17;
	v32 =	vsub.f32 v46, v32;
	v42 =	vld [tilespmem:s12+$0x8200]  }
0x138: {  	v22 =	vmul.f32 v22, v22;
	v25 =	vmul.f32 v25, v25;
	v10 =	vsub.f32 v35, v10;
	v18 =	vld [tilespmem:s12+$0x210]  }
0x139: {  	v37 =	vmul.f32 v37, v37;
	v46 =	vmul.f32 v33, v33;
	v27 =	vsub.f32 v27, v47;
	v24 =	vld [tilespmem:s12+$0x8210]  }
0x13a: {  	v51 =	vmul.f32 v26, v26;
	v47 =	vmul.f32 v39, v39;
	v33 =	vsub.f32 v40, v38;
	v26 =	vld [tilespmem:s12+$0x220]  }
0x13b: {  	v52 =	vmul.f32 v32, v32;
	v53 =	vmul.f32 v10, v10;
	v10 =	vmin.f32 v30, $9.999999950e+11;
	v35 =	vld [tilespmem:s12+$0x8220]  }
0x13c: {  	v27 =	vmul.f32 v27, v27;
	v30 =	vmul.f32 v33, v33;
	v33 =	vsub.f32 v41, v42;
	v32 =	vld [tilespmem:s12+$0x230]  }
0x13d: {  	v28 =	vmax.f32 v28, $9.999999960e-13;
	v54 =	vmax.f32 v44, $9.999999960e-13;
	v55 =	vmax.f32 v45, $9.999999960e-13;
	v38 =	vld [tilespmem:s12+$0x8230]  }
0x13e: {  	v29 =	vmax.f32 v29, $9.999999960e-13;
	v14 =	vmax.f32 v14, $9.999999960e-13;
	v31 =	vmax.f32 v31, $9.999999960e-13;
	v39 =	vld [tilespmem:s12+$0x240]  }
0x13f: {  	v56 =	vmax.f32 v13, $9.999999960e-13;
	v13 =	vmax.f32 v20, $9.999999960e-13;
	v20 =	vmax.f32 v34, $9.999999960e-13;
	v40 =	vld [tilespmem:s12+$0x8240]  }
0x140: {  	v1 =	vmax.f32 v1, $9.999999960e-13;
	v34 =	vmax.f32 v15, $9.999999960e-13;
	v23 =	vmax.f32 v23, $9.999999960e-13;
	v41 =	vld [tilespmem:s12+$0x250]  }
0x141: {  	s13 =	sadd.s32 $0x2, s13;
	v0 =	vmax.f32 v0, $9.999999960e-13;
	v19 =	vmax.f32 v19, $9.999999960e-13;
	v15 =	vmax.f32 v16, $9.999999960e-13;
	v42 =	vld [tilespmem:s12+$0x8250]  }
0x142: {  	p0 =	slt.u32 s13, $0xE;
	v16 =	vmax.f32 v21, $9.999999960e-13;
	v21 =	vmax.f32 v48, $9.999999960e-13;
	v36 =	vmax.f32 v36, $9.999999960e-13;
	v43 =	vld [tilespmem:s12+$0x260]  }
0x143: {  	v49 =	vmax.f32 v49, $9.999999960e-13;
	v50 =	vmax.f32 v50, $9.999999960e-13;
	v57 =	vmax.f32 v12, $9.999999960e-13;
	v44 =	vld [tilespmem:s12+$0x8260]  }
0x144: {  	v17 =	vmax.f32 v17, $9.999999960e-13;
	v22 =	vmax.f32 v22, $9.999999960e-13;
	v25 =	vmax.f32 v25, $9.999999960e-13;
	v45 =	vld [tilespmem:s12+$0x270]  }
0x145: {  	v37 =	vmax.f32 v37, $9.999999960e-13;
	v58 =	vmax.f32 v46, $9.999999960e-13;
	v59 =	vmax.f32 v47, $9.999999960e-13;
	v47 =	vld [tilespmem:s12+$0x8270]  }
0x146: {  	v51 =	vmax.f32 v51, $9.999999960e-13;
	v52 =	vmax.f32 v52, $9.999999960e-13;
	v53 =	vmax.f32 v53, $9.999999960e-13;
	v46 =	vld [tilespmem:s12+$0x600]  }
0x147: {  	v54 =	vmin.f32 v54, $9.999999950e+11;
	v60 =	vmax.f32 v27, $9.999999960e-13;
	v30 =	vmax.f32 v30, $9.999999960e-13;
	v48 =	vld [tilespmem:s12+$0x8600]  }
0x148: {  	v61 =	vmin.f32 v28, $9.999999950e+11;
	v29 =	vmin.f32 v29, $9.999999950e+11;
	v55 =	vmin.f32 v55, $9.999999950e+11;
	v12 =	vld [tilespmem:s12+$0x610]  }
0x149: {  	v62 =	vmin.f32 v14, $9.999999950e+11;
	v63 =	vmin.f32 v31, $9.999999950e+11;
	v3 =	vmin.f32 v13, $9.999999950e+11;
	v13 =	vld [tilespmem:s12+$0x8610]  }
0x14a: {  	v28 =	vmin.f32 v56, $9.999999950e+11;
	v56 =	vmin.f32 v20, $9.999999950e+11;
	v23 =	vmin.f32 v23, $9.999999950e+11;
	v14 =	vld [tilespmem:s12+$0x620]  }
0x14b: {  	v0 =	vmin.f32 v0, $9.999999950e+11;
	v20 =	vmin.f32 v16, $9.999999950e+11;
	v31 =	vmin.f32 v15, $9.999999950e+11;
	v16 =	vld [tilespmem:s12+$0x8620]  }
0x14c: {  	v49 =	vmin.f32 v49, $9.999999950e+11;
	v50 =	vmin.f32 v50, $9.999999950e+11;
	v15 =	vmin.f32 v21, $9.999999950e+11;
	v21 =	vld [tilespmem:s12+$0x630]  }
0x14d: {  	v57 =	vmin.f32 v57, $9.999999950e+11;
	v17 =	vmin.f32 v17, $9.999999950e+11;
	v22 =	vmin.f32 v22, $9.999999950e+11;
	v27 =	vld [tilespmem:s12+$0x8630]  }
0x14e: {  	v20 =	vadd.f32 v57, v20;
	v17 =	vadd.f32 v17, v15;
	v25 =	vmin.f32 v25, $9.999999950e+11;
	v15 =	vld [tilespmem:s12+$0x640]  }
0x14f: {  	v22 =	vadd.f32 v22, v49;
	v49 =	vmin.f32 v19, $9.999999950e+11;
	v25 =	vadd.f32 v25, v50;
	v19 =	vld [tilespmem:s12+$0x8640]  }
0x150: {  	v0 =	vadd.f32 v0, v20;
	v17 =	vadd.f32 v31, v17;
	v31 =	vmin.f32 v36, $9.999999950e+11;
	v20 =	vld [tilespmem:s12+$0x650]  }
0x151: {  	v1 =	vmin.f32 v1, $9.999999950e+11;
	v22 =	vadd.f32 v49, v22;
	v31 =	vadd.f32 v31, v25;
	v25 =	vld [tilespmem:s12+$0x8650]  }
0x152: {  	v0 =	vadd.f32 v28, v0;
	v17 =	vadd.f32 v23, v17;
	v23 =	vmin.f32 v34, $9.999999950e+11;
	v28 =	vld [tilespmem:s12+$0x660]  }
0x153: {  	v1 =	vadd.f32 v1, v22;
	v22 =	vadd.f32 v23, v31;
	v49 =	vmin.f32 v58, $9.999999950e+11;
	v31 =	vld [tilespmem:s12+$0x8660]  }
0x154: {  	v0 =	vadd.f32 v62, v0;
	v17 =	vadd.f32 v63, v17;
	v37 =	vmin.f32 v37, $9.999999950e+11;
	v34 =	vld [tilespmem:s12+$0x670]  }
0x155: {  	v1 =	vadd.f32 v3, v1;
	v3 =	vadd.f32 v56, v22;
	v22 =	vmin.f32 v52, $9.999999950e+11;
	v36 =	vld [tilespmem:s12+$0x8670]  }
0x156: {  	v0 =	vadd.f32 v54, v0;
	v50 =	vadd.f32 v55, v17;
	v52 =	vmin.f32 v53, $9.999999950e+11;
	v17 =	vld [tilespmem:s12+$0xA00]  }
0x157: {  	v1 =	vadd.f32 v61, v1;
	v3 =	vadd.f32 v29, v3;
	v29 =	vmin.f32 v60, $9.999999950e+11;
	v23 =	vld [tilespmem:s12+$0x8A00]  }
0x158: {  	v0 =	vadd.f32 v22, v0;
	v50 =	vadd.f32 v52, v50;
	v30 =	vmin.f32 v30, $9.999999950e+11;
	v22 =	vld [tilespmem:s12+$0xA10]  }
0x159: {  	v52 =	vmin.f32 v59, $9.999999950e+11;
	v1 =	vadd.f32 v29, v1;
	v3 =	vadd.f32 v30, v3;
	v29 =	vld [tilespmem:s12+$0x8A10]  }
0x15a: {  	v0 =	vadd.f32 v49, v0;
	v49 =	vmin.f32 v51, $9.999999950e+11;
	v37 =	vadd.f32 v37, v50;
	v30 =	vld [tilespmem:s12+$0xA20]  }
0x15b: {  	v1 =	vadd.f32 v52, v1;
	v3 =	vadd.f32 v49, v3;
	v49 =	vmul.f32 v33, v33;
	v33 =	vld [tilespmem:s12+$0x8A20]  }
0x15c: {  	v11 =	vmin.f32 v11, $9.999999950e+11;
	v18 =	vsub.f32 v18, v24;
	v24 =	vsub.f32 v26, v35;
	v35 =	vld [tilespmem:s12+$0xA30]  }
.Ltmp0:
0x15d: {  	v0 =	vadd.f32 v37, v0;
	v1 =	vadd.f32 v3, v1;
	v49 =	vmax.f32 v49, $9.999999960e-13;
	v37 =	vld [tilespmem:s12+$0x8A30];
	(pc) =	sbr.rel @p0 .LBB2_3-.Ltmp0, $4  }
0x15e: {  	v50 =	vmul.f32 v18, v18;
	v3 =	vsub.f32 v32, v38;
	v32 =	vsub.f32 v39, v40;
	v18 =	vld [tilespmem:s12+$0xA40]  }
0x15f: {  	v38 =	vmul.f32 v24, v24;
	v0 =	vadd.f32 v1, v0;
	v1 =	vsub.f32 v41, v42;
	v24 =	vld [tilespmem:s12+$0x8A40]  }
0x160: {  	s26 =	sadd.s32 $0x20, s26;
	v40 =	vmul.f32 v3, v3;
	v43 =	vsub.f32 v43, v44;
	v44 =	vsub.f32 v45, v47;
	v26 =	vld [tilespmem:s12+$0xA50]  }
0x161: {  	s25 =	sadd.s32 $0x2, s25;
	v42 =	vmul.f32 v32, v32;
	v41 =	vmul.f32 v1, v1;
	v39 =	vsub.f32 v46, v48;
	[tilespmem:s26+$0xFFFFFFF0] =	vst v0;
	v32 =	vld [tilespmem:s12+$0x8A50]  }
0x162: {  	v0 =	vmul.f32 v43, v43;
	v1 =	vmul.f32 v44, v44;
	v3 =	vsub.f32 v12, v13  }
0x163: {  	v12 =	vmax.f32 v50, $9.999999960e-13;
	v13 =	vsub.f32 v14, v16;
	v14 =	vsub.f32 v21, v27  }
0x164: {  	v16 =	vmax.f32 v38, $9.999999960e-13;
	v15 =	vsub.f32 v15, v19;
	v19 =	vsub.f32 v20, v25  }
0x165: {  	v21 =	vmax.f32 v40, $9.999999960e-13;
	v25 =	vsub.f32 v28, v31;
	v28 =	vsub.f32 v34, v36  }
0x166: {  	v20 =	vmin.f32 v49, $9.999999950e+11;
	v17 =	vsub.f32 v17, v23;
	v22 =	vsub.f32 v22, v29  }
0x167: {  	v29 =	vsub.f32 v35, v37;
	v8 =	vmin.f32 v8, $9.999999950e+11;
	v27 =	vmax.f32 v42, $9.999999960e-13  }
0x168: {  	v52 =	vmax.f32 v41, $9.999999960e-13;
	v39 =	vmul.f32 v39, v39;
	v12 =	vmin.f32 v12, $9.999999950e+11  }
0x169: {  	v16 =	vmin.f32 v16, $9.999999950e+11;
	v21 =	vmin.f32 v21, $9.999999950e+11;
	v0 =	vmax.f32 v0, $9.999999960e-13  }
0x16a: {  	v1 =	vmax.f32 v1, $9.999999960e-13;
	v3 =	vmul.f32 v3, v3;
	v13 =	vmul.f32 v13, v13  }
0x16b: {  	v14 =	vmul.f32 v14, v14;
	v27 =	vmin.f32 v27, $9.999999950e+11;
	v15 =	vmul.f32 v15, v15  }
0x16c: {  	v31 =	vmin.f32 v52, $9.999999950e+11;
	v19 =	vmul.f32 v19, v19;
	v23 =	vmul.f32 v25, v25  }
0x16d: {  	v25 =	vmul.f32 v28, v28;
	v28 =	vsub.f32 v30, v33;
	v17 =	vmul.f32 v17, v17  }
0x16e: {  	v18 =	vsub.f32 v18, v24;
	v0 =	vmin.f32 v0, $9.999999950e+11;
	v20 =	vadd.f32 v27, v20  }
0x16f: {  	v12 =	vadd.f32 v31, v12;
	v1 =	vmin.f32 v1, $9.999999950e+11;
	v0 =	vadd.f32 v0, v16  }
0x170: {  	v1 =	vadd.f32 v1, v21;
	v16 =	vmax.f32 v39, $9.999999960e-13;
	v3 =	vmax.f32 v3, $9.999999960e-13  }
0x171: {  	v13 =	vmax.f32 v13, $9.999999960e-13;
	v14 =	vmax.f32 v14, $9.999999960e-13;
	v16 =	vmin.f32 v16, $9.999999950e+11  }
0x172: {  	v30 =	vld [tilespmem:s12+$0xA70];
	v3 =	vmin.f32 v3, $9.999999950e+11;
	v13 =	vmin.f32 v13, $9.999999950e+11;
	v14 =	vmin.f32 v14, $9.999999950e+11  }
0x173: {  	v31 =	vld [tilespmem:s12+$0x8A70];
	v16 =	vadd.f32 v16, v20;
	v3 =	vadd.f32 v3, v12;
	v12 =	vmax.f32 v15, $9.999999960e-13  }
0x174: {  	v0 =	vadd.f32 v13, v0;
	v1 =	vadd.f32 v14, v1;
	v13 =	vmax.f32 v19, $9.999999960e-13  }
0x175: {  	v14 =	vmax.f32 v23, $9.999999960e-13;
	v15 =	vmax.f32 v25, $9.999999960e-13;
	v19 =	vmul.f32 v22, v22  }
0x176: {  	v27 =	vld [tilespmem:s12+$0x8A60];
	v20 =	vmul.f32 v28, v28;
	v22 =	vmul.f32 v29, v29;
	v23 =	vsub.f32 v26, v32  }
0x177: {  	v21 =	vld [tilespmem:s12+$0xA60];
	v12 =	vmin.f32 v12, $9.999999950e+11;
	v13 =	vmin.f32 v13, $9.999999950e+11;
	v14 =	vmin.f32 v14, $9.999999950e+11  }
0x178: {  	v15 =	vmin.f32 v15, $9.999999950e+11;
	v24 =	vsub.f32 v30, v31;
	v12 =	vadd.f32 v12, v16  }
0x179: {  	v3 =	vadd.f32 v13, v3;
	v0 =	vadd.f32 v14, v0;
	v13 =	vmax.f32 v17, $9.999999960e-13  }
0x17a: {  	v1 =	vadd.f32 v15, v1;
	v14 =	vmax.f32 v19, $9.999999960e-13;
	v15 =	vmax.f32 v20, $9.999999960e-13  }
0x17b: {  	v16 =	vmax.f32 v22, $9.999999960e-13;
	v17 =	vmul.f32 v18, v18;
	v18 =	vmul.f32 v23, v23  }
0x17c: {  	v21 =	vsub.f32 v21, v27;
	v13 =	vmin.f32 v13, $9.999999950e+11;
	v14 =	vmin.f32 v14, $9.999999950e+11  }
0x17d: {  	v15 =	vmin.f32 v15, $9.999999950e+11;
	v16 =	vmin.f32 v16, $9.999999950e+11;
	v20 =	vmul.f32 v24, v24  }
0x17e: {  	v12 =	vadd.f32 v13, v12;
	v3 =	vadd.f32 v14, v3;
	v13 =	vmax.f32 v17, $9.999999960e-13  }
0x17f: {  	v0 =	vadd.f32 v15, v0;
	v14 =	vmax.f32 v18, $9.999999960e-13;
	v19 =	vmul.f32 v21, v21  }
0x180: {  	v1 =	vadd.f32 v16, v1;
	v13 =	vmin.f32 v13, $9.999999950e+11;
	v14 =	vmin.f32 v14, $9.999999950e+11  }
0x181: {  	v16 =	vmax.f32 v20, $9.999999960e-13;
	v12 =	vadd.f32 v13, v12;
	v15 =	vmax.f32 v19, $9.999999960e-13  }
0x182: {  	v3 =	vadd.f32 v14, v3;
	v16 =	vmin.f32 v16, $9.999999950e+11;
	v15 =	vmin.f32 v15, $9.999999950e+11  }
0x183: {  	v9 =	vmin.f32 v9, $9.999999950e+11;
	v1 =	vadd.f32 v16, v1;
	v0 =	vadd.f32 v15, v0  }
0x184: {  	v7 =	vmin.f32 v7, $9.999999950e+11;
	v11 =	vadd.f32 v11, v12;
	v3 =	vadd.f32 v8, v3  }
0x185: {  	v5 =	vmin.f32 v5, $9.999999950e+11;
	v1 =	vadd.f32 v7, v1;
	v0 =	vadd.f32 v9, v0  }
0x186: {  	v4 =	vmin.f32 v4, $9.999999950e+11;
	v6 =	vadd.f32 v6, v11;
	v3 =	vadd.f32 v10, v3  }
0x187: {  	v1 =	vadd.f32 v4, v1;
	v0 =	vadd.f32 v5, v0;
	_ =	sdelay $0x1  }
0x188: {  	p0 =	seq.s32 s6, $0x7;
	v3 =	vadd.f32 v3, v6;
	v0 =	vadd.f32 v1, v0  }
0x189: {  	s1 =	rddreg [dreg:$0x5];
	s0 =	sadd.s32 @!p0 $0x40, s9  }
0x18a: {  	s0 =	sadd.s32 @!p0 s1, s0;
	v0 =	vadd.f32 v0, v3  }
0x18b: {  	s0 =	sshll.u32 @!p0 s0, $0x6  }
0x18c: {  	s3 =	simm.s32 @!p0 $0x200;
	s1 =	simm.s32 @!p0 $0x0;
	s0 =	sadd.s32 @!p0 s31, s0;
	[tilespmem:s26+$0x0] =	vst v0  }
0x18d: {  	[tilespmem:s3], [sflag:$0x1] =	stream.linear.gather @!p0 [hbm4b:s0+s1], $0x2000, $0x38;
	[tilespmem:$0x12400] =	vst v63  }
0x18e: {  	v0 =	vld @!p0 [tilespmem:s9+$0x40];
	_ =	sdelay $0x4  }
0x18f: {  	v1 =	vshll.u32 @!p0 v0, $0x2  }
0x190: {  	v3 =	vlaneseq.u32 @!p0;
	v0 =	vand.u32 @!p0 $0x7, v0;
	v1 =	vand.u32 @!p0 $0xFFFFFFE0, v1  }
0x191: {  	v4 =	vshrl.u32 @!p0 v3, $0x3;
	v0 =	vor.u32 @!p0 v0, v1;
	v1 =	vand.u32 @!p0 $0x7, v3  }
0x192: {  	v4 =	vmul.u32 @!p0 $0x8, v4;
	v1 =	vperm.xlane @!p0 v0, v1;
	_ =	sdelay $0x1  }
0x193: {  	v1 =	vadd.s32 @!p0 v4, v1  }
0x194: {  	v3 =	vor.u32 @!p0 $0x8, v3  }
0x195: {  	v0 =	vperm.xlane @!p0 v0, v3;
	_ =	sdelay $0x1  }
0x196: {  	s2 =	rddreg [dreg:$0x2];
	vm1 =	vmmov @!p0 $0xffff;
	s0 =	simm.s32 @!p0 $0x8200;
	v0 =	vadd.s32 @!p0 v4, v0  }
0x197: {  	[tilespmem:s0], [sflag:$0x5] =	stream.indirect_vreg.gather @!p0 [hbm4b:s2+s1], $0x80, v1, vm1, $0xb8;
	[tilespmem:$0x12400] =	vst v63  }
0x198: {  	s3 =	rddreg [dreg:$0x8];
	s0 =	simm.s32 @!p0 $0x8A00  }
0x199: {  	[tilespmem:s0], [sflag:$0x5] =	stream.indirect_vreg.gather @!p0 [hbm4b:s3+s1], $0x80, v1, vm1, $0xb8;
	[tilespmem:$0x12400] =	vst v63  }
0x19a: {  	s0 =	simm.s32 @!p0 $0x9200  }
0x19b: {  	[tilespmem:s0], [sflag:$0x5] =	stream.indirect_vreg.gather @!p0 [hbm4b:s2+s1], $0x80, v0, vm1, $0xb8;
	[tilespmem:$0x12400] =	vst v63  }
0x19c: {  	s10 =	simm.s32 $0x2;
	s0 =	simm.s32 @!p0 $0x9A00  }
0x19d: {  	[tilespmem:s0], [sflag:$0x5] =	stream.indirect_vreg.gather @!p0 [hbm4b:s3+s1], $0x80, v0, vm1, $0xb8;
	[tilespmem:$0x12400] =	vst v63  }
0x19e: {  	_ =	swait.ge [sflag:s10], $0x2000  }
0x19f: {  	[sflag:s10] =	ssyncset.done $0x0  }
0x1a0: {  	s11 =	simm.s32 $0x6;
	[sflag:s10] =	ssyncadd.s32 $0xFFFFE000  }
0x1a1: {  	s12 =	simm.s32 $0x0;
	s10 =	simm.s32 $0x0;
	_ =	swait.ge [sflag:s11], $0x2000  }
0x1a2: {  	s13 =	sor.u32 s12, s10;
	[sflag:s11] =	ssyncset.done $0x0  }
0x1a3: {  	s14 =	sor.u32 $0x2C40, s13;
	[sflag:s11] =	ssyncadd.s32 $0xFFFFE000  }
0x1a4: {  	v0 =	vld [tilespmem:s14+$0x200]  }
0x1a5: {  	s15 =	sor.u32 $0x2C50, s13;
	v1 =	vld [tilespmem:s14+$0x8200]  }
0x1a6: {  	v3 =	vld [tilespmem:s15+$0x200]  }
0x1a7: {  	s16 =	sor.u32 $0x2C60, s13;
	v4 =	vld [tilespmem:s15+$0x8200]  }
0x1a8: {  	v5 =	vld [tilespmem:s16+$0x200]  }
0x1a9: {  	s17 =	sor.u32 $0x2C70, s13;
	v6 =	vld [tilespmem:s16+$0x8200]  }
0x1aa: {  	v7 =	vld [tilespmem:s17+$0x200]  }
0x1ab: {  	s4 =	sor.u32 $0x2C00, s13;
	v8 =	vld [tilespmem:s17+$0x8200]  }
0x1ac: {  	v9 =	vld [tilespmem:s4+$0x200]  }
0x1ad: {  	s18 =	sor.u32 $0x2C10, s13;
	v10 =	vld [tilespmem:s4+$0x8200]  }
0x1ae: {  	v11 =	vld [tilespmem:s18+$0x200]  }
0x1af: {  	s19 =	sor.u32 $0x2C20, s13;
	v12 =	vld [tilespmem:s18+$0x8200]  }
0x1b0: {  	v13 =	vld [tilespmem:s19+$0x200]  }
0x1b1: {  	s20 =	sor.u32 $0x2C30, s13;
	v14 =	vld [tilespmem:s19+$0x8200]  }
0x1b2: {  	s0 =	sand.u32 $0x300, s12;
	s21 =	sand.u32 $0x1000, s10;
	v15 =	vld [tilespmem:s20+$0x200]  }
0x1b3: {  	s0 =	sor.u32 s0, s21;
	v16 =	vld [tilespmem:s20+$0x8200]  }
0x1b4: {  	v17 =	vld [tilespmem:s0+$0x2A40]  }
0x1b5: {  	v18 =	vld [tilespmem:s0+$0xAA40]  }
0x1b6: {  	v19 =	vld [tilespmem:s0+$0x2A50]  }
0x1b7: {  	v20 =	vld [tilespmem:s0+$0xAA50]  }
0x1b8: {  	v21 =	vld [tilespmem:s0+$0x2A60]  }
0x1b9: {  	v22 =	vld [tilespmem:s0+$0xAA60]  }
0x1ba: {  	v23 =	vld [tilespmem:s0+$0x2A70]  }
0x1bb: {  	v24 =	vld [tilespmem:s0+$0xAA70]  }
0x1bc: {  	v25 =	vld [tilespmem:s0+$0x2A00]  }
0x1bd: {  	v26 =	vld [tilespmem:s0+$0xAA00]  }
0x1be: {  	v27 =	vld [tilespmem:s0+$0x2A10]  }
0x1bf: {  	v28 =	vld [tilespmem:s0+$0xAA10]  }
0x1c0: {  	v29 =	vld [tilespmem:s0+$0x2A20]  }
0x1c1: {  	v30 =	vld [tilespmem:s0+$0xAA20]  }
0x1c2: {  	v31 =	vld [tilespmem:s0+$0x2A30]  }
0x1c3: {  	v53 =	vld [tilespmem:s0+$0xAA30]  }
0x1c4: {  	v54 =	vld [tilespmem:s0+$0x2200]  }
0x1c5: {  	v55 =	vld [tilespmem:s0+$0xA200]  }
0x1c6: {  	v56 =	vld [tilespmem:s0+$0x2210]  }
0x1c7: {  	v57 =	vld [tilespmem:s0+$0xA210]  }
0x1c8: {  	v58 =	vld [tilespmem:s0+$0x2220]  }
0x1c9: {  	v59 =	vld [tilespmem:s0+$0xA220]  }
0x1ca: {  	v60 =	vld [tilespmem:s0+$0x2230]  }
0x1cb: {  	v61 =	vld [tilespmem:s0+$0xA230]  }
0x1cc: {  	v62 =	vld [tilespmem:s0+$0x2240]  }
0x1cd: {  	v63 =	vld [tilespmem:s0+$0xA240]  }
0x1ce: {  	v48 =	vld [tilespmem:s0+$0x2250]  }
0x1cf: {  	v49 =	vld [tilespmem:s0+$0xA250]  }
0x1d0: {  	s22 =	sand.u32 $0xFFFFF000, s10;
	v45 =	vld [tilespmem:s0+$0x2260]  }
0x1d1: {  	s25 =	sadd.s32 $0x80, s22;
	v46 =	vld [tilespmem:s0+$0xA260]  }
0x1d2: {  	s3 =	sadd.s32 $0xFFFFFF80, s25;
	v47 =	vld [tilespmem:s0+$0x2270]  }
0x1d3: {  	s26 =	sor.u32 $0x2440, s3;
	v0 =	vsub.f32 v0, v1;
	v1 =	vsub.f32 v3, v4;
	v3 =	vld [tilespmem:s0+$0xA270]  }
0x1d4: {  	v4 =	vsub.f32 v5, v6;
	v5 =	vsub.f32 v7, v8;
	v6 =	vld [tilespmem:s26+$0x200]  }
0x1d5: {  	s30 =	sor.u32 $0x2450, s3;
	v7 =	vsub.f32 v9, v10;
	v8 =	vsub.f32 v11, v12;
	v9 =	vld [tilespmem:s26+$0x8200]  }
0x1d6: {  	v10 =	vsub.f32 v13, v14;
	v11 =	vsub.f32 v15, v16;
	v12 =	vld [tilespmem:s30+$0x200]  }
0x1d7: {  	s31 =	sor.u32 $0x2460, s3;
	v13 =	vsub.f32 v17, v18;
	v14 =	vsub.f32 v19, v20;
	v15 =	vld [tilespmem:s30+$0x8200]  }
0x1d8: {  	v16 =	vsub.f32 v21, v22;
	v17 =	vsub.f32 v23, v24;
	v18 =	vld [tilespmem:s31+$0x200]  }
0x1d9: {  	s2 =	sor.u32 $0x2470, s3;
	v19 =	vsub.f32 v25, v26;
	v20 =	vsub.f32 v27, v28;
	v21 =	vld [tilespmem:s31+$0x8200]  }
0x1da: {  	v22 =	vsub.f32 v29, v30;
	v23 =	vsub.f32 v31, v53;
	v26 =	vld [tilespmem:s2+$0x200]  }
0x1db: {  	s5 =	sor.u32 $0x2400, s3;
	v24 =	vsub.f32 v54, v55;
	v28 =	vld [tilespmem:s2+$0x8200];
	v0 =	vmul.f32 v0, v0;
	v1 =	vmul.f32 v1, v1  }
0x1dc: {  	s8 =	sor.u32 $0x2420, s3;
	v25 =	vsub.f32 v56, v57;
	v30 =	vld [tilespmem:s5+$0x200];
	v31 =	vmul.f32 v4, v4;
	v50 =	vmul.f32 v5, v5  }
0x1dd: {  	v27 =	vsub.f32 v58, v59;
	v59 =	vld [tilespmem:s8+$0x200];
	v51 =	vmul.f32 v7, v7;
	v56 =	vmul.f32 v8, v8  }
0x1de: {  	v29 =	vsub.f32 v60, v61;
	v60 =	vld [tilespmem:s8+$0x8200];
	v57 =	vmul.f32 v10, v10;
	v58 =	vmul.f32 v11, v11  }
0x1df: {  	s14 =	sor.u32 $0x2400, s25;
	v5 =	vld [tilespmem:s5+$0x8200];
	v7 =	vsub.f32 v48, v49;
	v13 =	vmul.f32 v13, v13;
	v14 =	vmul.f32 v14, v14  }
0x1e0: {  	s11 =	simm.s32 $0x80;
	s5 =	sor.u32 $0x2410, s3;
	v10 =	vsub.f32 v45, v46;
	v16 =	vmul.f32 v16, v16;
	v17 =	vmul.f32 v17, v17;
	v48 =	vld [tilespmem:s14+$0x200]  }
0x1e1: {  	s13 =	sand.u32 $0x380, s11;
	v4 =	vsub.f32 v62, v63;
	v19 =	vmul.f32 v19, v19;
	v20 =	vmul.f32 v20, v20;
	v8 =	vld [tilespmem:s5+$0x200]  }
0x1e2: {  	s12 =	sor.u32 $0x2430, s3;
	s3 =	sor.u32 s21, s13;
	v11 =	vld [tilespmem:s5+$0x8200];
	v61 =	vmul.f32 v7, v7;
	v62 =	vmul.f32 v10, v10;
	v0 =	vmax.f32 v0, $9.999999960e-13  }
0x1e3: {  	v36 =	vld [tilespmem:s3+$0xA250];
	v1 =	vmax.f32 v1, $9.999999960e-13;
	v32 =	vmax.f32 v50, $9.999999960e-13;
	v34 =	vmax.f32 v57, $9.999999960e-13  }
0x1e4: {  	v44 =	vld [tilespmem:s3+$0x2260];
	v35 =	vmax.f32 v58, $9.999999960e-13;
	v14 =	vmax.f32 v14, $9.999999960e-13;
	v16 =	vmax.f32 v16, $9.999999960e-13  }
0x1e5: {  	v17 =	vmax.f32 v17, $9.999999960e-13;
	v19 =	vmax.f32 v19, $9.999999960e-13;
	v20 =	vmax.f32 v20, $9.999999960e-13;
	v57 =	vld [tilespmem:s3+$0xA260]  }
0x1e6: {  	v58 =	vld [tilespmem:s3+$0x2270];
	v3 =	vsub.f32 v47, v3;
	v12 =	vsub.f32 v12, v15;
	v15 =	vmul.f32 v22, v22  }
0x1e7: {  	v6 =	vsub.f32 v6, v9;
	v9 =	vld [tilespmem:s12+$0x200];
	v22 =	vmul.f32 v23, v23;
	v23 =	vmul.f32 v24, v24  }
0x1e8: {  	v24 =	vmul.f32 v25, v25;
	v25 =	vld [tilespmem:s12+$0x8200];
	v18 =	vsub.f32 v18, v21;
	v21 =	vmul.f32 v27, v27  }
0x1e9: {  	v27 =	vmul.f32 v29, v29;
	v26 =	vsub.f32 v26, v28;
	v28 =	vld [tilespmem:s3+$0x2200];
	v29 =	vmul.f32 v4, v4  }
0x1ea: {  	v4 =	vld [tilespmem:s3+$0x2210];
	v10 =	vsub.f32 v59, v60;
	v0 =	vmin.f32 v0, $9.999999950e+11;
	v1 =	vmin.f32 v1, $9.999999950e+11  }
0x1eb: {  	v59 =	vld [tilespmem:s3+$0xA270];
	v14 =	vmin.f32 v14, $9.999999950e+11;
	v19 =	vmin.f32 v19, $9.999999950e+11;
	v20 =	vmin.f32 v20, $9.999999950e+11  }
0x1ec: {  	s15 =	sor.u32 $0x2410, s25;
	v60 =	vld [tilespmem:s14+$0x8200];
	v16 =	vmin.f32 v16, $9.999999950e+11;
	v17 =	vmin.f32 v17, $9.999999950e+11;
	v39 =	vmax.f32 v61, $9.999999960e-13  }
0x1ed: {  	s18 =	sor.u32 $0x2440, s25;
	v40 =	vmax.f32 v62, $9.999999960e-13;
	v61 =	vld [tilespmem:s15+$0x200];
	v3 =	vmul.f32 v3, v3;
	v63 =	vmul.f32 v6, v6  }
0x1ee: {  	v62 =	vld [tilespmem:s18+$0x200];
	v7 =	vsub.f32 v30, v5;
	v52 =	vmul.f32 v12, v12;
	v18 =	vmul.f32 v18, v18  }
0x1ef: {  	v30 =	vld [tilespmem:s3+$0xA200];
	v54 =	vmul.f32 v10, v10;
	v15 =	vmax.f32 v15, $9.999999960e-13;
	v23 =	vmax.f32 v23, $9.999999960e-13  }
0x1f0: {  	v5 =	vld [tilespmem:s3+$0xA210];
	v24 =	vmax.f32 v24, $9.999999960e-13;
	v22 =	vmax.f32 v22, $9.999999960e-13;
	v21 =	vmax.f32 v21, $9.999999960e-13  }
0x1f1: {  	v6 =	vld [tilespmem:s3+$0x2220];
	v27 =	vmax.f32 v27, $9.999999960e-13;
	v29 =	vmax.f32 v29, $9.999999960e-13;
	v39 =	vmin.f32 v39, $9.999999950e+11  }
0x1f2: {  	v10 =	vld [tilespmem:s3+$0x2240];
	v40 =	vmin.f32 v40, $9.999999950e+11;
	v8 =	vsub.f32 v8, v11;
	v23 =	vmin.f32 v23, $9.999999950e+11  }
0x1f3: {  	s16 =	sor.u32 $0x2420, s25;
	s17 =	sor.u32 $0x2430, s25;
	v12 =	vld [tilespmem:s3+$0xA240];
	v24 =	vmin.f32 v24, $9.999999950e+11;
	v21 =	vmin.f32 v21, $9.999999950e+11;
	v27 =	vmin.f32 v27, $9.999999950e+11  }
0x1f4: {  	v29 =	vmin.f32 v29, $9.999999950e+11;
	v15 =	vmin.f32 v15, $9.999999950e+11;
	v38 =	vmax.f32 v52, $9.999999960e-13;
	v52 =	vld [tilespmem:s16+$0x200]  }
0x1f5: {  	v22 =	vmin.f32 v22, $9.999999950e+11;
	v3 =	vmax.f32 v3, $9.999999960e-13;
	v42 =	vmax.f32 v54, $9.999999960e-13;
	v54 =	vld [tilespmem:s17+$0x200]  }
0x1f6: {  	v37 =	vmax.f32 v63, $9.999999960e-13;
	v18 =	vmax.f32 v18, $9.999999960e-13;
	v23 =	vadd.f32 v29, v23;
	v63 =	vld [tilespmem:s18+$0x8200]  }
0x1f7: {  	v24 =	vadd.f32 v39, v24;
	v9 =	vsub.f32 v9, v25;
	v53 =	vmul.f32 v8, v8;
	v8 =	vld [tilespmem:s3+$0xA220]  }
0x1f8: {  	v21 =	vadd.f32 v40, v21;
	v25 =	vmul.f32 v26, v26;
	v26 =	vmul.f32 v7, v7;
	v7 =	vld [tilespmem:s3+$0x2230]  }
0x1f9: {  	v3 =	vmin.f32 v3, $9.999999950e+11;
	v55 =	vmul.f32 v9, v9;
	v11 =	vsub.f32 v28, v30;
	v9 =	vld [tilespmem:s3+$0xA230]  }
0x1fa: {  	s19 =	sor.u32 $0x2450, s25;
	s20 =	sor.u32 $0x2460, s25;
	v28 =	vmax.f32 v31, $9.999999960e-13;
	v31 =	vmax.f32 v56, $9.999999960e-13;
	v56 =	vmax.f32 v13, $9.999999960e-13;
	v13 =	vld [tilespmem:s3+$0x2250]  }
0x1fb: {  	v37 =	vmin.f32 v37, $9.999999950e+11;
	v38 =	vmin.f32 v38, $9.999999950e+11;
	v30 =	vmax.f32 v51, $9.999999960e-13;
	v51 =	vld [tilespmem:s15+$0x8200]  }
0x1fc: {  	v3 =	vadd.f32 v3, v27;
	v27 =	vmin.f32 v42, $9.999999950e+11;
	v41 =	vmax.f32 v53, $9.999999960e-13;
	v53 =	vld [tilespmem:s16+$0x8200]  }
0x1fd: {  	v18 =	vmin.f32 v18, $9.999999950e+11;
	v25 =	vmax.f32 v25, $9.999999960e-13;
	v21 =	vadd.f32 v27, v21;
	v27 =	vld [tilespmem:s20+$0x200]  }
0x1fe: {  	v26 =	vmax.f32 v26, $9.999999960e-13;
	v4 =	vsub.f32 v4, v5;
	v29 =	vmin.f32 v41, $9.999999950e+11;
	v41 =	vld [tilespmem:s3+$0xAA30]  }
0x1ff: {  	v30 =	vmin.f32 v30, $9.999999950e+11;
	v26 =	vmin.f32 v26, $9.999999950e+11;
	v43 =	vmax.f32 v55, $9.999999960e-13;
	v55 =	vld [tilespmem:s17+$0x8200]  }
0x200: {  	v33 =	vmin.f32 v56, $9.999999950e+11;
	v23 =	vadd.f32 v26, v23;
	v24 =	vadd.f32 v29, v24;
	v29 =	vld [tilespmem:s19+$0x200]  }
0x201: {  	v31 =	vmin.f32 v31, $9.999999950e+11;
	v18 =	vadd.f32 v18, v21;
	v21 =	vld [tilespmem:s20+$0x8200];
	v39 =	vsub.f32 v62, v63  }
0x202: {  	v26 =	vmin.f32 v43, $9.999999950e+11;
	v5 =	vsub.f32 v6, v8;
	v8 =	vsub.f32 v10, v12;
	v6 =	vld [tilespmem:s3+$0xAA40]  }
0x203: {  	s4 =	sor.u32 $0x2470, s25;
	v25 =	vmin.f32 v25, $9.999999950e+11;
	v10 =	vsub.f32 v44, v57;
	v3 =	vadd.f32 v26, v3;
	v26 =	vld [tilespmem:s19+$0x8200]  }
0x204: {  	v11 =	vmul.f32 v11, v11;
	v23 =	vadd.f32 v37, v23;
	v15 =	vadd.f32 v15, v18;
	v18 =	vld [tilespmem:s4+$0x8200]  }
0x205: {  	v24 =	vadd.f32 v38, v24;
	v37 =	vld [tilespmem:s3+$0xAA20];
	v39 =	vmul.f32 v39, v39;
	v7 =	vsub.f32 v7, v9  }
0x206: {  	v38 =	vld [tilespmem:s3+$0x2A30];
	v9 =	vsub.f32 v13, v36;
	v12 =	vmul.f32 v8, v8;
	v13 =	vsub.f32 v48, v60  }
0x207: {  	v8 =	vld [tilespmem:s3+$0xAA50];
	v10 =	vmul.f32 v10, v10;
	v3 =	vadd.f32 v25, v3;
	v19 =	vadd.f32 v19, v23  }
0x208: {  	v20 =	vadd.f32 v20, v24;
	v23 =	vld [tilespmem:s4+$0x200];
	v15 =	vadd.f32 v16, v15;
	v16 =	vmin.f32 v34, $9.999999950e+11  }
0x209: {  	s0 =	sor.u32 s10, s11;
	v25 =	vld [tilespmem:s3+$0x2A10];
	v36 =	vmax.f32 v39, $9.999999960e-13;
	v7 =	vmul.f32 v7, v7;
	v9 =	vmul.f32 v9, v9  }
0x20a: {  	s22 =	sor.u32 $0x2C10, s0;
	v34 =	vld [tilespmem:s3+$0x2A20];
	v57 =	vmax.f32 v10, $9.999999960e-13;
	v60 =	vsub.f32 v27, v21;
	v3 =	vadd.f32 v22, v3  }
0x20b: {  	v13 =	vmul.f32 v13, v13;
	v10 =	vld [tilespmem:s22+$0x200];
	v19 =	vadd.f32 v33, v19;
	v14 =	vadd.f32 v14, v20  }
0x20c: {  	v22 =	vld [tilespmem:s3+$0x2A00];
	v20 =	vmin.f32 v35, $9.999999950e+11;
	v15 =	vadd.f32 v16, v15;
	v29 =	vsub.f32 v29, v26  }
0x20d: {  	s21 =	sor.u32 $0x2C00, s0;
	v16 =	vmin.f32 v28, $9.999999950e+11;
	v28 =	vld [tilespmem:s3+$0xAA10];
	v3 =	vadd.f32 v17, v3;
	v19 =	vadd.f32 v30, v19  }
0x20e: {  	v56 =	vmax.f32 v9, $9.999999960e-13;
	v9 =	vld [tilespmem:s21+$0x8200];
	v14 =	vadd.f32 v31, v14;
	v15 =	vadd.f32 v16, v15  }
0x20f: {  	v26 =	vmin.f32 v57, $9.999999950e+11;
	v17 =	vld [tilespmem:s3+$0xAA00];
	v30 =	vsub.f32 v52, v53;
	v31 =	vsub.f32 v54, v55  }
0x210: {  	v54 =	vmax.f32 v7, $9.999999960e-13;
	v55 =	vmax.f32 v12, $9.999999960e-13;
	v7 =	vld [tilespmem:s21+$0x200];
	v18 =	vsub.f32 v23, v18  }
0x211: {  	v12 =	vld [tilespmem:s22+$0x8200];
	v21 =	vmin.f32 v54, $9.999999950e+11;
	v34 =	vsub.f32 v34, v37;
	v3 =	vadd.f32 v20, v3  }
0x212: {  	s31 =	sor.u32 $0x2C50, s0;
	v23 =	vmin.f32 v55, $9.999999950e+11;
	v0 =	vadd.f32 v0, v19;
	v1 =	vadd.f32 v1, v14;
	v19 =	vld [tilespmem:s3+$0xAA70]  }
0x213: {  	v14 =	vmin.f32 v32, $9.999999950e+11;
	v30 =	vmul.f32 v30, v30;
	v33 =	vmul.f32 v18, v18;
	v18 =	vld [tilespmem:s31+$0x200]  }
0x214: {  	s30 =	sor.u32 $0x2C40, s0;
	v31 =	vmul.f32 v31, v31;
	v3 =	vadd.f32 v14, v3;
	v14 =	vmul.f32 v4, v4;
	v4 =	vld [tilespmem:s3+$0x2A40]  }
0x215: {  	v20 =	vsub.f32 v61, v51;
	v32 =	vmul.f32 v60, v60;
	v35 =	vsub.f32 v22, v17;
	v17 =	vld [tilespmem:s30+$0x8200]  }
0x216: {  	v0 =	vadd.f32 v1, v0;
	v62 =	vmax.f32 v30, $9.999999960e-13;
	v63 =	vmax.f32 v31, $9.999999960e-13;
	v22 =	vld [tilespmem:s31+$0x8200]  }
0x217: {  	v1 =	vadd.f32 v3, v15;
	v3 =	vmax.f32 v11, $9.999999960e-13;
	v11 =	vsub.f32 v58, v59;
	v15 =	vld [tilespmem:s3+$0xAA60]  }
0x218: {  	v30 =	vmul.f32 v29, v29;
	v24 =	vmax.f32 v14, $9.999999960e-13;
	v14 =	vld [tilespmem:s3+$0x2A70];
	v59 =	vmul.f32 v20, v20  }
0x219: {  	v0 =	vadd.f32 v1, v0;
	v1 =	vmul.f32 v5, v5;
	v5 =	vld [tilespmem:s3+$0x2A50];
	v16 =	vmul.f32 v11, v11  }
0x21a: {  	s25 =	sor.u32 $0x2C20, s0;
	v3 =	vmin.f32 v3, $9.999999950e+11;
	v20 =	vmin.f32 v24, $9.999999950e+11;
	v24 =	vmin.f32 v56, $9.999999950e+11;
	v11 =	vld [tilespmem:s3+$0x2A60]  }
0x21b: {  	v3 =	vadd.f32 v23, v3;
	v23 =	vadd.f32 v24, v20;
	v20 =	vld [tilespmem:s25+$0x8200];
	v58 =	vmax.f32 v16, $9.999999960e-13  }
0x21c: {  	s26 =	sor.u32 $0x2C30, s0;
	v31 =	vsub.f32 v25, v28;
	v1 =	vmax.f32 v1, $9.999999960e-13;
	v16 =	vld [tilespmem:s25+$0x200];
	v24 =	vmin.f32 v58, $9.999999950e+11  }
0x21d: {  	v29 =	vsub.f32 v38, v41;
	v1 =	vmin.f32 v1, $9.999999950e+11;
	v27 =	vadd.f32 v24, v21;
	v21 =	vld [tilespmem:s26+$0x200]  }
0x21e: {  	v61 =	vmax.f32 v59, $9.999999960e-13;
	v26 =	vadd.f32 v26, v1;
	v1 =	vmax.f32 v13, $9.999999960e-13;
	v24 =	vld [tilespmem:s26+$0x8200]  }
0x21f: {  	s11 =	smov.u32 s28;
	v37 =	vmin.f32 v62, $9.999999950e+11;
	v25 =	vmin.f32 v61, $9.999999950e+11;
	v13 =	vld [tilespmem:s30+$0x200];
	s26 =	sor.u32 $0x2C60, s0;
	v1 =	vmin.f32 v1, $9.999999950e+11  }
0x220: {  	s13 =	simm.s32 $0x0;
	s12 =	sor.u32 $0x2C70, s0;
	v38 =	vmin.f32 v63, $9.999999950e+11;
	[tilespmem:s28+$0xFFFFFFF0] =	vst v0;
	v25 =	vadd.f32 v25, v23;
	s25 =	simm.s32 $0x180;
	v23 =	vld [tilespmem:s26+$0x200];
	v28 =	vadd.f32 v1, v3  }
.LBB2_5:
0x221: {  	s15 =	sadd.s32 $0xFFFFFF80, s25;
	s1 =	sand.u32 $0x380, s25;
	v0 =	vadd.f32 v37, v26;
	v1 =	vadd.f32 v38, v27;
	v3 =	vmul.f32 v35, v35;
	v26 =	vld [tilespmem:s26+$0x8200];
	s10 =	sadd.s32 $0x400, s10  }
0x222: {  	v27 =	vmax.f32 v30, $9.999999960e-13;
	v30 =	vmax.f32 v32, $9.999999960e-13;
	v32 =	vmax.f32 v33, $9.999999960e-13;
	s16 =	sor.u32 s15, s10;
	s5 =	sor.u32 s10, s25;
	v33 =	vld [tilespmem:s12+$0x200]  }
0x223: {  	v31 =	vmul.f32 v31, v31;
	v34 =	vmul.f32 v34, v34;
	v35 =	vsub.f32 v4, v6;
	s4 =	sor.u32 $0x2C40, s16;
	s14 =	sor.u32 $0x2C00, s5;
	s3 =	sor.u32 $0x2C10, s5;
	v37 =	vld [tilespmem:s12+$0x8200]  }
0x224: {  	v29 =	vmul.f32 v29, v29;
	v38 =	vsub.f32 v5, v8;
	v39 =	vsub.f32 v11, v15;
	s0 =	sor.u32 $0x2C20, s5;
	s31 =	sor.u32 $0x2C30, s5;
	s30 =	sor.u32 $0x2C40, s5;
	v4 =	vld [tilespmem:s4+$0x200]  }
0x225: {  	v8 =	vmin.f32 v36, $9.999999950e+11;
	v19 =	vsub.f32 v14, v19;
	v11 =	vmin.f32 v27, $9.999999950e+11;
	s17 =	sor.u32 $0x2C50, s16;
	s26 =	sor.u32 $0x2C60, s5;
	v5 =	vld [tilespmem:s4+$0x8200];
	s4 =	sor.u32 $0x2C50, s5  }
0x226: {  	v27 =	vadd.f32 v8, v28;
	v14 =	vmin.f32 v30, $9.999999950e+11;
	v15 =	vmin.f32 v32, $9.999999950e+11;
	s12 =	sor.u32 $0x2C70, s5;
	v6 =	vld [tilespmem:s17+$0x200]  }
0x227: {  	v25 =	vadd.f32 v11, v25;
	v0 =	vadd.f32 v14, v0;
	v3 =	vmax.f32 v3, $9.999999960e-13;
	s5 =	sor.u32 $0x2C60, s16;
	v8 =	vld [tilespmem:s17+$0x8200]  }
0x228: {  	v1 =	vadd.f32 v15, v1;
	v28 =	vmax.f32 v31, $9.999999960e-13;
	v30 =	vmax.f32 v34, $9.999999960e-13;
	v11 =	vld [tilespmem:s5+$0x200]  }
0x229: {  	v29 =	vmax.f32 v29, $9.999999960e-13;
	v31 =	vmul.f32 v35, v35;
	v32 =	vmul.f32 v38, v38;
	v14 =	vld [tilespmem:s5+$0x8200];
	s5 =	sor.u32 $0x2C70, s16  }
0x22a: {  	v36 =	vsub.f32 v7, v9;
	v34 =	vmul.f32 v39, v39;
	v35 =	vmul.f32 v19, v19;
	v15 =	vld [tilespmem:s5+$0x200]  }
0x22b: {  	v20 =	vsub.f32 v16, v20;
	v38 =	vsub.f32 v10, v12;
	v3 =	vmin.f32 v3, $9.999999950e+11;
	s17 =	sor.u32 $0x2C00, s16;
	v9 =	vld [tilespmem:s5+$0x8200]  }
0x22c: {  	v21 =	vsub.f32 v21, v24;
	v12 =	vmin.f32 v28, $9.999999950e+11;
	v16 =	vmin.f32 v30, $9.999999950e+11;
	v7 =	vld [tilespmem:s17+$0x200]  }
0x22d: {  	v19 =	vmin.f32 v29, $9.999999950e+11;
	v3 =	vadd.f32 v3, v27;
	v24 =	vadd.f32 v12, v25;
	s5 =	sor.u32 $0x2C10, s16;
	v10 =	vld [tilespmem:s17+$0x8200]  }
0x22e: {  	v0 =	vadd.f32 v16, v0;
	v1 =	vadd.f32 v19, v1;
	v25 =	vmax.f32 v31, $9.999999960e-13;
	v12 =	vld [tilespmem:s5+$0x200]  }
0x22f: {  	v27 =	vmax.f32 v32, $9.999999960e-13;
	v28 =	vmax.f32 v34, $9.999999960e-13;
	v29 =	vmax.f32 v35, $9.999999960e-13;
	v19 =	vld [tilespmem:s5+$0x8200];
	s5 =	sor.u32 $0x2C20, s16  }
0x230: {  	v30 =	vmul.f32 v36, v36;
	v31 =	vmul.f32 v38, v38;
	v32 =	vsub.f32 v13, v17;
	v16 =	vld [tilespmem:s5+$0x200]  }
0x231: {  	v20 =	vmul.f32 v20, v20;
	v21 =	vmul.f32 v21, v21;
	v18 =	vsub.f32 v18, v22;
	v13 =	vld [tilespmem:s5+$0x8200];
	s5 =	sor.u32 $0x2C30, s16  }
0x232: {  	s15 =	sand.u32 $0x300, s15;
	v22 =	vmin.f32 v25, $9.999999950e+11;
	v23 =	vsub.f32 v23, v26;
	v25 =	vsub.f32 v33, v37;
	s17 =	sand.u32 $0x1000, s10;
	v17 =	vld [tilespmem:s5+$0x200]  }
0x233: {  	v27 =	vmin.f32 v27, $9.999999950e+11;
	v28 =	vmin.f32 v28, $9.999999950e+11;
	v29 =	vmin.f32 v29, $9.999999950e+11;
	s16 =	sor.u32 s15, s17;
	s15 =	sor.u32 s17, s1;
	v26 =	vld [tilespmem:s5+$0x8200]  }
0x234: {  	v3 =	vadd.f32 v22, v3;
	v22 =	vadd.f32 v27, v24;
	v24 =	vmax.f32 v30, $9.999999960e-13;
	v33 =	vld [tilespmem:s16+$0x2A40]  }
0x235: {  	v0 =	vadd.f32 v28, v0;
	v1 =	vadd.f32 v29, v1;
	v28 =	vmax.f32 v31, $9.999999960e-13;
	v27 =	vld [tilespmem:s16+$0xAA40]  }
0x236: {  	v20 =	vmax.f32 v20, $9.999999960e-13;
	v21 =	vmax.f32 v21, $9.999999960e-13;
	v30 =	vmul.f32 v32, v32;
	v29 =	vld [tilespmem:s16+$0x2A50]  }
0x237: {  	v18 =	vmul.f32 v18, v18;
	v24 =	vmin.f32 v24, $9.999999950e+11;
	v23 =	vmul.f32 v23, v23;
	v31 =	vld [tilespmem:s16+$0xAA50]  }
0x238: {  	v20 =	vmin.f32 v20, $9.999999950e+11;
	v28 =	vmin.f32 v28, $9.999999950e+11;
	v25 =	vmul.f32 v25, v25;
	v32 =	vld [tilespmem:s16+$0x2A60]  }
0x239: {  	v21 =	vmin.f32 v21, $9.999999950e+11;
	v3 =	vadd.f32 v24, v3;
	v22 =	vadd.f32 v28, v22;
	v34 =	vld [tilespmem:s16+$0xAA60]  }
0x23a: {  	v0 =	vadd.f32 v20, v0;
	v1 =	vadd.f32 v21, v1;
	v20 =	vmax.f32 v30, $9.999999960e-13;
	v24 =	vld [tilespmem:s16+$0x2A70]  }
0x23b: {  	v18 =	vmax.f32 v18, $9.999999960e-13;
	v23 =	vmax.f32 v23, $9.999999960e-13;
	v25 =	vmax.f32 v25, $9.999999960e-13;
	v21 =	vld [tilespmem:s16+$0xAA70]  }
0x23c: {  	v18 =	vmin.f32 v18, $9.999999950e+11;
	v20 =	vmin.f32 v20, $9.999999950e+11;
	v23 =	vmin.f32 v23, $9.999999950e+11;
	v28 =	vld [tilespmem:s16+$0x2A00]  }
0x23d: {  	v3 =	vadd.f32 v20, v3;
	v18 =	vadd.f32 v18, v22;
	v20 =	vmin.f32 v25, $9.999999950e+11;
	v30 =	vld [tilespmem:s16+$0xAA00]  }
0x23e: {  	v0 =	vadd.f32 v23, v0;
	v1 =	vadd.f32 v20, v1;
	v22 =	vld [tilespmem:s16+$0x2A10]  }
0x23f: {  	v3 =	vadd.f32 v18, v3;
	v20 =	vld [tilespmem:s16+$0xAA10]  }
0x240: {  	v0 =	vadd.f32 v1, v0;
	v18 =	vld [tilespmem:s16+$0x2A20]  }
0x241: {  	v1 =	vld [tilespmem:s16+$0xAA20]  }
0x242: {  	v0 =	vadd.f32 v0, v3;
	v23 =	vld [tilespmem:s16+$0x2A30]  }
0x243: {  	v3 =	vld [tilespmem:s16+$0xAA30]  }
0x244: {  	v25 =	vld [tilespmem:s16+$0x2200];
	[tilespmem:s11+$0x0] =	vst v0  }
0x245: {  	v0 =	vld [tilespmem:s16+$0xA200]  }
0x246: {  	v35 =	vld [tilespmem:s16+$0x2210]  }
0x247: {  	v36 =	vld [tilespmem:s16+$0xA210]  }
0x248: {  	v37 =	vld [tilespmem:s16+$0x2220]  }
0x249: {  	v38 =	vld [tilespmem:s16+$0xA220]  }
0x24a: {  	v39 =	vld [tilespmem:s16+$0x2230]  }
0x24b: {  	v40 =	vld [tilespmem:s16+$0xA230]  }
0x24c: {  	v41 =	vld [tilespmem:s16+$0x2240]  }
0x24d: {  	v42 =	vld [tilespmem:s16+$0xA240]  }
0x24e: {  	v43 =	vld [tilespmem:s16+$0x2250]  }
0x24f: {  	v44 =	vld [tilespmem:s16+$0xA250]  }
0x250: {  	s1 =	sand.u32 $0xFFFFF000, s10;
	v45 =	vld [tilespmem:s16+$0x2260]  }
0x251: {  	s2 =	sadd.s32 s1, s25;
	v46 =	vld [tilespmem:s16+$0xA260]  }
0x252: {  	v4 =	vsub.f32 v4, v5;
	v5 =	vsub.f32 v6, v8;
	s5 =	sadd.s32 $0xFFFFFF80, s2;
	s1 =	sor.u32 $0x2400, s2;
	s22 =	sor.u32 $0x2410, s2;
	v47 =	vld [tilespmem:s16+$0x2270]  }
0x253: {  	v8 =	vsub.f32 v11, v14;
	v9 =	vsub.f32 v15, v9;
	s21 =	sor.u32 $0x2420, s2;
	s20 =	sor.u32 $0x2430, s2;
	v6 =	vld [tilespmem:s16+$0xA270];
	s16 =	sor.u32 $0x2440, s5  }
0x254: {  	v7 =	vsub.f32 v7, v10;
	s19 =	sor.u32 $0x2440, s2;
	s18 =	sor.u32 $0x2450, s2;
	s17 =	sor.u32 $0x2460, s2;
	v10 =	vsub.f32 v12, v19;
	v11 =	vld [tilespmem:s16+$0x200]  }
0x255: {  	s8 =	sor.u32 $0x2450, s5;
	v13 =	vsub.f32 v16, v13;
	v14 =	vsub.f32 v17, v26;
	v12 =	vld [tilespmem:s16+$0x8200];
	s16 =	sor.u32 $0x2470, s2  }
0x256: {  	v16 =	vsub.f32 v33, v27;
	v17 =	vsub.f32 v29, v31;
	v15 =	vld [tilespmem:s8+$0x200]  }
0x257: {  	v26 =	vsub.f32 v32, v34;
	v21 =	vsub.f32 v24, v21;
	s2 =	sor.u32 $0x2460, s5;
	v19 =	vld [tilespmem:s8+$0x8200]  }
0x258: {  	v27 =	vsub.f32 v28, v30;
	v20 =	vsub.f32 v22, v20;
	v24 =	vld [tilespmem:s2+$0x200]  }
0x259: {  	v1 =	vsub.f32 v18, v1;
	v3 =	vsub.f32 v23, v3;
	v22 =	vld [tilespmem:s2+$0x8200];
	s2 =	sor.u32 $0x2470, s5  }
0x25a: {  	v0 =	vsub.f32 v25, v0;
	v18 =	vsub.f32 v35, v36;
	v23 =	vld [tilespmem:s2+$0x200]  }
0x25b: {  	v29 =	vmul.f32 v4, v4;
	v30 =	vmul.f32 v5, v5;
	v25 =	vsub.f32 v37, v38;
	s8 =	sor.u32 $0x2400, s5;
	v28 =	vld [tilespmem:s2+$0x8200]  }
0x25c: {  	v31 =	vmul.f32 v8, v8;
	v32 =	vmul.f32 v9, v9;
	v4 =	vsub.f32 v39, v40;
	v5 =	vld [tilespmem:s8+$0x200]  }
0x25d: {  	v10 =	vmul.f32 v10, v10;
	v33 =	vmul.f32 v7, v7;
	v8 =	vsub.f32 v41, v42;
	s2 =	sor.u32 $0x2410, s5;
	v9 =	vld [tilespmem:s8+$0x8200]  }
0x25e: {  	v13 =	vmul.f32 v13, v13;
	v14 =	vmul.f32 v14, v14;
	v7 =	vsub.f32 v43, v44;
	v34 =	vld [tilespmem:s2+$0x200]  }
0x25f: {  	v37 =	vmul.f32 v16, v16;
	v38 =	vmul.f32 v17, v17;
	v35 =	vsub.f32 v45, v46;
	v36 =	vld [tilespmem:s2+$0x8200];
	s2 =	sor.u32 $0x2420, s5  }
0x260: {  	v26 =	vmul.f32 v26, v26;
	v21 =	vmul.f32 v21, v21;
	v6 =	vsub.f32 v47, v6;
	v16 =	vld [tilespmem:s2+$0x200]  }
0x261: {  	v27 =	vmul.f32 v27, v27;
	v20 =	vmul.f32 v20, v20;
	v11 =	vsub.f32 v11, v12;
	v17 =	vld [tilespmem:s2+$0x8200];
	s2 =	sor.u32 $0x2430, s5  }
0x262: {  	v1 =	vmul.f32 v1, v1;
	v3 =	vmul.f32 v3, v3;
	v15 =	vsub.f32 v15, v19;
	v12 =	vld [tilespmem:s2+$0x200]  }
0x263: {  	v0 =	vmul.f32 v0, v0;
	v18 =	vmul.f32 v18, v18;
	v22 =	vsub.f32 v24, v22;
	v19 =	vld [tilespmem:s2+$0x8200]  }
0x264: {  	v24 =	vmul.f32 v25, v25;
	v25 =	vmul.f32 v4, v4;
	v23 =	vsub.f32 v23, v28;
	v28 =	vld [tilespmem:s15+$0x2200]  }
0x265: {  	v39 =	vmul.f32 v8, v8;
	v40 =	vmul.f32 v7, v7;
	v7 =	vsub.f32 v5, v9;
	v9 =	vld [tilespmem:s15+$0xA200]  }
0x266: {  	v35 =	vmul.f32 v35, v35;
	v41 =	vmul.f32 v6, v6;
	v8 =	vsub.f32 v34, v36;
	v4 =	vld [tilespmem:s15+$0x2210]  }
0x267: {  	v34 =	vmul.f32 v11, v11;
	v36 =	vmul.f32 v15, v15;
	v16 =	vsub.f32 v16, v17;
	v5 =	vld [tilespmem:s15+$0xA210]  }
0x268: {  	v42 =	vmul.f32 v22, v22;
	v23 =	vmul.f32 v23, v23;
	v11 =	vsub.f32 v12, v19;
	v6 =	vld [tilespmem:s15+$0x2220]  }
0x269: {  	v43 =	vmul.f32 v7, v7;
	v44 =	vmul.f32 v8, v8;
	v8 =	vld [tilespmem:s15+$0xA220]  }
0x26a: {  	v45 =	vmul.f32 v16, v16;
	v46 =	vmul.f32 v11, v11;
	v11 =	vsub.f32 v28, v9;
	v7 =	vld [tilespmem:s15+$0x2230]  }
0x26b: {  	v22 =	vmax.f32 v29, $9.999999960e-13;
	v16 =	vmax.f32 v31, $9.999999960e-13;
	v28 =	vmax.f32 v30, $9.999999960e-13;
	v9 =	vld [tilespmem:s15+$0xA230]  }
0x26c: {  	v29 =	vmax.f32 v33, $9.999999960e-13;
	v17 =	vmax.f32 v32, $9.999999960e-13;
	v30 =	vmax.f32 v10, $9.999999960e-13;
	v10 =	vld [tilespmem:s15+$0x2240]  }
0x26d: {  	v33 =	vmax.f32 v14, $9.999999960e-13;
	v32 =	vmax.f32 v13, $9.999999960e-13;
	v31 =	vmax.f32 v37, $9.999999960e-13;
	v12 =	vld [tilespmem:s15+$0xA240]  }
0x26e: {  	v26 =	vmax.f32 v26, $9.999999960e-13;
	v37 =	vmax.f32 v38, $9.999999960e-13;
	v38 =	vmax.f32 v21, $9.999999960e-13;
	v13 =	vld [tilespmem:s15+$0x2250]  }
0x26f: {  	s13 =	sadd.s32 $0x2, s13;
	v27 =	vmax.f32 v27, $9.999999960e-13;
	v1 =	vmax.f32 v1, $9.999999960e-13;
	v47 =	vmax.f32 v20, $9.999999960e-13;
	v14 =	vld [tilespmem:s15+$0xA250]  }
0x270: {  	p1 =	slt.u32 s13, $0xE;
	v3 =	vmax.f32 v3, $9.999999960e-13;
	v0 =	vmax.f32 v0, $9.999999960e-13;
	v48 =	vmax.f32 v18, $9.999999960e-13;
	v15 =	vld [tilespmem:s15+$0x2260]  }
0x271: {  	v39 =	vmax.f32 v39, $9.999999960e-13;
	v24 =	vmax.f32 v24, $9.999999960e-13;
	v25 =	vmax.f32 v25, $9.999999960e-13;
	v18 =	vld [tilespmem:s15+$0xA260]  }
0x272: {  	v40 =	vmax.f32 v40, $9.999999960e-13;
	v35 =	vmax.f32 v35, $9.999999960e-13;
	v41 =	vmax.f32 v41, $9.999999960e-13;
	v19 =	vld [tilespmem:s15+$0x2270]  }
0x273: {  	v29 =	vmin.f32 v29, $9.999999950e+11;
	v49 =	vmin.f32 v22, $9.999999950e+11;
	v28 =	vmin.f32 v28, $9.999999950e+11;
	v21 =	vld [tilespmem:s15+$0xA270]  }
0x274: {  	v31 =	vmin.f32 v31, $9.999999950e+11;
	v37 =	vmin.f32 v37, $9.999999950e+11;
	v30 =	vmin.f32 v30, $9.999999950e+11;
	v20 =	vld [tilespmem:s1+$0x200]  }
0x275: {  	v27 =	vmin.f32 v27, $9.999999950e+11;
	v47 =	vmin.f32 v47, $9.999999950e+11;
	v34 =	vmax.f32 v34, $9.999999960e-13;
	v22 =	vld [tilespmem:s1+$0x8200]  }
0x276: {  	v42 =	vmax.f32 v42, $9.999999960e-13;
	v50 =	vmax.f32 v23, $9.999999960e-13;
	v36 =	vmax.f32 v36, $9.999999960e-13;
	v23 =	vld [tilespmem:s22+$0x200]  }
0x277: {  	v43 =	vmax.f32 v43, $9.999999960e-13;
	v44 =	vmax.f32 v44, $9.999999960e-13;
	v45 =	vmax.f32 v45, $9.999999960e-13;
	v51 =	vld [tilespmem:s22+$0x8200]  }
0x278: {  	v0 =	vmin.f32 v0, $9.999999950e+11;
	v48 =	vmin.f32 v48, $9.999999950e+11;
	v46 =	vmax.f32 v46, $9.999999960e-13;
	v52 =	vld [tilespmem:s21+$0x200]  }
0x279: {  	v39 =	vmin.f32 v39, $9.999999950e+11;
	v24 =	vmin.f32 v24, $9.999999950e+11;
	v25 =	vmin.f32 v25, $9.999999950e+11;
	v53 =	vld [tilespmem:s21+$0x8200]  }
0x27a: {  	v40 =	vmin.f32 v40, $9.999999950e+11;
	v35 =	vmin.f32 v35, $9.999999950e+11;
	v41 =	vmin.f32 v41, $9.999999950e+11;
	v54 =	vld [tilespmem:s20+$0x200]  }
0x27b: {  	v43 =	vmin.f32 v43, $9.999999950e+11;
	v34 =	vmin.f32 v34, $9.999999950e+11;
	v36 =	vmin.f32 v36, $9.999999950e+11;
	v55 =	vld [tilespmem:s20+$0x8200]  }
0x27c: {  	v0 =	vadd.f32 v39, v0;
	v39 =	vadd.f32 v40, v48;
	v40 =	vmin.f32 v44, $9.999999950e+11;
	v44 =	vld [tilespmem:s19+$0x200]  }
0x27d: {  	v24 =	vadd.f32 v35, v24;
	v25 =	vadd.f32 v41, v25;
	v35 =	vmin.f32 v45, $9.999999950e+11;
	v41 =	vld [tilespmem:s19+$0x8200]  }
0x27e: {  	v0 =	vadd.f32 v43, v0;
	v39 =	vadd.f32 v40, v39;
	v40 =	vmin.f32 v46, $9.999999950e+11;
	v43 =	vld [tilespmem:s18+$0x200]  }
0x27f: {  	v24 =	vadd.f32 v35, v24;
	v35 =	vmin.f32 v42, $9.999999950e+11;
	v25 =	vadd.f32 v40, v25;
	v40 =	vld [tilespmem:s18+$0x8200]  }
0x280: {  	v0 =	vadd.f32 v34, v0;
	v34 =	vadd.f32 v36, v39;
	v36 =	vmin.f32 v50, $9.999999950e+11;
	v39 =	vld [tilespmem:s17+$0x200]  }
0x281: {  	v1 =	vmin.f32 v1, $9.999999950e+11;
	v24 =	vadd.f32 v35, v24;
	v25 =	vadd.f32 v36, v25;
	v35 =	vld [tilespmem:s17+$0x8200]  }
0x282: {  	v3 =	vmin.f32 v3, $9.999999950e+11;
	v0 =	vadd.f32 v27, v0;
	v27 =	vadd.f32 v47, v34;
	v34 =	vld [tilespmem:s16+$0x200]  }
0x283: {  	v1 =	vadd.f32 v1, v24;
	v24 =	vmin.f32 v26, $9.999999950e+11;
	v3 =	vadd.f32 v3, v25;
	v25 =	vld [tilespmem:s16+$0x8200]  }
0x284: {  	v0 =	vadd.f32 v31, v0;
	v26 =	vadd.f32 v37, v27;
	v27 =	vmin.f32 v38, $9.999999950e+11;
	v31 =	vld [tilespmem:s15+$0x2A00]  }
0x285: {  	v1 =	vadd.f32 v24, v1;
	v24 =	vmin.f32 v32, $9.999999950e+11;
	v3 =	vadd.f32 v27, v3;
	v32 =	vld [tilespmem:s15+$0xAA00]  }
0x286: {  	v0 =	vadd.f32 v29, v0;
	v26 =	vadd.f32 v30, v26;
	v27 =	vmin.f32 v33, $9.999999950e+11;
	v29 =	vld [tilespmem:s15+$0x2A10]  }
0x287: {  	v16 =	vmin.f32 v16, $9.999999950e+11;
	v1 =	vadd.f32 v24, v1;
	v3 =	vadd.f32 v27, v3;
	v36 =	vld [tilespmem:s15+$0xAA10]  }
0x288: {  	v17 =	vmin.f32 v17, $9.999999950e+11;
	v0 =	vadd.f32 v49, v0;
	v24 =	vadd.f32 v28, v26;
	v28 =	vld [tilespmem:s15+$0x2A20]  }
0x289: {  	v11 =	vmul.f32 v11, v11;
	v1 =	vadd.f32 v16, v1;
	v3 =	vadd.f32 v17, v3;
	v37 =	vld [tilespmem:s15+$0xAA20]  }
0x28a: {  	v4 =	vsub.f32 v4, v5;
	v5 =	vsub.f32 v6, v8;
	v38 =	vld [tilespmem:s15+$0x2A30]  }
0x28b: {  	v0 =	vadd.f32 v24, v0;
	v1 =	vadd.f32 v3, v1;
	v3 =	vmax.f32 v11, $9.999999960e-13;
	v42 =	vld [tilespmem:s15+$0xAA30]  }
0x28c: {  	v7 =	vsub.f32 v7, v9;
	v8 =	vsub.f32 v10, v12;
	v16 =	vmul.f32 v4, v4;
	v4 =	vld [tilespmem:s15+$0x2A40]  }
0x28d: {  	v9 =	vsub.f32 v13, v14;
	v0 =	vadd.f32 v1, v0;
	v1 =	vmul.f32 v5, v5;
	v6 =	vld [tilespmem:s15+$0xAA40]  }
0x28e: {  	s11 =	sadd.s32 $0x20, s11;
	v7 =	vmul.f32 v7, v7;
	v10 =	vsub.f32 v15, v18;
	v11 =	vsub.f32 v19, v21;
	v5 =	vld [tilespmem:s15+$0x2A50]  }
0x28f: {  	v9 =	vmul.f32 v9, v9;
	v12 =	vsub.f32 v20, v22;
	[tilespmem:s11+$0xFFFFFFF0] =	vst v0;
	v0 =	vmul.f32 v8, v8;
	v8 =	vld [tilespmem:s15+$0xAA50]  }
0x290: {  	v10 =	vmul.f32 v10, v10;
	v13 =	vmul.f32 v11, v11;
	v17 =	vsub.f32 v23, v51;
	v11 =	vld [tilespmem:s15+$0x2A60]  }
0x291: {  	v16 =	vmax.f32 v16, $9.999999960e-13;
	v18 =	vsub.f32 v52, v53;
	v20 =	vsub.f32 v54, v55;
	v15 =	vld [tilespmem:s15+$0xAA60]  }
0x292: {  	v21 =	vmax.f32 v7, $9.999999960e-13;
	v1 =	vmax.f32 v1, $9.999999960e-13;
	v0 =	vmax.f32 v0, $9.999999960e-13;
	v14 =	vld [tilespmem:s15+$0x2A70]  }
0x293: {  	v22 =	vmax.f32 v9, $9.999999960e-13;
	v23 =	vmax.f32 v10, $9.999999960e-13;
	v13 =	vmax.f32 v13, $9.999999960e-13;
	v19 =	vld [tilespmem:s15+$0xAA70]  }
0x294: {  	v24 =	vmul.f32 v12, v12;
	v17 =	vmul.f32 v17, v17;
	v30 =	vsub.f32 v44, v41;
	v7 =	vld [tilespmem:s14+$0x200]  }
0x295: {  	v18 =	vmul.f32 v18, v18;
	v33 =	vmul.f32 v20, v20;
	v40 =	vsub.f32 v43, v40;
	v9 =	vld [tilespmem:s14+$0x8200]  }
0x296: {  	v3 =	vmin.f32 v3, $9.999999950e+11;
	v39 =	vsub.f32 v39, v35;
	v25 =	vsub.f32 v34, v25;
	v10 =	vld [tilespmem:s3+$0x200]  }
0x297: {  	v21 =	vmin.f32 v21, $9.999999950e+11;
	v1 =	vmin.f32 v1, $9.999999950e+11;
	v20 =	vmin.f32 v16, $9.999999950e+11;
	v12 =	vld [tilespmem:s3+$0x8200]  }
0x298: {  	v22 =	vmin.f32 v22, $9.999999950e+11;
	v23 =	vmin.f32 v23, $9.999999950e+11;
	v0 =	vmin.f32 v0, $9.999999950e+11;
	v16 =	vld [tilespmem:s0+$0x200]  }
0x299: {  	v13 =	vmin.f32 v13, $9.999999950e+11;
	v0 =	vadd.f32 v0, v3;
	v3 =	vadd.f32 v22, v20;
	v20 =	vld [tilespmem:s0+$0x8200]  }
0x29a: {  	v26 =	vadd.f32 v23, v1;
	v27 =	vadd.f32 v13, v21;
	v1 =	vmax.f32 v24, $9.999999960e-13;
	v21 =	vld [tilespmem:s31+$0x200]  }
0x29b: {  	v23 =	vmax.f32 v18, $9.999999960e-13;
	v41 =	vmax.f32 v33, $9.999999960e-13;
	v22 =	vmax.f32 v17, $9.999999960e-13;
	v24 =	vld [tilespmem:s31+$0x8200]  }
.Ltmp1:
0x29c: {  	v43 =	vmul.f32 v30, v30;
	v30 =	vmul.f32 v40, v40;
	v35 =	vsub.f32 v31, v32;
	v13 =	vld [tilespmem:s30+$0x200];
	(pc) =	sbr.rel @p1 .LBB2_5-.Ltmp1, $4  }
0x29d: {  	v32 =	vmul.f32 v39, v39;
	v33 =	vmul.f32 v25, v25;
	v31 =	vsub.f32 v29, v36;
	v17 =	vld [tilespmem:s30+$0x8200]  }
0x29e: {  	v1 =	vmin.f32 v1, $9.999999950e+11;
	v34 =	vsub.f32 v28, v37;
	v29 =	vsub.f32 v38, v42;
	v18 =	vld [tilespmem:s4+$0x200]  }
0x29f: {  	v37 =	vmin.f32 v23, $9.999999950e+11;
	v38 =	vmin.f32 v41, $9.999999950e+11;
	v25 =	vmin.f32 v22, $9.999999950e+11;
	v22 =	vld [tilespmem:s4+$0x8200]  }
0x2a0: {  	s25 =	sadd.s32 $0x100, s25;
	v36 =	vmax.f32 v43, $9.999999960e-13;
	v28 =	vadd.f32 v1, v0;
	v25 =	vadd.f32 v25, v3;
	v23 =	vld [tilespmem:s26+$0x200]  }
0x2a1: {  	v0 =	vadd.f32 v37, v26;
	v1 =	vadd.f32 v38, v27;
	v3 =	vmul.f32 v35, v35  }
0x2a2: {  	v26 =	vmax.f32 v30, $9.999999960e-13;
	v27 =	vmax.f32 v32, $9.999999960e-13;
	v30 =	vmax.f32 v33, $9.999999960e-13  }
0x2a3: {  	v31 =	vmul.f32 v31, v31;
	v4 =	vsub.f32 v4, v6;
	v5 =	vsub.f32 v5, v8  }
0x2a4: {  	v58 =	vmul.f32 v34, v34;
	v8 =	vsub.f32 v11, v15;
	v14 =	vsub.f32 v14, v19  }
0x2a5: {  	v6 =	vmul.f32 v29, v29;
	v7 =	vsub.f32 v7, v9;
	v10 =	vsub.f32 v10, v12  }
0x2a6: {  	v11 =	vmin.f32 v36, $9.999999950e+11;
	v12 =	vsub.f32 v16, v20;
	v21 =	vsub.f32 v21, v24  }
0x2a7: {  	v15 =	vmin.f32 v26, $9.999999950e+11;
	v11 =	vadd.f32 v11, v28;
	v19 =	vmin.f32 v27, $9.999999950e+11  }
0x2a8: {  	v26 =	vmin.f32 v30, $9.999999950e+11;
	v13 =	vsub.f32 v13, v17;
	v15 =	vadd.f32 v15, v25  }
0x2a9: {  	v0 =	vadd.f32 v19, v0;
	v3 =	vmax.f32 v3, $9.999999960e-13;
	v1 =	vadd.f32 v26, v1  }
0x2aa: {  	v19 =	vmax.f32 v31, $9.999999960e-13;
	v4 =	vmul.f32 v4, v4;
	v5 =	vmul.f32 v5, v5  }
0x2ab: {  	v9 =	vld [tilespmem:s26+$0x8200];
	v25 =	vmax.f32 v58, $9.999999960e-13;
	v8 =	vmul.f32 v8, v8;
	v14 =	vmul.f32 v14, v14  }
0x2ac: {  	v16 =	vld [tilespmem:s12+$0x200];
	v6 =	vmax.f32 v6, $9.999999960e-13;
	v7 =	vmul.f32 v7, v7;
	v10 =	vmul.f32 v10, v10  }
0x2ad: {  	v24 =	vld [tilespmem:s12+$0x8200];
	v3 =	vmin.f32 v3, $9.999999950e+11;
	v19 =	vmin.f32 v19, $9.999999950e+11;
	v20 =	vmin.f32 v25, $9.999999950e+11  }
0x2ae: {  	v6 =	vmin.f32 v6, $9.999999950e+11;
	v3 =	vadd.f32 v3, v11;
	v11 =	vadd.f32 v19, v15  }
0x2af: {  	v12 =	vmul.f32 v12, v12;
	v0 =	vadd.f32 v20, v0;
	v1 =	vadd.f32 v6, v1  }
0x2b0: {  	v4 =	vmax.f32 v4, $9.999999960e-13;
	v5 =	vmax.f32 v5, $9.999999960e-13;
	v6 =	vmax.f32 v8, $9.999999960e-13  }
0x2b1: {  	v8 =	vmax.f32 v14, $9.999999960e-13;
	v14 =	vmul.f32 v21, v21;
	v15 =	vsub.f32 v18, v22  }
0x2b2: {  	v4 =	vmin.f32 v4, $9.999999950e+11;
	v9 =	vsub.f32 v23, v9;
	v16 =	vsub.f32 v16, v24  }
0x2b3: {  	v5 =	vmin.f32 v5, $9.999999950e+11;
	v6 =	vmin.f32 v6, $9.999999950e+11;
	v8 =	vmin.f32 v8, $9.999999950e+11  }
0x2b4: {  	v3 =	vadd.f32 v4, v3;
	v4 =	vadd.f32 v5, v11;
	v5 =	vmax.f32 v7, $9.999999960e-13  }
0x2b5: {  	v0 =	vadd.f32 v6, v0;
	v1 =	vadd.f32 v8, v1;
	v6 =	vmax.f32 v10, $9.999999960e-13  }
0x2b6: {  	v7 =	vmax.f32 v12, $9.999999960e-13;
	v8 =	vmax.f32 v14, $9.999999960e-13;
	v10 =	vmul.f32 v13, v13  }
0x2b7: {  	v11 =	vmul.f32 v15, v15;
	v5 =	vmin.f32 v5, $9.999999950e+11;
	v9 =	vmul.f32 v9, v9  }
0x2b8: {  	v6 =	vmin.f32 v6, $9.999999950e+11;
	v7 =	vmin.f32 v7, $9.999999950e+11;
	v12 =	vmul.f32 v16, v16  }
0x2b9: {  	v3 =	vadd.f32 v5, v3;
	v4 =	vadd.f32 v6, v4;
	v5 =	vmin.f32 v8, $9.999999950e+11  }
0x2ba: {  	v0 =	vadd.f32 v7, v0;
	v6 =	vmax.f32 v11, $9.999999960e-13;
	v1 =	vadd.f32 v5, v1  }
0x2bb: {  	v5 =	vmax.f32 v10, $9.999999960e-13;
	v7 =	vmax.f32 v9, $9.999999960e-13;
	v8 =	vmax.f32 v12, $9.999999960e-13  }
0x2bc: {  	v6 =	vmin.f32 v6, $9.999999950e+11;
	v5 =	vmin.f32 v5, $9.999999950e+11;
	v7 =	vmin.f32 v7, $9.999999950e+11  }
0x2bd: {  	v4 =	vadd.f32 v6, v4;
	v3 =	vadd.f32 v5, v3;
	v5 =	vmin.f32 v8, $9.999999950e+11  }
0x2be: {  	v0 =	vadd.f32 v7, v0;
	v1 =	vadd.f32 v5, v1;
	_ =	sdelay $0x1  }
0x2bf: {  	v3 =	vadd.f32 v4, v3;
	v0 =	vadd.f32 v1, v0  }
0x2c0: {  	s0 =	sadd.s32 @!p0 $0x50, s9;
	s1 =	rddreg [dreg:$0x5]  }
0x2c1: {  	s0 =	sadd.s32 @!p0 s1, s0;
	v0 =	vadd.f32 v0, v3  }
0x2c2: {  	s1 =	rddreg [dreg:$0x0];
	s0 =	sshll.u32 @!p0 s0, $0x6  }
0x2c3: {  	s2 =	simm.s32 @!p0 $0x2200;
	s0 =	sadd.s32 @!p0 s1, s0;
	s1 =	simm.s32 @!p0 $0x0;
	[tilespmem:s11+$0x0] =	vst v0  }
0x2c4: {  	[tilespmem:s2], [sflag:$0x2] =	stream.linear.gather @!p0 [hbm4b:s0+s1], $0x2000, $0x38;
	[tilespmem:$0x12400] =	vst v63  }
0x2c5: {  	v0 =	vld @!p0 [tilespmem:s9+$0x50];
	_ =	sdelay $0x4  }
0x2c6: {  	v1 =	vshll.u32 @!p0 v0, $0x2  }
0x2c7: {  	v3 =	vlaneseq.u32 @!p0;
	v0 =	vand.u32 @!p0 $0x7, v0;
	v1 =	vand.u32 @!p0 $0xFFFFFFE0, v1  }
0x2c8: {  	v4 =	vshrl.u32 @!p0 v3, $0x3;
	v0 =	vor.u32 @!p0 v0, v1;
	v1 =	vand.u32 @!p0 $0x7, v3  }
0x2c9: {  	v4 =	vmul.u32 @!p0 $0x8, v4;
	v1 =	vperm.xlane @!p0 v0, v1;
	_ =	sdelay $0x1  }
0x2ca: {  	v1 =	vadd.s32 @!p0 v4, v1  }
0x2cb: {  	v3 =	vor.u32 @!p0 $0x8, v3  }
0x2cc: {  	v0 =	vperm.xlane @!p0 v0, v3;
	_ =	sdelay $0x1  }
0x2cd: {  	s0 =	simm.s32 @!p0 $0xA200;
	s2 =	rddreg [dreg:$0x2];
	v0 =	vadd.s32 @!p0 v4, v0  }
0x2ce: {  	[tilespmem:s0], [sflag:$0x6] =	stream.indirect_vreg.gather @!p0 [hbm4b:s2+s1], $0x80, v1, vm1, $0xb8;
	[tilespmem:$0x12400] =	vst v63  }
0x2cf: {  	s3 =	rddreg [dreg:$0x8];
	s0 =	simm.s32 @!p0 $0xAA00  }
0x2d0: {  	[tilespmem:s0], [sflag:$0x6] =	stream.indirect_vreg.gather @!p0 [hbm4b:s3+s1], $0x80, v1, vm1, $0xb8;
	[tilespmem:$0x12400] =	vst v63  }
0x2d1: {  	s0 =	simm.s32 @!p0 $0xB200  }
0x2d2: {  	[tilespmem:s0], [sflag:$0x6] =	stream.indirect_vreg.gather @!p0 [hbm4b:s2+s1], $0x80, v0, vm1, $0xb8;
	[tilespmem:$0x12400] =	vst v63  }
0x2d3: {  	s4 =	simm.s32 $0x3;
	s0 =	simm.s32 @!p0 $0xBA00  }
0x2d4: {  	[tilespmem:s0], [sflag:$0x6] =	stream.indirect_vreg.gather @!p0 [hbm4b:s3+s1], $0x80, v0, vm1, $0xb8;
	[tilespmem:$0x12400] =	vst v63  }
0x2d5: {  	_ =	swait.ge [sflag:s4], $0x2000  }
0x2d6: {  	[sflag:s4] =	ssyncset.done $0x0  }
0x2d7: {  	s5 =	simm.s32 $0x7;
	[sflag:s4] =	ssyncadd.s32 $0xFFFFE000  }
0x2d8: {  	s10 =	simm.s32 $0x0;
	s8 =	simm.s32 $0x0;
	_ =	swait.ge [sflag:s5], $0x2000  }
0x2d9: {  	s11 =	sor.u32 s8, s10;
	[sflag:s5] =	ssyncset.done $0x0  }
0x2da: {  	s12 =	sor.u32 $0x4C40, s11;
	[sflag:s5] =	ssyncadd.s32 $0xFFFFE000  }
0x2db: {  	v0 =	vld [tilespmem:s12+$0x200]  }
0x2dc: {  	s13 =	sor.u32 $0x4C50, s11;
	v1 =	vld [tilespmem:s12+$0x8200]  }
0x2dd: {  	v3 =	vld [tilespmem:s13+$0x200]  }
0x2de: {  	s14 =	sor.u32 $0x4C60, s11;
	v4 =	vld [tilespmem:s13+$0x8200]  }
0x2df: {  	v5 =	vld [tilespmem:s14+$0x200]  }
0x2e0: {  	s15 =	sor.u32 $0x4C70, s11;
	v6 =	vld [tilespmem:s14+$0x8200]  }
0x2e1: {  	v7 =	vld [tilespmem:s15+$0x200]  }
0x2e2: {  	s16 =	sor.u32 $0x4C00, s11;
	v8 =	vld [tilespmem:s15+$0x8200]  }
0x2e3: {  	v9 =	vld [tilespmem:s16+$0x200]  }
0x2e4: {  	s17 =	sor.u32 $0x4C10, s11;
	v10 =	vld [tilespmem:s16+$0x8200]  }
0x2e5: {  	v11 =	vld [tilespmem:s17+$0x200]  }
0x2e6: {  	s18 =	sor.u32 $0x4C20, s11;
	v12 =	vld [tilespmem:s17+$0x8200]  }
0x2e7: {  	v13 =	vld [tilespmem:s18+$0x200]  }
0x2e8: {  	s19 =	sor.u32 $0x4C30, s11;
	v14 =	vld [tilespmem:s18+$0x8200]  }
0x2e9: {  	s20 =	sand.u32 $0x1000, s10;
	s0 =	sand.u32 $0x300, s8;
	v15 =	vld [tilespmem:s19+$0x200]  }
0x2ea: {  	s0 =	sor.u32 s0, s20;
	v16 =	vld [tilespmem:s19+$0x8200]  }
0x2eb: {  	v17 =	vld [tilespmem:s0+$0x4A40]  }
0x2ec: {  	v18 =	vld [tilespmem:s0+$0xCA40]  }
0x2ed: {  	v19 =	vld [tilespmem:s0+$0x4A50]  }
0x2ee: {  	v20 =	vld [tilespmem:s0+$0xCA50]  }
0x2ef: {  	v21 =	vld [tilespmem:s0+$0x4A60]  }
0x2f0: {  	v22 =	vld [tilespmem:s0+$0xCA60]  }
0x2f1: {  	v23 =	vld [tilespmem:s0+$0x4A70]  }
0x2f2: {  	v24 =	vld [tilespmem:s0+$0xCA70]  }
0x2f3: {  	v25 =	vld [tilespmem:s0+$0x4A00]  }
0x2f4: {  	v26 =	vld [tilespmem:s0+$0xCA00]  }
0x2f5: {  	v27 =	vld [tilespmem:s0+$0x4A10]  }
0x2f6: {  	v28 =	vld [tilespmem:s0+$0xCA10]  }
0x2f7: {  	v29 =	vld [tilespmem:s0+$0x4A20]  }
0x2f8: {  	v30 =	vld [tilespmem:s0+$0xCA20]  }
0x2f9: {  	v31 =	vld [tilespmem:s0+$0x4A30]  }
0x2fa: {  	v59 =	vld [tilespmem:s0+$0xCA30]  }
0x2fb: {  	v60 =	vld [tilespmem:s0+$0x4200]  }
0x2fc: {  	v61 =	vld [tilespmem:s0+$0xC200]  }
0x2fd: {  	v62 =	vld [tilespmem:s0+$0x4210]  }
0x2fe: {  	v63 =	vld [tilespmem:s0+$0xC210]  }
0x2ff: {  	v48 =	vld [tilespmem:s0+$0x4220]  }
0x300: {  	v49 =	vld [tilespmem:s0+$0xC220]  }
0x301: {  	v39 =	vld [tilespmem:s0+$0x4230]  }
0x302: {  	v40 =	vld [tilespmem:s0+$0xC230]  }
0x303: {  	v41 =	vld [tilespmem:s0+$0x4240]  }
0x304: {  	v42 =	vld [tilespmem:s0+$0xC240]  }
0x305: {  	v43 =	vld [tilespmem:s0+$0x4250]  }
0x306: {  	v44 =	vld [tilespmem:s0+$0xC250]  }
0x307: {  	s21 =	sand.u32 $0xFFFFF000, s10;
	v45 =	vld [tilespmem:s0+$0x4260]  }
0x308: {  	s4 =	sadd.s32 $0x80, s21;
	v46 =	vld [tilespmem:s0+$0xC260]  }
0x309: {  	s2 =	sadd.s32 $0xFFFFFF80, s4;
	v47 =	vld [tilespmem:s0+$0x4270]  }
0x30a: {  	s22 =	sor.u32 $0x4440, s2;
	v0 =	vsub.f32 v0, v1;
	v1 =	vsub.f32 v3, v4;
	v3 =	vld [tilespmem:s0+$0xC270]  }
0x30b: {  	v4 =	vsub.f32 v5, v6;
	v5 =	vsub.f32 v7, v8;
	v6 =	vld [tilespmem:s22+$0x200]  }
0x30c: {  	s25 =	sor.u32 $0x4450, s2;
	v7 =	vsub.f32 v9, v10;
	v8 =	vsub.f32 v11, v12;
	v9 =	vld [tilespmem:s22+$0x8200]  }
0x30d: {  	v10 =	vsub.f32 v13, v14;
	v11 =	vsub.f32 v15, v16;
	v12 =	vld [tilespmem:s25+$0x200]  }
0x30e: {  	s26 =	sor.u32 $0x4460, s2;
	v13 =	vsub.f32 v17, v18;
	v14 =	vsub.f32 v19, v20;
	v15 =	vld [tilespmem:s25+$0x8200]  }
0x30f: {  	v16 =	vsub.f32 v21, v22;
	v17 =	vsub.f32 v23, v24;
	v18 =	vld [tilespmem:s26+$0x200]  }
0x310: {  	s30 =	sor.u32 $0x4470, s2;
	v19 =	vsub.f32 v25, v26;
	v20 =	vsub.f32 v27, v28;
	v21 =	vld [tilespmem:s26+$0x8200]  }
0x311: {  	v22 =	vsub.f32 v29, v30;
	v23 =	vsub.f32 v31, v59;
	v26 =	vld [tilespmem:s30+$0x200]  }
0x312: {  	s31 =	sor.u32 $0x4400, s2;
	v24 =	vsub.f32 v60, v61;
	v28 =	vld [tilespmem:s30+$0x8200];
	v0 =	vmul.f32 v0, v0;
	v1 =	vmul.f32 v1, v1  }
0x313: {  	s8 =	sor.u32 $0x4420, s2;
	v25 =	vsub.f32 v62, v63;
	v30 =	vld [tilespmem:s31+$0x200];
	v31 =	vmul.f32 v4, v4;
	v50 =	vmul.f32 v5, v5  }
0x314: {  	v27 =	vsub.f32 v48, v49;
	v59 =	vld [tilespmem:s8+$0x200];
	v51 =	vmul.f32 v7, v7;
	v56 =	vmul.f32 v8, v8  }
0x315: {  	s13 =	sor.u32 $0x4400, s4;
	v29 =	vsub.f32 v39, v40;
	v60 =	vld [tilespmem:s8+$0x8200];
	v57 =	vmul.f32 v10, v10;
	v58 =	vmul.f32 v11, v11  }
0x316: {  	v48 =	vld [tilespmem:s13+$0x200];
	v7 =	vsub.f32 v43, v44;
	v13 =	vmul.f32 v13, v13;
	v14 =	vmul.f32 v14, v14  }
0x317: {  	v49 =	vld [tilespmem:s13+$0x8200];
	v10 =	vsub.f32 v45, v46;
	v16 =	vmul.f32 v16, v16;
	v17 =	vmul.f32 v17, v17  }
0x318: {  	s11 =	simm.s32 $0x80;
	s5 =	sor.u32 $0x4410, s2;
	v4 =	vsub.f32 v41, v42;
	v5 =	vld [tilespmem:s31+$0x8200];
	v19 =	vmul.f32 v19, v19;
	v20 =	vmul.f32 v20, v20  }
0x319: {  	s12 =	sand.u32 $0x380, s11;
	v8 =	vld [tilespmem:s5+$0x200];
	v61 =	vmul.f32 v7, v7;
	v62 =	vmul.f32 v10, v10;
	v0 =	vmax.f32 v0, $9.999999960e-13  }
0x31a: {  	s3 =	sor.u32 s20, s12;
	v11 =	vld [tilespmem:s5+$0x8200];
	v1 =	vmax.f32 v1, $9.999999960e-13;
	v32 =	vmax.f32 v50, $9.999999960e-13;
	v34 =	vmax.f32 v57, $9.999999960e-13  }
0x31b: {  	v35 =	vmax.f32 v58, $9.999999960e-13;
	v14 =	vmax.f32 v14, $9.999999960e-13;
	v16 =	vmax.f32 v16, $9.999999960e-13;
	v57 =	vld [tilespmem:s3+$0xC250]  }
0x31c: {  	s14 =	sor.u32 $0x4410, s4;
	v17 =	vmax.f32 v17, $9.999999960e-13;
	v19 =	vmax.f32 v19, $9.999999960e-13;
	v20 =	vmax.f32 v20, $9.999999960e-13;
	v58 =	vld [tilespmem:s3+$0x4260]  }
0x31d: {  	s2 =	sor.u32 $0x4430, s2;
	v50 =	vld [tilespmem:s14+$0x200];
	v3 =	vsub.f32 v47, v3;
	v12 =	vsub.f32 v12, v15;
	v15 =	vmul.f32 v22, v22  }
0x31e: {  	v6 =	vsub.f32 v6, v9;
	v9 =	vld [tilespmem:s2+$0x200];
	v22 =	vmul.f32 v23, v23;
	v23 =	vmul.f32 v24, v24  }
0x31f: {  	v24 =	vmul.f32 v25, v25;
	v25 =	vld [tilespmem:s2+$0x8200];
	v18 =	vsub.f32 v18, v21;
	v21 =	vmul.f32 v27, v27  }
0x320: {  	v27 =	vmul.f32 v29, v29;
	v26 =	vsub.f32 v26, v28;
	v28 =	vld [tilespmem:s3+$0x4200];
	v29 =	vmul.f32 v4, v4  }
0x321: {  	v4 =	vld [tilespmem:s3+$0x4210];
	v10 =	vsub.f32 v59, v60;
	v0 =	vmin.f32 v0, $9.999999950e+11;
	v1 =	vmin.f32 v1, $9.999999950e+11  }
0x322: {  	v59 =	vld [tilespmem:s3+$0xC260];
	v14 =	vmin.f32 v14, $9.999999950e+11;
	v19 =	vmin.f32 v19, $9.999999950e+11;
	v20 =	vmin.f32 v20, $9.999999950e+11  }
0x323: {  	v60 =	vld [tilespmem:s3+$0x4270];
	v16 =	vmin.f32 v16, $9.999999950e+11;
	v17 =	vmin.f32 v17, $9.999999950e+11;
	v39 =	vmax.f32 v61, $9.999999960e-13  }
0x324: {  	s17 =	sor.u32 $0x4440, s4;
	v40 =	vmax.f32 v62, $9.999999960e-13;
	v61 =	vld [tilespmem:s3+$0xC270];
	v7 =	vsub.f32 v30, v5;
	v3 =	vmul.f32 v3, v3  }
0x325: {  	v62 =	vld [tilespmem:s17+$0x200];
	v8 =	vsub.f32 v8, v11;
	v63 =	vmul.f32 v6, v6;
	v52 =	vmul.f32 v12, v12  }
0x326: {  	v30 =	vld [tilespmem:s3+$0xC200];
	v18 =	vmul.f32 v18, v18;
	v54 =	vmul.f32 v10, v10;
	v15 =	vmax.f32 v15, $9.999999960e-13  }
0x327: {  	v5 =	vld [tilespmem:s3+$0xC210];
	v23 =	vmax.f32 v23, $9.999999960e-13;
	v24 =	vmax.f32 v24, $9.999999960e-13;
	v22 =	vmax.f32 v22, $9.999999960e-13  }
0x328: {  	v6 =	vld [tilespmem:s3+$0x4220];
	v21 =	vmax.f32 v21, $9.999999960e-13;
	v27 =	vmax.f32 v27, $9.999999960e-13;
	v29 =	vmax.f32 v29, $9.999999960e-13  }
0x329: {  	v10 =	vld [tilespmem:s3+$0x4240];
	v39 =	vmin.f32 v39, $9.999999950e+11;
	v40 =	vmin.f32 v40, $9.999999950e+11;
	v23 =	vmin.f32 v23, $9.999999950e+11  }
0x32a: {  	v12 =	vld [tilespmem:s3+$0xC240];
	v24 =	vmin.f32 v24, $9.999999950e+11;
	v21 =	vmin.f32 v21, $9.999999950e+11;
	v27 =	vmin.f32 v27, $9.999999950e+11  }
0x32b: {  	s15 =	sor.u32 $0x4420, s4;
	s16 =	sor.u32 $0x4430, s4;
	v29 =	vmin.f32 v29, $9.999999950e+11;
	v15 =	vmin.f32 v15, $9.999999950e+11;
	v53 =	vmul.f32 v8, v8;
	v8 =	vld [tilespmem:s3+$0xC220]  }
0x32c: {  	v22 =	vmin.f32 v22, $9.999999950e+11;
	v3 =	vmax.f32 v3, $9.999999960e-13;
	v38 =	vmax.f32 v52, $9.999999960e-13;
	v52 =	vld [tilespmem:s15+$0x200]  }
0x32d: {  	v37 =	vmax.f32 v63, $9.999999960e-13;
	v42 =	vmax.f32 v54, $9.999999960e-13;
	v54 =	vld [tilespmem:s16+$0x200];
	v23 =	vadd.f32 v29, v23  }
0x32e: {  	v18 =	vmax.f32 v18, $9.999999960e-13;
	v24 =	vadd.f32 v39, v24;
	v21 =	vadd.f32 v40, v21;
	v63 =	vld [tilespmem:s17+$0x8200]  }
0x32f: {  	v9 =	vsub.f32 v9, v25;
	v25 =	vmul.f32 v26, v26;
	v26 =	vmul.f32 v7, v7;
	v7 =	vld [tilespmem:s3+$0x4230]  }
0x330: {  	v3 =	vmin.f32 v3, $9.999999950e+11;
	v37 =	vmin.f32 v37, $9.999999950e+11;
	v41 =	vmax.f32 v53, $9.999999960e-13;
	v53 =	vld [tilespmem:s15+$0x8200]  }
0x331: {  	v38 =	vmin.f32 v38, $9.999999950e+11;
	v55 =	vmul.f32 v9, v9;
	v11 =	vsub.f32 v28, v30;
	v9 =	vld [tilespmem:s3+$0xC230]  }
0x332: {  	s18 =	sor.u32 $0x4450, s4;
	s19 =	sor.u32 $0x4460, s4;
	v28 =	vmax.f32 v31, $9.999999960e-13;
	v31 =	vmax.f32 v56, $9.999999960e-13;
	v56 =	vmax.f32 v13, $9.999999960e-13;
	v13 =	vld [tilespmem:s3+$0x4250]  }
0x333: {  	v3 =	vadd.f32 v3, v27;
	v27 =	vmin.f32 v42, $9.999999950e+11;
	v30 =	vmax.f32 v51, $9.999999960e-13;
	v51 =	vld [tilespmem:s14+$0x8200]  }
0x334: {  	v18 =	vmin.f32 v18, $9.999999950e+11;
	v25 =	vmax.f32 v25, $9.999999960e-13;
	v21 =	vadd.f32 v27, v21;
	v27 =	vld [tilespmem:s19+$0x200]  }
0x335: {  	v26 =	vmax.f32 v26, $9.999999960e-13;
	v29 =	vmin.f32 v41, $9.999999950e+11;
	v4 =	vsub.f32 v4, v5;
	v41 =	vld [tilespmem:s3+$0xCA30]  }
0x336: {  	v30 =	vmin.f32 v30, $9.999999950e+11;
	v26 =	vmin.f32 v26, $9.999999950e+11;
	v24 =	vadd.f32 v29, v24;
	v29 =	vld [tilespmem:s18+$0x200]  }
0x337: {  	v33 =	vmin.f32 v56, $9.999999950e+11;
	v43 =	vmax.f32 v55, $9.999999960e-13;
	v55 =	vld [tilespmem:s16+$0x8200];
	v23 =	vadd.f32 v26, v23  }
0x338: {  	v31 =	vmin.f32 v31, $9.999999950e+11;
	v18 =	vadd.f32 v18, v21;
	v21 =	vld [tilespmem:s19+$0x8200];
	v5 =	vsub.f32 v6, v8  }
0x339: {  	v25 =	vmin.f32 v25, $9.999999950e+11;
	v8 =	vsub.f32 v10, v12;
	v6 =	vld [tilespmem:s3+$0xCA40];
	v10 =	vsub.f32 v58, v59  }
0x33a: {  	v39 =	vsub.f32 v62, v63;
	v26 =	vmin.f32 v43, $9.999999950e+11;
	v24 =	vadd.f32 v38, v24;
	v38 =	vld [tilespmem:s3+$0x4A30]  }
0x33b: {  	s20 =	sor.u32 $0x4470, s4;
	v11 =	vmul.f32 v11, v11;
	v3 =	vadd.f32 v26, v3;
	v26 =	vld [tilespmem:s18+$0x8200];
	v23 =	vadd.f32 v37, v23  }
0x33c: {  	v15 =	vadd.f32 v15, v18;
	v18 =	vld [tilespmem:s20+$0x8200];
	v12 =	vmul.f32 v8, v8;
	v20 =	vadd.f32 v20, v24  }
0x33d: {  	v37 =	vld [tilespmem:s3+$0xCA20];
	v10 =	vmul.f32 v10, v10;
	v7 =	vsub.f32 v7, v9;
	v9 =	vsub.f32 v13, v57  }
0x33e: {  	v8 =	vld [tilespmem:s3+$0xCA50];
	v39 =	vmul.f32 v39, v39;
	v13 =	vsub.f32 v48, v49;
	v3 =	vadd.f32 v25, v3  }
0x33f: {  	v19 =	vadd.f32 v19, v23;
	v23 =	vld [tilespmem:s20+$0x200];
	v15 =	vadd.f32 v16, v15;
	v16 =	vmin.f32 v34, $9.999999950e+11  }
0x340: {  	s0 =	sor.u32 s10, s11;
	v25 =	vld [tilespmem:s3+$0x4A10];
	v57 =	vmax.f32 v10, $9.999999960e-13;
	v36 =	vmax.f32 v39, $9.999999960e-13;
	v14 =	vadd.f32 v14, v20  }
0x341: {  	s22 =	sor.u32 $0x4C10, s0;
	v34 =	vld [tilespmem:s3+$0x4A20];
	v20 =	vmin.f32 v35, $9.999999950e+11;
	v7 =	vmul.f32 v7, v7;
	v9 =	vmul.f32 v9, v9  }
0x342: {  	v10 =	vld [tilespmem:s22+$0x200];
	v13 =	vmul.f32 v13, v13;
	v3 =	vadd.f32 v22, v3;
	v19 =	vadd.f32 v33, v19  }
0x343: {  	v22 =	vld [tilespmem:s3+$0x4A00];
	v15 =	vadd.f32 v16, v15;
	v16 =	vmin.f32 v28, $9.999999950e+11;
	v14 =	vadd.f32 v31, v14  }
0x344: {  	s21 =	sor.u32 $0x4C00, s0;
	v28 =	vld [tilespmem:s3+$0xCA10];
	v31 =	vsub.f32 v54, v55;
	v54 =	vmax.f32 v7, $9.999999960e-13;
	v29 =	vsub.f32 v29, v26  }
0x345: {  	v55 =	vmax.f32 v12, $9.999999960e-13;
	v7 =	vld [tilespmem:s21+$0x200];
	v3 =	vadd.f32 v17, v3;
	v19 =	vadd.f32 v30, v19  }
0x346: {  	v56 =	vmax.f32 v9, $9.999999960e-13;
	v9 =	vld [tilespmem:s21+$0x8200];
	v15 =	vadd.f32 v16, v15;
	v30 =	vsub.f32 v52, v53  }
0x347: {  	v26 =	vmin.f32 v57, $9.999999950e+11;
	v17 =	vld [tilespmem:s3+$0xCA00];
	v1 =	vadd.f32 v1, v14;
	v18 =	vsub.f32 v23, v18  }
0x348: {  	v12 =	vld [tilespmem:s22+$0x8200];
	v31 =	vmul.f32 v31, v31;
	v34 =	vsub.f32 v34, v37;
	v3 =	vadd.f32 v20, v3  }
0x349: {  	s31 =	sor.u32 $0x4C50, s0;
	v14 =	vmin.f32 v32, $9.999999950e+11;
	v0 =	vadd.f32 v0, v19;
	v20 =	vsub.f32 v50, v51;
	v19 =	vld [tilespmem:s3+$0xCA70]  }
0x34a: {  	v30 =	vmul.f32 v30, v30;
	v63 =	vmax.f32 v31, $9.999999960e-13;
	v33 =	vmul.f32 v18, v18;
	v18 =	vld [tilespmem:s31+$0x200]  }
0x34b: {  	s30 =	sor.u32 $0x4C40, s0;
	v31 =	vsub.f32 v25, v28;
	v3 =	vadd.f32 v14, v3;
	v14 =	vmul.f32 v4, v4;
	v4 =	vld [tilespmem:s3+$0x4A40]  }
0x34c: {  	v23 =	vmin.f32 v55, $9.999999950e+11;
	v0 =	vadd.f32 v1, v0;
	v35 =	vsub.f32 v22, v17;
	v17 =	vld [tilespmem:s30+$0x8200]  }
0x34d: {  	v59 =	vmul.f32 v20, v20;
	v62 =	vmax.f32 v30, $9.999999960e-13;
	v30 =	vmul.f32 v29, v29;
	v22 =	vld [tilespmem:s31+$0x8200]  }
0x34e: {  	v1 =	vadd.f32 v3, v15;
	v3 =	vmax.f32 v11, $9.999999960e-13;
	v11 =	vsub.f32 v60, v61;
	v15 =	vld [tilespmem:s3+$0xCA60]  }
0x34f: {  	v29 =	vsub.f32 v38, v41;
	v24 =	vmax.f32 v14, $9.999999960e-13;
	v14 =	vld [tilespmem:s3+$0x4A70];
	v60 =	vsub.f32 v27, v21  }
0x350: {  	v0 =	vadd.f32 v1, v0;
	v1 =	vmul.f32 v5, v5;
	v5 =	vld [tilespmem:s3+$0x4A50];
	v16 =	vmul.f32 v11, v11  }
0x351: {  	s25 =	sor.u32 $0x4C20, s0;
	v3 =	vmin.f32 v3, $9.999999950e+11;
	v20 =	vmin.f32 v24, $9.999999950e+11;
	v24 =	vmin.f32 v56, $9.999999950e+11;
	v11 =	vld [tilespmem:s3+$0x4A60]  }
0x352: {  	v3 =	vadd.f32 v23, v3;
	v23 =	vadd.f32 v24, v20;
	v20 =	vld [tilespmem:s25+$0x8200];
	v58 =	vmax.f32 v16, $9.999999960e-13  }
0x353: {  	s26 =	sor.u32 $0x4C30, s0;
	v21 =	vmin.f32 v54, $9.999999950e+11;
	v1 =	vmax.f32 v1, $9.999999960e-13;
	v16 =	vld [tilespmem:s25+$0x200];
	v24 =	vmin.f32 v58, $9.999999950e+11  }
0x354: {  	v38 =	vmin.f32 v63, $9.999999950e+11;
	v1 =	vmin.f32 v1, $9.999999950e+11;
	v27 =	vadd.f32 v24, v21;
	v21 =	vld [tilespmem:s26+$0x200]  }
0x355: {  	v61 =	vmax.f32 v59, $9.999999960e-13;
	v26 =	vadd.f32 v26, v1;
	v1 =	vmax.f32 v13, $9.999999960e-13;
	v24 =	vld [tilespmem:s26+$0x8200]  }
0x356: {  	s13 =	simm.s32 $0x0;
	v37 =	vmin.f32 v62, $9.999999950e+11;
	v25 =	vmin.f32 v61, $9.999999950e+11;
	v13 =	vld [tilespmem:s30+$0x200];
	s26 =	sor.u32 $0x4C60, s0;
	v1 =	vmin.f32 v1, $9.999999950e+11  }
0x357: {  	s11 =	smov.u32 s29;
	s12 =	sor.u32 $0x4C70, s0;
	v32 =	vmul.f32 v60, v60;
	[tilespmem:s29+$0xFFFFFFF0] =	vst v0;
	v25 =	vadd.f32 v25, v23;
	s25 =	simm.s32 $0x180;
	v23 =	vld [tilespmem:s26+$0x200];
	v28 =	vadd.f32 v1, v3  }
.LBB2_7:
0x358: {  	s15 =	sadd.s32 $0xFFFFFF80, s25;
	s1 =	sand.u32 $0x380, s25;
	v0 =	vadd.f32 v37, v26;
	v1 =	vadd.f32 v38, v27;
	v3 =	vmul.f32 v35, v35;
	v26 =	vld [tilespmem:s26+$0x8200];
	s10 =	sadd.s32 $0x400, s10  }
0x359: {  	v27 =	vmax.f32 v30, $9.999999960e-13;
	v30 =	vmax.f32 v32, $9.999999960e-13;
	v32 =	vmax.f32 v33, $9.999999960e-13;
	s16 =	sor.u32 s15, s10;
	s2 =	sor.u32 s10, s25;
	v33 =	vld [tilespmem:s12+$0x200]  }
0x35a: {  	v31 =	vmul.f32 v31, v31;
	v34 =	vmul.f32 v34, v34;
	v35 =	vsub.f32 v4, v6;
	s4 =	sor.u32 $0x4C40, s16;
	s14 =	sor.u32 $0x4C00, s2;
	s3 =	sor.u32 $0x4C10, s2;
	v37 =	vld [tilespmem:s12+$0x8200]  }
0x35b: {  	v29 =	vmul.f32 v29, v29;
	v38 =	vsub.f32 v5, v8;
	v39 =	vsub.f32 v11, v15;
	s0 =	sor.u32 $0x4C20, s2;
	s31 =	sor.u32 $0x4C30, s2;
	s30 =	sor.u32 $0x4C40, s2;
	v4 =	vld [tilespmem:s4+$0x200]  }
0x35c: {  	v8 =	vmin.f32 v36, $9.999999950e+11;
	v19 =	vsub.f32 v14, v19;
	v11 =	vmin.f32 v27, $9.999999950e+11;
	s5 =	sor.u32 $0x4C50, s16;
	s26 =	sor.u32 $0x4C60, s2;
	v5 =	vld [tilespmem:s4+$0x8200];
	s4 =	sor.u32 $0x4C50, s2  }
0x35d: {  	v27 =	vadd.f32 v8, v28;
	v14 =	vmin.f32 v30, $9.999999950e+11;
	v15 =	vmin.f32 v32, $9.999999950e+11;
	s12 =	sor.u32 $0x4C70, s2;
	v6 =	vld [tilespmem:s5+$0x200]  }
0x35e: {  	v25 =	vadd.f32 v11, v25;
	v0 =	vadd.f32 v14, v0;
	v3 =	vmax.f32 v3, $9.999999960e-13;
	s2 =	sor.u32 $0x4C60, s16;
	v8 =	vld [tilespmem:s5+$0x8200]  }
0x35f: {  	v1 =	vadd.f32 v15, v1;
	v28 =	vmax.f32 v31, $9.999999960e-13;
	v30 =	vmax.f32 v34, $9.999999960e-13;
	v11 =	vld [tilespmem:s2+$0x200]  }
0x360: {  	v29 =	vmax.f32 v29, $9.999999960e-13;
	v31 =	vmul.f32 v35, v35;
	v32 =	vmul.f32 v38, v38;
	v14 =	vld [tilespmem:s2+$0x8200];
	s2 =	sor.u32 $0x4C70, s16  }
0x361: {  	v36 =	vsub.f32 v7, v9;
	v34 =	vmul.f32 v39, v39;
	v35 =	vmul.f32 v19, v19;
	v15 =	vld [tilespmem:s2+$0x200]  }
0x362: {  	v20 =	vsub.f32 v16, v20;
	v38 =	vsub.f32 v10, v12;
	v3 =	vmin.f32 v3, $9.999999950e+11;
	s5 =	sor.u32 $0x4C00, s16;
	v9 =	vld [tilespmem:s2+$0x8200]  }
0x363: {  	v21 =	vsub.f32 v21, v24;
	v12 =	vmin.f32 v28, $9.999999950e+11;
	v16 =	vmin.f32 v30, $9.999999950e+11;
	v7 =	vld [tilespmem:s5+$0x200]  }
0x364: {  	v19 =	vmin.f32 v29, $9.999999950e+11;
	v3 =	vadd.f32 v3, v27;
	v24 =	vadd.f32 v12, v25;
	s2 =	sor.u32 $0x4C10, s16;
	v10 =	vld [tilespmem:s5+$0x8200]  }
0x365: {  	v0 =	vadd.f32 v16, v0;
	v1 =	vadd.f32 v19, v1;
	v25 =	vmax.f32 v31, $9.999999960e-13;
	v12 =	vld [tilespmem:s2+$0x200]  }
0x366: {  	v27 =	vmax.f32 v32, $9.999999960e-13;
	v28 =	vmax.f32 v34, $9.999999960e-13;
	v29 =	vmax.f32 v35, $9.999999960e-13;
	v19 =	vld [tilespmem:s2+$0x8200];
	s2 =	sor.u32 $0x4C20, s16  }
0x367: {  	v30 =	vmul.f32 v36, v36;
	v31 =	vmul.f32 v38, v38;
	v32 =	vsub.f32 v13, v17;
	v16 =	vld [tilespmem:s2+$0x200]  }
0x368: {  	v20 =	vmul.f32 v20, v20;
	v21 =	vmul.f32 v21, v21;
	v18 =	vsub.f32 v18, v22;
	v13 =	vld [tilespmem:s2+$0x8200];
	s2 =	sor.u32 $0x4C30, s16  }
0x369: {  	s8 =	sand.u32 $0x300, s15;
	v22 =	vmin.f32 v25, $9.999999950e+11;
	v23 =	vsub.f32 v23, v26;
	v25 =	vsub.f32 v33, v37;
	s5 =	sand.u32 $0x1000, s10;
	v17 =	vld [tilespmem:s2+$0x200]  }
0x36a: {  	v27 =	vmin.f32 v27, $9.999999950e+11;
	v28 =	vmin.f32 v28, $9.999999950e+11;
	v29 =	vmin.f32 v29, $9.999999950e+11;
	s15 =	sor.u32 s5, s1;
	s16 =	sor.u32 s8, s5;
	v26 =	vld [tilespmem:s2+$0x8200]  }
0x36b: {  	v3 =	vadd.f32 v22, v3;
	v22 =	vadd.f32 v27, v24;
	v24 =	vmax.f32 v30, $9.999999960e-13;
	v33 =	vld [tilespmem:s16+$0x4A40]  }
0x36c: {  	v0 =	vadd.f32 v28, v0;
	v1 =	vadd.f32 v29, v1;
	v28 =	vmax.f32 v31, $9.999999960e-13;
	v27 =	vld [tilespmem:s16+$0xCA40]  }
0x36d: {  	v20 =	vmax.f32 v20, $9.999999960e-13;
	v21 =	vmax.f32 v21, $9.999999960e-13;
	v30 =	vmul.f32 v32, v32;
	v29 =	vld [tilespmem:s16+$0x4A50]  }
0x36e: {  	v18 =	vmul.f32 v18, v18;
	v24 =	vmin.f32 v24, $9.999999950e+11;
	v23 =	vmul.f32 v23, v23;
	v31 =	vld [tilespmem:s16+$0xCA50]  }
0x36f: {  	v20 =	vmin.f32 v20, $9.999999950e+11;
	v28 =	vmin.f32 v28, $9.999999950e+11;
	v25 =	vmul.f32 v25, v25;
	v32 =	vld [tilespmem:s16+$0x4A60]  }
0x370: {  	v21 =	vmin.f32 v21, $9.999999950e+11;
	v3 =	vadd.f32 v24, v3;
	v22 =	vadd.f32 v28, v22;
	v34 =	vld [tilespmem:s16+$0xCA60]  }
0x371: {  	v0 =	vadd.f32 v20, v0;
	v1 =	vadd.f32 v21, v1;
	v20 =	vmax.f32 v30, $9.999999960e-13;
	v24 =	vld [tilespmem:s16+$0x4A70]  }
0x372: {  	v18 =	vmax.f32 v18, $9.999999960e-13;
	v23 =	vmax.f32 v23, $9.999999960e-13;
	v25 =	vmax.f32 v25, $9.999999960e-13;
	v21 =	vld [tilespmem:s16+$0xCA70]  }
0x373: {  	v18 =	vmin.f32 v18, $9.999999950e+11;
	v20 =	vmin.f32 v20, $9.999999950e+11;
	v23 =	vmin.f32 v23, $9.999999950e+11;
	v28 =	vld [tilespmem:s16+$0x4A00]  }
0x374: {  	v3 =	vadd.f32 v20, v3;
	v18 =	vadd.f32 v18, v22;
	v20 =	vmin.f32 v25, $9.999999950e+11;
	v30 =	vld [tilespmem:s16+$0xCA00]  }
0x375: {  	v0 =	vadd.f32 v23, v0;
	v1 =	vadd.f32 v20, v1;
	v22 =	vld [tilespmem:s16+$0x4A10]  }
0x376: {  	v3 =	vadd.f32 v18, v3;
	v20 =	vld [tilespmem:s16+$0xCA10]  }
0x377: {  	v0 =	vadd.f32 v1, v0;
	v18 =	vld [tilespmem:s16+$0x4A20]  }
0x378: {  	v1 =	vld [tilespmem:s16+$0xCA20]  }
0x379: {  	v0 =	vadd.f32 v0, v3;
	v23 =	vld [tilespmem:s16+$0x4A30]  }
0x37a: {  	v3 =	vld [tilespmem:s16+$0xCA30]  }
0x37b: {  	v25 =	vld [tilespmem:s16+$0x4200];
	[tilespmem:s11+$0x0] =	vst v0  }
0x37c: {  	v0 =	vld [tilespmem:s16+$0xC200]  }
0x37d: {  	v35 =	vld [tilespmem:s16+$0x4210]  }
0x37e: {  	v36 =	vld [tilespmem:s16+$0xC210]  }
0x37f: {  	v37 =	vld [tilespmem:s16+$0x4220]  }
0x380: {  	v38 =	vld [tilespmem:s16+$0xC220]  }
0x381: {  	v39 =	vld [tilespmem:s16+$0x4230]  }
0x382: {  	v40 =	vld [tilespmem:s16+$0xC230]  }
0x383: {  	v41 =	vld [tilespmem:s16+$0x4240]  }
0x384: {  	v42 =	vld [tilespmem:s16+$0xC240]  }
0x385: {  	v43 =	vld [tilespmem:s16+$0x4250]  }
0x386: {  	v44 =	vld [tilespmem:s16+$0xC250]  }
0x387: {  	s1 =	sand.u32 $0xFFFFF000, s10;
	v45 =	vld [tilespmem:s16+$0x4260]  }
0x388: {  	s2 =	sadd.s32 s1, s25;
	v46 =	vld [tilespmem:s16+$0xC260]  }
0x389: {  	v4 =	vsub.f32 v4, v5;
	v5 =	vsub.f32 v6, v8;
	s5 =	sadd.s32 $0xFFFFFF80, s2;
	s1 =	sor.u32 $0x4400, s2;
	s22 =	sor.u32 $0x4410, s2;
	v47 =	vld [tilespmem:s16+$0x4270]  }
0x38a: {  	v8 =	vsub.f32 v11, v14;
	v9 =	vsub.f32 v15, v9;
	s21 =	sor.u32 $0x4420, s2;
	s20 =	sor.u32 $0x4430, s2;
	s8 =	sor.u32 $0x4440, s5;
	v6 =	vld [tilespmem:s16+$0xC270]  }
0x38b: {  	v7 =	vsub.f32 v7, v10;
	v10 =	vsub.f32 v12, v19;
	s19 =	sor.u32 $0x4440, s2;
	s18 =	sor.u32 $0x4450, s2;
	s17 =	sor.u32 $0x4460, s2;
	v11 =	vld [tilespmem:s8+$0x200]  }
0x38c: {  	v13 =	vsub.f32 v16, v13;
	v14 =	vsub.f32 v17, v26;
	s16 =	sor.u32 $0x4470, s2;
	v12 =	vld [tilespmem:s8+$0x8200];
	s8 =	sor.u32 $0x4450, s5  }
0x38d: {  	v16 =	vsub.f32 v33, v27;
	v17 =	vsub.f32 v29, v31;
	v15 =	vld [tilespmem:s8+$0x200]  }
0x38e: {  	v26 =	vsub.f32 v32, v34;
	v21 =	vsub.f32 v24, v21;
	s2 =	sor.u32 $0x4460, s5;
	v19 =	vld [tilespmem:s8+$0x8200]  }
0x38f: {  	v27 =	vsub.f32 v28, v30;
	v20 =	vsub.f32 v22, v20;
	v24 =	vld [tilespmem:s2+$0x200]  }
0x390: {  	v1 =	vsub.f32 v18, v1;
	v3 =	vsub.f32 v23, v3;
	v22 =	vld [tilespmem:s2+$0x8200];
	s2 =	sor.u32 $0x4470, s5  }
0x391: {  	v0 =	vsub.f32 v25, v0;
	v18 =	vsub.f32 v35, v36;
	v23 =	vld [tilespmem:s2+$0x200]  }
0x392: {  	v29 =	vmul.f32 v4, v4;
	v30 =	vmul.f32 v5, v5;
	v25 =	vsub.f32 v37, v38;
	s8 =	sor.u32 $0x4400, s5;
	v28 =	vld [tilespmem:s2+$0x8200]  }
0x393: {  	v31 =	vmul.f32 v8, v8;
	v32 =	vmul.f32 v9, v9;
	v4 =	vsub.f32 v39, v40;
	v5 =	vld [tilespmem:s8+$0x200]  }
0x394: {  	v10 =	vmul.f32 v10, v10;
	v33 =	vmul.f32 v7, v7;
	v8 =	vsub.f32 v41, v42;
	s2 =	sor.u32 $0x4410, s5;
	v9 =	vld [tilespmem:s8+$0x8200]  }
0x395: {  	v13 =	vmul.f32 v13, v13;
	v14 =	vmul.f32 v14, v14;
	v7 =	vsub.f32 v43, v44;
	v34 =	vld [tilespmem:s2+$0x200]  }
0x396: {  	v37 =	vmul.f32 v16, v16;
	v38 =	vmul.f32 v17, v17;
	v35 =	vsub.f32 v45, v46;
	v36 =	vld [tilespmem:s2+$0x8200];
	s2 =	sor.u32 $0x4420, s5  }
0x397: {  	v26 =	vmul.f32 v26, v26;
	v21 =	vmul.f32 v21, v21;
	v6 =	vsub.f32 v47, v6;
	v16 =	vld [tilespmem:s2+$0x200]  }
0x398: {  	v27 =	vmul.f32 v27, v27;
	v20 =	vmul.f32 v20, v20;
	v11 =	vsub.f32 v11, v12;
	v17 =	vld [tilespmem:s2+$0x8200];
	s2 =	sor.u32 $0x4430, s5  }
0x399: {  	v1 =	vmul.f32 v1, v1;
	v3 =	vmul.f32 v3, v3;
	v15 =	vsub.f32 v15, v19;
	v12 =	vld [tilespmem:s2+$0x200]  }
0x39a: {  	v0 =	vmul.f32 v0, v0;
	v18 =	vmul.f32 v18, v18;
	v22 =	vsub.f32 v24, v22;
	v19 =	vld [tilespmem:s2+$0x8200]  }
0x39b: {  	v24 =	vmul.f32 v25, v25;
	v25 =	vmul.f32 v4, v4;
	v23 =	vsub.f32 v23, v28;
	v28 =	vld [tilespmem:s15+$0x4200]  }
0x39c: {  	v39 =	vmul.f32 v8, v8;
	v40 =	vmul.f32 v7, v7;
	v7 =	vsub.f32 v5, v9;
	v9 =	vld [tilespmem:s15+$0xC200]  }
0x39d: {  	v35 =	vmul.f32 v35, v35;
	v41 =	vmul.f32 v6, v6;
	v8 =	vsub.f32 v34, v36;
	v4 =	vld [tilespmem:s15+$0x4210]  }
0x39e: {  	v34 =	vmul.f32 v11, v11;
	v36 =	vmul.f32 v15, v15;
	v16 =	vsub.f32 v16, v17;
	v5 =	vld [tilespmem:s15+$0xC210]  }
0x39f: {  	v42 =	vmul.f32 v22, v22;
	v23 =	vmul.f32 v23, v23;
	v11 =	vsub.f32 v12, v19;
	v6 =	vld [tilespmem:s15+$0x4220]  }
0x3a0: {  	v43 =	vmul.f32 v7, v7;
	v44 =	vmul.f32 v8, v8;
	v8 =	vld [tilespmem:s15+$0xC220]  }
0x3a1: {  	v45 =	vmul.f32 v16, v16;
	v46 =	vmul.f32 v11, v11;
	v11 =	vsub.f32 v28, v9;
	v7 =	vld [tilespmem:s15+$0x4230]  }
0x3a2: {  	v22 =	vmax.f32 v29, $9.999999960e-13;
	v16 =	vmax.f32 v31, $9.999999960e-13;
	v28 =	vmax.f32 v30, $9.999999960e-13;
	v9 =	vld [tilespmem:s15+$0xC230]  }
0x3a3: {  	v29 =	vmax.f32 v33, $9.999999960e-13;
	v17 =	vmax.f32 v32, $9.999999960e-13;
	v30 =	vmax.f32 v10, $9.999999960e-13;
	v10 =	vld [tilespmem:s15+$0x4240]  }
0x3a4: {  	v33 =	vmax.f32 v14, $9.999999960e-13;
	v32 =	vmax.f32 v13, $9.999999960e-13;
	v31 =	vmax.f32 v37, $9.999999960e-13;
	v12 =	vld [tilespmem:s15+$0xC240]  }
0x3a5: {  	v26 =	vmax.f32 v26, $9.999999960e-13;
	v37 =	vmax.f32 v38, $9.999999960e-13;
	v38 =	vmax.f32 v21, $9.999999960e-13;
	v13 =	vld [tilespmem:s15+$0x4250]  }
0x3a6: {  	s13 =	sadd.s32 $0x2, s13;
	v27 =	vmax.f32 v27, $9.999999960e-13;
	v1 =	vmax.f32 v1, $9.999999960e-13;
	v47 =	vmax.f32 v20, $9.999999960e-13;
	v14 =	vld [tilespmem:s15+$0xC250]  }
0x3a7: {  	p1 =	slt.u32 s13, $0xE;
	v3 =	vmax.f32 v3, $9.999999960e-13;
	v0 =	vmax.f32 v0, $9.999999960e-13;
	v48 =	vmax.f32 v18, $9.999999960e-13;
	v15 =	vld [tilespmem:s15+$0x4260]  }
0x3a8: {  	v39 =	vmax.f32 v39, $9.999999960e-13;
	v24 =	vmax.f32 v24, $9.999999960e-13;
	v25 =	vmax.f32 v25, $9.999999960e-13;
	v18 =	vld [tilespmem:s15+$0xC260]  }
0x3a9: {  	v40 =	vmax.f32 v40, $9.999999960e-13;
	v35 =	vmax.f32 v35, $9.999999960e-13;
	v41 =	vmax.f32 v41, $9.999999960e-13;
	v19 =	vld [tilespmem:s15+$0x4270]  }
0x3aa: {  	v29 =	vmin.f32 v29, $9.999999950e+11;
	v49 =	vmin.f32 v22, $9.999999950e+11;
	v28 =	vmin.f32 v28, $9.999999950e+11;
	v21 =	vld [tilespmem:s15+$0xC270]  }
0x3ab: {  	v31 =	vmin.f32 v31, $9.999999950e+11;
	v37 =	vmin.f32 v37, $9.999999950e+11;
	v30 =	vmin.f32 v30, $9.999999950e+11;
	v20 =	vld [tilespmem:s1+$0x200]  }
0x3ac: {  	v27 =	vmin.f32 v27, $9.999999950e+11;
	v47 =	vmin.f32 v47, $9.999999950e+11;
	v34 =	vmax.f32 v34, $9.999999960e-13;
	v22 =	vld [tilespmem:s1+$0x8200]  }
0x3ad: {  	v42 =	vmax.f32 v42, $9.999999960e-13;
	v50 =	vmax.f32 v23, $9.999999960e-13;
	v36 =	vmax.f32 v36, $9.999999960e-13;
	v23 =	vld [tilespmem:s22+$0x200]  }
0x3ae: {  	v43 =	vmax.f32 v43, $9.999999960e-13;
	v44 =	vmax.f32 v44, $9.999999960e-13;
	v45 =	vmax.f32 v45, $9.999999960e-13;
	v51 =	vld [tilespmem:s22+$0x8200]  }
0x3af: {  	v0 =	vmin.f32 v0, $9.999999950e+11;
	v48 =	vmin.f32 v48, $9.999999950e+11;
	v46 =	vmax.f32 v46, $9.999999960e-13;
	v52 =	vld [tilespmem:s21+$0x200]  }
0x3b0: {  	v39 =	vmin.f32 v39, $9.999999950e+11;
	v24 =	vmin.f32 v24, $9.999999950e+11;
	v25 =	vmin.f32 v25, $9.999999950e+11;
	v53 =	vld [tilespmem:s21+$0x8200]  }
0x3b1: {  	v40 =	vmin.f32 v40, $9.999999950e+11;
	v35 =	vmin.f32 v35, $9.999999950e+11;
	v41 =	vmin.f32 v41, $9.999999950e+11;
	v54 =	vld [tilespmem:s20+$0x200]  }
0x3b2: {  	v43 =	vmin.f32 v43, $9.999999950e+11;
	v34 =	vmin.f32 v34, $9.999999950e+11;
	v36 =	vmin.f32 v36, $9.999999950e+11;
	v55 =	vld [tilespmem:s20+$0x8200]  }
0x3b3: {  	v0 =	vadd.f32 v39, v0;
	v39 =	vadd.f32 v40, v48;
	v40 =	vmin.f32 v44, $9.999999950e+11;
	v44 =	vld [tilespmem:s19+$0x200]  }
0x3b4: {  	v24 =	vadd.f32 v35, v24;
	v25 =	vadd.f32 v41, v25;
	v35 =	vmin.f32 v45, $9.999999950e+11;
	v41 =	vld [tilespmem:s19+$0x8200]  }
0x3b5: {  	v0 =	vadd.f32 v43, v0;
	v39 =	vadd.f32 v40, v39;
	v40 =	vmin.f32 v46, $9.999999950e+11;
	v43 =	vld [tilespmem:s18+$0x200]  }
0x3b6: {  	v24 =	vadd.f32 v35, v24;
	v35 =	vmin.f32 v42, $9.999999950e+11;
	v25 =	vadd.f32 v40, v25;
	v40 =	vld [tilespmem:s18+$0x8200]  }
0x3b7: {  	v0 =	vadd.f32 v34, v0;
	v34 =	vadd.f32 v36, v39;
	v36 =	vmin.f32 v50, $9.999999950e+11;
	v39 =	vld [tilespmem:s17+$0x200]  }
0x3b8: {  	v1 =	vmin.f32 v1, $9.999999950e+11;
	v24 =	vadd.f32 v35, v24;
	v25 =	vadd.f32 v36, v25;
	v35 =	vld [tilespmem:s17+$0x8200]  }
0x3b9: {  	v3 =	vmin.f32 v3, $9.999999950e+11;
	v0 =	vadd.f32 v27, v0;
	v27 =	vadd.f32 v47, v34;
	v34 =	vld [tilespmem:s16+$0x200]  }
0x3ba: {  	v1 =	vadd.f32 v1, v24;
	v24 =	vmin.f32 v26, $9.999999950e+11;
	v3 =	vadd.f32 v3, v25;
	v25 =	vld [tilespmem:s16+$0x8200]  }
0x3bb: {  	v0 =	vadd.f32 v31, v0;
	v26 =	vadd.f32 v37, v27;
	v27 =	vmin.f32 v38, $9.999999950e+11;
	v31 =	vld [tilespmem:s15+$0x4A00]  }
0x3bc: {  	v1 =	vadd.f32 v24, v1;
	v24 =	vmin.f32 v32, $9.999999950e+11;
	v3 =	vadd.f32 v27, v3;
	v32 =	vld [tilespmem:s15+$0xCA00]  }
0x3bd: {  	v0 =	vadd.f32 v29, v0;
	v26 =	vadd.f32 v30, v26;
	v27 =	vmin.f32 v33, $9.999999950e+11;
	v29 =	vld [tilespmem:s15+$0x4A10]  }
0x3be: {  	v16 =	vmin.f32 v16, $9.999999950e+11;
	v1 =	vadd.f32 v24, v1;
	v3 =	vadd.f32 v27, v3;
	v36 =	vld [tilespmem:s15+$0xCA10]  }
0x3bf: {  	v17 =	vmin.f32 v17, $9.999999950e+11;
	v0 =	vadd.f32 v49, v0;
	v24 =	vadd.f32 v28, v26;
	v28 =	vld [tilespmem:s15+$0x4A20]  }
0x3c0: {  	v11 =	vmul.f32 v11, v11;
	v1 =	vadd.f32 v16, v1;
	v3 =	vadd.f32 v17, v3;
	v37 =	vld [tilespmem:s15+$0xCA20]  }
0x3c1: {  	v4 =	vsub.f32 v4, v5;
	v5 =	vsub.f32 v6, v8;
	v38 =	vld [tilespmem:s15+$0x4A30]  }
0x3c2: {  	v0 =	vadd.f32 v24, v0;
	v1 =	vadd.f32 v3, v1;
	v3 =	vmax.f32 v11, $9.999999960e-13;
	v42 =	vld [tilespmem:s15+$0xCA30]  }
0x3c3: {  	v7 =	vsub.f32 v7, v9;
	v8 =	vsub.f32 v10, v12;
	v16 =	vmul.f32 v4, v4;
	v4 =	vld [tilespmem:s15+$0x4A40]  }
0x3c4: {  	v9 =	vsub.f32 v13, v14;
	v0 =	vadd.f32 v1, v0;
	v1 =	vmul.f32 v5, v5;
	v6 =	vld [tilespmem:s15+$0xCA40]  }
0x3c5: {  	s11 =	sadd.s32 $0x20, s11;
	v7 =	vmul.f32 v7, v7;
	v10 =	vsub.f32 v15, v18;
	v11 =	vsub.f32 v19, v21;
	v5 =	vld [tilespmem:s15+$0x4A50]  }
0x3c6: {  	v9 =	vmul.f32 v9, v9;
	v12 =	vsub.f32 v20, v22;
	[tilespmem:s11+$0xFFFFFFF0] =	vst v0;
	v0 =	vmul.f32 v8, v8;
	v8 =	vld [tilespmem:s15+$0xCA50]  }
0x3c7: {  	v10 =	vmul.f32 v10, v10;
	v13 =	vmul.f32 v11, v11;
	v17 =	vsub.f32 v23, v51;
	v11 =	vld [tilespmem:s15+$0x4A60]  }
0x3c8: {  	v16 =	vmax.f32 v16, $9.999999960e-13;
	v18 =	vsub.f32 v52, v53;
	v20 =	vsub.f32 v54, v55;
	v15 =	vld [tilespmem:s15+$0xCA60]  }
0x3c9: {  	v21 =	vmax.f32 v7, $9.999999960e-13;
	v1 =	vmax.f32 v1, $9.999999960e-13;
	v0 =	vmax.f32 v0, $9.999999960e-13;
	v14 =	vld [tilespmem:s15+$0x4A70]  }
0x3ca: {  	v22 =	vmax.f32 v9, $9.999999960e-13;
	v23 =	vmax.f32 v10, $9.999999960e-13;
	v13 =	vmax.f32 v13, $9.999999960e-13;
	v19 =	vld [tilespmem:s15+$0xCA70]  }
0x3cb: {  	v24 =	vmul.f32 v12, v12;
	v17 =	vmul.f32 v17, v17;
	v30 =	vsub.f32 v44, v41;
	v7 =	vld [tilespmem:s14+$0x200]  }
0x3cc: {  	v18 =	vmul.f32 v18, v18;
	v33 =	vmul.f32 v20, v20;
	v40 =	vsub.f32 v43, v40;
	v9 =	vld [tilespmem:s14+$0x8200]  }
0x3cd: {  	v3 =	vmin.f32 v3, $9.999999950e+11;
	v39 =	vsub.f32 v39, v35;
	v25 =	vsub.f32 v34, v25;
	v10 =	vld [tilespmem:s3+$0x200]  }
0x3ce: {  	v21 =	vmin.f32 v21, $9.999999950e+11;
	v1 =	vmin.f32 v1, $9.999999950e+11;
	v20 =	vmin.f32 v16, $9.999999950e+11;
	v12 =	vld [tilespmem:s3+$0x8200]  }
0x3cf: {  	v22 =	vmin.f32 v22, $9.999999950e+11;
	v23 =	vmin.f32 v23, $9.999999950e+11;
	v0 =	vmin.f32 v0, $9.999999950e+11;
	v16 =	vld [tilespmem:s0+$0x200]  }
0x3d0: {  	v13 =	vmin.f32 v13, $9.999999950e+11;
	v0 =	vadd.f32 v0, v3;
	v3 =	vadd.f32 v22, v20;
	v20 =	vld [tilespmem:s0+$0x8200]  }
0x3d1: {  	v26 =	vadd.f32 v23, v1;
	v27 =	vadd.f32 v13, v21;
	v1 =	vmax.f32 v24, $9.999999960e-13;
	v21 =	vld [tilespmem:s31+$0x200]  }
0x3d2: {  	v23 =	vmax.f32 v18, $9.999999960e-13;
	v41 =	vmax.f32 v33, $9.999999960e-13;
	v22 =	vmax.f32 v17, $9.999999960e-13;
	v24 =	vld [tilespmem:s31+$0x8200]  }
.Ltmp2:
0x3d3: {  	v43 =	vmul.f32 v30, v30;
	v30 =	vmul.f32 v40, v40;
	v35 =	vsub.f32 v31, v32;
	v13 =	vld [tilespmem:s30+$0x200];
	(pc) =	sbr.rel @p1 .LBB2_7-.Ltmp2, $4  }
0x3d4: {  	v32 =	vmul.f32 v39, v39;
	v33 =	vmul.f32 v25, v25;
	v31 =	vsub.f32 v29, v36;
	v17 =	vld [tilespmem:s30+$0x8200]  }
0x3d5: {  	v1 =	vmin.f32 v1, $9.999999950e+11;
	v34 =	vsub.f32 v28, v37;
	v29 =	vsub.f32 v38, v42;
	v18 =	vld [tilespmem:s4+$0x200]  }
0x3d6: {  	v37 =	vmin.f32 v23, $9.999999950e+11;
	v38 =	vmin.f32 v41, $9.999999950e+11;
	v25 =	vmin.f32 v22, $9.999999950e+11;
	v22 =	vld [tilespmem:s4+$0x8200]  }
0x3d7: {  	s25 =	sadd.s32 $0x100, s25;
	v36 =	vmax.f32 v43, $9.999999960e-13;
	v28 =	vadd.f32 v1, v0;
	v25 =	vadd.f32 v25, v3;
	v23 =	vld [tilespmem:s26+$0x200]  }
0x3d8: {  	v0 =	vadd.f32 v37, v26;
	v1 =	vadd.f32 v38, v27;
	v3 =	vmul.f32 v35, v35  }
0x3d9: {  	v26 =	vmax.f32 v30, $9.999999960e-13;
	v27 =	vmax.f32 v32, $9.999999960e-13;
	v30 =	vmax.f32 v33, $9.999999960e-13  }
0x3da: {  	v31 =	vmul.f32 v31, v31;
	v4 =	vsub.f32 v4, v6;
	v5 =	vsub.f32 v5, v8  }
0x3db: {  	v58 =	vmul.f32 v34, v34;
	v8 =	vsub.f32 v11, v15;
	v14 =	vsub.f32 v14, v19  }
0x3dc: {  	v6 =	vmul.f32 v29, v29;
	v7 =	vsub.f32 v7, v9;
	v10 =	vsub.f32 v10, v12  }
0x3dd: {  	v11 =	vmin.f32 v36, $9.999999950e+11;
	v12 =	vsub.f32 v16, v20;
	v21 =	vsub.f32 v21, v24  }
0x3de: {  	v15 =	vmin.f32 v26, $9.999999950e+11;
	v11 =	vadd.f32 v11, v28;
	v19 =	vmin.f32 v27, $9.999999950e+11  }
0x3df: {  	v26 =	vmin.f32 v30, $9.999999950e+11;
	v13 =	vsub.f32 v13, v17;
	v15 =	vadd.f32 v15, v25  }
0x3e0: {  	v0 =	vadd.f32 v19, v0;
	v3 =	vmax.f32 v3, $9.999999960e-13;
	v1 =	vadd.f32 v26, v1  }
0x3e1: {  	v19 =	vmax.f32 v31, $9.999999960e-13;
	v4 =	vmul.f32 v4, v4;
	v5 =	vmul.f32 v5, v5  }
0x3e2: {  	v9 =	vld [tilespmem:s26+$0x8200];
	v25 =	vmax.f32 v58, $9.999999960e-13;
	v8 =	vmul.f32 v8, v8;
	v14 =	vmul.f32 v14, v14  }
0x3e3: {  	v16 =	vld [tilespmem:s12+$0x200];
	v6 =	vmax.f32 v6, $9.999999960e-13;
	v7 =	vmul.f32 v7, v7;
	v10 =	vmul.f32 v10, v10  }
0x3e4: {  	v24 =	vld [tilespmem:s12+$0x8200];
	v3 =	vmin.f32 v3, $9.999999950e+11;
	v19 =	vmin.f32 v19, $9.999999950e+11;
	v20 =	vmin.f32 v25, $9.999999950e+11  }
0x3e5: {  	v6 =	vmin.f32 v6, $9.999999950e+11;
	v3 =	vadd.f32 v3, v11;
	v11 =	vadd.f32 v19, v15  }
0x3e6: {  	v12 =	vmul.f32 v12, v12;
	v0 =	vadd.f32 v20, v0;
	v1 =	vadd.f32 v6, v1  }
0x3e7: {  	v4 =	vmax.f32 v4, $9.999999960e-13;
	v5 =	vmax.f32 v5, $9.999999960e-13;
	v6 =	vmax.f32 v8, $9.999999960e-13  }
0x3e8: {  	v8 =	vmax.f32 v14, $9.999999960e-13;
	v14 =	vmul.f32 v21, v21;
	v15 =	vsub.f32 v18, v22  }
0x3e9: {  	v4 =	vmin.f32 v4, $9.999999950e+11;
	v9 =	vsub.f32 v23, v9;
	v16 =	vsub.f32 v16, v24  }
0x3ea: {  	v5 =	vmin.f32 v5, $9.999999950e+11;
	v6 =	vmin.f32 v6, $9.999999950e+11;
	v8 =	vmin.f32 v8, $9.999999950e+11  }
0x3eb: {  	v3 =	vadd.f32 v4, v3;
	v4 =	vadd.f32 v5, v11;
	v5 =	vmax.f32 v7, $9.999999960e-13  }
0x3ec: {  	v0 =	vadd.f32 v6, v0;
	v1 =	vadd.f32 v8, v1;
	v6 =	vmax.f32 v10, $9.999999960e-13  }
0x3ed: {  	v7 =	vmax.f32 v12, $9.999999960e-13;
	v8 =	vmax.f32 v14, $9.999999960e-13;
	v10 =	vmul.f32 v13, v13  }
0x3ee: {  	v11 =	vmul.f32 v15, v15;
	v5 =	vmin.f32 v5, $9.999999950e+11;
	v9 =	vmul.f32 v9, v9  }
0x3ef: {  	v6 =	vmin.f32 v6, $9.999999950e+11;
	v7 =	vmin.f32 v7, $9.999999950e+11;
	v12 =	vmul.f32 v16, v16  }
0x3f0: {  	v3 =	vadd.f32 v5, v3;
	v4 =	vadd.f32 v6, v4;
	v5 =	vmin.f32 v8, $9.999999950e+11  }
0x3f1: {  	v0 =	vadd.f32 v7, v0;
	v6 =	vmax.f32 v11, $9.999999960e-13;
	v1 =	vadd.f32 v5, v1  }
0x3f2: {  	v5 =	vmax.f32 v10, $9.999999960e-13;
	v7 =	vmax.f32 v9, $9.999999960e-13;
	v8 =	vmax.f32 v12, $9.999999960e-13  }
0x3f3: {  	v6 =	vmin.f32 v6, $9.999999950e+11;
	v5 =	vmin.f32 v5, $9.999999950e+11;
	v7 =	vmin.f32 v7, $9.999999950e+11  }
0x3f4: {  	v4 =	vadd.f32 v6, v4;
	v3 =	vadd.f32 v5, v3;
	v5 =	vmin.f32 v8, $9.999999950e+11  }
0x3f5: {  	v0 =	vadd.f32 v7, v0;
	v1 =	vadd.f32 v5, v1;
	_ =	sdelay $0x1  }
0x3f6: {  	v3 =	vadd.f32 v4, v3;
	v0 =	vadd.f32 v1, v0  }
0x3f7: {  	s0 =	sadd.s32 @!p0 $0x60, s9;
	s1 =	rddreg [dreg:$0x5]  }
0x3f8: {  	s0 =	sadd.s32 @!p0 s1, s0;
	v0 =	vadd.f32 v0, v3  }
0x3f9: {  	s31 =	rddreg [dreg:$0x0];
	s0 =	sshll.u32 @!p0 s0, $0x6  }
0x3fa: {  	s2 =	simm.s32 @!p0 $0x4200;
	s1 =	simm.s32 @!p0 $0x0;
	s0 =	sadd.s32 @!p0 s31, s0;
	[tilespmem:s11+$0x0] =	vst v0  }
0x3fb: {  	[tilespmem:s2], [sflag:$0x3] =	stream.linear.gather @!p0 [hbm4b:s0+s1], $0x2000, $0x38;
	[tilespmem:$0x12400] =	vst v63  }
0x3fc: {  	v0 =	vld @!p0 [tilespmem:s9+$0x60];
	_ =	sdelay $0x4  }
0x3fd: {  	v1 =	vshll.u32 @!p0 v0, $0x2  }
0x3fe: {  	v3 =	vlaneseq.u32 @!p0;
	v0 =	vand.u32 @!p0 $0x7, v0;
	v1 =	vand.u32 @!p0 $0xFFFFFFE0, v1  }
0x3ff: {  	v4 =	vshrl.u32 @!p0 v3, $0x3;
	v0 =	vor.u32 @!p0 v0, v1;
	v1 =	vand.u32 @!p0 $0x7, v3  }
0x400: {  	v4 =	vmul.u32 @!p0 $0x8, v4;
	v1 =	vperm.xlane @!p0 v0, v1;
	_ =	sdelay $0x1  }
0x401: {  	v1 =	vadd.s32 @!p0 v4, v1  }
0x402: {  	v3 =	vor.u32 @!p0 $0x8, v3  }
0x403: {  	v0 =	vperm.xlane @!p0 v0, v3;
	_ =	sdelay $0x1  }
0x404: {  	s0 =	simm.s32 @!p0 $0xC200;
	s2 =	rddreg [dreg:$0x2];
	v0 =	vadd.s32 @!p0 v4, v0  }
0x405: {  	[tilespmem:s0], [sflag:$0x7] =	stream.indirect_vreg.gather @!p0 [hbm4b:s2+s1], $0x80, v1, vm1, $0xb8;
	[tilespmem:$0x12400] =	vst v63  }
0x406: {  	s3 =	rddreg [dreg:$0x8];
	s0 =	simm.s32 @!p0 $0xCA00  }
0x407: {  	[tilespmem:s0], [sflag:$0x7] =	stream.indirect_vreg.gather @!p0 [hbm4b:s3+s1], $0x80, v1, vm1, $0xb8;
	[tilespmem:$0x12400] =	vst v63  }
0x408: {  	s0 =	simm.s32 @!p0 $0xD200  }
0x409: {  	[tilespmem:s0], [sflag:$0x7] =	stream.indirect_vreg.gather @!p0 [hbm4b:s2+s1], $0x80, v0, vm1, $0xb8;
	[tilespmem:$0x12400] =	vst v63  }
0x40a: {  	s4 =	simm.s32 $0x4;
	s0 =	simm.s32 @!p0 $0xDA00  }
0x40b: {  	[tilespmem:s0], [sflag:$0x7] =	stream.indirect_vreg.gather @!p0 [hbm4b:s3+s1], $0x80, v0, vm1, $0xb8;
	[tilespmem:$0x12400] =	vst v63  }
0x40c: {  	_ =	swait.ge [sflag:s4], $0x2000  }
0x40d: {  	[sflag:s4] =	ssyncset.done $0x0  }
0x40e: {  	s5 =	simm.s32 $0x8;
	[sflag:s4] =	ssyncadd.s32 $0xFFFFE000  }
0x40f: {  	s8 =	simm.s32 $0x0;
	s9 =	simm.s32 $0x0;
	_ =	swait.ge [sflag:s5], $0x2000  }
0x410: {  	s10 =	sor.u32 s8, s9;
	[sflag:s5] =	ssyncset.done $0x0  }
0x411: {  	s11 =	sor.u32 $0x6C40, s10;
	[sflag:s5] =	ssyncadd.s32 $0xFFFFE000  }
0x412: {  	v0 =	vld [tilespmem:s11+$0x200]  }
0x413: {  	s12 =	sor.u32 $0x6C50, s10;
	v1 =	vld [tilespmem:s11+$0x8200]  }
0x414: {  	v3 =	vld [tilespmem:s12+$0x200]  }
0x415: {  	s13 =	sor.u32 $0x6C60, s10;
	v4 =	vld [tilespmem:s12+$0x8200]  }
0x416: {  	v5 =	vld [tilespmem:s13+$0x200]  }
0x417: {  	s14 =	sor.u32 $0x6C70, s10;
	v6 =	vld [tilespmem:s13+$0x8200]  }
0x418: {  	v7 =	vld [tilespmem:s14+$0x200]  }
0x419: {  	s15 =	sor.u32 $0x6C00, s10;
	v8 =	vld [tilespmem:s14+$0x8200]  }
0x41a: {  	v9 =	vld [tilespmem:s15+$0x200]  }
0x41b: {  	s16 =	sor.u32 $0x6C10, s10;
	v10 =	vld [tilespmem:s15+$0x8200]  }
0x41c: {  	v11 =	vld [tilespmem:s16+$0x200]  }
0x41d: {  	s17 =	sor.u32 $0x6C20, s10;
	v12 =	vld [tilespmem:s16+$0x8200]  }
0x41e: {  	v13 =	vld [tilespmem:s17+$0x200]  }
0x41f: {  	s18 =	sor.u32 $0x6C30, s10;
	v14 =	vld [tilespmem:s17+$0x8200]  }
0x420: {  	s19 =	sand.u32 $0x1000, s9;
	s0 =	sand.u32 $0x300, s8;
	v15 =	vld [tilespmem:s18+$0x200]  }
0x421: {  	s0 =	sor.u32 s0, s19;
	v16 =	vld [tilespmem:s18+$0x8200]  }
0x422: {  	v17 =	vld [tilespmem:s0+$0x6A40]  }
0x423: {  	v18 =	vld [tilespmem:s0+$0xEA40]  }
0x424: {  	v19 =	vld [tilespmem:s0+$0x6A50]  }
0x425: {  	v20 =	vld [tilespmem:s0+$0xEA50]  }
0x426: {  	v21 =	vld [tilespmem:s0+$0x6A60]  }
0x427: {  	v22 =	vld [tilespmem:s0+$0xEA60]  }
0x428: {  	v23 =	vld [tilespmem:s0+$0x6A70]  }
0x429: {  	v24 =	vld [tilespmem:s0+$0xEA70]  }
0x42a: {  	v25 =	vld [tilespmem:s0+$0x6A00]  }
0x42b: {  	v26 =	vld [tilespmem:s0+$0xEA00]  }
0x42c: {  	v27 =	vld [tilespmem:s0+$0x6A10]  }
0x42d: {  	v28 =	vld [tilespmem:s0+$0xEA10]  }
0x42e: {  	v29 =	vld [tilespmem:s0+$0x6A20]  }
0x42f: {  	v30 =	vld [tilespmem:s0+$0xEA20]  }
0x430: {  	v31 =	vld [tilespmem:s0+$0x6A30]  }
0x431: {  	v59 =	vld [tilespmem:s0+$0xEA30]  }
0x432: {  	v60 =	vld [tilespmem:s0+$0x6200]  }
0x433: {  	v61 =	vld [tilespmem:s0+$0xE200]  }
0x434: {  	v62 =	vld [tilespmem:s0+$0x6210]  }
0x435: {  	v63 =	vld [tilespmem:s0+$0xE210]  }
0x436: {  	v48 =	vld [tilespmem:s0+$0x6220]  }
0x437: {  	v49 =	vld [tilespmem:s0+$0xE220]  }
0x438: {  	v39 =	vld [tilespmem:s0+$0x6230]  }
0x439: {  	v40 =	vld [tilespmem:s0+$0xE230]  }
0x43a: {  	v41 =	vld [tilespmem:s0+$0x6240]  }
0x43b: {  	v42 =	vld [tilespmem:s0+$0xE240]  }
0x43c: {  	v43 =	vld [tilespmem:s0+$0x6250]  }
0x43d: {  	v44 =	vld [tilespmem:s0+$0xE250]  }
0x43e: {  	s20 =	sand.u32 $0xFFFFF000, s9;
	v45 =	vld [tilespmem:s0+$0x6260]  }
0x43f: {  	s4 =	sadd.s32 $0x80, s20;
	v46 =	vld [tilespmem:s0+$0xE260]  }
0x440: {  	s2 =	sadd.s32 $0xFFFFFF80, s4;
	v47 =	vld [tilespmem:s0+$0x6270]  }
0x441: {  	s21 =	sor.u32 $0x6440, s2;
	v0 =	vsub.f32 v0, v1;
	v1 =	vsub.f32 v3, v4;
	v3 =	vld [tilespmem:s0+$0xE270]  }
0x442: {  	v4 =	vsub.f32 v5, v6;
	v5 =	vsub.f32 v7, v8;
	v6 =	vld [tilespmem:s21+$0x200]  }
0x443: {  	s22 =	sor.u32 $0x6450, s2;
	v7 =	vsub.f32 v9, v10;
	v8 =	vsub.f32 v11, v12;
	v9 =	vld [tilespmem:s21+$0x8200]  }
0x444: {  	v10 =	vsub.f32 v13, v14;
	v11 =	vsub.f32 v15, v16;
	v12 =	vld [tilespmem:s22+$0x200]  }
0x445: {  	s25 =	sor.u32 $0x6460, s2;
	v13 =	vsub.f32 v17, v18;
	v14 =	vsub.f32 v19, v20;
	v15 =	vld [tilespmem:s22+$0x8200]  }
0x446: {  	v16 =	vsub.f32 v21, v22;
	v17 =	vsub.f32 v23, v24;
	v18 =	vld [tilespmem:s25+$0x200]  }
0x447: {  	s26 =	sor.u32 $0x6470, s2;
	v19 =	vsub.f32 v25, v26;
	v20 =	vsub.f32 v27, v28;
	v21 =	vld [tilespmem:s25+$0x8200]  }
0x448: {  	v22 =	vsub.f32 v29, v30;
	v23 =	vsub.f32 v31, v59;
	v26 =	vld [tilespmem:s26+$0x200]  }
0x449: {  	s30 =	sor.u32 $0x6400, s2;
	v24 =	vsub.f32 v60, v61;
	v28 =	vld [tilespmem:s26+$0x8200];
	v0 =	vmul.f32 v0, v0;
	v1 =	vmul.f32 v1, v1  }
0x44a: {  	s8 =	sor.u32 $0x6420, s2;
	v25 =	vsub.f32 v62, v63;
	v30 =	vld [tilespmem:s30+$0x200];
	v31 =	vmul.f32 v4, v4;
	v50 =	vmul.f32 v5, v5  }
0x44b: {  	v27 =	vsub.f32 v48, v49;
	v59 =	vld [tilespmem:s8+$0x200];
	v51 =	vmul.f32 v7, v7;
	v56 =	vmul.f32 v8, v8  }
0x44c: {  	s12 =	sor.u32 $0x6400, s4;
	v29 =	vsub.f32 v39, v40;
	v60 =	vld [tilespmem:s8+$0x8200];
	v57 =	vmul.f32 v10, v10;
	v58 =	vmul.f32 v11, v11  }
0x44d: {  	v48 =	vld [tilespmem:s12+$0x200];
	v7 =	vsub.f32 v43, v44;
	v13 =	vmul.f32 v13, v13;
	v14 =	vmul.f32 v14, v14  }
0x44e: {  	v49 =	vld [tilespmem:s12+$0x8200];
	v10 =	vsub.f32 v45, v46;
	v16 =	vmul.f32 v16, v16;
	v17 =	vmul.f32 v17, v17  }
0x44f: {  	s10 =	simm.s32 $0x80;
	s5 =	sor.u32 $0x6410, s2;
	v4 =	vsub.f32 v41, v42;
	v5 =	vld [tilespmem:s30+$0x8200];
	v19 =	vmul.f32 v19, v19;
	v20 =	vmul.f32 v20, v20  }
0x450: {  	s11 =	sand.u32 $0x380, s10;
	v8 =	vld [tilespmem:s5+$0x200];
	v61 =	vmul.f32 v7, v7;
	v62 =	vmul.f32 v10, v10;
	v0 =	vmax.f32 v0, $9.999999960e-13  }
0x451: {  	s3 =	sor.u32 s19, s11;
	v11 =	vld [tilespmem:s5+$0x8200];
	v1 =	vmax.f32 v1, $9.999999960e-13;
	v32 =	vmax.f32 v50, $9.999999960e-13;
	v34 =	vmax.f32 v57, $9.999999960e-13  }
0x452: {  	v35 =	vmax.f32 v58, $9.999999960e-13;
	v14 =	vmax.f32 v14, $9.999999960e-13;
	v16 =	vmax.f32 v16, $9.999999960e-13;
	v57 =	vld [tilespmem:s3+$0xE250]  }
0x453: {  	s13 =	sor.u32 $0x6410, s4;
	v17 =	vmax.f32 v17, $9.999999960e-13;
	v19 =	vmax.f32 v19, $9.999999960e-13;
	v20 =	vmax.f32 v20, $9.999999960e-13;
	v58 =	vld [tilespmem:s3+$0x6260]  }
0x454: {  	s2 =	sor.u32 $0x6430, s2;
	v50 =	vld [tilespmem:s13+$0x200];
	v3 =	vsub.f32 v47, v3;
	v12 =	vsub.f32 v12, v15;
	v15 =	vmul.f32 v22, v22  }
0x455: {  	v6 =	vsub.f32 v6, v9;
	v9 =	vld [tilespmem:s2+$0x200];
	v22 =	vmul.f32 v23, v23;
	v23 =	vmul.f32 v24, v24  }
0x456: {  	v24 =	vmul.f32 v25, v25;
	v25 =	vld [tilespmem:s2+$0x8200];
	v18 =	vsub.f32 v18, v21;
	v21 =	vmul.f32 v27, v27  }
0x457: {  	v27 =	vmul.f32 v29, v29;
	v26 =	vsub.f32 v26, v28;
	v28 =	vld [tilespmem:s3+$0x6200];
	v29 =	vmul.f32 v4, v4  }
0x458: {  	v4 =	vld [tilespmem:s3+$0x6210];
	v10 =	vsub.f32 v59, v60;
	v0 =	vmin.f32 v0, $9.999999950e+11;
	v1 =	vmin.f32 v1, $9.999999950e+11  }
0x459: {  	v59 =	vld [tilespmem:s3+$0xE260];
	v14 =	vmin.f32 v14, $9.999999950e+11;
	v19 =	vmin.f32 v19, $9.999999950e+11;
	v20 =	vmin.f32 v20, $9.999999950e+11  }
0x45a: {  	v60 =	vld [tilespmem:s3+$0x6270];
	v16 =	vmin.f32 v16, $9.999999950e+11;
	v17 =	vmin.f32 v17, $9.999999950e+11;
	v39 =	vmax.f32 v61, $9.999999960e-13  }
0x45b: {  	s16 =	sor.u32 $0x6440, s4;
	v40 =	vmax.f32 v62, $9.999999960e-13;
	v61 =	vld [tilespmem:s3+$0xE270];
	v7 =	vsub.f32 v30, v5;
	v3 =	vmul.f32 v3, v3  }
0x45c: {  	v62 =	vld [tilespmem:s16+$0x200];
	v8 =	vsub.f32 v8, v11;
	v63 =	vmul.f32 v6, v6;
	v52 =	vmul.f32 v12, v12  }
0x45d: {  	v30 =	vld [tilespmem:s3+$0xE200];
	v18 =	vmul.f32 v18, v18;
	v54 =	vmul.f32 v10, v10;
	v15 =	vmax.f32 v15, $9.999999960e-13  }
0x45e: {  	v5 =	vld [tilespmem:s3+$0xE210];
	v23 =	vmax.f32 v23, $9.999999960e-13;
	v24 =	vmax.f32 v24, $9.999999960e-13;
	v22 =	vmax.f32 v22, $9.999999960e-13  }
0x45f: {  	v6 =	vld [tilespmem:s3+$0x6220];
	v21 =	vmax.f32 v21, $9.999999960e-13;
	v27 =	vmax.f32 v27, $9.999999960e-13;
	v29 =	vmax.f32 v29, $9.999999960e-13  }
0x460: {  	v10 =	vld [tilespmem:s3+$0x6240];
	v39 =	vmin.f32 v39, $9.999999950e+11;
	v40 =	vmin.f32 v40, $9.999999950e+11;
	v23 =	vmin.f32 v23, $9.999999950e+11  }
0x461: {  	v12 =	vld [tilespmem:s3+$0xE240];
	v24 =	vmin.f32 v24, $9.999999950e+11;
	v21 =	vmin.f32 v21, $9.999999950e+11;
	v27 =	vmin.f32 v27, $9.999999950e+11  }
0x462: {  	s14 =	sor.u32 $0x6420, s4;
	s15 =	sor.u32 $0x6430, s4;
	v29 =	vmin.f32 v29, $9.999999950e+11;
	v15 =	vmin.f32 v15, $9.999999950e+11;
	v53 =	vmul.f32 v8, v8;
	v8 =	vld [tilespmem:s3+$0xE220]  }
0x463: {  	v22 =	vmin.f32 v22, $9.999999950e+11;
	v3 =	vmax.f32 v3, $9.999999960e-13;
	v38 =	vmax.f32 v52, $9.999999960e-13;
	v52 =	vld [tilespmem:s14+$0x200]  }
0x464: {  	v37 =	vmax.f32 v63, $9.999999960e-13;
	v42 =	vmax.f32 v54, $9.999999960e-13;
	v54 =	vld [tilespmem:s15+$0x200];
	v23 =	vadd.f32 v29, v23  }
0x465: {  	v18 =	vmax.f32 v18, $9.999999960e-13;
	v24 =	vadd.f32 v39, v24;
	v21 =	vadd.f32 v40, v21;
	v63 =	vld [tilespmem:s16+$0x8200]  }
0x466: {  	v9 =	vsub.f32 v9, v25;
	v25 =	vmul.f32 v26, v26;
	v26 =	vmul.f32 v7, v7;
	v7 =	vld [tilespmem:s3+$0x6230]  }
0x467: {  	v3 =	vmin.f32 v3, $9.999999950e+11;
	v37 =	vmin.f32 v37, $9.999999950e+11;
	v41 =	vmax.f32 v53, $9.999999960e-13;
	v53 =	vld [tilespmem:s14+$0x8200]  }
0x468: {  	v38 =	vmin.f32 v38, $9.999999950e+11;
	v55 =	vmul.f32 v9, v9;
	v11 =	vsub.f32 v28, v30;
	v9 =	vld [tilespmem:s3+$0xE230]  }
0x469: {  	s17 =	sor.u32 $0x6450, s4;
	s18 =	sor.u32 $0x6460, s4;
	v28 =	vmax.f32 v31, $9.999999960e-13;
	v31 =	vmax.f32 v56, $9.999999960e-13;
	v56 =	vmax.f32 v13, $9.999999960e-13;
	v13 =	vld [tilespmem:s3+$0x6250]  }
0x46a: {  	v3 =	vadd.f32 v3, v27;
	v27 =	vmin.f32 v42, $9.999999950e+11;
	v30 =	vmax.f32 v51, $9.999999960e-13;
	v51 =	vld [tilespmem:s13+$0x8200]  }
0x46b: {  	v18 =	vmin.f32 v18, $9.999999950e+11;
	v25 =	vmax.f32 v25, $9.999999960e-13;
	v21 =	vadd.f32 v27, v21;
	v27 =	vld [tilespmem:s18+$0x200]  }
0x46c: {  	v26 =	vmax.f32 v26, $9.999999960e-13;
	v29 =	vmin.f32 v41, $9.999999950e+11;
	v4 =	vsub.f32 v4, v5;
	v41 =	vld [tilespmem:s3+$0xEA30]  }
0x46d: {  	v30 =	vmin.f32 v30, $9.999999950e+11;
	v26 =	vmin.f32 v26, $9.999999950e+11;
	v24 =	vadd.f32 v29, v24;
	v29 =	vld [tilespmem:s17+$0x200]  }
0x46e: {  	v33 =	vmin.f32 v56, $9.999999950e+11;
	v43 =	vmax.f32 v55, $9.999999960e-13;
	v55 =	vld [tilespmem:s15+$0x8200];
	v23 =	vadd.f32 v26, v23  }
0x46f: {  	v31 =	vmin.f32 v31, $9.999999950e+11;
	v18 =	vadd.f32 v18, v21;
	v21 =	vld [tilespmem:s18+$0x8200];
	v5 =	vsub.f32 v6, v8  }
0x470: {  	v25 =	vmin.f32 v25, $9.999999950e+11;
	v8 =	vsub.f32 v10, v12;
	v6 =	vld [tilespmem:s3+$0xEA40];
	v10 =	vsub.f32 v58, v59  }
0x471: {  	v39 =	vsub.f32 v62, v63;
	v26 =	vmin.f32 v43, $9.999999950e+11;
	v24 =	vadd.f32 v38, v24;
	v38 =	vld [tilespmem:s3+$0x6A30]  }
0x472: {  	s19 =	sor.u32 $0x6470, s4;
	v11 =	vmul.f32 v11, v11;
	v3 =	vadd.f32 v26, v3;
	v26 =	vld [tilespmem:s17+$0x8200];
	v23 =	vadd.f32 v37, v23  }
0x473: {  	v15 =	vadd.f32 v15, v18;
	v18 =	vld [tilespmem:s19+$0x8200];
	v12 =	vmul.f32 v8, v8;
	v20 =	vadd.f32 v20, v24  }
0x474: {  	v37 =	vld [tilespmem:s3+$0xEA20];
	v10 =	vmul.f32 v10, v10;
	v7 =	vsub.f32 v7, v9;
	v9 =	vsub.f32 v13, v57  }
0x475: {  	v8 =	vld [tilespmem:s3+$0xEA50];
	v39 =	vmul.f32 v39, v39;
	v13 =	vsub.f32 v48, v49;
	v3 =	vadd.f32 v25, v3  }
0x476: {  	v19 =	vadd.f32 v19, v23;
	v23 =	vld [tilespmem:s19+$0x200];
	v15 =	vadd.f32 v16, v15;
	v16 =	vmin.f32 v34, $9.999999950e+11  }
0x477: {  	s0 =	sor.u32 s9, s10;
	v25 =	vld [tilespmem:s3+$0x6A10];
	v57 =	vmax.f32 v10, $9.999999960e-13;
	v36 =	vmax.f32 v39, $9.999999960e-13;
	v14 =	vadd.f32 v14, v20  }
0x478: {  	s21 =	sor.u32 $0x6C10, s0;
	v34 =	vld [tilespmem:s3+$0x6A20];
	v20 =	vmin.f32 v35, $9.999999950e+11;
	v7 =	vmul.f32 v7, v7;
	v9 =	vmul.f32 v9, v9  }
0x479: {  	v10 =	vld [tilespmem:s21+$0x200];
	v13 =	vmul.f32 v13, v13;
	v3 =	vadd.f32 v22, v3;
	v19 =	vadd.f32 v33, v19  }
0x47a: {  	v22 =	vld [tilespmem:s3+$0x6A00];
	v15 =	vadd.f32 v16, v15;
	v16 =	vmin.f32 v28, $9.999999950e+11;
	v14 =	vadd.f32 v31, v14  }
0x47b: {  	s20 =	sor.u32 $0x6C00, s0;
	v28 =	vld [tilespmem:s3+$0xEA10];
	v31 =	vsub.f32 v54, v55;
	v54 =	vmax.f32 v7, $9.999999960e-13;
	v29 =	vsub.f32 v29, v26  }
0x47c: {  	v55 =	vmax.f32 v12, $9.999999960e-13;
	v7 =	vld [tilespmem:s20+$0x200];
	v3 =	vadd.f32 v17, v3;
	v19 =	vadd.f32 v30, v19  }
0x47d: {  	v56 =	vmax.f32 v9, $9.999999960e-13;
	v9 =	vld [tilespmem:s20+$0x8200];
	v15 =	vadd.f32 v16, v15;
	v30 =	vsub.f32 v52, v53  }
0x47e: {  	v26 =	vmin.f32 v57, $9.999999950e+11;
	v17 =	vld [tilespmem:s3+$0xEA00];
	v1 =	vadd.f32 v1, v14;
	v18 =	vsub.f32 v23, v18  }
0x47f: {  	v12 =	vld [tilespmem:s21+$0x8200];
	v31 =	vmul.f32 v31, v31;
	v34 =	vsub.f32 v34, v37;
	v3 =	vadd.f32 v20, v3  }
0x480: {  	s30 =	sor.u32 $0x6C50, s0;
	v14 =	vmin.f32 v32, $9.999999950e+11;
	v0 =	vadd.f32 v0, v19;
	v20 =	vsub.f32 v50, v51;
	v19 =	vld [tilespmem:s3+$0xEA70]  }
0x481: {  	v30 =	vmul.f32 v30, v30;
	v63 =	vmax.f32 v31, $9.999999960e-13;
	v33 =	vmul.f32 v18, v18;
	v18 =	vld [tilespmem:s30+$0x200]  }
0x482: {  	s26 =	sor.u32 $0x6C40, s0;
	v31 =	vsub.f32 v25, v28;
	v3 =	vadd.f32 v14, v3;
	v14 =	vmul.f32 v4, v4;
	v4 =	vld [tilespmem:s3+$0x6A40]  }
0x483: {  	v23 =	vmin.f32 v55, $9.999999950e+11;
	v0 =	vadd.f32 v1, v0;
	v35 =	vsub.f32 v22, v17;
	v17 =	vld [tilespmem:s26+$0x8200]  }
0x484: {  	v59 =	vmul.f32 v20, v20;
	v62 =	vmax.f32 v30, $9.999999960e-13;
	v30 =	vmul.f32 v29, v29;
	v22 =	vld [tilespmem:s30+$0x8200]  }
0x485: {  	v1 =	vadd.f32 v3, v15;
	v3 =	vmax.f32 v11, $9.999999960e-13;
	v11 =	vsub.f32 v60, v61;
	v15 =	vld [tilespmem:s3+$0xEA60]  }
0x486: {  	v24 =	vmax.f32 v14, $9.999999960e-13;
	v14 =	vld [tilespmem:s3+$0x6A70];
	v60 =	vsub.f32 v27, v21;
	v21 =	vmin.f32 v54, $9.999999950e+11  }
0x487: {  	v3 =	vmin.f32 v3, $9.999999950e+11;
	v0 =	vadd.f32 v1, v0;
	v1 =	vmul.f32 v5, v5;
	v5 =	vld [tilespmem:s3+$0x6A50]  }
0x488: {  	s22 =	sor.u32 $0x6C20, s0;
	v20 =	vmin.f32 v24, $9.999999950e+11;
	v24 =	vmin.f32 v56, $9.999999950e+11;
	v16 =	vmul.f32 v11, v11;
	v11 =	vld [tilespmem:s3+$0x6A60]  }
0x489: {  	s12 =	sor.u32 $0x6C60, s0;
	v61 =	vmax.f32 v59, $9.999999960e-13;
	v3 =	vadd.f32 v23, v3;
	v23 =	vadd.f32 v24, v20;
	v20 =	vld [tilespmem:s22+$0x8200]  }
0x48a: {  	v25 =	vmin.f32 v61, $9.999999950e+11;
	v1 =	vmax.f32 v1, $9.999999960e-13;
	v58 =	vmax.f32 v16, $9.999999960e-13;
	v16 =	vld [tilespmem:s22+$0x200]  }
0x48b: {  	s25 =	sor.u32 $0x6C30, s0;
	v25 =	vadd.f32 v25, v23;
	v23 =	vld [tilespmem:s12+$0x200];
	v1 =	vmin.f32 v1, $9.999999950e+11;
	v24 =	vmin.f32 v58, $9.999999950e+11  }
0x48c: {  	v26 =	vadd.f32 v26, v1;
	v27 =	vadd.f32 v24, v21;
	v1 =	vmax.f32 v13, $9.999999960e-13;
	v21 =	vld [tilespmem:s25+$0x200]  }
0x48d: {  	s10 =	smov.u32 s24;
	v29 =	vsub.f32 v38, v41;
	v38 =	vmin.f32 v63, $9.999999950e+11;
	v24 =	vld [tilespmem:s25+$0x8200];
	v1 =	vmin.f32 v1, $9.999999950e+11  }
0x48e: {  	s11 =	sor.u32 $0x6C70, s0;
	s13 =	simm.s32 $0x0;
	v37 =	vmin.f32 v62, $9.999999950e+11;
	v32 =	vmul.f32 v60, v60;
	[tilespmem:s24+$0xFFFFFFF0] =	vst v0;
	v13 =	vld [tilespmem:s26+$0x200];
	s25 =	simm.s32 $0x180;
	v28 =	vadd.f32 v1, v3  }
.LBB2_9:
0x48f: {  	s15 =	sadd.s32 $0xFFFFFF80, s25;
	s1 =	sand.u32 $0x380, s25;
	v0 =	vadd.f32 v37, v26;
	v1 =	vadd.f32 v38, v27;
	v3 =	vmul.f32 v35, v35;
	v26 =	vld [tilespmem:s12+$0x8200];
	s9 =	sadd.s32 $0x400, s9  }
0x490: {  	v27 =	vmax.f32 v30, $9.999999960e-13;
	v30 =	vmax.f32 v32, $9.999999960e-13;
	v32 =	vmax.f32 v33, $9.999999960e-13;
	s16 =	sor.u32 s15, s9;
	s2 =	sor.u32 s9, s25;
	v33 =	vld [tilespmem:s11+$0x200]  }
0x491: {  	v31 =	vmul.f32 v31, v31;
	v34 =	vmul.f32 v34, v34;
	v35 =	vsub.f32 v4, v6;
	s4 =	sor.u32 $0x6C40, s16;
	s14 =	sor.u32 $0x6C00, s2;
	s3 =	sor.u32 $0x6C10, s2;
	v37 =	vld [tilespmem:s11+$0x8200]  }
0x492: {  	v29 =	vmul.f32 v29, v29;
	v38 =	vsub.f32 v5, v8;
	v39 =	vsub.f32 v11, v15;
	s0 =	sor.u32 $0x6C20, s2;
	s30 =	sor.u32 $0x6C30, s2;
	s26 =	sor.u32 $0x6C40, s2;
	v4 =	vld [tilespmem:s4+$0x200]  }
0x493: {  	v8 =	vmin.f32 v36, $9.999999950e+11;
	v19 =	vsub.f32 v14, v19;
	v11 =	vmin.f32 v27, $9.999999950e+11;
	s5 =	sor.u32 $0x6C50, s16;
	s12 =	sor.u32 $0x6C60, s2;
	v5 =	vld [tilespmem:s4+$0x8200];
	s4 =	sor.u32 $0x6C50, s2  }
0x494: {  	v27 =	vadd.f32 v8, v28;
	v14 =	vmin.f32 v30, $9.999999950e+11;
	v15 =	vmin.f32 v32, $9.999999950e+11;
	s11 =	sor.u32 $0x6C70, s2;
	v6 =	vld [tilespmem:s5+$0x200]  }
0x495: {  	v25 =	vadd.f32 v11, v25;
	v0 =	vadd.f32 v14, v0;
	v3 =	vmax.f32 v3, $9.999999960e-13;
	s2 =	sor.u32 $0x6C60, s16;
	v8 =	vld [tilespmem:s5+$0x8200]  }
0x496: {  	v1 =	vadd.f32 v15, v1;
	v28 =	vmax.f32 v31, $9.999999960e-13;
	v30 =	vmax.f32 v34, $9.999999960e-13;
	v11 =	vld [tilespmem:s2+$0x200]  }
0x497: {  	v29 =	vmax.f32 v29, $9.999999960e-13;
	v31 =	vmul.f32 v35, v35;
	v32 =	vmul.f32 v38, v38;
	v14 =	vld [tilespmem:s2+$0x8200];
	s2 =	sor.u32 $0x6C70, s16  }
0x498: {  	v36 =	vsub.f32 v7, v9;
	v34 =	vmul.f32 v39, v39;
	v35 =	vmul.f32 v19, v19;
	v15 =	vld [tilespmem:s2+$0x200]  }
0x499: {  	v20 =	vsub.f32 v16, v20;
	v38 =	vsub.f32 v10, v12;
	v3 =	vmin.f32 v3, $9.999999950e+11;
	s5 =	sor.u32 $0x6C00, s16;
	v9 =	vld [tilespmem:s2+$0x8200]  }
0x49a: {  	v21 =	vsub.f32 v21, v24;
	v12 =	vmin.f32 v28, $9.999999950e+11;
	v16 =	vmin.f32 v30, $9.999999950e+11;
	v7 =	vld [tilespmem:s5+$0x200]  }
0x49b: {  	v19 =	vmin.f32 v29, $9.999999950e+11;
	v3 =	vadd.f32 v3, v27;
	v24 =	vadd.f32 v12, v25;
	s2 =	sor.u32 $0x6C10, s16;
	v10 =	vld [tilespmem:s5+$0x8200]  }
0x49c: {  	v0 =	vadd.f32 v16, v0;
	v1 =	vadd.f32 v19, v1;
	v25 =	vmax.f32 v31, $9.999999960e-13;
	v12 =	vld [tilespmem:s2+$0x200]  }
0x49d: {  	v27 =	vmax.f32 v32, $9.999999960e-13;
	v28 =	vmax.f32 v34, $9.999999960e-13;
	v29 =	vmax.f32 v35, $9.999999960e-13;
	v19 =	vld [tilespmem:s2+$0x8200];
	s2 =	sor.u32 $0x6C20, s16  }
0x49e: {  	v30 =	vmul.f32 v36, v36;
	v31 =	vmul.f32 v38, v38;
	v32 =	vsub.f32 v13, v17;
	v16 =	vld [tilespmem:s2+$0x200]  }
0x49f: {  	v20 =	vmul.f32 v20, v20;
	v21 =	vmul.f32 v21, v21;
	v18 =	vsub.f32 v18, v22;
	v13 =	vld [tilespmem:s2+$0x8200];
	s2 =	sor.u32 $0x6C30, s16  }
0x4a0: {  	s8 =	sand.u32 $0x300, s15;
	v22 =	vmin.f32 v25, $9.999999950e+11;
	v23 =	vsub.f32 v23, v26;
	v25 =	vsub.f32 v33, v37;
	s5 =	sand.u32 $0x1000, s9;
	v17 =	vld [tilespmem:s2+$0x200]  }
0x4a1: {  	v27 =	vmin.f32 v27, $9.999999950e+11;
	v28 =	vmin.f32 v28, $9.999999950e+11;
	v29 =	vmin.f32 v29, $9.999999950e+11;
	s15 =	sor.u32 s5, s1;
	s16 =	sor.u32 s8, s5;
	v26 =	vld [tilespmem:s2+$0x8200]  }
0x4a2: {  	v3 =	vadd.f32 v22, v3;
	v22 =	vadd.f32 v27, v24;
	v24 =	vmax.f32 v30, $9.999999960e-13;
	v33 =	vld [tilespmem:s16+$0x6A40]  }
0x4a3: {  	v0 =	vadd.f32 v28, v0;
	v1 =	vadd.f32 v29, v1;
	v28 =	vmax.f32 v31, $9.999999960e-13;
	v27 =	vld [tilespmem:s16+$0xEA40]  }
0x4a4: {  	v20 =	vmax.f32 v20, $9.999999960e-13;
	v21 =	vmax.f32 v21, $9.999999960e-13;
	v30 =	vmul.f32 v32, v32;
	v29 =	vld [tilespmem:s16+$0x6A50]  }
0x4a5: {  	v18 =	vmul.f32 v18, v18;
	v24 =	vmin.f32 v24, $9.999999950e+11;
	v23 =	vmul.f32 v23, v23;
	v31 =	vld [tilespmem:s16+$0xEA50]  }
0x4a6: {  	v20 =	vmin.f32 v20, $9.999999950e+11;
	v28 =	vmin.f32 v28, $9.999999950e+11;
	v25 =	vmul.f32 v25, v25;
	v32 =	vld [tilespmem:s16+$0x6A60]  }
0x4a7: {  	v21 =	vmin.f32 v21, $9.999999950e+11;
	v3 =	vadd.f32 v24, v3;
	v22 =	vadd.f32 v28, v22;
	v34 =	vld [tilespmem:s16+$0xEA60]  }
0x4a8: {  	v0 =	vadd.f32 v20, v0;
	v1 =	vadd.f32 v21, v1;
	v20 =	vmax.f32 v30, $9.999999960e-13;
	v24 =	vld [tilespmem:s16+$0x6A70]  }
0x4a9: {  	v18 =	vmax.f32 v18, $9.999999960e-13;
	v23 =	vmax.f32 v23, $9.999999960e-13;
	v25 =	vmax.f32 v25, $9.999999960e-13;
	v21 =	vld [tilespmem:s16+$0xEA70]  }
0x4aa: {  	v18 =	vmin.f32 v18, $9.999999950e+11;
	v20 =	vmin.f32 v20, $9.999999950e+11;
	v23 =	vmin.f32 v23, $9.999999950e+11;
	v28 =	vld [tilespmem:s16+$0x6A00]  }
0x4ab: {  	v3 =	vadd.f32 v20, v3;
	v18 =	vadd.f32 v18, v22;
	v20 =	vmin.f32 v25, $9.999999950e+11;
	v30 =	vld [tilespmem:s16+$0xEA00]  }
0x4ac: {  	v0 =	vadd.f32 v23, v0;
	v1 =	vadd.f32 v20, v1;
	v22 =	vld [tilespmem:s16+$0x6A10]  }
0x4ad: {  	v3 =	vadd.f32 v18, v3;
	v20 =	vld [tilespmem:s16+$0xEA10]  }
0x4ae: {  	v0 =	vadd.f32 v1, v0;
	v18 =	vld [tilespmem:s16+$0x6A20]  }
0x4af: {  	v1 =	vld [tilespmem:s16+$0xEA20]  }
0x4b0: {  	v0 =	vadd.f32 v0, v3;
	v23 =	vld [tilespmem:s16+$0x6A30]  }
0x4b1: {  	v3 =	vld [tilespmem:s16+$0xEA30]  }
0x4b2: {  	v25 =	vld [tilespmem:s16+$0x6200];
	[tilespmem:s10+$0x0] =	vst v0  }
0x4b3: {  	v0 =	vld [tilespmem:s16+$0xE200]  }
0x4b4: {  	v35 =	vld [tilespmem:s16+$0x6210]  }
0x4b5: {  	v36 =	vld [tilespmem:s16+$0xE210]  }
0x4b6: {  	v37 =	vld [tilespmem:s16+$0x6220]  }
0x4b7: {  	v38 =	vld [tilespmem:s16+$0xE220]  }
0x4b8: {  	v39 =	vld [tilespmem:s16+$0x6230]  }
0x4b9: {  	v40 =	vld [tilespmem:s16+$0xE230]  }
0x4ba: {  	v41 =	vld [tilespmem:s16+$0x6240]  }
0x4bb: {  	v42 =	vld [tilespmem:s16+$0xE240]  }
0x4bc: {  	v43 =	vld [tilespmem:s16+$0x6250]  }
0x4bd: {  	v44 =	vld [tilespmem:s16+$0xE250]  }
0x4be: {  	s1 =	sand.u32 $0xFFFFF000, s9;
	v45 =	vld [tilespmem:s16+$0x6260]  }
0x4bf: {  	s2 =	sadd.s32 s1, s25;
	v46 =	vld [tilespmem:s16+$0xE260]  }
0x4c0: {  	v4 =	vsub.f32 v4, v5;
	v5 =	vsub.f32 v6, v8;
	s5 =	sadd.s32 $0xFFFFFF80, s2;
	s1 =	sor.u32 $0x6400, s2;
	s22 =	sor.u32 $0x6410, s2;
	v47 =	vld [tilespmem:s16+$0x6270]  }
0x4c1: {  	v8 =	vsub.f32 v11, v14;
	v9 =	vsub.f32 v15, v9;
	s21 =	sor.u32 $0x6420, s2;
	s20 =	sor.u32 $0x6430, s2;
	s8 =	sor.u32 $0x6440, s5;
	v6 =	vld [tilespmem:s16+$0xE270]  }
0x4c2: {  	v7 =	vsub.f32 v7, v10;
	v10 =	vsub.f32 v12, v19;
	s19 =	sor.u32 $0x6440, s2;
	s18 =	sor.u32 $0x6450, s2;
	s17 =	sor.u32 $0x6460, s2;
	v11 =	vld [tilespmem:s8+$0x200]  }
0x4c3: {  	v13 =	vsub.f32 v16, v13;
	v14 =	vsub.f32 v17, v26;
	s16 =	sor.u32 $0x6470, s2;
	v12 =	vld [tilespmem:s8+$0x8200];
	s8 =	sor.u32 $0x6450, s5  }
0x4c4: {  	v16 =	vsub.f32 v33, v27;
	v17 =	vsub.f32 v29, v31;
	v15 =	vld [tilespmem:s8+$0x200]  }
0x4c5: {  	v26 =	vsub.f32 v32, v34;
	v21 =	vsub.f32 v24, v21;
	s2 =	sor.u32 $0x6460, s5;
	v19 =	vld [tilespmem:s8+$0x8200]  }
0x4c6: {  	v27 =	vsub.f32 v28, v30;
	v20 =	vsub.f32 v22, v20;
	v24 =	vld [tilespmem:s2+$0x200]  }
0x4c7: {  	v1 =	vsub.f32 v18, v1;
	v3 =	vsub.f32 v23, v3;
	v22 =	vld [tilespmem:s2+$0x8200];
	s2 =	sor.u32 $0x6470, s5  }
0x4c8: {  	v0 =	vsub.f32 v25, v0;
	v18 =	vsub.f32 v35, v36;
	v23 =	vld [tilespmem:s2+$0x200]  }
0x4c9: {  	v29 =	vmul.f32 v4, v4;
	v30 =	vmul.f32 v5, v5;
	v25 =	vsub.f32 v37, v38;
	s8 =	sor.u32 $0x6400, s5;
	v28 =	vld [tilespmem:s2+$0x8200]  }
0x4ca: {  	v31 =	vmul.f32 v8, v8;
	v32 =	vmul.f32 v9, v9;
	v4 =	vsub.f32 v39, v40;
	v5 =	vld [tilespmem:s8+$0x200]  }
0x4cb: {  	v10 =	vmul.f32 v10, v10;
	v33 =	vmul.f32 v7, v7;
	v8 =	vsub.f32 v41, v42;
	s2 =	sor.u32 $0x6410, s5;
	v9 =	vld [tilespmem:s8+$0x8200]  }
0x4cc: {  	v13 =	vmul.f32 v13, v13;
	v14 =	vmul.f32 v14, v14;
	v7 =	vsub.f32 v43, v44;
	v34 =	vld [tilespmem:s2+$0x200]  }
0x4cd: {  	v37 =	vmul.f32 v16, v16;
	v38 =	vmul.f32 v17, v17;
	v35 =	vsub.f32 v45, v46;
	v36 =	vld [tilespmem:s2+$0x8200];
	s2 =	sor.u32 $0x6420, s5  }
0x4ce: {  	v26 =	vmul.f32 v26, v26;
	v21 =	vmul.f32 v21, v21;
	v6 =	vsub.f32 v47, v6;
	v16 =	vld [tilespmem:s2+$0x200]  }
0x4cf: {  	v27 =	vmul.f32 v27, v27;
	v20 =	vmul.f32 v20, v20;
	v11 =	vsub.f32 v11, v12;
	v17 =	vld [tilespmem:s2+$0x8200];
	s2 =	sor.u32 $0x6430, s5  }
0x4d0: {  	v1 =	vmul.f32 v1, v1;
	v3 =	vmul.f32 v3, v3;
	v15 =	vsub.f32 v15, v19;
	v12 =	vld [tilespmem:s2+$0x200]  }
0x4d1: {  	v0 =	vmul.f32 v0, v0;
	v18 =	vmul.f32 v18, v18;
	v22 =	vsub.f32 v24, v22;
	v19 =	vld [tilespmem:s2+$0x8200]  }
0x4d2: {  	v24 =	vmul.f32 v25, v25;
	v25 =	vmul.f32 v4, v4;
	v23 =	vsub.f32 v23, v28;
	v28 =	vld [tilespmem:s15+$0x6200]  }
0x4d3: {  	v39 =	vmul.f32 v8, v8;
	v40 =	vmul.f32 v7, v7;
	v7 =	vsub.f32 v5, v9;
	v9 =	vld [tilespmem:s15+$0xE200]  }
0x4d4: {  	v35 =	vmul.f32 v35, v35;
	v41 =	vmul.f32 v6, v6;
	v8 =	vsub.f32 v34, v36;
	v4 =	vld [tilespmem:s15+$0x6210]  }
0x4d5: {  	v34 =	vmul.f32 v11, v11;
	v36 =	vmul.f32 v15, v15;
	v16 =	vsub.f32 v16, v17;
	v5 =	vld [tilespmem:s15+$0xE210]  }
0x4d6: {  	v42 =	vmul.f32 v22, v22;
	v23 =	vmul.f32 v23, v23;
	v11 =	vsub.f32 v12, v19;
	v6 =	vld [tilespmem:s15+$0x6220]  }
0x4d7: {  	v43 =	vmul.f32 v7, v7;
	v44 =	vmul.f32 v8, v8;
	v8 =	vld [tilespmem:s15+$0xE220]  }
0x4d8: {  	v45 =	vmul.f32 v16, v16;
	v46 =	vmul.f32 v11, v11;
	v11 =	vsub.f32 v28, v9;
	v7 =	vld [tilespmem:s15+$0x6230]  }
0x4d9: {  	v22 =	vmax.f32 v29, $9.999999960e-13;
	v16 =	vmax.f32 v31, $9.999999960e-13;
	v28 =	vmax.f32 v30, $9.999999960e-13;
	v9 =	vld [tilespmem:s15+$0xE230]  }
0x4da: {  	v29 =	vmax.f32 v33, $9.999999960e-13;
	v17 =	vmax.f32 v32, $9.999999960e-13;
	v30 =	vmax.f32 v10, $9.999999960e-13;
	v10 =	vld [tilespmem:s15+$0x6240]  }
0x4db: {  	v33 =	vmax.f32 v14, $9.999999960e-13;
	v32 =	vmax.f32 v13, $9.999999960e-13;
	v31 =	vmax.f32 v37, $9.999999960e-13;
	v12 =	vld [tilespmem:s15+$0xE240]  }
0x4dc: {  	v26 =	vmax.f32 v26, $9.999999960e-13;
	v37 =	vmax.f32 v38, $9.999999960e-13;
	v38 =	vmax.f32 v21, $9.999999960e-13;
	v13 =	vld [tilespmem:s15+$0x6250]  }
0x4dd: {  	s13 =	sadd.s32 $0x2, s13;
	v27 =	vmax.f32 v27, $9.999999960e-13;
	v1 =	vmax.f32 v1, $9.999999960e-13;
	v47 =	vmax.f32 v20, $9.999999960e-13;
	v14 =	vld [tilespmem:s15+$0xE250]  }
0x4de: {  	p0 =	slt.u32 s13, $0xE;
	v3 =	vmax.f32 v3, $9.999999960e-13;
	v0 =	vmax.f32 v0, $9.999999960e-13;
	v48 =	vmax.f32 v18, $9.999999960e-13;
	v15 =	vld [tilespmem:s15+$0x6260]  }
0x4df: {  	v39 =	vmax.f32 v39, $9.999999960e-13;
	v24 =	vmax.f32 v24, $9.999999960e-13;
	v25 =	vmax.f32 v25, $9.999999960e-13;
	v18 =	vld [tilespmem:s15+$0xE260]  }
0x4e0: {  	v40 =	vmax.f32 v40, $9.999999960e-13;
	v35 =	vmax.f32 v35, $9.999999960e-13;
	v41 =	vmax.f32 v41, $9.999999960e-13;
	v19 =	vld [tilespmem:s15+$0x6270]  }
0x4e1: {  	v29 =	vmin.f32 v29, $9.999999950e+11;
	v49 =	vmin.f32 v22, $9.999999950e+11;
	v28 =	vmin.f32 v28, $9.999999950e+11;
	v21 =	vld [tilespmem:s15+$0xE270]  }
0x4e2: {  	v31 =	vmin.f32 v31, $9.999999950e+11;
	v37 =	vmin.f32 v37, $9.999999950e+11;
	v30 =	vmin.f32 v30, $9.999999950e+11;
	v20 =	vld [tilespmem:s1+$0x200]  }
0x4e3: {  	v27 =	vmin.f32 v27, $9.999999950e+11;
	v47 =	vmin.f32 v47, $9.999999950e+11;
	v34 =	vmax.f32 v34, $9.999999960e-13;
	v22 =	vld [tilespmem:s1+$0x8200]  }
0x4e4: {  	v42 =	vmax.f32 v42, $9.999999960e-13;
	v50 =	vmax.f32 v23, $9.999999960e-13;
	v36 =	vmax.f32 v36, $9.999999960e-13;
	v23 =	vld [tilespmem:s22+$0x200]  }
0x4e5: {  	v43 =	vmax.f32 v43, $9.999999960e-13;
	v44 =	vmax.f32 v44, $9.999999960e-13;
	v45 =	vmax.f32 v45, $9.999999960e-13;
	v51 =	vld [tilespmem:s22+$0x8200]  }
0x4e6: {  	v0 =	vmin.f32 v0, $9.999999950e+11;
	v48 =	vmin.f32 v48, $9.999999950e+11;
	v46 =	vmax.f32 v46, $9.999999960e-13;
	v52 =	vld [tilespmem:s21+$0x200]  }
0x4e7: {  	v39 =	vmin.f32 v39, $9.999999950e+11;
	v24 =	vmin.f32 v24, $9.999999950e+11;
	v25 =	vmin.f32 v25, $9.999999950e+11;
	v53 =	vld [tilespmem:s21+$0x8200]  }
0x4e8: {  	v40 =	vmin.f32 v40, $9.999999950e+11;
	v35 =	vmin.f32 v35, $9.999999950e+11;
	v41 =	vmin.f32 v41, $9.999999950e+11;
	v54 =	vld [tilespmem:s20+$0x200]  }
0x4e9: {  	v43 =	vmin.f32 v43, $9.999999950e+11;
	v34 =	vmin.f32 v34, $9.999999950e+11;
	v36 =	vmin.f32 v36, $9.999999950e+11;
	v55 =	vld [tilespmem:s20+$0x8200]  }
0x4ea: {  	v0 =	vadd.f32 v39, v0;
	v39 =	vadd.f32 v40, v48;
	v40 =	vmin.f32 v44, $9.999999950e+11;
	v44 =	vld [tilespmem:s19+$0x200]  }
0x4eb: {  	v24 =	vadd.f32 v35, v24;
	v25 =	vadd.f32 v41, v25;
	v35 =	vmin.f32 v45, $9.999999950e+11;
	v41 =	vld [tilespmem:s19+$0x8200]  }
0x4ec: {  	v0 =	vadd.f32 v43, v0;
	v39 =	vadd.f32 v40, v39;
	v40 =	vmin.f32 v46, $9.999999950e+11;
	v43 =	vld [tilespmem:s18+$0x200]  }
0x4ed: {  	v24 =	vadd.f32 v35, v24;
	v35 =	vmin.f32 v42, $9.999999950e+11;
	v25 =	vadd.f32 v40, v25;
	v40 =	vld [tilespmem:s18+$0x8200]  }
0x4ee: {  	v0 =	vadd.f32 v34, v0;
	v34 =	vadd.f32 v36, v39;
	v36 =	vmin.f32 v50, $9.999999950e+11;
	v39 =	vld [tilespmem:s17+$0x200]  }
0x4ef: {  	v1 =	vmin.f32 v1, $9.999999950e+11;
	v24 =	vadd.f32 v35, v24;
	v25 =	vadd.f32 v36, v25;
	v35 =	vld [tilespmem:s17+$0x8200]  }
0x4f0: {  	v3 =	vmin.f32 v3, $9.999999950e+11;
	v0 =	vadd.f32 v27, v0;
	v27 =	vadd.f32 v47, v34;
	v34 =	vld [tilespmem:s16+$0x200]  }
0x4f1: {  	v1 =	vadd.f32 v1, v24;
	v24 =	vmin.f32 v26, $9.999999950e+11;
	v3 =	vadd.f32 v3, v25;
	v25 =	vld [tilespmem:s16+$0x8200]  }
0x4f2: {  	v0 =	vadd.f32 v31, v0;
	v26 =	vadd.f32 v37, v27;
	v27 =	vmin.f32 v38, $9.999999950e+11;
	v31 =	vld [tilespmem:s15+$0x6A00]  }
0x4f3: {  	v1 =	vadd.f32 v24, v1;
	v24 =	vmin.f32 v32, $9.999999950e+11;
	v3 =	vadd.f32 v27, v3;
	v32 =	vld [tilespmem:s15+$0xEA00]  }
0x4f4: {  	v0 =	vadd.f32 v29, v0;
	v26 =	vadd.f32 v30, v26;
	v27 =	vmin.f32 v33, $9.999999950e+11;
	v29 =	vld [tilespmem:s15+$0x6A10]  }
0x4f5: {  	v16 =	vmin.f32 v16, $9.999999950e+11;
	v1 =	vadd.f32 v24, v1;
	v3 =	vadd.f32 v27, v3;
	v36 =	vld [tilespmem:s15+$0xEA10]  }
0x4f6: {  	v17 =	vmin.f32 v17, $9.999999950e+11;
	v0 =	vadd.f32 v49, v0;
	v24 =	vadd.f32 v28, v26;
	v28 =	vld [tilespmem:s15+$0x6A20]  }
0x4f7: {  	v11 =	vmul.f32 v11, v11;
	v1 =	vadd.f32 v16, v1;
	v3 =	vadd.f32 v17, v3;
	v37 =	vld [tilespmem:s15+$0xEA20]  }
0x4f8: {  	v4 =	vsub.f32 v4, v5;
	v5 =	vsub.f32 v6, v8;
	v38 =	vld [tilespmem:s15+$0x6A30]  }
0x4f9: {  	v0 =	vadd.f32 v24, v0;
	v1 =	vadd.f32 v3, v1;
	v3 =	vmax.f32 v11, $9.999999960e-13;
	v42 =	vld [tilespmem:s15+$0xEA30]  }
0x4fa: {  	v7 =	vsub.f32 v7, v9;
	v8 =	vsub.f32 v10, v12;
	v16 =	vmul.f32 v4, v4;
	v4 =	vld [tilespmem:s15+$0x6A40]  }
0x4fb: {  	v9 =	vsub.f32 v13, v14;
	v0 =	vadd.f32 v1, v0;
	v1 =	vmul.f32 v5, v5;
	v6 =	vld [tilespmem:s15+$0xEA40]  }
0x4fc: {  	s10 =	sadd.s32 $0x20, s10;
	v7 =	vmul.f32 v7, v7;
	v10 =	vsub.f32 v15, v18;
	v11 =	vsub.f32 v19, v21;
	v5 =	vld [tilespmem:s15+$0x6A50]  }
0x4fd: {  	v9 =	vmul.f32 v9, v9;
	v12 =	vsub.f32 v20, v22;
	[tilespmem:s10+$0xFFFFFFF0] =	vst v0;
	v0 =	vmul.f32 v8, v8;
	v8 =	vld [tilespmem:s15+$0xEA50]  }
0x4fe: {  	v10 =	vmul.f32 v10, v10;
	v13 =	vmul.f32 v11, v11;
	v17 =	vsub.f32 v23, v51;
	v11 =	vld [tilespmem:s15+$0x6A60]  }
0x4ff: {  	v16 =	vmax.f32 v16, $9.999999960e-13;
	v18 =	vsub.f32 v52, v53;
	v20 =	vsub.f32 v54, v55;
	v15 =	vld [tilespmem:s15+$0xEA60]  }
0x500: {  	v21 =	vmax.f32 v7, $9.999999960e-13;
	v1 =	vmax.f32 v1, $9.999999960e-13;
	v0 =	vmax.f32 v0, $9.999999960e-13;
	v14 =	vld [tilespmem:s15+$0x6A70]  }
0x501: {  	v22 =	vmax.f32 v9, $9.999999960e-13;
	v23 =	vmax.f32 v10, $9.999999960e-13;
	v13 =	vmax.f32 v13, $9.999999960e-13;
	v19 =	vld [tilespmem:s15+$0xEA70]  }
0x502: {  	v24 =	vmul.f32 v12, v12;
	v17 =	vmul.f32 v17, v17;
	v30 =	vsub.f32 v44, v41;
	v7 =	vld [tilespmem:s14+$0x200]  }
0x503: {  	v18 =	vmul.f32 v18, v18;
	v33 =	vmul.f32 v20, v20;
	v40 =	vsub.f32 v43, v40;
	v9 =	vld [tilespmem:s14+$0x8200]  }
0x504: {  	v3 =	vmin.f32 v3, $9.999999950e+11;
	v39 =	vsub.f32 v39, v35;
	v25 =	vsub.f32 v34, v25;
	v10 =	vld [tilespmem:s3+$0x200]  }
0x505: {  	v21 =	vmin.f32 v21, $9.999999950e+11;
	v1 =	vmin.f32 v1, $9.999999950e+11;
	v20 =	vmin.f32 v16, $9.999999950e+11;
	v12 =	vld [tilespmem:s3+$0x8200]  }
0x506: {  	v22 =	vmin.f32 v22, $9.999999950e+11;
	v23 =	vmin.f32 v23, $9.999999950e+11;
	v0 =	vmin.f32 v0, $9.999999950e+11;
	v16 =	vld [tilespmem:s0+$0x200]  }
0x507: {  	v13 =	vmin.f32 v13, $9.999999950e+11;
	v0 =	vadd.f32 v0, v3;
	v3 =	vadd.f32 v22, v20;
	v20 =	vld [tilespmem:s0+$0x8200]  }
0x508: {  	v26 =	vadd.f32 v23, v1;
	v27 =	vadd.f32 v13, v21;
	v1 =	vmax.f32 v24, $9.999999960e-13;
	v21 =	vld [tilespmem:s30+$0x200]  }
0x509: {  	v23 =	vmax.f32 v18, $9.999999960e-13;
	v41 =	vmax.f32 v33, $9.999999960e-13;
	v22 =	vmax.f32 v17, $9.999999960e-13;
	v24 =	vld [tilespmem:s30+$0x8200]  }
.Ltmp3:
0x50a: {  	v43 =	vmul.f32 v30, v30;
	v30 =	vmul.f32 v40, v40;
	v35 =	vsub.f32 v31, v32;
	v13 =	vld [tilespmem:s26+$0x200];
	(pc) =	sbr.rel @p0 .LBB2_9-.Ltmp3, $4  }
0x50b: {  	v32 =	vmul.f32 v39, v39;
	v33 =	vmul.f32 v25, v25;
	v31 =	vsub.f32 v29, v36;
	v17 =	vld [tilespmem:s26+$0x8200]  }
0x50c: {  	v1 =	vmin.f32 v1, $9.999999950e+11;
	v34 =	vsub.f32 v28, v37;
	v29 =	vsub.f32 v38, v42;
	v18 =	vld [tilespmem:s4+$0x200]  }
0x50d: {  	v37 =	vmin.f32 v23, $9.999999950e+11;
	v38 =	vmin.f32 v41, $9.999999950e+11;
	v25 =	vmin.f32 v22, $9.999999950e+11;
	v22 =	vld [tilespmem:s4+$0x8200]  }
0x50e: {  	s25 =	sadd.s32 $0x100, s25;
	v36 =	vmax.f32 v43, $9.999999960e-13;
	v28 =	vadd.f32 v1, v0;
	v25 =	vadd.f32 v25, v3;
	v23 =	vld [tilespmem:s12+$0x200]  }
0x50f: {  	v0 =	vadd.f32 v37, v26;
	v1 =	vadd.f32 v38, v27;
	v3 =	vmul.f32 v35, v35  }
0x510: {  	v60 =	vmax.f32 v30, $9.999999960e-13;
	v61 =	vmax.f32 v32, $9.999999960e-13;
	v62 =	vmax.f32 v33, $9.999999960e-13  }
0x511: {  	v31 =	vmul.f32 v31, v31;
	v4 =	vsub.f32 v4, v6;
	v5 =	vsub.f32 v5, v8  }
0x512: {  	v63 =	vmul.f32 v34, v34;
	v33 =	vsub.f32 v11, v15;
	v14 =	vsub.f32 v14, v19  }
0x513: {  	v29 =	vmul.f32 v29, v29;
	v7 =	vsub.f32 v7, v9;
	v10 =	vsub.f32 v10, v12  }
0x514: {  	v34 =	vmin.f32 v36, $9.999999950e+11;
	v41 =	vsub.f32 v16, v20;
	v21 =	vsub.f32 v21, v24  }
0x515: {  	v35 =	vmin.f32 v60, $9.999999950e+11;
	v11 =	vadd.f32 v34, v28;
	v36 =	vmin.f32 v61, $9.999999950e+11  }
0x516: {  	v37 =	vmin.f32 v62, $9.999999950e+11;
	v13 =	vsub.f32 v13, v17;
	v15 =	vadd.f32 v35, v25  }
0x517: {  	v0 =	vadd.f32 v36, v0;
	v3 =	vmax.f32 v3, $9.999999960e-13;
	v1 =	vadd.f32 v37, v1  }
0x518: {  	v38 =	vmax.f32 v31, $9.999999960e-13;
	v4 =	vmul.f32 v4, v4;
	v5 =	vmul.f32 v5, v5  }
0x519: {  	v39 =	vmax.f32 v63, $9.999999960e-13;
	v8 =	vmul.f32 v33, v33;
	v14 =	vmul.f32 v14, v14  }
0x51a: {  	v6 =	vmax.f32 v29, $9.999999960e-13;
	v7 =	vmul.f32 v7, v7;
	v10 =	vmul.f32 v10, v10  }
0x51b: {  	v40 =	vld [tilespmem:s12+$0x8200];
	v12 =	vmul.f32 v41, v41;
	v48 =	vmul.f32 v21, v21;
	v3 =	vmin.f32 v3, $9.999999950e+11  }
0x51c: {  	v42 =	vld [tilespmem:s11+$0x200];
	v19 =	vmin.f32 v38, $9.999999950e+11;
	v43 =	vmin.f32 v39, $9.999999950e+11;
	v49 =	vsub.f32 v18, v22  }
0x51d: {  	v44 =	vld [tilespmem:s11+$0x8200];
	v6 =	vmin.f32 v6, $9.999999950e+11;
	v3 =	vadd.f32 v3, v11;
	v45 =	vadd.f32 v19, v15  }
0x51e: {  	v55 =	vmul.f32 v13, v13;
	v0 =	vadd.f32 v43, v0;
	v1 =	vadd.f32 v6, v1  }
0x51f: {  	v4 =	vmax.f32 v4, $9.999999960e-13;
	v5 =	vmax.f32 v5, $9.999999960e-13;
	v46 =	vmax.f32 v8, $9.999999960e-13  }
0x520: {  	v47 =	vmax.f32 v14, $9.999999960e-13;
	v51 =	vmax.f32 v7, $9.999999960e-13;
	v52 =	vmax.f32 v10, $9.999999960e-13  }
0x521: {  	v53 =	vmax.f32 v12, $9.999999960e-13;
	v54 =	vmax.f32 v48, $9.999999960e-13;
	v4 =	vmin.f32 v4, $9.999999950e+11  }
0x522: {  	v9 =	vsub.f32 v23, v40;
	v16 =	vsub.f32 v42, v44;
	v5 =	vmin.f32 v5, $9.999999950e+11  }
0x523: {  	v6 =	vmin.f32 v46, $9.999999950e+11;
	v8 =	vmin.f32 v47, $9.999999950e+11;
	v56 =	vmul.f32 v49, v49  }
0x524: {  	v7 =	vmin.f32 v53, $9.999999950e+11;
	v58 =	vmin.f32 v54, $9.999999950e+11;
	v3 =	vadd.f32 v4, v3  }
0x525: {  	v59 =	vmax.f32 v55, $9.999999960e-13;
	v50 =	vadd.f32 v5, v45;
	v0 =	vadd.f32 v6, v0  }
0x526: {  	v1 =	vadd.f32 v8, v1;
	v5 =	vmin.f32 v51, $9.999999950e+11;
	v6 =	vmin.f32 v52, $9.999999950e+11  }
0x527: {  	v9 =	vmul.f32 v9, v9;
	v57 =	vmul.f32 v16, v16;
	v3 =	vadd.f32 v5, v3  }
0x528: {  	v60 =	vmax.f32 v56, $9.999999960e-13;
	v4 =	vadd.f32 v6, v50;
	v0 =	vadd.f32 v7, v0  }
0x529: {  	v1 =	vadd.f32 v58, v1;
	v5 =	vmin.f32 v59, $9.999999950e+11;
	v61 =	vmax.f32 v9, $9.999999960e-13  }
0x52a: {  	v6 =	vmin.f32 v60, $9.999999950e+11;
	v62 =	vmax.f32 v57, $9.999999960e-13;
	v7 =	vmin.f32 v61, $9.999999950e+11  }
0x52b: {  	v3 =	vadd.f32 v5, v3;
	v4 =	vadd.f32 v6, v4;
	v63 =	vmin.f32 v62, $9.999999950e+11  }
0x52c: {  	s6 =	sadd.s32 $0x1, s6;
	v0 =	vadd.f32 v7, v0;
	v1 =	vadd.f32 v63, v1  }
0x52d: {  	p0 =	sne.s32 s6, $0x8  }
.Ltmp4:
0x52e: {  	v3 =	vadd.f32 v4, v3;
	v0 =	vadd.f32 v1, v0;
	(pc) =	sbr.rel @p0 .LBB2_2-.Ltmp4, $4  }
0x52f: {  	_ = 	snop  }
0x530: {  	v0 =	vadd.f32 v0, v3  }
0x531: {  	s7 =	sadd.s32 $0x400, s7  }
0x532: {  	s28 =	sadd.s32 $0x400, s28;
	s29 =	sadd.s32 $0x400, s29;
	s24 =	sadd.s32 $0x400, s24;
	[tilespmem:s10+$0x0] =	vst v0  }
0x533: {  	s0 =	simm.s32 $0x0;
	v1 =	vlaneseq.u32  }
0x534: {  	s1 =	simm.s32 $0x10;
	v0 =	vmov s0;
	v4 =	vmul.u32 $0x10, v1  }
0x535: {  	v1 =	vmov s1;
	v0 =	vshll.u32 v0, $0x4  }
0x536: {  	v1 =	vshll.u32 v1, $0x4;
	v0 =	vor.u32 v4, v0  }
0x537: {  	v1 =	vor.u32 v4, v1  }
0x538: {  	v3 =	vor.u32 $0x1, v0  }
0x539: {  	v5 =	vor.u32 $0x1, v1  }
0x53a: {  	[bflag:$0x0] =	sbarrier.arrive $0xFFFF;
	v6 =	vor.u32 $0x2, v0  }
0x53b: {  	v7 =	vor.u32 $0x2, v1;
	v8 =	vld.idx.msk [tilespmem:v0+s23+$0x0], $0xffff  }
0x53c: {  	v9 =	vor.u32 $0x3, v0;
	v10 =	vld.idx.msk [tilespmem:v1+s23+$0x0], $0xffff  }
0x53d: {  	v11 =	vor.u32 $0x3, v1;
	v3 =	vld.idx.msk [tilespmem:v3+s23+$0x0], $0xffff  }
0x53e: {  	v12 =	vor.u32 $0x4, v0;
	v5 =	vld.idx.msk [tilespmem:v5+s23+$0x0], $0xffff  }
0x53f: {  	v13 =	vor.u32 $0x4, v1;
	v6 =	vld.idx.msk [tilespmem:v6+s23+$0x0], $0xffff  }
0x540: {  	v14 =	vor.u32 $0x5, v0;
	v7 =	vld.idx.msk [tilespmem:v7+s23+$0x0], $0xffff  }
0x541: {  	v15 =	vor.u32 $0x5, v1;
	v9 =	vld.idx.msk [tilespmem:v9+s23+$0x0], $0xffff  }
0x542: {  	v16 =	vor.u32 $0x6, v0;
	v11 =	vld.idx.msk [tilespmem:v11+s23+$0x0], $0xffff  }
0x543: {  	v17 =	vor.u32 $0x6, v1;
	v12 =	vld.idx.msk [tilespmem:v12+s23+$0x0], $0xffff  }
0x544: {  	v18 =	vor.u32 $0x7, v0;
	v13 =	vld.idx.msk [tilespmem:v13+s23+$0x0], $0xffff  }
0x545: {  	v19 =	vor.u32 $0x7, v1;
	v14 =	vld.idx.msk [tilespmem:v14+s23+$0x0], $0xffff  }
0x546: {  	v20 =	vor.u32 $0x8, v0;
	v15 =	vld.idx.msk [tilespmem:v15+s23+$0x0], $0xffff  }
0x547: {  	v21 =	vor.u32 $0x8, v1;
	v16 =	vld.idx.msk [tilespmem:v16+s23+$0x0], $0xffff  }
0x548: {  	v22 =	vor.u32 $0x9, v0;
	v17 =	vld.idx.msk [tilespmem:v17+s23+$0x0], $0xffff  }
0x549: {  	v23 =	vor.u32 $0x9, v1;
	v18 =	vld.idx.msk [tilespmem:v18+s23+$0x0], $0xffff  }
0x54a: {  	v24 =	vor.u32 $0xA, v0;
	v19 =	vld.idx.msk [tilespmem:v19+s23+$0x0], $0xffff  }
0x54b: {  	v25 =	vor.u32 $0xA, v1;
	v20 =	vld.idx.msk [tilespmem:v20+s23+$0x0], $0xffff  }
0x54c: {  	v27 =	vor.u32 $0xB, v1;
	v21 =	vld.idx.msk [tilespmem:v21+s23+$0x0], $0xffff  }
0x54d: {  	v29 =	vor.u32 $0xC, v1;
	v30 =	vor.u32 $0xD, v1;
	v22 =	vld.idx.msk [tilespmem:v22+s23+$0x0], $0xffff  }
0x54e: {  	v55 =	vor.u32 $0xE, v1;
	v1 =	vor.u32 $0xF, v1;
	v23 =	vld.idx.msk [tilespmem:v23+s23+$0x0], $0xffff;
	v8 =	vadd.f32 $0.0e+00, v8  }
0x54f: {  	v26 =	vor.u32 $0xB, v0;
	v24 =	vld.idx.msk [tilespmem:v24+s23+$0x0], $0xffff;
	v10 =	vadd.f32 $0.0e+00, v10  }
0x550: {  	v28 =	vor.u32 $0xC, v0;
	v25 =	vld.idx.msk [tilespmem:v25+s23+$0x0], $0xffff;
	v3 =	vadd.f32 v3, v8  }
0x551: {  	v54 =	vld.idx.msk [tilespmem:v27+s23+$0x0], $0xffff;
	v8 =	vor.u32 $0xD, v0;
	v5 =	vadd.f32 v5, v10  }
0x552: {  	v56 =	vld.idx.msk [tilespmem:v29+s23+$0x0], $0xffff;
	v3 =	vadd.f32 v6, v3  }
0x553: {  	s29 =	simm.s32 $0x20;
	v1 =	vld.idx.msk [tilespmem:v1+s23+$0x0], $0xffff;
	v6 =	vor.u32 $0xE, v0;
	v5 =	vadd.f32 v7, v5  }
0x554: {  	s30 =	simm.s32 $0x30;
	v10 =	vld.idx.msk [tilespmem:v26+s23+$0x0], $0xffff;
	v0 =	vor.u32 $0xF, v0;
	v3 =	vadd.f32 v9, v3;
	v9 =	vmov s29  }
0x555: {  	v7 =	vld.idx.msk [tilespmem:v28+s23+$0x0], $0xffff;
	v11 =	vadd.f32 v11, v5;
	v5 =	vmov s30;
	v9 =	vshll.u32 v9, $0x4  }
0x556: {  	v8 =	vld.idx.msk [tilespmem:v8+s23+$0x0], $0xffff;
	v57 =	vshll.u32 v5, $0x4;
	v5 =	vor.u32 v4, v9;
	v3 =	vadd.f32 v12, v3  }
0x557: {  	v9 =	vld.idx.msk [tilespmem:v30+s23+$0x0], $0xffff;
	v11 =	vadd.f32 v13, v11;
	v29 =	vor.u32 v4, v57  }
0x558: {  	v13 =	vld.idx.msk [tilespmem:v55+s23+$0x0], $0xffff;
	v12 =	vor.u32 $0x1, v5;
	v3 =	vadd.f32 v14, v3  }
0x559: {  	v6 =	vld.idx.msk [tilespmem:v6+s23+$0x0], $0xffff;
	v11 =	vadd.f32 v15, v11;
	v14 =	vor.u32 $0x1, v29  }
0x55a: {  	v0 =	vld.idx.msk [tilespmem:v0+s23+$0x0], $0xffff;
	v15 =	vor.u32 $0x2, v5;
	v3 =	vadd.f32 v16, v3  }
0x55b: {  	v11 =	vadd.f32 v17, v11;
	v16 =	vor.u32 $0x2, v29;
	v17 =	vld.idx.msk [tilespmem:v5+s23+$0x0], $0xffff  }
0x55c: {  	v58 =	vor.u32 $0x3, v5;
	v59 =	vld.idx.msk [tilespmem:v29+s23+$0x0], $0xffff;
	v3 =	vadd.f32 v18, v3  }
0x55d: {  	v11 =	vadd.f32 v19, v11;
	v18 =	vor.u32 $0x3, v29;
	v12 =	vld.idx.msk [tilespmem:v12+s23+$0x0], $0xffff  }
0x55e: {  	v19 =	vor.u32 $0x4, v5;
	v14 =	vld.idx.msk [tilespmem:v14+s23+$0x0], $0xffff;
	v3 =	vadd.f32 v20, v3  }
0x55f: {  	v15 =	vld.idx.msk [tilespmem:v15+s23+$0x0], $0xffff;
	v11 =	vadd.f32 v21, v11;
	v20 =	vor.u32 $0x4, v29  }
0x560: {  	v21 =	vor.u32 $0x5, v5;
	v16 =	vld.idx.msk [tilespmem:v16+s23+$0x0], $0xffff;
	v3 =	vadd.f32 v22, v3  }
0x561: {  	v11 =	vadd.f32 v23, v11;
	v22 =	vor.u32 $0x5, v29;
	v23 =	vld.idx.msk [tilespmem:v58+s23+$0x0], $0xffff;
	v17 =	vadd.f32 $0.0e+00, v17  }
0x562: {  	v60 =	vor.u32 $0x6, v5;
	v30 =	vadd.f32 $0.0e+00, v59;
	v18 =	vld.idx.msk [tilespmem:v18+s23+$0x0], $0xffff;
	v3 =	vadd.f32 v24, v3  }
0x563: {  	v61 =	vor.u32 $0x6, v29;
	v19 =	vld.idx.msk [tilespmem:v19+s23+$0x0], $0xffff;
	v11 =	vadd.f32 v25, v11;
	v12 =	vadd.f32 v12, v17  }
0x564: {  	v17 =	vor.u32 $0x7, v5;
	v14 =	vadd.f32 v14, v30;
	v20 =	vld.idx.msk [tilespmem:v20+s23+$0x0], $0xffff;
	v3 =	vadd.f32 v10, v3  }
0x565: {  	v21 =	vld.idx.msk [tilespmem:v21+s23+$0x0], $0xffff;
	v10 =	vor.u32 $0x7, v29;
	v11 =	vadd.f32 v54, v11;
	v12 =	vadd.f32 v15, v12  }
0x566: {  	v15 =	vor.u32 $0x8, v5;
	v14 =	vadd.f32 v16, v14;
	v16 =	vld.idx.msk [tilespmem:v22+s23+$0x0], $0xffff;
	v3 =	vadd.f32 v7, v3  }
0x567: {  	v22 =	vld.idx.msk [tilespmem:v60+s23+$0x0], $0xffff;
	v7 =	vor.u32 $0x8, v29;
	v11 =	vadd.f32 v56, v11;
	v12 =	vadd.f32 v23, v12  }
0x568: {  	v23 =	vor.u32 $0x9, v5;
	v14 =	vadd.f32 v18, v14;
	v18 =	vld.idx.msk [tilespmem:v61+s23+$0x0], $0xffff;
	v3 =	vadd.f32 v8, v3  }
0x569: {  	v62 =	vor.u32 $0x9, v29;
	v8 =	vadd.f32 v9, v11;
	v11 =	vld.idx.msk [tilespmem:v17+s23+$0x0], $0xffff;
	v9 =	vadd.f32 v19, v12  }
0x56a: {  	v17 =	vor.u32 $0xA, v5;
	v12 =	vadd.f32 v20, v14;
	v10 =	vld.idx.msk [tilespmem:v10+s23+$0x0], $0xffff;
	v3 =	vadd.f32 v6, v3  }
0x56b: {  	v19 =	vor.u32 $0xA, v29;
	v20 =	vld.idx.msk [tilespmem:v15+s23+$0x0], $0xffff;
	v6 =	vadd.f32 v13, v8;
	v8 =	vadd.f32 v21, v9  }
0x56c: {  	v15 =	vor.u32 $0xB, v5;
	v12 =	vadd.f32 v16, v12;
	v21 =	vld.idx.msk [tilespmem:v7+s23+$0x0], $0xffff  }
0x56d: {  	v63 =	vor.u32 $0xB, v29;
	v13 =	vld.idx.msk [tilespmem:v23+s23+$0x0], $0xffff;
	v0 =	vadd.f32 v0, v3;
	v3 =	vadd.f32 v22, v8  }
0x56e: {  	v1 =	vadd.f32 v1, v6;
	v6 =	vadd.f32 v18, v12;
	v12 =	vld.idx.msk [tilespmem:v62+s23+$0x0], $0xffff;
	v18 =	vor.u32 $0xC, v5  }
0x56f: {  	v9 =	vor.u32 $0xC, v29;
	v14 =	vld.idx.msk [tilespmem:v17+s23+$0x0], $0xffff;
	v0 =	vmul.f32 $1.953125000e-03, v0;
	v3 =	vadd.f32 v11, v3  }
0x570: {  	s0 =	simm.s32 $0x12210;
	v17 =	vor.u32 $0xD, v5;
	v1 =	vmul.f32 $1.953125000e-03, v1;
	v11 =	vadd.f32 v10, v6;
	v10 =	vld.idx.msk [tilespmem:v19+s23+$0x0], $0xffff  }
0x571: {  	v16 =	vor.u32 $0xE, v5;
	v8 =	vor.u32 $0xD, v29;
	v15 =	vld.idx.msk [tilespmem:v15+s23+$0x0], $0xffff;
	[tilespmem:s0+$0xFFFFFFF0] =	vst v0;
	v20 =	vadd.f32 v20, v3  }
0x572: {  	s3 =	simm.s32 $0x50;
	s1 =	simm.s32 $0x2;
	v7 =	vor.u32 $0xE, v29;
	v6 =	vor.u32 $0xF, v29;
	[tilespmem:s0+$0x0] =	vst v1;
	v19 =	vadd.f32 v21, v11;
	v11 =	vld.idx.msk [tilespmem:v63+s23+$0x0], $0xffff  }
.LBB2_12:
0x573: {  	s2 =	sadd.s32 $0xFFFFFFF0, s3;
	v0 =	vmov s3;
	s1 =	sadd.s32 $0x2, s1;
	v1 =	vadd.f32 v13, v20;
	v3 =	vld.idx.msk [tilespmem:v18+s23+$0x0], $0xffff  }
0x574: {  	v18 =	vor.u32 $0xF, v5;
	v13 =	vmov s2;
	p0 =	slt.u32 s1, $0x1E;
	v20 =	vld.idx.msk [tilespmem:v9+s23+$0x0], $0xffff  }
0x575: {  	v0 =	vshll.u32 v0, $0x4;
	v5 =	vshll.u32 v13, $0x4;
	v1 =	vadd.f32 v14, v1;
	v9 =	vld.idx.msk [tilespmem:v17+s23+$0x0], $0xffff  }
0x576: {  	v12 =	vadd.f32 v12, v19;
	v0 =	vor.u32 v4, v0;
	v5 =	vor.u32 v4, v5;
	v13 =	vld.idx.msk [tilespmem:v8+s23+$0x0], $0xffff  }
0x577: {  	v14 =	vor.u32 $0x1, v0;
	v17 =	vor.u32 $0x2, v0;
	v1 =	vadd.f32 v15, v1;
	v15 =	vld.idx.msk [tilespmem:v16+s23+$0x0], $0xffff  }
0x578: {  	v19 =	vor.u32 $0x4, v0;
	v8 =	vor.u32 $0x1, v5;
	v16 =	vor.u32 $0x3, v0;
	v21 =	vld.idx.msk [tilespmem:v7+s23+$0x0], $0xffff  }
0x579: {  	v22 =	vor.u32 $0x5, v0;
	v23 =	vor.u32 $0x6, v0;
	v1 =	vadd.f32 v3, v1;
	v3 =	vld.idx.msk [tilespmem:v18+s23+$0x0], $0xffff  }
0x57a: {  	v24 =	vor.u32 $0x7, v0;
	v25 =	vor.u32 $0x8, v0;
	v18 =	vor.u32 $0x2, v5;
	v26 =	vld.idx.msk [tilespmem:v6+s23+$0x0], $0xffff  }
0x57b: {  	v28 =	vor.u32 $0x9, v0;
	v29 =	vor.u32 $0xA, v0;
	v27 =	vld.idx.msk [tilespmem:v5+s23+$0x0], $0xffff;
	v1 =	vadd.f32 v9, v1  }
0x57c: {  	v32 =	vor.u32 $0xB, v0;
	v30 =	vor.u32 $0x3, v5;
	v9 =	vor.u32 $0xC, v0;
	v31 =	vld.idx.msk [tilespmem:v0+s23+$0x0], $0xffff  }
0x57d: {  	v10 =	vadd.f32 v10, v12;
	v33 =	vld.idx.msk [tilespmem:v8+s23+$0x0], $0xffff;
	v8 =	vor.u32 $0xD, v0;
	v1 =	vadd.f32 v15, v1  }
0x57e: {  	v12 =	vor.u32 $0x4, v5;
	v7 =	vor.u32 $0xE, v0;
	v6 =	vor.u32 $0xF, v0;
	v14 =	vld.idx.msk [tilespmem:v14+s23+$0x0], $0xffff  }
0x57f: {  	v0 =	vld.idx.msk [tilespmem:v18+s23+$0x0], $0xffff;
	v1 =	vadd.f32 v3, v1;
	v3 =	vadd.f32 v11, v10  }
0x580: {  	v10 =	vor.u32 $0x5, v5;
	v11 =	vld.idx.msk [tilespmem:v17+s23+$0x0], $0xffff  }
0x581: {  	v15 =	vadd.f32 $0.0e+00, v27;
	v17 =	vld.idx.msk [tilespmem:v30+s23+$0x0], $0xffff;
	v1 =	vmul.f32 $1.953125000e-03, v1;
	v3 =	vadd.f32 v20, v3  }
0x582: {  	s0 =	sadd.s32 $0x20, s0;
	v18 =	vor.u32 $0x6, v5;
	v20 =	vadd.f32 $0.0e+00, v31;
	v16 =	vld.idx.msk [tilespmem:v16+s23+$0x0], $0xffff  }
0x583: {  	v15 =	vadd.f32 v33, v15;
	v12 =	vld.idx.msk [tilespmem:v12+s23+$0x0], $0xffff;
	[tilespmem:s0+$0xFFFFFFF0] =	vst v1;
	v1 =	vadd.f32 v13, v3  }
0x584: {  	v3 =	vor.u32 $0x7, v5;
	v13 =	vadd.f32 v14, v20;
	v14 =	vld.idx.msk [tilespmem:v19+s23+$0x0], $0xffff  }
0x585: {  	v0 =	vadd.f32 v0, v15;
	v10 =	vld.idx.msk [tilespmem:v10+s23+$0x0], $0xffff;
	v1 =	vadd.f32 v21, v1  }
0x586: {  	v15 =	vor.u32 $0x8, v5;
	v11 =	vadd.f32 v11, v13;
	v13 =	vld.idx.msk [tilespmem:v22+s23+$0x0], $0xffff  }
0x587: {  	v0 =	vadd.f32 v17, v0;
	v17 =	vld.idx.msk [tilespmem:v18+s23+$0x0], $0xffff;
	v1 =	vadd.f32 v26, v1  }
0x588: {  	v18 =	vor.u32 $0x9, v5;
	v11 =	vadd.f32 v16, v11;
	v16 =	vld.idx.msk [tilespmem:v23+s23+$0x0], $0xffff  }
0x589: {  	v0 =	vadd.f32 v12, v0;
	v3 =	vld.idx.msk [tilespmem:v3+s23+$0x0], $0xffff;
	v1 =	vmul.f32 $1.953125000e-03, v1  }
0x58a: {  	v19 =	vor.u32 $0xA, v5;
	v11 =	vadd.f32 v14, v11;
	v20 =	vld.idx.msk [tilespmem:v24+s23+$0x0], $0xffff  }
0x58b: {  	v0 =	vadd.f32 v10, v0;
	v15 =	vld.idx.msk [tilespmem:v15+s23+$0x0], $0xffff;
	[tilespmem:s0+$0x0] =	vst v1  }
0x58c: {  	v1 =	vor.u32 $0xB, v5;
	v10 =	vadd.f32 v13, v11;
	v11 =	vld.idx.msk [tilespmem:v25+s23+$0x0], $0xffff  }
0x58d: {  	v0 =	vadd.f32 v17, v0;
	v13 =	vld.idx.msk [tilespmem:v18+s23+$0x0], $0xffff  }
.Ltmp5:
0x58e: {  	v18 =	vor.u32 $0xC, v5;
	v10 =	vadd.f32 v16, v10;
	v12 =	vld.idx.msk [tilespmem:v28+s23+$0x0], $0xffff;
	(pc) =	sbr.rel @p0 .LBB2_12-.Ltmp5, $4  }
0x58f: {  	v0 =	vadd.f32 v3, v0;
	v14 =	vld.idx.msk [tilespmem:v19+s23+$0x0], $0xffff  }
0x590: {  	v17 =	vor.u32 $0xD, v5;
	v3 =	vadd.f32 v20, v10;
	v10 =	vld.idx.msk [tilespmem:v29+s23+$0x0], $0xffff  }
0x591: {  	v20 =	vadd.f32 v15, v0;
	v15 =	vld.idx.msk [tilespmem:v1+s23+$0x0], $0xffff  }
0x592: {  	s3 =	sadd.s32 $0x20, s3;
	v16 =	vor.u32 $0xE, v5;
	v19 =	vadd.f32 v11, v3;
	v11 =	vld.idx.msk [tilespmem:v32+s23+$0x0], $0xffff  }
0x593: {  	_ =	sdelay $0x2  }
0x594: {  	v0 =	vadd.f32 v13, v20  }
0x595: {  	v1 =	vld.idx.msk [tilespmem:v18+s23+$0x0], $0xffff;
	v3 =	vadd.f32 v12, v19  }
0x596: {  	v4 =	vor.u32 $0xF, v5;
	v60 =	vld.idx.msk [tilespmem:v9+s23+$0x0], $0xffff;
	v0 =	vadd.f32 v14, v0  }
0x597: {  	v61 =	vld.idx.msk [tilespmem:v17+s23+$0x0], $0xffff;
	v3 =	vadd.f32 v10, v3  }
0x598: {  	v8 =	vld.idx.msk [tilespmem:v8+s23+$0x0], $0xffff;
	v0 =	vadd.f32 v15, v0  }
0x599: {  	v62 =	vld.idx.msk [tilespmem:v16+s23+$0x0], $0xffff;
	v3 =	vadd.f32 v11, v3  }
0x59a: {  	v7 =	vld.idx.msk [tilespmem:v7+s23+$0x0], $0xffff;
	v0 =	vadd.f32 v1, v0  }
0x59b: {  	v1 =	vld.idx.msk [tilespmem:v4+s23+$0x0], $0xffff;
	v3 =	vadd.f32 v60, v3  }
0x59c: {  	v63 =	vld.idx.msk [tilespmem:v6+s23+$0x0], $0xffff;
	v0 =	vadd.f32 v61, v0  }
0x59d: {  	v3 =	vadd.f32 v8, v3  }
0x59e: {  	v0 =	vadd.f32 v62, v0  }
0x59f: {  	v3 =	vadd.f32 v7, v3  }
0x5a0: {  	v0 =	vadd.f32 v1, v0  }
0x5a1: {  	v1 =	vadd.f32 v63, v3  }
0x5a2: {  	v0 =	vmul.f32 $1.953125000e-03, v0  }
0x5a3: {  	s0 =	sadd.s32 $0x20, s0;
	v1 =	vmul.f32 $1.953125000e-03, v1  }
0x5a4: {  	[tilespmem:s0+$0xFFFFFFF0] =	vst v0  }
0x5a5: {  	[tilespmem:s0+$0x0] =	vst v1  }
0x5a6: {  	s7 =	simm.s32 $0x0;
	s1 =	simm.s32 $0x12200;
	s0 =	rddreg [dreg:$0xb]  }
0x5a7: {  	[hbm4b:s0+s7] =	stream.linear.scatter [tilespmem:s1], [sflag:$0x9], $0x200, $0x38;
	[tilespmem:$0x12400] =	vst v63  }
0x5a8: {  	s1 =	simm.s32 $0x9  }
0x5a9: {  	_ =	swait.ge [sflag:s1], $0x200  }
0x5aa: {  	s2 =	rddreg [dreg:$0xd]  }
0x5ab: {  	s30 =	rddreg [dreg:$0xc];
	s2 =	sadd.s32 $0x1, s2  }
0x5ac: {  	p0 =	sne.s32 s2, s30  }
.Ltmp6:
0x5ad: {  	_ = 	snop;
	(pc) =	sbr.rel @p0 .LBB2_1-.Ltmp6, $3  }
0x5ae: {  	_ =	sdelay $0x1  }
0x5af: {  	[sflag:s1] =	ssyncset.done $0x0  }
0x5b0: {  	[sflag:s1] =	ssyncadd.s32 $0xFFFFFE00  }
0x5b1: {  	_ =	sfence.sel $0x180000  }
0x5b2: {  	[bflag:$0x0] =	sbarrier.arrive $0xFFFF  }
0x5b3: {  	_ =	strace $0x90000047  }
0x5b4: {  	s0 =	stileid.u32;
	[bflag:$0x2] =	sbarrier.arrive $0xFFFF  }
0x5b5: {  	p0 =	sne.s32 s0, $0x0;
	s0 =	rddreg [dreg:$0x4]  }
0x5b6: {  	s0 =	sadd.s32 @!p0 $0x100000, s0  }
0x5b7: {  	[sflag:s0] =	ssyncadd.tile.s32 @!p0 $0x1;
	_ =	shalt  }
.Lfunc_end2:
_tile_overlayer_lowered:
.L_overlay_start_2:
0x5b8: {  	(tag) =	ssettag $0x2  }
0x5b9: {  	s0 =	rddreg [dreg:$0x0];
	s2 =	stileid.u32  }
0x5ba: {  	s1 =	rddreg [dreg:$0x1];
	p0 =	sne.s32 s2, $0x0  }
0x5bb: {  	s3 =	rddreg [dreg:$0x2];
	[bflag:$0x3] =	sbarrier.arrive $0xFFFF;
	s2 =	simm.s32 @!p0 $0x1C09  }
0x5bc: {  	[timem:s3], [sflag:s2] =	dma.local @!p0 [hbm:s0], s1  }
0x5bd: {  	s0 =	simm.s32 @!p0 $0x9  }
0x5be: {  	_ =	swait.ge @!p0 [sflag:s0], s1  }
0x5bf: {  	s1 =	ssub.s32 @!p0 $0x0, s1;
	[sflag:s0] =	ssyncset.done @!p0 $0x0  }
0x5c0: {  	[sflag:s0] =	ssyncadd.s32 @!p0 s1  }
0x5c1: {  	[bflag:$0x3] =	sbarrier.arrive $0xFFFF  }
0x5c2: {  	_ =	shalt  }

</sc_bundles>
